<compile_context>
chip_gen: v7x
topology: tpu7x:2x2x1
jax: 0.10.2.dev20260603
libtpu: 0.0.44.dev20260713+nightly
codegen_flags: <defaults>
</compile_context>

<pallas_src>
import jax
import jax.numpy as jnp
from jax import lax
from jax.experimental import pallas as pl
from jax.experimental.pallas import tpu as pltpu
from jax.experimental.pallas import tpu_sc as plsc

_NVOC = 1000000
_NUM_BINS = _NVOC + 1
_EMB_DIM = 32
_BATCH = 16384
_LANES = 16
_NW = 32
_BPW = _BATCH // _NW
_NGRP = _BPW // _LANES
_NBLK_FULL = _NVOC // 128
_DEPTH = 8


def _hash_lanes(h, salt0, salt1):
    h = h * jnp.uint32(salt0) + jnp.uint32(salt1)
    h = h ^ (h >> jnp.uint32(16))
    h = h * jnp.uint32(0x45D9F3B)
    h = h ^ (h >> jnp.uint32(16))
    return (h % jnp.uint32(_NUM_BINS)).astype(jnp.int32)


def _iota16():
    return lax.broadcasted_iota(jnp.int32, (_LANES,), 0)


def _splat(v):
    return jnp.full((_LANES,), v, jnp.int32)


def _body(x_hbm, t1T_hbm, t2T_hbm, tail1_hbm, tail2_hbm, out_hbm,
          xv, idx1_v, idx2_v, slab, acc,
          sem0, sem1, sem2, sem3, sem4, sem5, sem6, sem7,
          sem8, sem9, sem10, sem11, sem12, sem13, sem14, sem15):
    w = lax.axis_index("s") * 2 + lax.axis_index("c")
    base = w * _BPW
    sems = (sem0, sem1, sem2, sem3, sem4, sem5, sem6, sem7,
            sem8, sem9, sem10, sem11, sem12, sem13, sem14, sem15)
    t_hbm = (t1T_hbm, t2T_hbm)
    idx_v = (idx1_v, idx2_v)

    pltpu.sync_copy(tail1_hbm, slab.at[16])
    pltpu.sync_copy(tail2_hbm, slab.at[17])

    pltpu.sync_copy(x_hbm.at[pl.ds(base, _BPW)], xv)

    def hash_step(k, _):
        xb = xv[pl.ds(k * _LANES, _LANES)].astype(jnp.uint32)
        idx1_v[pl.ds(k * _LANES, _LANES)] = _hash_lanes(xb, 6971, 7321)
        idx2_v[pl.ds(k * _LANES, _LANES)] = _hash_lanes(xb, 7723, 7507)
        return 0
    lax.fori_loop(0, _NGRP, hash_step, 0)

    def idx_scalar(t, goff, lane):
        return idx_v[t][pl.ds(goff, _LANES)][lane]

    def fire(i1, i2, par):
        for t, i in ((0, i1), (1, i2)):
            blk = jnp.minimum(
                lax.shift_right_logical(i, 7), _NBLK_FULL - 1)
            col0 = pl.multiple_of(blk * 128, 128)
            pltpu.async_copy(
                t_hbm[t].at[:, pl.ds(col0, 128)],
                slab.at[2 * par + t], sems[2 * par + t])

    def wait_pair(par):
        for t in range(2):
            pltpu.make_async_copy(
                t_hbm[t].at[:, pl.ds(0, 128)], slab.at[2 * par + t],
                sems[2 * par + t]).wait()

    def extract(i1, i2, b, par):
        vs = []
        for t, i in ((0, i1), (1, i2)):
            in_tail = i >= _NBLK_FULL * 128
            col = jnp.where(in_tail, i - _NBLK_FULL * 128, i & 127)
            src_major = jnp.where(in_tail, 16 + t, 2 * par + t)
            for half in range(2):
                dv = _iota16() + half * _LANES
                vs.append(plsc.load_gather(
                    slab, [_splat(src_major), dv, _splat(col)]))
        for half in range(2):
            prod = vs[half] * vs[2 + half]
            plsc.store_scatter(
                acc, [_iota16() + half * _LANES, _splat(b)], prod)

    for l0 in range(_DEPTH):
        fire(idx_scalar(0, 0, l0), idx_scalar(1, 0, l0), l0)

    def group_step(g, _):
        goff = g * _LANES
        goff_n = jnp.minimum(goff + _LANES, _BPW - _LANES)
        for lane in range(_LANES):
            b = goff + lane
            par = lane % _DEPTH
            wait_pair(par)
            extract(idx_scalar(0, goff, lane), idx_scalar(1, goff, lane),
                    b, par)
            if lane + _DEPTH < _LANES:
                pf = (goff, lane + _DEPTH)
            else:
                pf = (goff_n, lane + _DEPTH - _LANES)

            @pl.when(b + _DEPTH < _BPW)
            def _():
                fire(idx_scalar(0, pf[0], pf[1]),
                     idx_scalar(1, pf[0], pf[1]), par)
        return 0

    lax.fori_loop(0, _NGRP, group_step, 0)

    pltpu.sync_copy(acc, out_hbm.at[:, pl.ds(base, _BPW)])


@jax.jit
def kernel(x, table1, table2):
    mesh = plsc.VectorSubcoreMesh(core_axis_name="c", subcore_axis_name="s")
    tail1 = jnp.pad(table1[_NBLK_FULL * 128:].T, ((0, 0), (0, 63)))
    tail2 = jnp.pad(table2[_NBLK_FULL * 128:].T, ((0, 0), (0, 63)))

    run = pl.kernel(
        _body,
        mesh=mesh,
        compiler_params=pltpu.CompilerParams(
            use_tc_tiling_on_sc=True, needs_layout_passes=False),
        out_type=jax.ShapeDtypeStruct((_EMB_DIM, _BATCH), jnp.float32),
        scratch_types=[
            pltpu.VMEM((_BPW,), jnp.int32),
            pltpu.VMEM((_BPW,), jnp.int32),
            pltpu.VMEM((_BPW,), jnp.int32),
            pltpu.VMEM((18, _EMB_DIM, 128), jnp.float32),
            pltpu.VMEM((_EMB_DIM, _BPW), jnp.float32),
        ] + [pltpu.SemaphoreType.DMA] * 16,
    )
    out_t = run(x.astype(jnp.int32), table1.T, table2.T, tail1, tail2)
    return out_t.T

# --- scband reference (transcript-rebuilt; emitter-appended) ---
"""Pipeline reference for scband-composite-embedding-47029891891708 (READ-ONLY COPY).

The authoritative reference and input builder live on the scoring server;
editing this copy changes nothing except your own understanding.
"""

import jax, jax.numpy as jnp
import numpy as np

NVOC = 1000000
EMB_DIM = 32
NUM_BINS = NVOC + 1
BATCH = 16384


def _hash(x, salt0, salt1, num_bins):
    # Deterministic salted integer hash standing in for tf.keras.layers.Hashing
    # (which uses SipHash on stringified ids). Functionally: id -> bin in [0, num_bins).
    h = x.astype(jnp.uint32)
    h = h * jnp.uint32(salt0) + jnp.uint32(salt1)
    h = h ^ (h >> 16)
    h = h * jnp.uint32(0x45D9F3B)
    h = h ^ (h >> 16)
    return (h % jnp.uint32(num_bins)).astype(jnp.int32)


def setup_inputs(seed: int = 0) -> dict:
    key = jax.random.key(seed)
    k1, k2, k3 = jax.random.split(key, 3)
    x = jax.random.randint(k1, (BATCH,), 0, NVOC, dtype=jnp.int64)
    # Learned parameters: two composite embedding tables of shape (nvoc+1, emb_dim)
    table1 = jax.random.normal(k2, (NUM_BINS, EMB_DIM), dtype=jnp.float32) * 0.05
    table2 = jax.random.normal(k3, (NUM_BINS, EMB_DIM), dtype=jnp.float32) * 0.05
    return {"x": x, "table1": table1, "table2": table2}


def reference(x, table1, table2):
    # Hashing with two different salt pairs -> two index streams
    idx1 = _hash(x, 6971, 7321, NUM_BINS)
    idx2 = _hash(x, 7723, 7507, NUM_BINS)
    # Embedding lookups (gathers)
    e1 = jnp.take(table1, idx1, axis=0)
    e2 = jnp.take(table2, idx2, axis=0)
    # einsum('...i,...i->...i') is elementwise product
    emb = e1 * e2
    return emb

if __name__ == "__main__":
    import jax
    _d = setup_inputs()
    print(jax.jit(kernel)(*tuple(_d.values())))

</pallas_src>

<mosaic_0001>
#map = affine_map<(d0, d1) -> (0)>
#map1 = affine_map<(d0, d1) -> (0, 0)>
module attributes {stable_mosaic.version = 14 : i64} {
  func.func @_body(%arg0: i32, %arg1: i32, %arg2: memref<16384xi32, #tpu.memory_space<hbm>>, %arg3: memref<32x1000001xf32, #tpu.memory_space<hbm>>, %arg4: memref<32x1000001xf32, #tpu.memory_space<hbm>>, %arg5: memref<32x128xf32, #tpu.memory_space<hbm>>, %arg6: memref<32x128xf32, #tpu.memory_space<hbm>>, %arg7: memref<32x16384xf32, #tpu.memory_space<hbm>>, %arg8: memref<512xi32, #tpu.memory_space<vmem>>, %arg9: memref<512xi32, #tpu.memory_space<vmem>>, %arg10: memref<512xi32, #tpu.memory_space<vmem>>, %arg11: memref<18x32x128xf32, #tpu.memory_space<vmem>>, %arg12: memref<32x512xf32, #tpu.memory_space<vmem>>, %arg13: memref<!tpu.dma_semaphore, #tpu.memory_space<semaphore_mem>>, %arg14: memref<!tpu.dma_semaphore, #tpu.memory_space<semaphore_mem>>, %arg15: memref<!tpu.dma_semaphore, #tpu.memory_space<semaphore_mem>>, %arg16: memref<!tpu.dma_semaphore, #tpu.memory_space<semaphore_mem>>, %arg17: memref<!tpu.dma_semaphore, #tpu.memory_space<semaphore_mem>>, %arg18: memref<!tpu.dma_semaphore, #tpu.memory_space<semaphore_mem>>, %arg19: memref<!tpu.dma_semaphore, #tpu.memory_space<semaphore_mem>>, %arg20: memref<!tpu.dma_semaphore, #tpu.memory_space<semaphore_mem>>, %arg21: memref<!tpu.dma_semaphore, #tpu.memory_space<semaphore_mem>>, %arg22: memref<!tpu.dma_semaphore, #tpu.memory_space<semaphore_mem>>, %arg23: memref<!tpu.dma_semaphore, #tpu.memory_space<semaphore_mem>>, %arg24: memref<!tpu.dma_semaphore, #tpu.memory_space<semaphore_mem>>, %arg25: memref<!tpu.dma_semaphore, #tpu.memory_space<semaphore_mem>>, %arg26: memref<!tpu.dma_semaphore, #tpu.memory_space<semaphore_mem>>, %arg27: memref<!tpu.dma_semaphore, #tpu.memory_space<semaphore_mem>>, %arg28: memref<!tpu.dma_semaphore, #tpu.memory_space<semaphore_mem>>) attributes {dimension_semantics = [#tpu.dimension_semantics<core_parallel>, #tpu.dimension_semantics<subcore_parallel>], iteration_bounds = array<i64: 2, 16>, scalar_prefetch = 0 : i64, scratch_operands = 21 : i64, tpu.core_type = #tpu.core_type<sc_vector_subcore>, window_params = [{transform_indices = #map}, {transform_indices = #map1}, {transform_indices = #map1}, {transform_indices = #map1}, {transform_indices = #map1}, {transform_indices = #map1}]} {
    %mul3A = arith.constant 2 : i32
    %mul3A_0 = arith.muli %arg1, %mul3A : i32
    %add3A = arith.addi %mul3A_0, %arg0 : i32
    %mul3A_1 = arith.constant 512 : i32
    %mul3A_2 = arith.muli %add3A, %mul3A_1 : i32
    %run_scoped3A = arith.constant 16 : i32
    "tpu.region"() ({
      %run_scoped3A_394 = tpu.sem_alloc : memref<!tpu.dma_semaphore, #tpu.memory_space<semaphore_mem>>
      %dma_start3A_395 = arith.constant 0 : i32
      %dma_start3A_396 = arith.constant 0 : i32
      %dma_start3A_397 = tpu.memref_slice %arg11[%run_scoped3A, %dma_start3A_395, %dma_start3A_396] : memref<18x32x128xf32, #tpu.memory_space<vmem>> -> memref<1x32x128xf32, #tpu.memory_space<vmem>>
      %dma_start3A_398 = tpu.memref_squeeze %dma_start3A_397 : memref<1x32x128xf32, #tpu.memory_space<vmem>> -> memref<32x128xf32, #tpu.memory_space<vmem>>
      %dma_start3A_399 = arith.constant 0 : i32
      %dma_start3A_400 = arith.constant 0 : i32
      %dma_start3A_401 = tpu.memref_slice %arg11[%run_scoped3A, %dma_start3A_399, %dma_start3A_400] : memref<18x32x128xf32, #tpu.memory_space<vmem>> -> memref<1x32x128xf32, #tpu.memory_space<vmem>>
      %dma_start3A_402 = tpu.memref_squeeze %dma_start3A_401 : memref<1x32x128xf32, #tpu.memory_space<vmem>> -> memref<32x128xf32, #tpu.memory_space<vmem>>
      tpu.enqueue_dma source(%arg5 : memref<32x128xf32, #tpu.memory_space<hbm>>) target(%dma_start3A_402 : memref<32x128xf32, #tpu.memory_space<vmem>>) target_semaphore(%run_scoped3A_394 : memref<!tpu.dma_semaphore, #tpu.memory_space<semaphore_mem>>)
      %dma_wait3A = arith.constant 0 : i32
      %dma_wait3A_403 = arith.constant 0 : i32
      %dma_wait3A_404 = tpu.memref_slice %arg11[%run_scoped3A, %dma_wait3A, %dma_wait3A_403] : memref<18x32x128xf32, #tpu.memory_space<vmem>> -> memref<1x32x128xf32, #tpu.memory_space<vmem>>
      %dma_wait3A_405 = tpu.memref_squeeze %dma_wait3A_404 : memref<1x32x128xf32, #tpu.memory_space<vmem>> -> memref<32x128xf32, #tpu.memory_space<vmem>>
      %dma_wait3A_406 = arith.constant 0 : i32
      %dma_wait3A_407 = arith.constant 0 : i32
      %dma_wait3A_408 = tpu.memref_slice %arg11[%run_scoped3A, %dma_wait3A_406, %dma_wait3A_407] : memref<18x32x128xf32, #tpu.memory_space<vmem>> -> memref<1x32x128xf32, #tpu.memory_space<vmem>>
      %dma_wait3A_409 = tpu.memref_squeeze %dma_wait3A_408 : memref<1x32x128xf32, #tpu.memory_space<vmem>> -> memref<32x128xf32, #tpu.memory_space<vmem>>
      tpu.wait_dma2 semaphore(%run_scoped3A_394 : memref<!tpu.dma_semaphore, #tpu.memory_space<semaphore_mem>>) src(%arg5 : memref<32x128xf32, #tpu.memory_space<hbm>>) dst(%dma_wait3A_409 : memref<32x128xf32, #tpu.memory_space<vmem>>)
      tpu.yield
    }) : () -> ()
    %run_scoped3A_3 = arith.constant 17 : i32
    "tpu.region"() ({
      %run_scoped3A_394 = tpu.sem_alloc : memref<!tpu.dma_semaphore, #tpu.memory_space<semaphore_mem>>
      %dma_start3A_395 = arith.constant 0 : i32
      %dma_start3A_396 = arith.constant 0 : i32
      %dma_start3A_397 = tpu.memref_slice %arg11[%run_scoped3A_3, %dma_start3A_395, %dma_start3A_396] : memref<18x32x128xf32, #tpu.memory_space<vmem>> -> memref<1x32x128xf32, #tpu.memory_space<vmem>>
      %dma_start3A_398 = tpu.memref_squeeze %dma_start3A_397 : memref<1x32x128xf32, #tpu.memory_space<vmem>> -> memref<32x128xf32, #tpu.memory_space<vmem>>
      %dma_start3A_399 = arith.constant 0 : i32
      %dma_start3A_400 = arith.constant 0 : i32
      %dma_start3A_401 = tpu.memref_slice %arg11[%run_scoped3A_3, %dma_start3A_399, %dma_start3A_400] : memref<18x32x128xf32, #tpu.memory_space<vmem>> -> memref<1x32x128xf32, #tpu.memory_space<vmem>>
      %dma_start3A_402 = tpu.memref_squeeze %dma_start3A_401 : memref<1x32x128xf32, #tpu.memory_space<vmem>> -> memref<32x128xf32, #tpu.memory_space<vmem>>
      tpu.enqueue_dma source(%arg6 : memref<32x128xf32, #tpu.memory_space<hbm>>) target(%dma_start3A_402 : memref<32x128xf32, #tpu.memory_space<vmem>>) target_semaphore(%run_scoped3A_394 : memref<!tpu.dma_semaphore, #tpu.memory_space<semaphore_mem>>)
      %dma_wait3A = arith.constant 0 : i32
      %dma_wait3A_403 = arith.constant 0 : i32
      %dma_wait3A_404 = tpu.memref_slice %arg11[%run_scoped3A_3, %dma_wait3A, %dma_wait3A_403] : memref<18x32x128xf32, #tpu.memory_space<vmem>> -> memref<1x32x128xf32, #tpu.memory_space<vmem>>
      %dma_wait3A_405 = tpu.memref_squeeze %dma_wait3A_404 : memref<1x32x128xf32, #tpu.memory_space<vmem>> -> memref<32x128xf32, #tpu.memory_space<vmem>>
      %dma_wait3A_406 = arith.constant 0 : i32
      %dma_wait3A_407 = arith.constant 0 : i32
      %dma_wait3A_408 = tpu.memref_slice %arg11[%run_scoped3A_3, %dma_wait3A_406, %dma_wait3A_407] : memref<18x32x128xf32, #tpu.memory_space<vmem>> -> memref<1x32x128xf32, #tpu.memory_space<vmem>>
      %dma_wait3A_409 = tpu.memref_squeeze %dma_wait3A_408 : memref<1x32x128xf32, #tpu.memory_space<vmem>> -> memref<32x128xf32, #tpu.memory_space<vmem>>
      tpu.wait_dma2 semaphore(%run_scoped3A_394 : memref<!tpu.dma_semaphore, #tpu.memory_space<semaphore_mem>>) src(%arg6 : memref<32x128xf32, #tpu.memory_space<hbm>>) dst(%dma_wait3A_409 : memref<32x128xf32, #tpu.memory_space<vmem>>)
      tpu.yield
    }) : () -> ()
    "tpu.region"() ({
      %run_scoped3A_394 = tpu.sem_alloc : memref<!tpu.dma_semaphore, #tpu.memory_space<semaphore_mem>>
      %dma_start3A_395 = tpu.memref_slice %arg2[%mul3A_2] : memref<16384xi32, #tpu.memory_space<hbm>> -> memref<512xi32, #tpu.memory_space<hbm>>
      %dma_start3A_396 = tpu.memref_slice %arg2[%mul3A_2] : memref<16384xi32, #tpu.memory_space<hbm>> -> memref<512xi32, #tpu.memory_space<hbm>>
      tpu.enqueue_dma source(%dma_start3A_396 : memref<512xi32, #tpu.memory_space<hbm>>) target(%arg8 : memref<512xi32, #tpu.memory_space<vmem>>) target_semaphore(%run_scoped3A_394 : memref<!tpu.dma_semaphore, #tpu.memory_space<semaphore_mem>>)
      %dma_wait3A = tpu.memref_slice %arg2[%mul3A_2] : memref<16384xi32, #tpu.memory_space<hbm>> -> memref<512xi32, #tpu.memory_space<hbm>>
      %dma_wait3A_397 = tpu.memref_slice %arg2[%mul3A_2] : memref<16384xi32, #tpu.memory_space<hbm>> -> memref<512xi32, #tpu.memory_space<hbm>>
      tpu.wait_dma2 semaphore(%run_scoped3A_394 : memref<!tpu.dma_semaphore, #tpu.memory_space<semaphore_mem>>) src(%dma_wait3A_397 : memref<512xi32, #tpu.memory_space<hbm>>) dst(%arg8 : memref<512xi32, #tpu.memory_space<vmem>>)
      tpu.yield
    }) : () -> ()
    %scan3A = arith.constant 0 : i32
    %scan3A_4 = arith.constant 0 : i32
    %scan3A_5 = arith.constant 32 : i32
    %scan3A_6 = arith.addi %scan3A_4, %scan3A_5 : i32
    %scan3A_7 = arith.constant 1 : i32
    %scan3A_8 = scf.for %scan3A_394 = %scan3A_4 to %scan3A_6 step %scan3A_7 iter_args(%scan3A_395 = %scan3A) -> (i32)  : i32 {
      %mul3A_396 = arith.constant 16 : i32
      %mul3A_397 = arith.muli %scan3A_394, %mul3A_396 : i32
      %get3A_398 = arith.index_cast %mul3A_397 : i32 to index
      %get3A_399 = tpu.vector_load %arg8[%get3A_398] {strides = array<i32>} : memref<512xi32, #tpu.memory_space<vmem>>, vector<16xi32>,
      %mul3A_400 = arith.constant 6971 : i32
      %mul3A_401 = vector.broadcast %mul3A_400 : i32 to vector<16xi32>
      %mul3A_402 = arith.muli %get3A_399, %mul3A_401 : vector<16xi32>
      %add3A_403 = arith.constant 7321 : i32
      %add3A_404 = vector.broadcast %add3A_403 : i32 to vector<16xi32>
      %add3A_405 = arith.addi %mul3A_402, %add3A_404 : vector<16xi32>
      %shift_right_logical3A_406 = arith.constant 16 : i32
      %shift_right_logical3A_407 = vector.broadcast %shift_right_logical3A_406 : i32 to vector<16xi32>
      %shift_right_logical3A_408 = arith.shrui %add3A_405, %shift_right_logical3A_407 : vector<16xi32>
      %xor3A = arith.xori %add3A_405, %shift_right_logical3A_408 : vector<16xi32>
      %mul3A_409 = arith.constant 73244475 : i32
      %mul3A_410 = vector.broadcast %mul3A_409 : i32 to vector<16xi32>
      %mul3A_411 = arith.muli %xor3A, %mul3A_410 : vector<16xi32>
      %shift_right_logical3A_412 = arith.constant 16 : i32
      %shift_right_logical3A_413 = vector.broadcast %shift_right_logical3A_412 : i32 to vector<16xi32>
      %shift_right_logical3A_414 = arith.shrui %mul3A_411, %shift_right_logical3A_413 : vector<16xi32>
      %xor3A_415 = arith.xori %mul3A_411, %shift_right_logical3A_414 : vector<16xi32>
      %jit3A = arith.constant 1000001 : i32
      %eq3A = arith.constant 0 : i32
      %eq3A_416 = arith.cmpi eq, %jit3A, %eq3A : i32
      %jit3A_417 = arith.constant 1 : i32
      %select_n3A = arith.select %eq3A_416, %jit3A_417, %jit3A : i32
      %rem3A = vector.broadcast %select_n3A : i32 to vector<16xi32>
      %rem3A_418 = arith.remui %xor3A_415, %rem3A : vector<16xi32>
      %ne3A = arith.constant 0 : i32
      %ne3A_419 = vector.broadcast %ne3A : i32 to vector<16xi32>
      %ne3A_420 = arith.cmpi ne, %rem3A_418, %ne3A_419 : vector<16xi32>
      %lt3A = arith.constant 0 : i32
      %lt3A_421 = vector.broadcast %lt3A : i32 to vector<16xi32>
      %lt3A_422 = arith.cmpi ult, %rem3A_418, %lt3A_421 : vector<16xi32>
      %lt3A_423 = arith.constant 0 : i32
      %lt3A_424 = arith.cmpi ult, %select_n3A, %lt3A_423 : i32
      %ne3A_425 = vector.broadcast %lt3A_424 : i1 to vector<16xi1>
      %ne3A_426 = vector.broadcast %ne3A_425 : vector<16xi1> to vector<16xi1>
      %ne3A_427 = arith.xori %lt3A_422, %ne3A_426 : vector<16xi1>
      %and3A = arith.andi %ne3A_427, %ne3A_420 : vector<16xi1>
      %add3A_428 = vector.broadcast %select_n3A : i32 to vector<16xi32>
      %add3A_429 = arith.addi %rem3A_418, %add3A_428 : vector<16xi32>
      %select_n3A_430 = arith.select %and3A, %add3A_429, %rem3A_418 : vector<16xi1>, vector<16xi32>
      %mul3A_431 = arith.constant 16 : i32
      %mul3A_432 = arith.muli %scan3A_394, %mul3A_431 : i32
      %swap3A = arith.index_cast %mul3A_432 : i32 to index
      %swap3A_433 = tpu.vector_load %arg9[%swap3A] {strides = array<i32>} : memref<512xi32, #tpu.memory_space<vmem>>, vector<16xi32>,
      tpu.vector_store %arg9[%swap3A], %select_n3A_430 {strides = array<i32>} : memref<512xi32, #tpu.memory_space<vmem>>, vector<16xi32>,
      %mul3A_434 = arith.constant 7723 : i32
      %mul3A_435 = vector.broadcast %mul3A_434 : i32 to vector<16xi32>
      %mul3A_436 = arith.muli %get3A_399, %mul3A_435 : vector<16xi32>
      %add3A_437 = arith.constant 7507 : i32
      %add3A_438 = vector.broadcast %add3A_437 : i32 to vector<16xi32>
      %add3A_439 = arith.addi %mul3A_436, %add3A_438 : vector<16xi32>
      %shift_right_logical3A_440 = arith.constant 16 : i32
      %shift_right_logical3A_441 = vector.broadcast %shift_right_logical3A_440 : i32 to vector<16xi32>
      %shift_right_logical3A_442 = arith.shrui %add3A_439, %shift_right_logical3A_441 : vector<16xi32>
      %xor3A_443 = arith.xori %add3A_439, %shift_right_logical3A_442 : vector<16xi32>
      %mul3A_444 = arith.constant 73244475 : i32
      %mul3A_445 = vector.broadcast %mul3A_444 : i32 to vector<16xi32>
      %mul3A_446 = arith.muli %xor3A_443, %mul3A_445 : vector<16xi32>
      %shift_right_logical3A_447 = arith.constant 16 : i32
      %shift_right_logical3A_448 = vector.broadcast %shift_right_logical3A_447 : i32 to vector<16xi32>
      %shift_right_logical3A_449 = arith.shrui %mul3A_446, %shift_right_logical3A_448 : vector<16xi32>
      %xor3A_450 = arith.xori %mul3A_446, %shift_right_logical3A_449 : vector<16xi32>
      %jit3A_451 = arith.constant 1000001 : i32
      %eq3A_452 = arith.constant 0 : i32
      %eq3A_453 = arith.cmpi eq, %jit3A_451, %eq3A_452 : i32
      %jit3A_454 = arith.constant 1 : i32
      %select_n3A_455 = arith.select %eq3A_453, %jit3A_454, %jit3A_451 : i32
      %rem3A_456 = vector.broadcast %select_n3A_455 : i32 to vector<16xi32>
      %rem3A_457 = arith.remui %xor3A_450, %rem3A_456 : vector<16xi32>
      %ne3A_458 = arith.constant 0 : i32
      %ne3A_459 = vector.broadcast %ne3A_458 : i32 to vector<16xi32>
      %ne3A_460 = arith.cmpi ne, %rem3A_457, %ne3A_459 : vector<16xi32>
      %lt3A_461 = arith.constant 0 : i32
      %lt3A_462 = vector.broadcast %lt3A_461 : i32 to vector<16xi32>
      %lt3A_463 = arith.cmpi ult, %rem3A_457, %lt3A_462 : vector<16xi32>
      %lt3A_464 = arith.constant 0 : i32
      %lt3A_465 = arith.cmpi ult, %select_n3A_455, %lt3A_464 : i32
      %ne3A_466 = vector.broadcast %lt3A_465 : i1 to vector<16xi1>
      %ne3A_467 = vector.broadcast %ne3A_466 : vector<16xi1> to vector<16xi1>
      %ne3A_468 = arith.xori %lt3A_463, %ne3A_467 : vector<16xi1>
      %and3A_469 = arith.andi %ne3A_468, %ne3A_460 : vector<16xi1>
      %add3A_470 = vector.broadcast %select_n3A_455 : i32 to vector<16xi32>
      %add3A_471 = arith.addi %rem3A_457, %add3A_470 : vector<16xi32>
      %select_n3A_472 = arith.select %and3A_469, %add3A_471, %rem3A_457 : vector<16xi1>, vector<16xi32>
      %mul3A_473 = arith.constant 16 : i32
      %mul3A_474 = arith.muli %scan3A_394, %mul3A_473 : i32
      %swap3A_475 = arith.index_cast %mul3A_474 : i32 to index
      %swap3A_476 = tpu.vector_load %arg10[%swap3A_475] {strides = array<i32>} : memref<512xi32, #tpu.memory_space<vmem>>, vector<16xi32>,
      tpu.vector_store %arg10[%swap3A_475], %select_n3A_472 {strides = array<i32>} : memref<512xi32, #tpu.memory_space<vmem>>, vector<16xi32>,
      %scan3A_477 = arith.constant 0 : i32
      scf.yield %scan3A_477 : i32
    }
    %scan3A_9 = arith.constant 32 : i32
    %get3A = arith.constant 0 : index
    %get3A_10 = tpu.vector_load %arg9[%get3A] {strides = array<i32>} : memref<512xi32, #tpu.memory_space<vmem>>, vector<16xi32>,
    %slice3A = vector.extract_strided_slice %get3A_10 {offsets = [0], sizes = [1], strides = [1]} : vector<16xi32> to vector<1xi32>
    %squeeze3A = vector.extract %slice3A[0] : i32 from vector<1xi32>
    %get3A_11 = arith.constant 0 : index
    %get3A_12 = tpu.vector_load %arg10[%get3A_11] {strides = array<i32>} : memref<512xi32, #tpu.memory_space<vmem>>, vector<16xi32>,
    %slice3A_13 = vector.extract_strided_slice %get3A_12 {offsets = [0], sizes = [1], strides = [1]} : vector<16xi32> to vector<1xi32>
    %squeeze3A_14 = vector.extract %slice3A_13[0] : i32 from vector<1xi32>
    %shift_right_logical3A = arith.constant 7 : i32
    %shift_right_logical3A_15 = arith.shrui %squeeze3A, %shift_right_logical3A : i32
    %min3A = arith.constant 7811 : i32
    %min3A_16 = arith.minsi %shift_right_logical3A_15, %min3A : i32
    %mul3A_17 = arith.constant 128 : i32
    %mul3A_18 = arith.muli %min3A_16, %mul3A_17 : i32
    %multiple_of3A = tpu.assume_multiple %mul3A_18, 128 : i32
    %dma_start3A = arith.constant 0 : i32
    %dma_start3A_19 = arith.constant 0 : i32
    %dma_start3A_20 = arith.constant 0 : i32
    %dma_start3A_21 = tpu.memref_slice %arg11[%dma_start3A, %dma_start3A_19, %dma_start3A_20] : memref<18x32x128xf32, #tpu.memory_space<vmem>> -> memref<1x32x128xf32, #tpu.memory_space<vmem>>
    %dma_start3A_22 = tpu.memref_squeeze %dma_start3A_21 : memref<1x32x128xf32, #tpu.memory_space<vmem>> -> memref<32x128xf32, #tpu.memory_space<vmem>>
    %dma_start3A_23 = arith.constant 0 : i32
    %dma_start3A_24 = tpu.memref_slice %arg3[%dma_start3A_23, %multiple_of3A] : memref<32x1000001xf32, #tpu.memory_space<hbm>> -> memref<32x128xf32, #tpu.memory_space<hbm>>
    %dma_start3A_25 = arith.constant 0 : i32
    %dma_start3A_26 = arith.constant 0 : i32
    %dma_start3A_27 = tpu.memref_slice %arg11[%dma_start3A, %dma_start3A_25, %dma_start3A_26] : memref<18x32x128xf32, #tpu.memory_space<vmem>> -> memref<1x32x128xf32, #tpu.memory_space<vmem>>
    %dma_start3A_28 = tpu.memref_squeeze %dma_start3A_27 : memref<1x32x128xf32, #tpu.memory_space<vmem>> -> memref<32x128xf32, #tpu.memory_space<vmem>>
    %dma_start3A_29 = arith.constant 0 : i32
    %dma_start3A_30 = tpu.memref_slice %arg3[%dma_start3A_29, %multiple_of3A] : memref<32x1000001xf32, #tpu.memory_space<hbm>> -> memref<32x128xf32, #tpu.memory_space<hbm>>
    tpu.enqueue_dma source(%dma_start3A_30 : memref<32x128xf32, #tpu.memory_space<hbm>>) target(%dma_start3A_28 : memref<32x128xf32, #tpu.memory_space<vmem>>) target_semaphore(%arg13 : memref<!tpu.dma_semaphore, #tpu.memory_space<semaphore_mem>>)
    %shift_right_logical3A_31 = arith.constant 7 : i32
    %shift_right_logical3A_32 = arith.shrui %squeeze3A_14, %shift_right_logical3A_31 : i32
    %min3A_33 = arith.constant 7811 : i32
    %min3A_34 = arith.minsi %shift_right_logical3A_32, %min3A_33 : i32
    %mul3A_35 = arith.constant 128 : i32
    %mul3A_36 = arith.muli %min3A_34, %mul3A_35 : i32
    %multiple_of3A_37 = tpu.assume_multiple %mul3A_36, 128 : i32
    %dma_start3A_38 = arith.constant 1 : i32
    %dma_start3A_39 = arith.constant 0 : i32
    %dma_start3A_40 = arith.constant 0 : i32
    %dma_start3A_41 = tpu.memref_slice %arg11[%dma_start3A_38, %dma_start3A_39, %dma_start3A_40] : memref<18x32x128xf32, #tpu.memory_space<vmem>> -> memref<1x32x128xf32, #tpu.memory_space<vmem>>
    %dma_start3A_42 = tpu.memref_squeeze %dma_start3A_41 : memref<1x32x128xf32, #tpu.memory_space<vmem>> -> memref<32x128xf32, #tpu.memory_space<vmem>>
    %dma_start3A_43 = arith.constant 0 : i32
    %dma_start3A_44 = tpu.memref_slice %arg4[%dma_start3A_43, %multiple_of3A_37] : memref<32x1000001xf32, #tpu.memory_space<hbm>> -> memref<32x128xf32, #tpu.memory_space<hbm>>
    %dma_start3A_45 = arith.constant 0 : i32
    %dma_start3A_46 = arith.constant 0 : i32
    %dma_start3A_47 = tpu.memref_slice %arg11[%dma_start3A_38, %dma_start3A_45, %dma_start3A_46] : memref<18x32x128xf32, #tpu.memory_space<vmem>> -> memref<1x32x128xf32, #tpu.memory_space<vmem>>
    %dma_start3A_48 = tpu.memref_squeeze %dma_start3A_47 : memref<1x32x128xf32, #tpu.memory_space<vmem>> -> memref<32x128xf32, #tpu.memory_space<vmem>>
    %dma_start3A_49 = arith.constant 0 : i32
    %dma_start3A_50 = tpu.memref_slice %arg4[%dma_start3A_49, %multiple_of3A_37] : memref<32x1000001xf32, #tpu.memory_space<hbm>> -> memref<32x128xf32, #tpu.memory_space<hbm>>
    tpu.enqueue_dma source(%dma_start3A_50 : memref<32x128xf32, #tpu.memory_space<hbm>>) target(%dma_start3A_48 : memref<32x128xf32, #tpu.memory_space<vmem>>) target_semaphore(%arg14 : memref<!tpu.dma_semaphore, #tpu.memory_space<semaphore_mem>>)
    %get3A_51 = arith.constant 0 : index
    %get3A_52 = tpu.vector_load %arg9[%get3A_51] {strides = array<i32>} : memref<512xi32, #tpu.memory_space<vmem>>, vector<16xi32>,
    %slice3A_53 = vector.extract_strided_slice %get3A_52 {offsets = [1], sizes = [1], strides = [1]} : vector<16xi32> to vector<1xi32>
    %squeeze3A_54 = vector.extract %slice3A_53[0] : i32 from vector<1xi32>
    %get3A_55 = arith.constant 0 : index
    %get3A_56 = tpu.vector_load %arg10[%get3A_55] {strides = array<i32>} : memref<512xi32, #tpu.memory_space<vmem>>, vector<16xi32>,
    %slice3A_57 = vector.extract_strided_slice %get3A_56 {offsets = [1], sizes = [1], strides = [1]} : vector<16xi32> to vector<1xi32>
    %squeeze3A_58 = vector.extract %slice3A_57[0] : i32 from vector<1xi32>
    %shift_right_logical3A_59 = arith.constant 7 : i32
    %shift_right_logical3A_60 = arith.shrui %squeeze3A_54, %shift_right_logical3A_59 : i32
    %min3A_61 = arith.constant 7811 : i32
    %min3A_62 = arith.minsi %shift_right_logical3A_60, %min3A_61 : i32
    %mul3A_63 = arith.constant 128 : i32
    %mul3A_64 = arith.muli %min3A_62, %mul3A_63 : i32
    %multiple_of3A_65 = tpu.assume_multiple %mul3A_64, 128 : i32
    %dma_start3A_66 = arith.constant 2 : i32
    %dma_start3A_67 = arith.constant 0 : i32
    %dma_start3A_68 = arith.constant 0 : i32
    %dma_start3A_69 = tpu.memref_slice %arg11[%dma_start3A_66, %dma_start3A_67, %dma_start3A_68] : memref<18x32x128xf32, #tpu.memory_space<vmem>> -> memref<1x32x128xf32, #tpu.memory_space<vmem>>
    %dma_start3A_70 = tpu.memref_squeeze %dma_start3A_69 : memref<1x32x128xf32, #tpu.memory_space<vmem>> -> memref<32x128xf32, #tpu.memory_space<vmem>>
    %dma_start3A_71 = arith.constant 0 : i32
    %dma_start3A_72 = tpu.memref_slice %arg3[%dma_start3A_71, %multiple_of3A_65] : memref<32x1000001xf32, #tpu.memory_space<hbm>> -> memref<32x128xf32, #tpu.memory_space<hbm>>
    %dma_start3A_73 = arith.constant 0 : i32
    %dma_start3A_74 = arith.constant 0 : i32
    %dma_start3A_75 = tpu.memref_slice %arg11[%dma_start3A_66, %dma_start3A_73, %dma_start3A_74] : memref<18x32x128xf32, #tpu.memory_space<vmem>> -> memref<1x32x128xf32, #tpu.memory_space<vmem>>
    %dma_start3A_76 = tpu.memref_squeeze %dma_start3A_75 : memref<1x32x128xf32, #tpu.memory_space<vmem>> -> memref<32x128xf32, #tpu.memory_space<vmem>>
    %dma_start3A_77 = arith.constant 0 : i32
    %dma_start3A_78 = tpu.memref_slice %arg3[%dma_start3A_77, %multiple_of3A_65] : memref<32x1000001xf32, #tpu.memory_space<hbm>> -> memref<32x128xf32, #tpu.memory_space<hbm>>
    tpu.enqueue_dma source(%dma_start3A_78 : memref<32x128xf32, #tpu.memory_space<hbm>>) target(%dma_start3A_76 : memref<32x128xf32, #tpu.memory_space<vmem>>) target_semaphore(%arg15 : memref<!tpu.dma_semaphore, #tpu.memory_space<semaphore_mem>>)
    %shift_right_logical3A_79 = arith.constant 7 : i32
    %shift_right_logical3A_80 = arith.shrui %squeeze3A_58, %shift_right_logical3A_79 : i32
    %min3A_81 = arith.constant 7811 : i32
    %min3A_82 = arith.minsi %shift_right_logical3A_80, %min3A_81 : i32
    %mul3A_83 = arith.constant 128 : i32
    %mul3A_84 = arith.muli %min3A_82, %mul3A_83 : i32
    %multiple_of3A_85 = tpu.assume_multiple %mul3A_84, 128 : i32
    %dma_start3A_86 = arith.constant 3 : i32
    %dma_start3A_87 = arith.constant 0 : i32
    %dma_start3A_88 = arith.constant 0 : i32
    %dma_start3A_89 = tpu.memref_slice %arg11[%dma_start3A_86, %dma_start3A_87, %dma_start3A_88] : memref<18x32x128xf32, #tpu.memory_space<vmem>> -> memref<1x32x128xf32, #tpu.memory_space<vmem>>
    %dma_start3A_90 = tpu.memref_squeeze %dma_start3A_89 : memref<1x32x128xf32, #tpu.memory_space<vmem>> -> memref<32x128xf32, #tpu.memory_space<vmem>>
    %dma_start3A_91 = arith.constant 0 : i32
    %dma_start3A_92 = tpu.memref_slice %arg4[%dma_start3A_91, %multiple_of3A_85] : memref<32x1000001xf32, #tpu.memory_space<hbm>> -> memref<32x128xf32, #tpu.memory_space<hbm>>
    %dma_start3A_93 = arith.constant 0 : i32
    %dma_start3A_94 = arith.constant 0 : i32
    %dma_start3A_95 = tpu.memref_slice %arg11[%dma_start3A_86, %dma_start3A_93, %dma_start3A_94] : memref<18x32x128xf32, #tpu.memory_space<vmem>> -> memref<1x32x128xf32, #tpu.memory_space<vmem>>
    %dma_start3A_96 = tpu.memref_squeeze %dma_start3A_95 : memref<1x32x128xf32, #tpu.memory_space<vmem>> -> memref<32x128xf32, #tpu.memory_space<vmem>>
    %dma_start3A_97 = arith.constant 0 : i32
    %dma_start3A_98 = tpu.memref_slice %arg4[%dma_start3A_97, %multiple_of3A_85] : memref<32x1000001xf32, #tpu.memory_space<hbm>> -> memref<32x128xf32, #tpu.memory_space<hbm>>
    tpu.enqueue_dma source(%dma_start3A_98 : memref<32x128xf32, #tpu.memory_space<hbm>>) target(%dma_start3A_96 : memref<32x128xf32, #tpu.memory_space<vmem>>) target_semaphore(%arg16 : memref<!tpu.dma_semaphore, #tpu.memory_space<semaphore_mem>>)
    %get3A_99 = arith.constant 0 : index
    %get3A_100 = tpu.vector_load %arg9[%get3A_99] {strides = array<i32>} : memref<512xi32, #tpu.memory_space<vmem>>, vector<16xi32>,
    %slice3A_101 = vector.extract_strided_slice %get3A_100 {offsets = [2], sizes = [1], strides = [1]} : vector<16xi32> to vector<1xi32>
    %squeeze3A_102 = vector.extract %slice3A_101[0] : i32 from vector<1xi32>
    %get3A_103 = arith.constant 0 : index
    %get3A_104 = tpu.vector_load %arg10[%get3A_103] {strides = array<i32>} : memref<512xi32, #tpu.memory_space<vmem>>, vector<16xi32>,
    %slice3A_105 = vector.extract_strided_slice %get3A_104 {offsets = [2], sizes = [1], strides = [1]} : vector<16xi32> to vector<1xi32>
    %squeeze3A_106 = vector.extract %slice3A_105[0] : i32 from vector<1xi32>
    %shift_right_logical3A_107 = arith.constant 7 : i32
    %shift_right_logical3A_108 = arith.shrui %squeeze3A_102, %shift_right_logical3A_107 : i32
    %min3A_109 = arith.constant 7811 : i32
    %min3A_110 = arith.minsi %shift_right_logical3A_108, %min3A_109 : i32
    %mul3A_111 = arith.constant 128 : i32
    %mul3A_112 = arith.muli %min3A_110, %mul3A_111 : i32
    %multiple_of3A_113 = tpu.assume_multiple %mul3A_112, 128 : i32
    %dma_start3A_114 = arith.constant 4 : i32
    %dma_start3A_115 = arith.constant 0 : i32
    %dma_start3A_116 = arith.constant 0 : i32
    %dma_start3A_117 = tpu.memref_slice %arg11[%dma_start3A_114, %dma_start3A_115, %dma_start3A_116] : memref<18x32x128xf32, #tpu.memory_space<vmem>> -> memref<1x32x128xf32, #tpu.memory_space<vmem>>
    %dma_start3A_118 = tpu.memref_squeeze %dma_start3A_117 : memref<1x32x128xf32, #tpu.memory_space<vmem>> -> memref<32x128xf32, #tpu.memory_space<vmem>>
    %dma_start3A_119 = arith.constant 0 : i32
    %dma_start3A_120 = tpu.memref_slice %arg3[%dma_start3A_119, %multiple_of3A_113] : memref<32x1000001xf32, #tpu.memory_space<hbm>> -> memref<32x128xf32, #tpu.memory_space<hbm>>
    %dma_start3A_121 = arith.constant 0 : i32
    %dma_start3A_122 = arith.constant 0 : i32
    %dma_start3A_123 = tpu.memref_slice %arg11[%dma_start3A_114, %dma_start3A_121, %dma_start3A_122] : memref<18x32x128xf32, #tpu.memory_space<vmem>> -> memref<1x32x128xf32, #tpu.memory_space<vmem>>
    %dma_start3A_124 = tpu.memref_squeeze %dma_start3A_123 : memref<1x32x128xf32, #tpu.memory_space<vmem>> -> memref<32x128xf32, #tpu.memory_space<vmem>>
    %dma_start3A_125 = arith.constant 0 : i32
    %dma_start3A_126 = tpu.memref_slice %arg3[%dma_start3A_125, %multiple_of3A_113] : memref<32x1000001xf32, #tpu.memory_space<hbm>> -> memref<32x128xf32, #tpu.memory_space<hbm>>
    tpu.enqueue_dma source(%dma_start3A_126 : memref<32x128xf32, #tpu.memory_space<hbm>>) target(%dma_start3A_124 : memref<32x128xf32, #tpu.memory_space<vmem>>) target_semaphore(%arg17 : memref<!tpu.dma_semaphore, #tpu.memory_space<semaphore_mem>>)
    %shift_right_logical3A_127 = arith.constant 7 : i32
    %shift_right_logical3A_128 = arith.shrui %squeeze3A_106, %shift_right_logical3A_127 : i32
    %min3A_129 = arith.constant 7811 : i32
    %min3A_130 = arith.minsi %shift_right_logical3A_128, %min3A_129 : i32
    %mul3A_131 = arith.constant 128 : i32
    %mul3A_132 = arith.muli %min3A_130, %mul3A_131 : i32
    %multiple_of3A_133 = tpu.assume_multiple %mul3A_132, 128 : i32
    %dma_start3A_134 = arith.constant 5 : i32
    %dma_start3A_135 = arith.constant 0 : i32
    %dma_start3A_136 = arith.constant 0 : i32
    %dma_start3A_137 = tpu.memref_slice %arg11[%dma_start3A_134, %dma_start3A_135, %dma_start3A_136] : memref<18x32x128xf32, #tpu.memory_space<vmem>> -> memref<1x32x128xf32, #tpu.memory_space<vmem>>
    %dma_start3A_138 = tpu.memref_squeeze %dma_start3A_137 : memref<1x32x128xf32, #tpu.memory_space<vmem>> -> memref<32x128xf32, #tpu.memory_space<vmem>>
    %dma_start3A_139 = arith.constant 0 : i32
    %dma_start3A_140 = tpu.memref_slice %arg4[%dma_start3A_139, %multiple_of3A_133] : memref<32x1000001xf32, #tpu.memory_space<hbm>> -> memref<32x128xf32, #tpu.memory_space<hbm>>
    %dma_start3A_141 = arith.constant 0 : i32
    %dma_start3A_142 = arith.constant 0 : i32
    %dma_start3A_143 = tpu.memref_slice %arg11[%dma_start3A_134, %dma_start3A_141, %dma_start3A_142] : memref<18x32x128xf32, #tpu.memory_space<vmem>> -> memref<1x32x128xf32, #tpu.memory_space<vmem>>
    %dma_start3A_144 = tpu.memref_squeeze %dma_start3A_143 : memref<1x32x128xf32, #tpu.memory_space<vmem>> -> memref<32x128xf32, #tpu.memory_space<vmem>>
    %dma_start3A_145 = arith.constant 0 : i32
    %dma_start3A_146 = tpu.memref_slice %arg4[%dma_start3A_145, %multiple_of3A_133] : memref<32x1000001xf32, #tpu.memory_space<hbm>> -> memref<32x128xf32, #tpu.memory_space<hbm>>
    tpu.enqueue_dma source(%dma_start3A_146 : memref<32x128xf32, #tpu.memory_space<hbm>>) target(%dma_start3A_144 : memref<32x128xf32, #tpu.memory_space<vmem>>) target_semaphore(%arg18 : memref<!tpu.dma_semaphore, #tpu.memory_space<semaphore_mem>>)
    %get3A_147 = arith.constant 0 : index
    %get3A_148 = tpu.vector_load %arg9[%get3A_147] {strides = array<i32>} : memref<512xi32, #tpu.memory_space<vmem>>, vector<16xi32>,
    %slice3A_149 = vector.extract_strided_slice %get3A_148 {offsets = [3], sizes = [1], strides = [1]} : vector<16xi32> to vector<1xi32>
    %squeeze3A_150 = vector.extract %slice3A_149[0] : i32 from vector<1xi32>
    %get3A_151 = arith.constant 0 : index
    %get3A_152 = tpu.vector_load %arg10[%get3A_151] {strides = array<i32>} : memref<512xi32, #tpu.memory_space<vmem>>, vector<16xi32>,
    %slice3A_153 = vector.extract_strided_slice %get3A_152 {offsets = [3], sizes = [1], strides = [1]} : vector<16xi32> to vector<1xi32>
    %squeeze3A_154 = vector.extract %slice3A_153[0] : i32 from vector<1xi32>
    %shift_right_logical3A_155 = arith.constant 7 : i32
    %shift_right_logical3A_156 = arith.shrui %squeeze3A_150, %shift_right_logical3A_155 : i32
    %min3A_157 = arith.constant 7811 : i32
    %min3A_158 = arith.minsi %shift_right_logical3A_156, %min3A_157 : i32
    %mul3A_159 = arith.constant 128 : i32
    %mul3A_160 = arith.muli %min3A_158, %mul3A_159 : i32
    %multiple_of3A_161 = tpu.assume_multiple %mul3A_160, 128 : i32
    %dma_start3A_162 = arith.constant 6 : i32
    %dma_start3A_163 = arith.constant 0 : i32
    %dma_start3A_164 = arith.constant 0 : i32
    %dma_start3A_165 = tpu.memref_slice %arg11[%dma_start3A_162, %dma_start3A_163, %dma_start3A_164] : memref<18x32x128xf32, #tpu.memory_space<vmem>> -> memref<1x32x128xf32, #tpu.memory_space<vmem>>
    %dma_start3A_166 = tpu.memref_squeeze %dma_start3A_165 : memref<1x32x128xf32, #tpu.memory_space<vmem>> -> memref<32x128xf32, #tpu.memory_space<vmem>>
    %dma_start3A_167 = arith.constant 0 : i32
    %dma_start3A_168 = tpu.memref_slice %arg3[%dma_start3A_167, %multiple_of3A_161] : memref<32x1000001xf32, #tpu.memory_space<hbm>> -> memref<32x128xf32, #tpu.memory_space<hbm>>
    %dma_start3A_169 = arith.constant 0 : i32
    %dma_start3A_170 = arith.constant 0 : i32
    %dma_start3A_171 = tpu.memref_slice %arg11[%dma_start3A_162, %dma_start3A_169, %dma_start3A_170] : memref<18x32x128xf32, #tpu.memory_space<vmem>> -> memref<1x32x128xf32, #tpu.memory_space<vmem>>
    %dma_start3A_172 = tpu.memref_squeeze %dma_start3A_171 : memref<1x32x128xf32, #tpu.memory_space<vmem>> -> memref<32x128xf32, #tpu.memory_space<vmem>>
    %dma_start3A_173 = arith.constant 0 : i32
    %dma_start3A_174 = tpu.memref_slice %arg3[%dma_start3A_173, %multiple_of3A_161] : memref<32x1000001xf32, #tpu.memory_space<hbm>> -> memref<32x128xf32, #tpu.memory_space<hbm>>
    tpu.enqueue_dma source(%dma_start3A_174 : memref<32x128xf32, #tpu.memory_space<hbm>>) target(%dma_start3A_172 : memref<32x128xf32, #tpu.memory_space<vmem>>) target_semaphore(%arg19 : memref<!tpu.dma_semaphore, #tpu.memory_space<semaphore_mem>>)
    %shift_right_logical3A_175 = arith.constant 7 : i32
    %shift_right_logical3A_176 = arith.shrui %squeeze3A_154, %shift_right_logical3A_175 : i32
    %min3A_177 = arith.constant 7811 : i32
    %min3A_178 = arith.minsi %shift_right_logical3A_176, %min3A_177 : i32
    %mul3A_179 = arith.constant 128 : i32
    %mul3A_180 = arith.muli %min3A_178, %mul3A_179 : i32
    %multiple_of3A_181 = tpu.assume_multiple %mul3A_180, 128 : i32
    %dma_start3A_182 = arith.constant 7 : i32
    %dma_start3A_183 = arith.constant 0 : i32
    %dma_start3A_184 = arith.constant 0 : i32
    %dma_start3A_185 = tpu.memref_slice %arg11[%dma_start3A_182, %dma_start3A_183, %dma_start3A_184] : memref<18x32x128xf32, #tpu.memory_space<vmem>> -> memref<1x32x128xf32, #tpu.memory_space<vmem>>
    %dma_start3A_186 = tpu.memref_squeeze %dma_start3A_185 : memref<1x32x128xf32, #tpu.memory_space<vmem>> -> memref<32x128xf32, #tpu.memory_space<vmem>>
    %dma_start3A_187 = arith.constant 0 : i32
    %dma_start3A_188 = tpu.memref_slice %arg4[%dma_start3A_187, %multiple_of3A_181] : memref<32x1000001xf32, #tpu.memory_space<hbm>> -> memref<32x128xf32, #tpu.memory_space<hbm>>
    %dma_start3A_189 = arith.constant 0 : i32
    %dma_start3A_190 = arith.constant 0 : i32
    %dma_start3A_191 = tpu.memref_slice %arg11[%dma_start3A_182, %dma_start3A_189, %dma_start3A_190] : memref<18x32x128xf32, #tpu.memory_space<vmem>> -> memref<1x32x128xf32, #tpu.memory_space<vmem>>
    %dma_start3A_192 = tpu.memref_squeeze %dma_start3A_191 : memref<1x32x128xf32, #tpu.memory_space<vmem>> -> memref<32x128xf32, #tpu.memory_space<vmem>>
    %dma_start3A_193 = arith.constant 0 : i32
    %dma_start3A_194 = tpu.memref_slice %arg4[%dma_start3A_193, %multiple_of3A_181] : memref<32x1000001xf32, #tpu.memory_space<hbm>> -> memref<32x128xf32, #tpu.memory_space<hbm>>
    tpu.enqueue_dma source(%dma_start3A_194 : memref<32x128xf32, #tpu.memory_space<hbm>>) target(%dma_start3A_192 : memref<32x128xf32, #tpu.memory_space<vmem>>) target_semaphore(%arg20 : memref<!tpu.dma_semaphore, #tpu.memory_space<semaphore_mem>>)
    %get3A_195 = arith.constant 0 : index
    %get3A_196 = tpu.vector_load %arg9[%get3A_195] {strides = array<i32>} : memref<512xi32, #tpu.memory_space<vmem>>, vector<16xi32>,
    %slice3A_197 = vector.extract_strided_slice %get3A_196 {offsets = [4], sizes = [1], strides = [1]} : vector<16xi32> to vector<1xi32>
    %squeeze3A_198 = vector.extract %slice3A_197[0] : i32 from vector<1xi32>
    %get3A_199 = arith.constant 0 : index
    %get3A_200 = tpu.vector_load %arg10[%get3A_199] {strides = array<i32>} : memref<512xi32, #tpu.memory_space<vmem>>, vector<16xi32>,
    %slice3A_201 = vector.extract_strided_slice %get3A_200 {offsets = [4], sizes = [1], strides = [1]} : vector<16xi32> to vector<1xi32>
    %squeeze3A_202 = vector.extract %slice3A_201[0] : i32 from vector<1xi32>
    %shift_right_logical3A_203 = arith.constant 7 : i32
    %shift_right_logical3A_204 = arith.shrui %squeeze3A_198, %shift_right_logical3A_203 : i32
    %min3A_205 = arith.constant 7811 : i32
    %min3A_206 = arith.minsi %shift_right_logical3A_204, %min3A_205 : i32
    %mul3A_207 = arith.constant 128 : i32
    %mul3A_208 = arith.muli %min3A_206, %mul3A_207 : i32
    %multiple_of3A_209 = tpu.assume_multiple %mul3A_208, 128 : i32
    %dma_start3A_210 = arith.constant 8 : i32
    %dma_start3A_211 = arith.constant 0 : i32
    %dma_start3A_212 = arith.constant 0 : i32
    %dma_start3A_213 = tpu.memref_slice %arg11[%dma_start3A_210, %dma_start3A_211, %dma_start3A_212] : memref<18x32x128xf32, #tpu.memory_space<vmem>> -> memref<1x32x128xf32, #tpu.memory_space<vmem>>
    %dma_start3A_214 = tpu.memref_squeeze %dma_start3A_213 : memref<1x32x128xf32, #tpu.memory_space<vmem>> -> memref<32x128xf32, #tpu.memory_space<vmem>>
    %dma_start3A_215 = arith.constant 0 : i32
    %dma_start3A_216 = tpu.memref_slice %arg3[%dma_start3A_215, %multiple_of3A_209] : memref<32x1000001xf32, #tpu.memory_space<hbm>> -> memref<32x128xf32, #tpu.memory_space<hbm>>
    %dma_start3A_217 = arith.constant 0 : i32
    %dma_start3A_218 = arith.constant 0 : i32
    %dma_start3A_219 = tpu.memref_slice %arg11[%dma_start3A_210, %dma_start3A_217, %dma_start3A_218] : memref<18x32x128xf32, #tpu.memory_space<vmem>> -> memref<1x32x128xf32, #tpu.memory_space<vmem>>
    %dma_start3A_220 = tpu.memref_squeeze %dma_start3A_219 : memref<1x32x128xf32, #tpu.memory_space<vmem>> -> memref<32x128xf32, #tpu.memory_space<vmem>>
    %dma_start3A_221 = arith.constant 0 : i32
    %dma_start3A_222 = tpu.memref_slice %arg3[%dma_start3A_221, %multiple_of3A_209] : memref<32x1000001xf32, #tpu.memory_space<hbm>> -> memref<32x128xf32, #tpu.memory_space<hbm>>
    tpu.enqueue_dma source(%dma_start3A_222 : memref<32x128xf32, #tpu.memory_space<hbm>>) target(%dma_start3A_220 : memref<32x128xf32, #tpu.memory_space<vmem>>) target_semaphore(%arg21 : memref<!tpu.dma_semaphore, #tpu.memory_space<semaphore_mem>>)
    %shift_right_logical3A_223 = arith.constant 7 : i32
    %shift_right_logical3A_224 = arith.shrui %squeeze3A_202, %shift_right_logical3A_223 : i32
    %min3A_225 = arith.constant 7811 : i32
    %min3A_226 = arith.minsi %shift_right_logical3A_224, %min3A_225 : i32
    %mul3A_227 = arith.constant 128 : i32
    %mul3A_228 = arith.muli %min3A_226, %mul3A_227 : i32
    %multiple_of3A_229 = tpu.assume_multiple %mul3A_228, 128 : i32
    %dma_start3A_230 = arith.constant 9 : i32
    %dma_start3A_231 = arith.constant 0 : i32
    %dma_start3A_232 = arith.constant 0 : i32
    %dma_start3A_233 = tpu.memref_slice %arg11[%dma_start3A_230, %dma_start3A_231, %dma_start3A_232] : memref<18x32x128xf32, #tpu.memory_space<vmem>> -> memref<1x32x128xf32, #tpu.memory_space<vmem>>
    %dma_start3A_234 = tpu.memref_squeeze %dma_start3A_233 : memref<1x32x128xf32, #tpu.memory_space<vmem>> -> memref<32x128xf32, #tpu.memory_space<vmem>>
    %dma_start3A_235 = arith.constant 0 : i32
    %dma_start3A_236 = tpu.memref_slice %arg4[%dma_start3A_235, %multiple_of3A_229] : memref<32x1000001xf32, #tpu.memory_space<hbm>> -> memref<32x128xf32, #tpu.memory_space<hbm>>
    %dma_start3A_237 = arith.constant 0 : i32
    %dma_start3A_238 = arith.constant 0 : i32
    %dma_start3A_239 = tpu.memref_slice %arg11[%dma_start3A_230, %dma_start3A_237, %dma_start3A_238] : memref<18x32x128xf32, #tpu.memory_space<vmem>> -> memref<1x32x128xf32, #tpu.memory_space<vmem>>
    %dma_start3A_240 = tpu.memref_squeeze %dma_start3A_239 : memref<1x32x128xf32, #tpu.memory_space<vmem>> -> memref<32x128xf32, #tpu.memory_space<vmem>>
    %dma_start3A_241 = arith.constant 0 : i32
    %dma_start3A_242 = tpu.memref_slice %arg4[%dma_start3A_241, %multiple_of3A_229] : memref<32x1000001xf32, #tpu.memory_space<hbm>> -> memref<32x128xf32, #tpu.memory_space<hbm>>
    tpu.enqueue_dma source(%dma_start3A_242 : memref<32x128xf32, #tpu.memory_space<hbm>>) target(%dma_start3A_240 : memref<32x128xf32, #tpu.memory_space<vmem>>) target_semaphore(%arg22 : memref<!tpu.dma_semaphore, #tpu.memory_space<semaphore_mem>>)
    %get3A_243 = arith.constant 0 : index
    %get3A_244 = tpu.vector_load %arg9[%get3A_243] {strides = array<i32>} : memref<512xi32, #tpu.memory_space<vmem>>, vector<16xi32>,
    %slice3A_245 = vector.extract_strided_slice %get3A_244 {offsets = [5], sizes = [1], strides = [1]} : vector<16xi32> to vector<1xi32>
    %squeeze3A_246 = vector.extract %slice3A_245[0] : i32 from vector<1xi32>
    %get3A_247 = arith.constant 0 : index
    %get3A_248 = tpu.vector_load %arg10[%get3A_247] {strides = array<i32>} : memref<512xi32, #tpu.memory_space<vmem>>, vector<16xi32>,
    %slice3A_249 = vector.extract_strided_slice %get3A_248 {offsets = [5], sizes = [1], strides = [1]} : vector<16xi32> to vector<1xi32>
    %squeeze3A_250 = vector.extract %slice3A_249[0] : i32 from vector<1xi32>
    %shift_right_logical3A_251 = arith.constant 7 : i32
    %shift_right_logical3A_252 = arith.shrui %squeeze3A_246, %shift_right_logical3A_251 : i32
    %min3A_253 = arith.constant 7811 : i32
    %min3A_254 = arith.minsi %shift_right_logical3A_252, %min3A_253 : i32
    %mul3A_255 = arith.constant 128 : i32
    %mul3A_256 = arith.muli %min3A_254, %mul3A_255 : i32
    %multiple_of3A_257 = tpu.assume_multiple %mul3A_256, 128 : i32
    %dma_start3A_258 = arith.constant 10 : i32
    %dma_start3A_259 = arith.constant 0 : i32
    %dma_start3A_260 = arith.constant 0 : i32
    %dma_start3A_261 = tpu.memref_slice %arg11[%dma_start3A_258, %dma_start3A_259, %dma_start3A_260] : memref<18x32x128xf32, #tpu.memory_space<vmem>> -> memref<1x32x128xf32, #tpu.memory_space<vmem>>
    %dma_start3A_262 = tpu.memref_squeeze %dma_start3A_261 : memref<1x32x128xf32, #tpu.memory_space<vmem>> -> memref<32x128xf32, #tpu.memory_space<vmem>>
    %dma_start3A_263 = arith.constant 0 : i32
    %dma_start3A_264 = tpu.memref_slice %arg3[%dma_start3A_263, %multiple_of3A_257] : memref<32x1000001xf32, #tpu.memory_space<hbm>> -> memref<32x128xf32, #tpu.memory_space<hbm>>
    %dma_start3A_265 = arith.constant 0 : i32
    %dma_start3A_266 = arith.constant 0 : i32
    %dma_start3A_267 = tpu.memref_slice %arg11[%dma_start3A_258, %dma_start3A_265, %dma_start3A_266] : memref<18x32x128xf32, #tpu.memory_space<vmem>> -> memref<1x32x128xf32, #tpu.memory_space<vmem>>
    %dma_start3A_268 = tpu.memref_squeeze %dma_start3A_267 : memref<1x32x128xf32, #tpu.memory_space<vmem>> -> memref<32x128xf32, #tpu.memory_space<vmem>>
    %dma_start3A_269 = arith.constant 0 : i32
    %dma_start3A_270 = tpu.memref_slice %arg3[%dma_start3A_269, %multiple_of3A_257] : memref<32x1000001xf32, #tpu.memory_space<hbm>> -> memref<32x128xf32, #tpu.memory_space<hbm>>
    tpu.enqueue_dma source(%dma_start3A_270 : memref<32x128xf32, #tpu.memory_space<hbm>>) target(%dma_start3A_268 : memref<32x128xf32, #tpu.memory_space<vmem>>) target_semaphore(%arg23 : memref<!tpu.dma_semaphore, #tpu.memory_space<semaphore_mem>>)
    %shift_right_logical3A_271 = arith.constant 7 : i32
    %shift_right_logical3A_272 = arith.shrui %squeeze3A_250, %shift_right_logical3A_271 : i32
    %min3A_273 = arith.constant 7811 : i32
    %min3A_274 = arith.minsi %shift_right_logical3A_272, %min3A_273 : i32
    %mul3A_275 = arith.constant 128 : i32
    %mul3A_276 = arith.muli %min3A_274, %mul3A_275 : i32
    %multiple_of3A_277 = tpu.assume_multiple %mul3A_276, 128 : i32
    %dma_start3A_278 = arith.constant 11 : i32
    %dma_start3A_279 = arith.constant 0 : i32
    %dma_start3A_280 = arith.constant 0 : i32
    %dma_start3A_281 = tpu.memref_slice %arg11[%dma_start3A_278, %dma_start3A_279, %dma_start3A_280] : memref<18x32x128xf32, #tpu.memory_space<vmem>> -> memref<1x32x128xf32, #tpu.memory_space<vmem>>
    %dma_start3A_282 = tpu.memref_squeeze %dma_start3A_281 : memref<1x32x128xf32, #tpu.memory_space<vmem>> -> memref<32x128xf32, #tpu.memory_space<vmem>>
    %dma_start3A_283 = arith.constant 0 : i32
    %dma_start3A_284 = tpu.memref_slice %arg4[%dma_start3A_283, %multiple_of3A_277] : memref<32x1000001xf32, #tpu.memory_space<hbm>> -> memref<32x128xf32, #tpu.memory_space<hbm>>
    %dma_start3A_285 = arith.constant 0 : i32
    %dma_start3A_286 = arith.constant 0 : i32
    %dma_start3A_287 = tpu.memref_slice %arg11[%dma_start3A_278, %dma_start3A_285, %dma_start3A_286] : memref<18x32x128xf32, #tpu.memory_space<vmem>> -> memref<1x32x128xf32, #tpu.memory_space<vmem>>
    %dma_start3A_288 = tpu.memref_squeeze %dma_start3A_287 : memref<1x32x128xf32, #tpu.memory_space<vmem>> -> memref<32x128xf32, #tpu.memory_space<vmem>>
    %dma_start3A_289 = arith.constant 0 : i32
    %dma_start3A_290 = tpu.memref_slice %arg4[%dma_start3A_289, %multiple_of3A_277] : memref<32x1000001xf32, #tpu.memory_space<hbm>> -> memref<32x128xf32, #tpu.memory_space<hbm>>
    tpu.enqueue_dma source(%dma_start3A_290 : memref<32x128xf32, #tpu.memory_space<hbm>>) target(%dma_start3A_288 : memref<32x128xf32, #tpu.memory_space<vmem>>) target_semaphore(%arg24 : memref<!tpu.dma_semaphore, #tpu.memory_space<semaphore_mem>>)
    %get3A_291 = arith.constant 0 : index
    %get3A_292 = tpu.vector_load %arg9[%get3A_291] {strides = array<i32>} : memref<512xi32, #tpu.memory_space<vmem>>, vector<16xi32>,
    %slice3A_293 = vector.extract_strided_slice %get3A_292 {offsets = [6], sizes = [1], strides = [1]} : vector<16xi32> to vector<1xi32>
    %squeeze3A_294 = vector.extract %slice3A_293[0] : i32 from vector<1xi32>
    %get3A_295 = arith.constant 0 : index
    %get3A_296 = tpu.vector_load %arg10[%get3A_295] {strides = array<i32>} : memref<512xi32, #tpu.memory_space<vmem>>, vector<16xi32>,
    %slice3A_297 = vector.extract_strided_slice %get3A_296 {offsets = [6], sizes = [1], strides = [1]} : vector<16xi32> to vector<1xi32>
    %squeeze3A_298 = vector.extract %slice3A_297[0] : i32 from vector<1xi32>
    %shift_right_logical3A_299 = arith.constant 7 : i32
    %shift_right_logical3A_300 = arith.shrui %squeeze3A_294, %shift_right_logical3A_299 : i32
    %min3A_301 = arith.constant 7811 : i32
    %min3A_302 = arith.minsi %shift_right_logical3A_300, %min3A_301 : i32
    %mul3A_303 = arith.constant 128 : i32
    %mul3A_304 = arith.muli %min3A_302, %mul3A_303 : i32
    %multiple_of3A_305 = tpu.assume_multiple %mul3A_304, 128 : i32
    %dma_start3A_306 = arith.constant 12 : i32
    %dma_start3A_307 = arith.constant 0 : i32
    %dma_start3A_308 = arith.constant 0 : i32
    %dma_start3A_309 = tpu.memref_slice %arg11[%dma_start3A_306, %dma_start3A_307, %dma_start3A_308] : memref<18x32x128xf32, #tpu.memory_space<vmem>> -> memref<1x32x128xf32, #tpu.memory_space<vmem>>
    %dma_start3A_310 = tpu.memref_squeeze %dma_start3A_309 : memref<1x32x128xf32, #tpu.memory_space<vmem>> -> memref<32x128xf32, #tpu.memory_space<vmem>>
    %dma_start3A_311 = arith.constant 0 : i32
    %dma_start3A_312 = tpu.memref_slice %arg3[%dma_start3A_311, %multiple_of3A_305] : memref<32x1000001xf32, #tpu.memory_space<hbm>> -> memref<32x128xf32, #tpu.memory_space<hbm>>
    %dma_start3A_313 = arith.constant 0 : i32
    %dma_start3A_314 = arith.constant 0 : i32
    %dma_start3A_315 = tpu.memref_slice %arg11[%dma_start3A_306, %dma_start3A_313, %dma_start3A_314] : memref<18x32x128xf32, #tpu.memory_space<vmem>> -> memref<1x32x128xf32, #tpu.memory_space<vmem>>
    %dma_start3A_316 = tpu.memref_squeeze %dma_start3A_315 : memref<1x32x128xf32, #tpu.memory_space<vmem>> -> memref<32x128xf32, #tpu.memory_space<vmem>>
    %dma_start3A_317 = arith.constant 0 : i32
    %dma_start3A_318 = tpu.memref_slice %arg3[%dma_start3A_317, %multiple_of3A_305] : memref<32x1000001xf32, #tpu.memory_space<hbm>> -> memref<32x128xf32, #tpu.memory_space<hbm>>
    tpu.enqueue_dma source(%dma_start3A_318 : memref<32x128xf32, #tpu.memory_space<hbm>>) target(%dma_start3A_316 : memref<32x128xf32, #tpu.memory_space<vmem>>) target_semaphore(%arg25 : memref<!tpu.dma_semaphore, #tpu.memory_space<semaphore_mem>>)
    %shift_right_logical3A_319 = arith.constant 7 : i32
    %shift_right_logical3A_320 = arith.shrui %squeeze3A_298, %shift_right_logical3A_319 : i32
    %min3A_321 = arith.constant 7811 : i32
    %min3A_322 = arith.minsi %shift_right_logical3A_320, %min3A_321 : i32
    %mul3A_323 = arith.constant 128 : i32
    %mul3A_324 = arith.muli %min3A_322, %mul3A_323 : i32
    %multiple_of3A_325 = tpu.assume_multiple %mul3A_324, 128 : i32
    %dma_start3A_326 = arith.constant 13 : i32
    %dma_start3A_327 = arith.constant 0 : i32
    %dma_start3A_328 = arith.constant 0 : i32
    %dma_start3A_329 = tpu.memref_slice %arg11[%dma_start3A_326, %dma_start3A_327, %dma_start3A_328] : memref<18x32x128xf32, #tpu.memory_space<vmem>> -> memref<1x32x128xf32, #tpu.memory_space<vmem>>
    %dma_start3A_330 = tpu.memref_squeeze %dma_start3A_329 : memref<1x32x128xf32, #tpu.memory_space<vmem>> -> memref<32x128xf32, #tpu.memory_space<vmem>>
    %dma_start3A_331 = arith.constant 0 : i32
    %dma_start3A_332 = tpu.memref_slice %arg4[%dma_start3A_331, %multiple_of3A_325] : memref<32x1000001xf32, #tpu.memory_space<hbm>> -> memref<32x128xf32, #tpu.memory_space<hbm>>
    %dma_start3A_333 = arith.constant 0 : i32
    %dma_start3A_334 = arith.constant 0 : i32
    %dma_start3A_335 = tpu.memref_slice %arg11[%dma_start3A_326, %dma_start3A_333, %dma_start3A_334] : memref<18x32x128xf32, #tpu.memory_space<vmem>> -> memref<1x32x128xf32, #tpu.memory_space<vmem>>
    %dma_start3A_336 = tpu.memref_squeeze %dma_start3A_335 : memref<1x32x128xf32, #tpu.memory_space<vmem>> -> memref<32x128xf32, #tpu.memory_space<vmem>>
    %dma_start3A_337 = arith.constant 0 : i32
    %dma_start3A_338 = tpu.memref_slice %arg4[%dma_start3A_337, %multiple_of3A_325] : memref<32x1000001xf32, #tpu.memory_space<hbm>> -> memref<32x128xf32, #tpu.memory_space<hbm>>
    tpu.enqueue_dma source(%dma_start3A_338 : memref<32x128xf32, #tpu.memory_space<hbm>>) target(%dma_start3A_336 : memref<32x128xf32, #tpu.memory_space<vmem>>) target_semaphore(%arg26 : memref<!tpu.dma_semaphore, #tpu.memory_space<semaphore_mem>>)
    %get3A_339 = arith.constant 0 : index
    %get3A_340 = tpu.vector_load %arg9[%get3A_339] {strides = array<i32>} : memref<512xi32, #tpu.memory_space<vmem>>, vector<16xi32>,
    %slice3A_341 = vector.extract_strided_slice %get3A_340 {offsets = [7], sizes = [1], strides = [1]} : vector<16xi32> to vector<1xi32>
    %squeeze3A_342 = vector.extract %slice3A_341[0] : i32 from vector<1xi32>
    %get3A_343 = arith.constant 0 : index
    %get3A_344 = tpu.vector_load %arg10[%get3A_343] {strides = array<i32>} : memref<512xi32, #tpu.memory_space<vmem>>, vector<16xi32>,
    %slice3A_345 = vector.extract_strided_slice %get3A_344 {offsets = [7], sizes = [1], strides = [1]} : vector<16xi32> to vector<1xi32>
    %squeeze3A_346 = vector.extract %slice3A_345[0] : i32 from vector<1xi32>
    %shift_right_logical3A_347 = arith.constant 7 : i32
    %shift_right_logical3A_348 = arith.shrui %squeeze3A_342, %shift_right_logical3A_347 : i32
    %min3A_349 = arith.constant 7811 : i32
    %min3A_350 = arith.minsi %shift_right_logical3A_348, %min3A_349 : i32
    %mul3A_351 = arith.constant 128 : i32
    %mul3A_352 = arith.muli %min3A_350, %mul3A_351 : i32
    %multiple_of3A_353 = tpu.assume_multiple %mul3A_352, 128 : i32
    %dma_start3A_354 = arith.constant 14 : i32
    %dma_start3A_355 = arith.constant 0 : i32
    %dma_start3A_356 = arith.constant 0 : i32
    %dma_start3A_357 = tpu.memref_slice %arg11[%dma_start3A_354, %dma_start3A_355, %dma_start3A_356] : memref<18x32x128xf32, #tpu.memory_space<vmem>> -> memref<1x32x128xf32, #tpu.memory_space<vmem>>
    %dma_start3A_358 = tpu.memref_squeeze %dma_start3A_357 : memref<1x32x128xf32, #tpu.memory_space<vmem>> -> memref<32x128xf32, #tpu.memory_space<vmem>>
    %dma_start3A_359 = arith.constant 0 : i32
    %dma_start3A_360 = tpu.memref_slice %arg3[%dma_start3A_359, %multiple_of3A_353] : memref<32x1000001xf32, #tpu.memory_space<hbm>> -> memref<32x128xf32, #tpu.memory_space<hbm>>
    %dma_start3A_361 = arith.constant 0 : i32
    %dma_start3A_362 = arith.constant 0 : i32
    %dma_start3A_363 = tpu.memref_slice %arg11[%dma_start3A_354, %dma_start3A_361, %dma_start3A_362] : memref<18x32x128xf32, #tpu.memory_space<vmem>> -> memref<1x32x128xf32, #tpu.memory_space<vmem>>
    %dma_start3A_364 = tpu.memref_squeeze %dma_start3A_363 : memref<1x32x128xf32, #tpu.memory_space<vmem>> -> memref<32x128xf32, #tpu.memory_space<vmem>>
    %dma_start3A_365 = arith.constant 0 : i32
    %dma_start3A_366 = tpu.memref_slice %arg3[%dma_start3A_365, %multiple_of3A_353] : memref<32x1000001xf32, #tpu.memory_space<hbm>> -> memref<32x128xf32, #tpu.memory_space<hbm>>
    tpu.enqueue_dma source(%dma_start3A_366 : memref<32x128xf32, #tpu.memory_space<hbm>>) target(%dma_start3A_364 : memref<32x128xf32, #tpu.memory_space<vmem>>) target_semaphore(%arg27 : memref<!tpu.dma_semaphore, #tpu.memory_space<semaphore_mem>>)
    %shift_right_logical3A_367 = arith.constant 7 : i32
    %shift_right_logical3A_368 = arith.shrui %squeeze3A_346, %shift_right_logical3A_367 : i32
    %min3A_369 = arith.constant 7811 : i32
    %min3A_370 = arith.minsi %shift_right_logical3A_368, %min3A_369 : i32
    %mul3A_371 = arith.constant 128 : i32
    %mul3A_372 = arith.muli %min3A_370, %mul3A_371 : i32
    %multiple_of3A_373 = tpu.assume_multiple %mul3A_372, 128 : i32
    %dma_start3A_374 = arith.constant 15 : i32
    %dma_start3A_375 = arith.constant 0 : i32
    %dma_start3A_376 = arith.constant 0 : i32
    %dma_start3A_377 = tpu.memref_slice %arg11[%dma_start3A_374, %dma_start3A_375, %dma_start3A_376] : memref<18x32x128xf32, #tpu.memory_space<vmem>> -> memref<1x32x128xf32, #tpu.memory_space<vmem>>
    %dma_start3A_378 = tpu.memref_squeeze %dma_start3A_377 : memref<1x32x128xf32, #tpu.memory_space<vmem>> -> memref<32x128xf32, #tpu.memory_space<vmem>>
    %dma_start3A_379 = arith.constant 0 : i32
    %dma_start3A_380 = tpu.memref_slice %arg4[%dma_start3A_379, %multiple_of3A_373] : memref<32x1000001xf32, #tpu.memory_space<hbm>> -> memref<32x128xf32, #tpu.memory_space<hbm>>
    %dma_start3A_381 = arith.constant 0 : i32
    %dma_start3A_382 = arith.constant 0 : i32
    %dma_start3A_383 = tpu.memref_slice %arg11[%dma_start3A_374, %dma_start3A_381, %dma_start3A_382] : memref<18x32x128xf32, #tpu.memory_space<vmem>> -> memref<1x32x128xf32, #tpu.memory_space<vmem>>
    %dma_start3A_384 = tpu.memref_squeeze %dma_start3A_383 : memref<1x32x128xf32, #tpu.memory_space<vmem>> -> memref<32x128xf32, #tpu.memory_space<vmem>>
    %dma_start3A_385 = arith.constant 0 : i32
    %dma_start3A_386 = tpu.memref_slice %arg4[%dma_start3A_385, %multiple_of3A_373] : memref<32x1000001xf32, #tpu.memory_space<hbm>> -> memref<32x128xf32, #tpu.memory_space<hbm>>
    tpu.enqueue_dma source(%dma_start3A_386 : memref<32x128xf32, #tpu.memory_space<hbm>>) target(%dma_start3A_384 : memref<32x128xf32, #tpu.memory_space<vmem>>) target_semaphore(%arg28 : memref<!tpu.dma_semaphore, #tpu.memory_space<semaphore_mem>>)
    %scan3A_387 = arith.constant 0 : i32
    %scan3A_388 = arith.constant 0 : i32
    %scan3A_389 = arith.constant 32 : i32
    %scan3A_390 = arith.addi %scan3A_388, %scan3A_389 : i32
    %scan3A_391 = arith.constant 1 : i32
    %scan3A_392 = scf.for %scan3A_394 = %scan3A_388 to %scan3A_390 step %scan3A_391 iter_args(%scan3A_395 = %scan3A_387) -> (i32)  : i32 {
      %mul3A_396 = arith.constant 16 : i32
      %mul3A_397 = arith.muli %scan3A_394, %mul3A_396 : i32
      %add3A_398 = arith.constant 16 : i32
      %add3A_399 = arith.addi %mul3A_397, %add3A_398 : i32
      %min3A_400 = arith.constant 496 : i32
      %min3A_401 = arith.minsi %add3A_399, %min3A_400 : i32
      %add3A_402 = arith.constant 0 : i32
      %add3A_403 = arith.addi %mul3A_397, %add3A_402 : i32
      %dma_wait3A = arith.constant 0 : i32
      %dma_wait3A_404 = arith.constant 0 : i32
      %dma_wait3A_405 = arith.constant 0 : i32
      %dma_wait3A_406 = tpu.memref_slice %arg11[%dma_wait3A, %dma_wait3A_404, %dma_wait3A_405] : memref<18x32x128xf32, #tpu.memory_space<vmem>> -> memref<1x32x128xf32, #tpu.memory_space<vmem>>
      %dma_wait3A_407 = tpu.memref_squeeze %dma_wait3A_406 : memref<1x32x128xf32, #tpu.memory_space<vmem>> -> memref<32x128xf32, #tpu.memory_space<vmem>>
      %dma_wait3A_408 = arith.constant 0 : i32
      %dma_wait3A_409 = arith.constant 0 : i32
      %dma_wait3A_410 = tpu.memref_slice %arg3[%dma_wait3A_408, %dma_wait3A_409] : memref<32x1000001xf32, #tpu.memory_space<hbm>> -> memref<32x128xf32, #tpu.memory_space<hbm>>
      %dma_wait3A_411 = arith.constant 0 : i32
      %dma_wait3A_412 = arith.constant 0 : i32
      %dma_wait3A_413 = tpu.memref_slice %arg11[%dma_wait3A, %dma_wait3A_411, %dma_wait3A_412] : memref<18x32x128xf32, #tpu.memory_space<vmem>> -> memref<1x32x128xf32, #tpu.memory_space<vmem>>
      %dma_wait3A_414 = tpu.memref_squeeze %dma_wait3A_413 : memref<1x32x128xf32, #tpu.memory_space<vmem>> -> memref<32x128xf32, #tpu.memory_space<vmem>>
      %dma_wait3A_415 = arith.constant 0 : i32
      %dma_wait3A_416 = arith.constant 0 : i32
      %dma_wait3A_417 = tpu.memref_slice %arg3[%dma_wait3A_415, %dma_wait3A_416] : memref<32x1000001xf32, #tpu.memory_space<hbm>> -> memref<32x128xf32, #tpu.memory_space<hbm>>
      tpu.wait_dma2 semaphore(%arg13 : memref<!tpu.dma_semaphore, #tpu.memory_space<semaphore_mem>>) src(%dma_wait3A_417 : memref<32x128xf32, #tpu.memory_space<hbm>>) dst(%dma_wait3A_414 : memref<32x128xf32, #tpu.memory_space<vmem>>)
      %dma_wait3A_418 = arith.constant 1 : i32
      %dma_wait3A_419 = arith.constant 0 : i32
      %dma_wait3A_420 = arith.constant 0 : i32
      %dma_wait3A_421 = tpu.memref_slice %arg11[%dma_wait3A_418, %dma_wait3A_419, %dma_wait3A_420] : memref<18x32x128xf32, #tpu.memory_space<vmem>> -> memref<1x32x128xf32, #tpu.memory_space<vmem>>
      %dma_wait3A_422 = tpu.memref_squeeze %dma_wait3A_421 : memref<1x32x128xf32, #tpu.memory_space<vmem>> -> memref<32x128xf32, #tpu.memory_space<vmem>>
      %dma_wait3A_423 = arith.constant 0 : i32
      %dma_wait3A_424 = arith.constant 0 : i32
      %dma_wait3A_425 = tpu.memref_slice %arg4[%dma_wait3A_423, %dma_wait3A_424] : memref<32x1000001xf32, #tpu.memory_space<hbm>> -> memref<32x128xf32, #tpu.memory_space<hbm>>
      %dma_wait3A_426 = arith.constant 0 : i32
      %dma_wait3A_427 = arith.constant 0 : i32
      %dma_wait3A_428 = tpu.memref_slice %arg11[%dma_wait3A_418, %dma_wait3A_426, %dma_wait3A_427] : memref<18x32x128xf32, #tpu.memory_space<vmem>> -> memref<1x32x128xf32, #tpu.memory_space<vmem>>
      %dma_wait3A_429 = tpu.memref_squeeze %dma_wait3A_428 : memref<1x32x128xf32, #tpu.memory_space<vmem>> -> memref<32x128xf32, #tpu.memory_space<vmem>>
      %dma_wait3A_430 = arith.constant 0 : i32
      %dma_wait3A_431 = arith.constant 0 : i32
      %dma_wait3A_432 = tpu.memref_slice %arg4[%dma_wait3A_430, %dma_wait3A_431] : memref<32x1000001xf32, #tpu.memory_space<hbm>> -> memref<32x128xf32, #tpu.memory_space<hbm>>
      tpu.wait_dma2 semaphore(%arg14 : memref<!tpu.dma_semaphore, #tpu.memory_space<semaphore_mem>>) src(%dma_wait3A_432 : memref<32x128xf32, #tpu.memory_space<hbm>>) dst(%dma_wait3A_429 : memref<32x128xf32, #tpu.memory_space<vmem>>)
      %get3A_433 = arith.index_cast %mul3A_397 : i32 to index
      %get3A_434 = tpu.vector_load %arg9[%get3A_433] {strides = array<i32>} : memref<512xi32, #tpu.memory_space<vmem>>, vector<16xi32>,
      %slice3A_435 = vector.extract_strided_slice %get3A_434 {offsets = [0], sizes = [1], strides = [1]} : vector<16xi32> to vector<1xi32>
      %squeeze3A_436 = vector.extract %slice3A_435[0] : i32 from vector<1xi32>
      %get3A_437 = arith.index_cast %mul3A_397 : i32 to index
      %get3A_438 = tpu.vector_load %arg10[%get3A_437] {strides = array<i32>} : memref<512xi32, #tpu.memory_space<vmem>>, vector<16xi32>,
      %slice3A_439 = vector.extract_strided_slice %get3A_438 {offsets = [0], sizes = [1], strides = [1]} : vector<16xi32> to vector<1xi32>
      %squeeze3A_440 = vector.extract %slice3A_439[0] : i32 from vector<1xi32>
      %ge3A = arith.constant 999936 : i32
      %ge3A_441 = arith.cmpi sge, %squeeze3A_436, %ge3A : i32
      %sub3A = arith.constant 999936 : i32
      %sub3A_442 = arith.subi %squeeze3A_436, %sub3A : i32
      %and3A = arith.constant 127 : i32
      %and3A_443 = arith.andi %squeeze3A_436, %and3A : i32
      %select_n3A = arith.select %ge3A_441, %sub3A_442, %and3A_443 : i32
      %jit3A = arith.constant 16 : i32
      %jit3A_444 = arith.constant 0 : i32
      %select_n3A_445 = arith.select %ge3A_441, %jit3A, %jit3A_444 : i32
      %iota3A = tpu.iota {dimensions = array<i32: 0>} : vector<16xi32>
      %add3A_446 = arith.constant 0 : i32
      %add3A_447 = vector.broadcast %add3A_446 : i32 to vector<16xi32>
      %add3A_448 = arith.addi %iota3A, %add3A_447 : vector<16xi32>
      %broadcast_in_dim3A = vector.broadcast %select_n3A_445 : i32 to vector<16xi32>
      %broadcast_in_dim3A_449 = vector.broadcast %select_n3A : i32 to vector<16xi32>
      %gather3A = tpu.vector_load_idx %arg11[%broadcast_in_dim3A, %add3A_448, %broadcast_in_dim3A_449] : memref<18x32x128xf32, #tpu.memory_space<vmem>>[vector<16xi32>, vector<16xi32>, vector<16xi32>], vector<16xf32>,
      %iota3A_450 = tpu.iota {dimensions = array<i32: 0>} : vector<16xi32>
      %add3A_451 = arith.constant 16 : i32
      %add3A_452 = vector.broadcast %add3A_451 : i32 to vector<16xi32>
      %add3A_453 = arith.addi %iota3A_450, %add3A_452 : vector<16xi32>
      %broadcast_in_dim3A_454 = vector.broadcast %select_n3A_445 : i32 to vector<16xi32>
      %broadcast_in_dim3A_455 = vector.broadcast %select_n3A : i32 to vector<16xi32>
      %gather3A_456 = tpu.vector_load_idx %arg11[%broadcast_in_dim3A_454, %add3A_453, %broadcast_in_dim3A_455] : memref<18x32x128xf32, #tpu.memory_space<vmem>>[vector<16xi32>, vector<16xi32>, vector<16xi32>], vector<16xf32>,
      %ge3A_457 = arith.constant 999936 : i32
      %ge3A_458 = arith.cmpi sge, %squeeze3A_440, %ge3A_457 : i32
      %sub3A_459 = arith.constant 999936 : i32
      %sub3A_460 = arith.subi %squeeze3A_440, %sub3A_459 : i32
      %and3A_461 = arith.constant 127 : i32
      %and3A_462 = arith.andi %squeeze3A_440, %and3A_461 : i32
      %select_n3A_463 = arith.select %ge3A_458, %sub3A_460, %and3A_462 : i32
      %jit3A_464 = arith.constant 17 : i32
      %jit3A_465 = arith.constant 1 : i32
      %select_n3A_466 = arith.select %ge3A_458, %jit3A_464, %jit3A_465 : i32
      %iota3A_467 = tpu.iota {dimensions = array<i32: 0>} : vector<16xi32>
      %add3A_468 = arith.constant 0 : i32
      %add3A_469 = vector.broadcast %add3A_468 : i32 to vector<16xi32>
      %add3A_470 = arith.addi %iota3A_467, %add3A_469 : vector<16xi32>
      %broadcast_in_dim3A_471 = vector.broadcast %select_n3A_466 : i32 to vector<16xi32>
      %broadcast_in_dim3A_472 = vector.broadcast %select_n3A_463 : i32 to vector<16xi32>
      %gather3A_473 = tpu.vector_load_idx %arg11[%broadcast_in_dim3A_471, %add3A_470, %broadcast_in_dim3A_472] : memref<18x32x128xf32, #tpu.memory_space<vmem>>[vector<16xi32>, vector<16xi32>, vector<16xi32>], vector<16xf32>,
      %iota3A_474 = tpu.iota {dimensions = array<i32: 0>} : vector<16xi32>
      %add3A_475 = arith.constant 16 : i32
      %add3A_476 = vector.broadcast %add3A_475 : i32 to vector<16xi32>
      %add3A_477 = arith.addi %iota3A_474, %add3A_476 : vector<16xi32>
      %broadcast_in_dim3A_478 = vector.broadcast %select_n3A_466 : i32 to vector<16xi32>
      %broadcast_in_dim3A_479 = vector.broadcast %select_n3A_463 : i32 to vector<16xi32>
      %gather3A_480 = tpu.vector_load_idx %arg11[%broadcast_in_dim3A_478, %add3A_477, %broadcast_in_dim3A_479] : memref<18x32x128xf32, #tpu.memory_space<vmem>>[vector<16xi32>, vector<16xi32>, vector<16xi32>], vector<16xf32>,
      %mul3A_481 = arith.mulf %gather3A, %gather3A_473 : vector<16xf32>
      %iota3A_482 = tpu.iota {dimensions = array<i32: 0>} : vector<16xi32>
      %add3A_483 = arith.constant 0 : i32
      %add3A_484 = vector.broadcast %add3A_483 : i32 to vector<16xi32>
      %add3A_485 = arith.addi %iota3A_482, %add3A_484 : vector<16xi32>
      %broadcast_in_dim3A_486 = vector.broadcast %add3A_403 : i32 to vector<16xi32>
      tpu.vector_store_idx %arg12[%add3A_485, %broadcast_in_dim3A_486], %mul3A_481 : memref<32x512xf32, #tpu.memory_space<vmem>>[vector<16xi32>, vector<16xi32>], vector<16xf32>,
      %mul3A_487 = arith.mulf %gather3A_456, %gather3A_480 : vector<16xf32>
      %iota3A_488 = tpu.iota {dimensions = array<i32: 0>} : vector<16xi32>
      %add3A_489 = arith.constant 16 : i32
      %add3A_490 = vector.broadcast %add3A_489 : i32 to vector<16xi32>
      %add3A_491 = arith.addi %iota3A_488, %add3A_490 : vector<16xi32>
      %broadcast_in_dim3A_492 = vector.broadcast %add3A_403 : i32 to vector<16xi32>
      tpu.vector_store_idx %arg12[%add3A_491, %broadcast_in_dim3A_492], %mul3A_487 : memref<32x512xf32, #tpu.memory_space<vmem>>[vector<16xi32>, vector<16xi32>], vector<16xf32>,
      %add3A_493 = arith.constant 8 : i32
      %add3A_494 = arith.addi %add3A_403, %add3A_493 : i32
      %lt3A = arith.constant 512 : i32
      %lt3A_495 = arith.cmpi slt, %add3A_494, %lt3A : i32
      %convert_element_type3A = arith.extui %lt3A_495 : i1 to i32
      %cond3A = arith.constant 0 : i32
      %cond3A_496 = arith.cmpi ne, %convert_element_type3A, %cond3A : i32
      scf.if %cond3A_496 {
        %get3A_2103 = arith.index_cast %mul3A_397 : i32 to index
        %get3A_2104 = tpu.vector_load %arg9[%get3A_2103] {strides = array<i32>} : memref<512xi32, #tpu.memory_space<vmem>>, vector<16xi32>,
        %slice3A_2105 = vector.extract_strided_slice %get3A_2104 {offsets = [8], sizes = [1], strides = [1]} : vector<16xi32> to vector<1xi32>
        %squeeze3A_2106 = vector.extract %slice3A_2105[0] : i32 from vector<1xi32>
        %get3A_2107 = arith.index_cast %mul3A_397 : i32 to index
        %get3A_2108 = tpu.vector_load %arg10[%get3A_2107] {strides = array<i32>} : memref<512xi32, #tpu.memory_space<vmem>>, vector<16xi32>,
        %slice3A_2109 = vector.extract_strided_slice %get3A_2108 {offsets = [8], sizes = [1], strides = [1]} : vector<16xi32> to vector<1xi32>
        %squeeze3A_2110 = vector.extract %slice3A_2109[0] : i32 from vector<1xi32>
        %shift_right_logical3A_2111 = arith.constant 7 : i32
        %shift_right_logical3A_2112 = arith.shrui %squeeze3A_2106, %shift_right_logical3A_2111 : i32
        %min3A_2113 = arith.constant 7811 : i32
        %min3A_2114 = arith.minsi %shift_right_logical3A_2112, %min3A_2113 : i32
        %mul3A_2115 = arith.constant 128 : i32
        %mul3A_2116 = arith.muli %min3A_2114, %mul3A_2115 : i32
        %multiple_of3A_2117 = tpu.assume_multiple %mul3A_2116, 128 : i32
        %dma_start3A_2118 = arith.constant 0 : i32
        %dma_start3A_2119 = arith.constant 0 : i32
        %dma_start3A_2120 = arith.constant 0 : i32
        %dma_start3A_2121 = tpu.memref_slice %arg11[%dma_start3A_2118, %dma_start3A_2119, %dma_start3A_2120] : memref<18x32x128xf32, #tpu.memory_space<vmem>> -> memref<1x32x128xf32, #tpu.memory_space<vmem>>
        %dma_start3A_2122 = tpu.memref_squeeze %dma_start3A_2121 : memref<1x32x128xf32, #tpu.memory_space<vmem>> -> memref<32x128xf32, #tpu.memory_space<vmem>>
        %dma_start3A_2123 = arith.constant 0 : i32
        %dma_start3A_2124 = tpu.memref_slice %arg3[%dma_start3A_2123, %multiple_of3A_2117] : memref<32x1000001xf32, #tpu.memory_space<hbm>> -> memref<32x128xf32, #tpu.memory_space<hbm>>
        %dma_start3A_2125 = arith.constant 0 : i32
        %dma_start3A_2126 = arith.constant 0 : i32
        %dma_start3A_2127 = tpu.memref_slice %arg11[%dma_start3A_2118, %dma_start3A_2125, %dma_start3A_2126] : memref<18x32x128xf32, #tpu.memory_space<vmem>> -> memref<1x32x128xf32, #tpu.memory_space<vmem>>
        %dma_start3A_2128 = tpu.memref_squeeze %dma_start3A_2127 : memref<1x32x128xf32, #tpu.memory_space<vmem>> -> memref<32x128xf32, #tpu.memory_space<vmem>>
        %dma_start3A_2129 = arith.constant 0 : i32
        %dma_start3A_2130 = tpu.memref_slice %arg3[%dma_start3A_2129, %multiple_of3A_2117] : memref<32x1000001xf32, #tpu.memory_space<hbm>> -> memref<32x128xf32, #tpu.memory_space<hbm>>
        tpu.enqueue_dma source(%dma_start3A_2130 : memref<32x128xf32, #tpu.memory_space<hbm>>) target(%dma_start3A_2128 : memref<32x128xf32, #tpu.memory_space<vmem>>) target_semaphore(%arg13 : memref<!tpu.dma_semaphore, #tpu.memory_space<semaphore_mem>>)
        %shift_right_logical3A_2131 = arith.constant 7 : i32
        %shift_right_logical3A_2132 = arith.shrui %squeeze3A_2110, %shift_right_logical3A_2131 : i32
        %min3A_2133 = arith.constant 7811 : i32
        %min3A_2134 = arith.minsi %shift_right_logical3A_2132, %min3A_2133 : i32
        %mul3A_2135 = arith.constant 128 : i32
        %mul3A_2136 = arith.muli %min3A_2134, %mul3A_2135 : i32
        %multiple_of3A_2137 = tpu.assume_multiple %mul3A_2136, 128 : i32
        %dma_start3A_2138 = arith.constant 1 : i32
        %dma_start3A_2139 = arith.constant 0 : i32
        %dma_start3A_2140 = arith.constant 0 : i32
        %dma_start3A_2141 = tpu.memref_slice %arg11[%dma_start3A_2138, %dma_start3A_2139, %dma_start3A_2140] : memref<18x32x128xf32, #tpu.memory_space<vmem>> -> memref<1x32x128xf32, #tpu.memory_space<vmem>>
        %dma_start3A_2142 = tpu.memref_squeeze %dma_start3A_2141 : memref<1x32x128xf32, #tpu.memory_space<vmem>> -> memref<32x128xf32, #tpu.memory_space<vmem>>
        %dma_start3A_2143 = arith.constant 0 : i32
        %dma_start3A_2144 = tpu.memref_slice %arg4[%dma_start3A_2143, %multiple_of3A_2137] : memref<32x1000001xf32, #tpu.memory_space<hbm>> -> memref<32x128xf32, #tpu.memory_space<hbm>>
        %dma_start3A_2145 = arith.constant 0 : i32
        %dma_start3A_2146 = arith.constant 0 : i32
        %dma_start3A_2147 = tpu.memref_slice %arg11[%dma_start3A_2138, %dma_start3A_2145, %dma_start3A_2146] : memref<18x32x128xf32, #tpu.memory_space<vmem>> -> memref<1x32x128xf32, #tpu.memory_space<vmem>>
        %dma_start3A_2148 = tpu.memref_squeeze %dma_start3A_2147 : memref<1x32x128xf32, #tpu.memory_space<vmem>> -> memref<32x128xf32, #tpu.memory_space<vmem>>
        %dma_start3A_2149 = arith.constant 0 : i32
        %dma_start3A_2150 = tpu.memref_slice %arg4[%dma_start3A_2149, %multiple_of3A_2137] : memref<32x1000001xf32, #tpu.memory_space<hbm>> -> memref<32x128xf32, #tpu.memory_space<hbm>>
        tpu.enqueue_dma source(%dma_start3A_2150 : memref<32x128xf32, #tpu.memory_space<hbm>>) target(%dma_start3A_2148 : memref<32x128xf32, #tpu.memory_space<vmem>>) target_semaphore(%arg14 : memref<!tpu.dma_semaphore, #tpu.memory_space<semaphore_mem>>)
      } else {
      }
      %add3A_497 = arith.constant 1 : i32
      %add3A_498 = arith.addi %mul3A_397, %add3A_497 : i32
      %dma_wait3A_499 = arith.constant 2 : i32
      %dma_wait3A_500 = arith.constant 0 : i32
      %dma_wait3A_501 = arith.constant 0 : i32
      %dma_wait3A_502 = tpu.memref_slice %arg11[%dma_wait3A_499, %dma_wait3A_500, %dma_wait3A_501] : memref<18x32x128xf32, #tpu.memory_space<vmem>> -> memref<1x32x128xf32, #tpu.memory_space<vmem>>
      %dma_wait3A_503 = tpu.memref_squeeze %dma_wait3A_502 : memref<1x32x128xf32, #tpu.memory_space<vmem>> -> memref<32x128xf32, #tpu.memory_space<vmem>>
      %dma_wait3A_504 = arith.constant 0 : i32
      %dma_wait3A_505 = arith.constant 0 : i32
      %dma_wait3A_506 = tpu.memref_slice %arg3[%dma_wait3A_504, %dma_wait3A_505] : memref<32x1000001xf32, #tpu.memory_space<hbm>> -> memref<32x128xf32, #tpu.memory_space<hbm>>
      %dma_wait3A_507 = arith.constant 0 : i32
      %dma_wait3A_508 = arith.constant 0 : i32
      %dma_wait3A_509 = tpu.memref_slice %arg11[%dma_wait3A_499, %dma_wait3A_507, %dma_wait3A_508] : memref<18x32x128xf32, #tpu.memory_space<vmem>> -> memref<1x32x128xf32, #tpu.memory_space<vmem>>
      %dma_wait3A_510 = tpu.memref_squeeze %dma_wait3A_509 : memref<1x32x128xf32, #tpu.memory_space<vmem>> -> memref<32x128xf32, #tpu.memory_space<vmem>>
      %dma_wait3A_511 = arith.constant 0 : i32
      %dma_wait3A_512 = arith.constant 0 : i32
      %dma_wait3A_513 = tpu.memref_slice %arg3[%dma_wait3A_511, %dma_wait3A_512] : memref<32x1000001xf32, #tpu.memory_space<hbm>> -> memref<32x128xf32, #tpu.memory_space<hbm>>
      tpu.wait_dma2 semaphore(%arg15 : memref<!tpu.dma_semaphore, #tpu.memory_space<semaphore_mem>>) src(%dma_wait3A_513 : memref<32x128xf32, #tpu.memory_space<hbm>>) dst(%dma_wait3A_510 : memref<32x128xf32, #tpu.memory_space<vmem>>)
      %dma_wait3A_514 = arith.constant 3 : i32
      %dma_wait3A_515 = arith.constant 0 : i32
      %dma_wait3A_516 = arith.constant 0 : i32
      %dma_wait3A_517 = tpu.memref_slice %arg11[%dma_wait3A_514, %dma_wait3A_515, %dma_wait3A_516] : memref<18x32x128xf32, #tpu.memory_space<vmem>> -> memref<1x32x128xf32, #tpu.memory_space<vmem>>
      %dma_wait3A_518 = tpu.memref_squeeze %dma_wait3A_517 : memref<1x32x128xf32, #tpu.memory_space<vmem>> -> memref<32x128xf32, #tpu.memory_space<vmem>>
      %dma_wait3A_519 = arith.constant 0 : i32
      %dma_wait3A_520 = arith.constant 0 : i32
      %dma_wait3A_521 = tpu.memref_slice %arg4[%dma_wait3A_519, %dma_wait3A_520] : memref<32x1000001xf32, #tpu.memory_space<hbm>> -> memref<32x128xf32, #tpu.memory_space<hbm>>
      %dma_wait3A_522 = arith.constant 0 : i32
      %dma_wait3A_523 = arith.constant 0 : i32
      %dma_wait3A_524 = tpu.memref_slice %arg11[%dma_wait3A_514, %dma_wait3A_522, %dma_wait3A_523] : memref<18x32x128xf32, #tpu.memory_space<vmem>> -> memref<1x32x128xf32, #tpu.memory_space<vmem>>
      %dma_wait3A_525 = tpu.memref_squeeze %dma_wait3A_524 : memref<1x32x128xf32, #tpu.memory_space<vmem>> -> memref<32x128xf32, #tpu.memory_space<vmem>>
      %dma_wait3A_526 = arith.constant 0 : i32
      %dma_wait3A_527 = arith.constant 0 : i32
      %dma_wait3A_528 = tpu.memref_slice %arg4[%dma_wait3A_526, %dma_wait3A_527] : memref<32x1000001xf32, #tpu.memory_space<hbm>> -> memref<32x128xf32, #tpu.memory_space<hbm>>
      tpu.wait_dma2 semaphore(%arg16 : memref<!tpu.dma_semaphore, #tpu.memory_space<semaphore_mem>>) src(%dma_wait3A_528 : memref<32x128xf32, #tpu.memory_space<hbm>>) dst(%dma_wait3A_525 : memref<32x128xf32, #tpu.memory_space<vmem>>)
      %get3A_529 = arith.index_cast %mul3A_397 : i32 to index
      %get3A_530 = tpu.vector_load %arg9[%get3A_529] {strides = array<i32>} : memref<512xi32, #tpu.memory_space<vmem>>, vector<16xi32>,
      %slice3A_531 = vector.extract_strided_slice %get3A_530 {offsets = [1], sizes = [1], strides = [1]} : vector<16xi32> to vector<1xi32>
      %squeeze3A_532 = vector.extract %slice3A_531[0] : i32 from vector<1xi32>
      %get3A_533 = arith.index_cast %mul3A_397 : i32 to index
      %get3A_534 = tpu.vector_load %arg10[%get3A_533] {strides = array<i32>} : memref<512xi32, #tpu.memory_space<vmem>>, vector<16xi32>,
      %slice3A_535 = vector.extract_strided_slice %get3A_534 {offsets = [1], sizes = [1], strides = [1]} : vector<16xi32> to vector<1xi32>
      %squeeze3A_536 = vector.extract %slice3A_535[0] : i32 from vector<1xi32>
      %ge3A_537 = arith.constant 999936 : i32
      %ge3A_538 = arith.cmpi sge, %squeeze3A_532, %ge3A_537 : i32
      %sub3A_539 = arith.constant 999936 : i32
      %sub3A_540 = arith.subi %squeeze3A_532, %sub3A_539 : i32
      %and3A_541 = arith.constant 127 : i32
      %and3A_542 = arith.andi %squeeze3A_532, %and3A_541 : i32
      %select_n3A_543 = arith.select %ge3A_538, %sub3A_540, %and3A_542 : i32
      %jit3A_544 = arith.constant 16 : i32
      %jit3A_545 = arith.constant 2 : i32
      %select_n3A_546 = arith.select %ge3A_538, %jit3A_544, %jit3A_545 : i32
      %iota3A_547 = tpu.iota {dimensions = array<i32: 0>} : vector<16xi32>
      %add3A_548 = arith.constant 0 : i32
      %add3A_549 = vector.broadcast %add3A_548 : i32 to vector<16xi32>
      %add3A_550 = arith.addi %iota3A_547, %add3A_549 : vector<16xi32>
      %broadcast_in_dim3A_551 = vector.broadcast %select_n3A_546 : i32 to vector<16xi32>
      %broadcast_in_dim3A_552 = vector.broadcast %select_n3A_543 : i32 to vector<16xi32>
      %gather3A_553 = tpu.vector_load_idx %arg11[%broadcast_in_dim3A_551, %add3A_550, %broadcast_in_dim3A_552] : memref<18x32x128xf32, #tpu.memory_space<vmem>>[vector<16xi32>, vector<16xi32>, vector<16xi32>], vector<16xf32>,
      %iota3A_554 = tpu.iota {dimensions = array<i32: 0>} : vector<16xi32>
      %add3A_555 = arith.constant 16 : i32
      %add3A_556 = vector.broadcast %add3A_555 : i32 to vector<16xi32>
      %add3A_557 = arith.addi %iota3A_554, %add3A_556 : vector<16xi32>
      %broadcast_in_dim3A_558 = vector.broadcast %select_n3A_546 : i32 to vector<16xi32>
      %broadcast_in_dim3A_559 = vector.broadcast %select_n3A_543 : i32 to vector<16xi32>
      %gather3A_560 = tpu.vector_load_idx %arg11[%broadcast_in_dim3A_558, %add3A_557, %broadcast_in_dim3A_559] : memref<18x32x128xf32, #tpu.memory_space<vmem>>[vector<16xi32>, vector<16xi32>, vector<16xi32>], vector<16xf32>,
      %ge3A_561 = arith.constant 999936 : i32
      %ge3A_562 = arith.cmpi sge, %squeeze3A_536, %ge3A_561 : i32
      %sub3A_563 = arith.constant 999936 : i32
      %sub3A_564 = arith.subi %squeeze3A_536, %sub3A_563 : i32
      %and3A_565 = arith.constant 127 : i32
      %and3A_566 = arith.andi %squeeze3A_536, %and3A_565 : i32
      %select_n3A_567 = arith.select %ge3A_562, %sub3A_564, %and3A_566 : i32
      %jit3A_568 = arith.constant 17 : i32
      %jit3A_569 = arith.constant 3 : i32
      %select_n3A_570 = arith.select %ge3A_562, %jit3A_568, %jit3A_569 : i32
      %iota3A_571 = tpu.iota {dimensions = array<i32: 0>} : vector<16xi32>
      %add3A_572 = arith.constant 0 : i32
      %add3A_573 = vector.broadcast %add3A_572 : i32 to vector<16xi32>
      %add3A_574 = arith.addi %iota3A_571, %add3A_573 : vector<16xi32>
      %broadcast_in_dim3A_575 = vector.broadcast %select_n3A_570 : i32 to vector<16xi32>
      %broadcast_in_dim3A_576 = vector.broadcast %select_n3A_567 : i32 to vector<16xi32>
      %gather3A_577 = tpu.vector_load_idx %arg11[%broadcast_in_dim3A_575, %add3A_574, %broadcast_in_dim3A_576] : memref<18x32x128xf32, #tpu.memory_space<vmem>>[vector<16xi32>, vector<16xi32>, vector<16xi32>], vector<16xf32>,
      %iota3A_578 = tpu.iota {dimensions = array<i32: 0>} : vector<16xi32>
      %add3A_579 = arith.constant 16 : i32
      %add3A_580 = vector.broadcast %add3A_579 : i32 to vector<16xi32>
      %add3A_581 = arith.addi %iota3A_578, %add3A_580 : vector<16xi32>
      %broadcast_in_dim3A_582 = vector.broadcast %select_n3A_570 : i32 to vector<16xi32>
      %broadcast_in_dim3A_583 = vector.broadcast %select_n3A_567 : i32 to vector<16xi32>
      %gather3A_584 = tpu.vector_load_idx %arg11[%broadcast_in_dim3A_582, %add3A_581, %broadcast_in_dim3A_583] : memref<18x32x128xf32, #tpu.memory_space<vmem>>[vector<16xi32>, vector<16xi32>, vector<16xi32>], vector<16xf32>,
      %mul3A_585 = arith.mulf %gather3A_553, %gather3A_577 : vector<16xf32>
      %iota3A_586 = tpu.iota {dimensions = array<i32: 0>} : vector<16xi32>
      %add3A_587 = arith.constant 0 : i32
      %add3A_588 = vector.broadcast %add3A_587 : i32 to vector<16xi32>
      %add3A_589 = arith.addi %iota3A_586, %add3A_588 : vector<16xi32>
      %broadcast_in_dim3A_590 = vector.broadcast %add3A_498 : i32 to vector<16xi32>
      tpu.vector_store_idx %arg12[%add3A_589, %broadcast_in_dim3A_590], %mul3A_585 : memref<32x512xf32, #tpu.memory_space<vmem>>[vector<16xi32>, vector<16xi32>], vector<16xf32>,
      %mul3A_591 = arith.mulf %gather3A_560, %gather3A_584 : vector<16xf32>
      %iota3A_592 = tpu.iota {dimensions = array<i32: 0>} : vector<16xi32>
      %add3A_593 = arith.constant 16 : i32
      %add3A_594 = vector.broadcast %add3A_593 : i32 to vector<16xi32>
      %add3A_595 = arith.addi %iota3A_592, %add3A_594 : vector<16xi32>
      %broadcast_in_dim3A_596 = vector.broadcast %add3A_498 : i32 to vector<16xi32>
      tpu.vector_store_idx %arg12[%add3A_595, %broadcast_in_dim3A_596], %mul3A_591 : memref<32x512xf32, #tpu.memory_space<vmem>>[vector<16xi32>, vector<16xi32>], vector<16xf32>,
      %add3A_597 = arith.constant 8 : i32
      %add3A_598 = arith.addi %add3A_498, %add3A_597 : i32
      %lt3A_599 = arith.constant 512 : i32
      %lt3A_600 = arith.cmpi slt, %add3A_598, %lt3A_599 : i32
      %convert_element_type3A_601 = arith.extui %lt3A_600 : i1 to i32
      %cond3A_602 = arith.constant 0 : i32
      %cond3A_603 = arith.cmpi ne, %convert_element_type3A_601, %cond3A_602 : i32
      scf.if %cond3A_603 {
        %get3A_2103 = arith.index_cast %mul3A_397 : i32 to index
        %get3A_2104 = tpu.vector_load %arg9[%get3A_2103] {strides = array<i32>} : memref<512xi32, #tpu.memory_space<vmem>>, vector<16xi32>,
        %slice3A_2105 = vector.extract_strided_slice %get3A_2104 {offsets = [9], sizes = [1], strides = [1]} : vector<16xi32> to vector<1xi32>
        %squeeze3A_2106 = vector.extract %slice3A_2105[0] : i32 from vector<1xi32>
        %get3A_2107 = arith.index_cast %mul3A_397 : i32 to index
        %get3A_2108 = tpu.vector_load %arg10[%get3A_2107] {strides = array<i32>} : memref<512xi32, #tpu.memory_space<vmem>>, vector<16xi32>,
        %slice3A_2109 = vector.extract_strided_slice %get3A_2108 {offsets = [9], sizes = [1], strides = [1]} : vector<16xi32> to vector<1xi32>
        %squeeze3A_2110 = vector.extract %slice3A_2109[0] : i32 from vector<1xi32>
        %shift_right_logical3A_2111 = arith.constant 7 : i32
        %shift_right_logical3A_2112 = arith.shrui %squeeze3A_2106, %shift_right_logical3A_2111 : i32
        %min3A_2113 = arith.constant 7811 : i32
        %min3A_2114 = arith.minsi %shift_right_logical3A_2112, %min3A_2113 : i32
        %mul3A_2115 = arith.constant 128 : i32
        %mul3A_2116 = arith.muli %min3A_2114, %mul3A_2115 : i32
        %multiple_of3A_2117 = tpu.assume_multiple %mul3A_2116, 128 : i32
        %dma_start3A_2118 = arith.constant 2 : i32
        %dma_start3A_2119 = arith.constant 0 : i32
        %dma_start3A_2120 = arith.constant 0 : i32
        %dma_start3A_2121 = tpu.memref_slice %arg11[%dma_start3A_2118, %dma_start3A_2119, %dma_start3A_2120] : memref<18x32x128xf32, #tpu.memory_space<vmem>> -> memref<1x32x128xf32, #tpu.memory_space<vmem>>
        %dma_start3A_2122 = tpu.memref_squeeze %dma_start3A_2121 : memref<1x32x128xf32, #tpu.memory_space<vmem>> -> memref<32x128xf32, #tpu.memory_space<vmem>>
        %dma_start3A_2123 = arith.constant 0 : i32
        %dma_start3A_2124 = tpu.memref_slice %arg3[%dma_start3A_2123, %multiple_of3A_2117] : memref<32x1000001xf32, #tpu.memory_space<hbm>> -> memref<32x128xf32, #tpu.memory_space<hbm>>
        %dma_start3A_2125 = arith.constant 0 : i32
        %dma_start3A_2126 = arith.constant 0 : i32
        %dma_start3A_2127 = tpu.memref_slice %arg11[%dma_start3A_2118, %dma_start3A_2125, %dma_start3A_2126] : memref<18x32x128xf32, #tpu.memory_space<vmem>> -> memref<1x32x128xf32, #tpu.memory_space<vmem>>
        %dma_start3A_2128 = tpu.memref_squeeze %dma_start3A_2127 : memref<1x32x128xf32, #tpu.memory_space<vmem>> -> memref<32x128xf32, #tpu.memory_space<vmem>>
        %dma_start3A_2129 = arith.constant 0 : i32
        %dma_start3A_2130 = tpu.memref_slice %arg3[%dma_start3A_2129, %multiple_of3A_2117] : memref<32x1000001xf32, #tpu.memory_space<hbm>> -> memref<32x128xf32, #tpu.memory_space<hbm>>
        tpu.enqueue_dma source(%dma_start3A_2130 : memref<32x128xf32, #tpu.memory_space<hbm>>) target(%dma_start3A_2128 : memref<32x128xf32, #tpu.memory_space<vmem>>) target_semaphore(%arg15 : memref<!tpu.dma_semaphore, #tpu.memory_space<semaphore_mem>>)
        %shift_right_logical3A_2131 = arith.constant 7 : i32
        %shift_right_logical3A_2132 = arith.shrui %squeeze3A_2110, %shift_right_logical3A_2131 : i32
        %min3A_2133 = arith.constant 7811 : i32
        %min3A_2134 = arith.minsi %shift_right_logical3A_2132, %min3A_2133 : i32
        %mul3A_2135 = arith.constant 128 : i32
        %mul3A_2136 = arith.muli %min3A_2134, %mul3A_2135 : i32
        %multiple_of3A_2137 = tpu.assume_multiple %mul3A_2136, 128 : i32
        %dma_start3A_2138 = arith.constant 3 : i32
        %dma_start3A_2139 = arith.constant 0 : i32
        %dma_start3A_2140 = arith.constant 0 : i32
        %dma_start3A_2141 = tpu.memref_slice %arg11[%dma_start3A_2138, %dma_start3A_2139, %dma_start3A_2140] : memref<18x32x128xf32, #tpu.memory_space<vmem>> -> memref<1x32x128xf32, #tpu.memory_space<vmem>>
        %dma_start3A_2142 = tpu.memref_squeeze %dma_start3A_2141 : memref<1x32x128xf32, #tpu.memory_space<vmem>> -> memref<32x128xf32, #tpu.memory_space<vmem>>
        %dma_start3A_2143 = arith.constant 0 : i32
        %dma_start3A_2144 = tpu.memref_slice %arg4[%dma_start3A_2143, %multiple_of3A_2137] : memref<32x1000001xf32, #tpu.memory_space<hbm>> -> memref<32x128xf32, #tpu.memory_space<hbm>>
        %dma_start3A_2145 = arith.constant 0 : i32
        %dma_start3A_2146 = arith.constant 0 : i32
        %dma_start3A_2147 = tpu.memref_slice %arg11[%dma_start3A_2138, %dma_start3A_2145, %dma_start3A_2146] : memref<18x32x128xf32, #tpu.memory_space<vmem>> -> memref<1x32x128xf32, #tpu.memory_space<vmem>>
        %dma_start3A_2148 = tpu.memref_squeeze %dma_start3A_2147 : memref<1x32x128xf32, #tpu.memory_space<vmem>> -> memref<32x128xf32, #tpu.memory_space<vmem>>
        %dma_start3A_2149 = arith.constant 0 : i32
        %dma_start3A_2150 = tpu.memref_slice %arg4[%dma_start3A_2149, %multiple_of3A_2137] : memref<32x1000001xf32, #tpu.memory_space<hbm>> -> memref<32x128xf32, #tpu.memory_space<hbm>>
        tpu.enqueue_dma source(%dma_start3A_2150 : memref<32x128xf32, #tpu.memory_space<hbm>>) target(%dma_start3A_2148 : memref<32x128xf32, #tpu.memory_space<vmem>>) target_semaphore(%arg16 : memref<!tpu.dma_semaphore, #tpu.memory_space<semaphore_mem>>)
      } else {
      }
      %add3A_604 = arith.constant 2 : i32
      %add3A_605 = arith.addi %mul3A_397, %add3A_604 : i32
      %dma_wait3A_606 = arith.constant 4 : i32
      %dma_wait3A_607 = arith.constant 0 : i32
      %dma_wait3A_608 = arith.constant 0 : i32
      %dma_wait3A_609 = tpu.memref_slice %arg11[%dma_wait3A_606, %dma_wait3A_607, %dma_wait3A_608] : memref<18x32x128xf32, #tpu.memory_space<vmem>> -> memref<1x32x128xf32, #tpu.memory_space<vmem>>
      %dma_wait3A_610 = tpu.memref_squeeze %dma_wait3A_609 : memref<1x32x128xf32, #tpu.memory_space<vmem>> -> memref<32x128xf32, #tpu.memory_space<vmem>>
      %dma_wait3A_611 = arith.constant 0 : i32
      %dma_wait3A_612 = arith.constant 0 : i32
      %dma_wait3A_613 = tpu.memref_slice %arg3[%dma_wait3A_611, %dma_wait3A_612] : memref<32x1000001xf32, #tpu.memory_space<hbm>> -> memref<32x128xf32, #tpu.memory_space<hbm>>
      %dma_wait3A_614 = arith.constant 0 : i32
      %dma_wait3A_615 = arith.constant 0 : i32
      %dma_wait3A_616 = tpu.memref_slice %arg11[%dma_wait3A_606, %dma_wait3A_614, %dma_wait3A_615] : memref<18x32x128xf32, #tpu.memory_space<vmem>> -> memref<1x32x128xf32, #tpu.memory_space<vmem>>
      %dma_wait3A_617 = tpu.memref_squeeze %dma_wait3A_616 : memref<1x32x128xf32, #tpu.memory_space<vmem>> -> memref<32x128xf32, #tpu.memory_space<vmem>>
      %dma_wait3A_618 = arith.constant 0 : i32
      %dma_wait3A_619 = arith.constant 0 : i32
      %dma_wait3A_620 = tpu.memref_slice %arg3[%dma_wait3A_618, %dma_wait3A_619] : memref<32x1000001xf32, #tpu.memory_space<hbm>> -> memref<32x128xf32, #tpu.memory_space<hbm>>
      tpu.wait_dma2 semaphore(%arg17 : memref<!tpu.dma_semaphore, #tpu.memory_space<semaphore_mem>>) src(%dma_wait3A_620 : memref<32x128xf32, #tpu.memory_space<hbm>>) dst(%dma_wait3A_617 : memref<32x128xf32, #tpu.memory_space<vmem>>)
      %dma_wait3A_621 = arith.constant 5 : i32
      %dma_wait3A_622 = arith.constant 0 : i32
      %dma_wait3A_623 = arith.constant 0 : i32
      %dma_wait3A_624 = tpu.memref_slice %arg11[%dma_wait3A_621, %dma_wait3A_622, %dma_wait3A_623] : memref<18x32x128xf32, #tpu.memory_space<vmem>> -> memref<1x32x128xf32, #tpu.memory_space<vmem>>
      %dma_wait3A_625 = tpu.memref_squeeze %dma_wait3A_624 : memref<1x32x128xf32, #tpu.memory_space<vmem>> -> memref<32x128xf32, #tpu.memory_space<vmem>>
      %dma_wait3A_626 = arith.constant 0 : i32
      %dma_wait3A_627 = arith.constant 0 : i32
      %dma_wait3A_628 = tpu.memref_slice %arg4[%dma_wait3A_626, %dma_wait3A_627] : memref<32x1000001xf32, #tpu.memory_space<hbm>> -> memref<32x128xf32, #tpu.memory_space<hbm>>
      %dma_wait3A_629 = arith.constant 0 : i32
      %dma_wait3A_630 = arith.constant 0 : i32
      %dma_wait3A_631 = tpu.memref_slice %arg11[%dma_wait3A_621, %dma_wait3A_629, %dma_wait3A_630] : memref<18x32x128xf32, #tpu.memory_space<vmem>> -> memref<1x32x128xf32, #tpu.memory_space<vmem>>
      %dma_wait3A_632 = tpu.memref_squeeze %dma_wait3A_631 : memref<1x32x128xf32, #tpu.memory_space<vmem>> -> memref<32x128xf32, #tpu.memory_space<vmem>>
      %dma_wait3A_633 = arith.constant 0 : i32
      %dma_wait3A_634 = arith.constant 0 : i32
      %dma_wait3A_635 = tpu.memref_slice %arg4[%dma_wait3A_633, %dma_wait3A_634] : memref<32x1000001xf32, #tpu.memory_space<hbm>> -> memref<32x128xf32, #tpu.memory_space<hbm>>
      tpu.wait_dma2 semaphore(%arg18 : memref<!tpu.dma_semaphore, #tpu.memory_space<semaphore_mem>>) src(%dma_wait3A_635 : memref<32x128xf32, #tpu.memory_space<hbm>>) dst(%dma_wait3A_632 : memref<32x128xf32, #tpu.memory_space<vmem>>)
      %get3A_636 = arith.index_cast %mul3A_397 : i32 to index
      %get3A_637 = tpu.vector_load %arg9[%get3A_636] {strides = array<i32>} : memref<512xi32, #tpu.memory_space<vmem>>, vector<16xi32>,
      %slice3A_638 = vector.extract_strided_slice %get3A_637 {offsets = [2], sizes = [1], strides = [1]} : vector<16xi32> to vector<1xi32>
      %squeeze3A_639 = vector.extract %slice3A_638[0] : i32 from vector<1xi32>
      %get3A_640 = arith.index_cast %mul3A_397 : i32 to index
      %get3A_641 = tpu.vector_load %arg10[%get3A_640] {strides = array<i32>} : memref<512xi32, #tpu.memory_space<vmem>>, vector<16xi32>,
      %slice3A_642 = vector.extract_strided_slice %get3A_641 {offsets = [2], sizes = [1], strides = [1]} : vector<16xi32> to vector<1xi32>
      %squeeze3A_643 = vector.extract %slice3A_642[0] : i32 from vector<1xi32>
      %ge3A_644 = arith.constant 999936 : i32
      %ge3A_645 = arith.cmpi sge, %squeeze3A_639, %ge3A_644 : i32
      %sub3A_646 = arith.constant 999936 : i32
      %sub3A_647 = arith.subi %squeeze3A_639, %sub3A_646 : i32
      %and3A_648 = arith.constant 127 : i32
      %and3A_649 = arith.andi %squeeze3A_639, %and3A_648 : i32
      %select_n3A_650 = arith.select %ge3A_645, %sub3A_647, %and3A_649 : i32
      %jit3A_651 = arith.constant 16 : i32
      %jit3A_652 = arith.constant 4 : i32
      %select_n3A_653 = arith.select %ge3A_645, %jit3A_651, %jit3A_652 : i32
      %iota3A_654 = tpu.iota {dimensions = array<i32: 0>} : vector<16xi32>
      %add3A_655 = arith.constant 0 : i32
      %add3A_656 = vector.broadcast %add3A_655 : i32 to vector<16xi32>
      %add3A_657 = arith.addi %iota3A_654, %add3A_656 : vector<16xi32>
      %broadcast_in_dim3A_658 = vector.broadcast %select_n3A_653 : i32 to vector<16xi32>
      %broadcast_in_dim3A_659 = vector.broadcast %select_n3A_650 : i32 to vector<16xi32>
      %gather3A_660 = tpu.vector_load_idx %arg11[%broadcast_in_dim3A_658, %add3A_657, %broadcast_in_dim3A_659] : memref<18x32x128xf32, #tpu.memory_space<vmem>>[vector<16xi32>, vector<16xi32>, vector<16xi32>], vector<16xf32>,
      %iota3A_661 = tpu.iota {dimensions = array<i32: 0>} : vector<16xi32>
      %add3A_662 = arith.constant 16 : i32
      %add3A_663 = vector.broadcast %add3A_662 : i32 to vector<16xi32>
      %add3A_664 = arith.addi %iota3A_661, %add3A_663 : vector<16xi32>
      %broadcast_in_dim3A_665 = vector.broadcast %select_n3A_653 : i32 to vector<16xi32>
      %broadcast_in_dim3A_666 = vector.broadcast %select_n3A_650 : i32 to vector<16xi32>
      %gather3A_667 = tpu.vector_load_idx %arg11[%broadcast_in_dim3A_665, %add3A_664, %broadcast_in_dim3A_666] : memref<18x32x128xf32, #tpu.memory_space<vmem>>[vector<16xi32>, vector<16xi32>, vector<16xi32>], vector<16xf32>,
      %ge3A_668 = arith.constant 999936 : i32
      %ge3A_669 = arith.cmpi sge, %squeeze3A_643, %ge3A_668 : i32
      %sub3A_670 = arith.constant 999936 : i32
      %sub3A_671 = arith.subi %squeeze3A_643, %sub3A_670 : i32
      %and3A_672 = arith.constant 127 : i32
      %and3A_673 = arith.andi %squeeze3A_643, %and3A_672 : i32
      %select_n3A_674 = arith.select %ge3A_669, %sub3A_671, %and3A_673 : i32
      %jit3A_675 = arith.constant 17 : i32
      %jit3A_676 = arith.constant 5 : i32
      %select_n3A_677 = arith.select %ge3A_669, %jit3A_675, %jit3A_676 : i32
      %iota3A_678 = tpu.iota {dimensions = array<i32: 0>} : vector<16xi32>
      %add3A_679 = arith.constant 0 : i32
      %add3A_680 = vector.broadcast %add3A_679 : i32 to vector<16xi32>
      %add3A_681 = arith.addi %iota3A_678, %add3A_680 : vector<16xi32>
      %broadcast_in_dim3A_682 = vector.broadcast %select_n3A_677 : i32 to vector<16xi32>
      %broadcast_in_dim3A_683 = vector.broadcast %select_n3A_674 : i32 to vector<16xi32>
      %gather3A_684 = tpu.vector_load_idx %arg11[%broadcast_in_dim3A_682, %add3A_681, %broadcast_in_dim3A_683] : memref<18x32x128xf32, #tpu.memory_space<vmem>>[vector<16xi32>, vector<16xi32>, vector<16xi32>], vector<16xf32>,
      %iota3A_685 = tpu.iota {dimensions = array<i32: 0>} : vector<16xi32>
      %add3A_686 = arith.constant 16 : i32
      %add3A_687 = vector.broadcast %add3A_686 : i32 to vector<16xi32>
      %add3A_688 = arith.addi %iota3A_685, %add3A_687 : vector<16xi32>
      %broadcast_in_dim3A_689 = vector.broadcast %select_n3A_677 : i32 to vector<16xi32>
      %broadcast_in_dim3A_690 = vector.broadcast %select_n3A_674 : i32 to vector<16xi32>
      %gather3A_691 = tpu.vector_load_idx %arg11[%broadcast_in_dim3A_689, %add3A_688, %broadcast_in_dim3A_690] : memref<18x32x128xf32, #tpu.memory_space<vmem>>[vector<16xi32>, vector<16xi32>, vector<16xi32>], vector<16xf32>,
      %mul3A_692 = arith.mulf %gather3A_660, %gather3A_684 : vector<16xf32>
      %iota3A_693 = tpu.iota {dimensions = array<i32: 0>} : vector<16xi32>
      %add3A_694 = arith.constant 0 : i32
      %add3A_695 = vector.broadcast %add3A_694 : i32 to vector<16xi32>
      %add3A_696 = arith.addi %iota3A_693, %add3A_695 : vector<16xi32>
      %broadcast_in_dim3A_697 = vector.broadcast %add3A_605 : i32 to vector<16xi32>
      tpu.vector_store_idx %arg12[%add3A_696, %broadcast_in_dim3A_697], %mul3A_692 : memref<32x512xf32, #tpu.memory_space<vmem>>[vector<16xi32>, vector<16xi32>], vector<16xf32>,
      %mul3A_698 = arith.mulf %gather3A_667, %gather3A_691 : vector<16xf32>
      %iota3A_699 = tpu.iota {dimensions = array<i32: 0>} : vector<16xi32>
      %add3A_700 = arith.constant 16 : i32
      %add3A_701 = vector.broadcast %add3A_700 : i32 to vector<16xi32>
      %add3A_702 = arith.addi %iota3A_699, %add3A_701 : vector<16xi32>
      %broadcast_in_dim3A_703 = vector.broadcast %add3A_605 : i32 to vector<16xi32>
      tpu.vector_store_idx %arg12[%add3A_702, %broadcast_in_dim3A_703], %mul3A_698 : memref<32x512xf32, #tpu.memory_space<vmem>>[vector<16xi32>, vector<16xi32>], vector<16xf32>,
      %add3A_704 = arith.constant 8 : i32
      %add3A_705 = arith.addi %add3A_605, %add3A_704 : i32
      %lt3A_706 = arith.constant 512 : i32
      %lt3A_707 = arith.cmpi slt, %add3A_705, %lt3A_706 : i32
      %convert_element_type3A_708 = arith.extui %lt3A_707 : i1 to i32
      %cond3A_709 = arith.constant 0 : i32
      %cond3A_710 = arith.cmpi ne, %convert_element_type3A_708, %cond3A_709 : i32
      scf.if %cond3A_710 {
        %get3A_2103 = arith.index_cast %mul3A_397 : i32 to index
        %get3A_2104 = tpu.vector_load %arg9[%get3A_2103] {strides = array<i32>} : memref<512xi32, #tpu.memory_space<vmem>>, vector<16xi32>,
        %slice3A_2105 = vector.extract_strided_slice %get3A_2104 {offsets = [10], sizes = [1], strides = [1]} : vector<16xi32> to vector<1xi32>
        %squeeze3A_2106 = vector.extract %slice3A_2105[0] : i32 from vector<1xi32>
        %get3A_2107 = arith.index_cast %mul3A_397 : i32 to index
        %get3A_2108 = tpu.vector_load %arg10[%get3A_2107] {strides = array<i32>} : memref<512xi32, #tpu.memory_space<vmem>>, vector<16xi32>,
        %slice3A_2109 = vector.extract_strided_slice %get3A_2108 {offsets = [10], sizes = [1], strides = [1]} : vector<16xi32> to vector<1xi32>
        %squeeze3A_2110 = vector.extract %slice3A_2109[0] : i32 from vector<1xi32>
        %shift_right_logical3A_2111 = arith.constant 7 : i32
        %shift_right_logical3A_2112 = arith.shrui %squeeze3A_2106, %shift_right_logical3A_2111 : i32
        %min3A_2113 = arith.constant 7811 : i32
        %min3A_2114 = arith.minsi %shift_right_logical3A_2112, %min3A_2113 : i32
        %mul3A_2115 = arith.constant 128 : i32
        %mul3A_2116 = arith.muli %min3A_2114, %mul3A_2115 : i32
        %multiple_of3A_2117 = tpu.assume_multiple %mul3A_2116, 128 : i32
        %dma_start3A_2118 = arith.constant 4 : i32
        %dma_start3A_2119 = arith.constant 0 : i32
        %dma_start3A_2120 = arith.constant 0 : i32
        %dma_start3A_2121 = tpu.memref_slice %arg11[%dma_start3A_2118, %dma_start3A_2119, %dma_start3A_2120] : memref<18x32x128xf32, #tpu.memory_space<vmem>> -> memref<1x32x128xf32, #tpu.memory_space<vmem>>
        %dma_start3A_2122 = tpu.memref_squeeze %dma_start3A_2121 : memref<1x32x128xf32, #tpu.memory_space<vmem>> -> memref<32x128xf32, #tpu.memory_space<vmem>>
        %dma_start3A_2123 = arith.constant 0 : i32
        %dma_start3A_2124 = tpu.memref_slice %arg3[%dma_start3A_2123, %multiple_of3A_2117] : memref<32x1000001xf32, #tpu.memory_space<hbm>> -> memref<32x128xf32, #tpu.memory_space<hbm>>
        %dma_start3A_2125 = arith.constant 0 : i32
        %dma_start3A_2126 = arith.constant 0 : i32
        %dma_start3A_2127 = tpu.memref_slice %arg11[%dma_start3A_2118, %dma_start3A_2125, %dma_start3A_2126] : memref<18x32x128xf32, #tpu.memory_space<vmem>> -> memref<1x32x128xf32, #tpu.memory_space<vmem>>
        %dma_start3A_2128 = tpu.memref_squeeze %dma_start3A_2127 : memref<1x32x128xf32, #tpu.memory_space<vmem>> -> memref<32x128xf32, #tpu.memory_space<vmem>>
        %dma_start3A_2129 = arith.constant 0 : i32
        %dma_start3A_2130 = tpu.memref_slice %arg3[%dma_start3A_2129, %multiple_of3A_2117] : memref<32x1000001xf32, #tpu.memory_space<hbm>> -> memref<32x128xf32, #tpu.memory_space<hbm>>
        tpu.enqueue_dma source(%dma_start3A_2130 : memref<32x128xf32, #tpu.memory_space<hbm>>) target(%dma_start3A_2128 : memref<32x128xf32, #tpu.memory_space<vmem>>) target_semaphore(%arg17 : memref<!tpu.dma_semaphore, #tpu.memory_space<semaphore_mem>>)
        %shift_right_logical3A_2131 = arith.constant 7 : i32
        %shift_right_logical3A_2132 = arith.shrui %squeeze3A_2110, %shift_right_logical3A_2131 : i32
        %min3A_2133 = arith.constant 7811 : i32
        %min3A_2134 = arith.minsi %shift_right_logical3A_2132, %min3A_2133 : i32
        %mul3A_2135 = arith.constant 128 : i32
        %mul3A_2136 = arith.muli %min3A_2134, %mul3A_2135 : i32
        %multiple_of3A_2137 = tpu.assume_multiple %mul3A_2136, 128 : i32
        %dma_start3A_2138 = arith.constant 5 : i32
        %dma_start3A_2139 = arith.constant 0 : i32
        %dma_start3A_2140 = arith.constant 0 : i32
        %dma_start3A_2141 = tpu.memref_slice %arg11[%dma_start3A_2138, %dma_start3A_2139, %dma_start3A_2140] : memref<18x32x128xf32, #tpu.memory_space<vmem>> -> memref<1x32x128xf32, #tpu.memory_space<vmem>>
        %dma_start3A_2142 = tpu.memref_squeeze %dma_start3A_2141 : memref<1x32x128xf32, #tpu.memory_space<vmem>> -> memref<32x128xf32, #tpu.memory_space<vmem>>
        %dma_start3A_2143 = arith.constant 0 : i32
        %dma_start3A_2144 = tpu.memref_slice %arg4[%dma_start3A_2143, %multiple_of3A_2137] : memref<32x1000001xf32, #tpu.memory_space<hbm>> -> memref<32x128xf32, #tpu.memory_space<hbm>>
        %dma_start3A_2145 = arith.constant 0 : i32
        %dma_start3A_2146 = arith.constant 0 : i32
        %dma_start3A_2147 = tpu.memref_slice %arg11[%dma_start3A_2138, %dma_start3A_2145, %dma_start3A_2146] : memref<18x32x128xf32, #tpu.memory_space<vmem>> -> memref<1x32x128xf32, #tpu.memory_space<vmem>>
        %dma_start3A_2148 = tpu.memref_squeeze %dma_start3A_2147 : memref<1x32x128xf32, #tpu.memory_space<vmem>> -> memref<32x128xf32, #tpu.memory_space<vmem>>
        %dma_start3A_2149 = arith.constant 0 : i32
        %dma_start3A_2150 = tpu.memref_slice %arg4[%dma_start3A_2149, %multiple_of3A_2137] : memref<32x1000001xf32, #tpu.memory_space<hbm>> -> memref<32x128xf32, #tpu.memory_space<hbm>>
        tpu.enqueue_dma source(%dma_start3A_2150 : memref<32x128xf32, #tpu.memory_space<hbm>>) target(%dma_start3A_2148 : memref<32x128xf32, #tpu.memory_space<vmem>>) target_semaphore(%arg18 : memref<!tpu.dma_semaphore, #tpu.memory_space<semaphore_mem>>)
      } else {
      }
      %add3A_711 = arith.constant 3 : i32
      %add3A_712 = arith.addi %mul3A_397, %add3A_711 : i32
      %dma_wait3A_713 = arith.constant 6 : i32
      %dma_wait3A_714 = arith.constant 0 : i32
      %dma_wait3A_715 = arith.constant 0 : i32
      %dma_wait3A_716 = tpu.memref_slice %arg11[%dma_wait3A_713, %dma_wait3A_714, %dma_wait3A_715] : memref<18x32x128xf32, #tpu.memory_space<vmem>> -> memref<1x32x128xf32, #tpu.memory_space<vmem>>
      %dma_wait3A_717 = tpu.memref_squeeze %dma_wait3A_716 : memref<1x32x128xf32, #tpu.memory_space<vmem>> -> memref<32x128xf32, #tpu.memory_space<vmem>>
      %dma_wait3A_718 = arith.constant 0 : i32
      %dma_wait3A_719 = arith.constant 0 : i32
      %dma_wait3A_720 = tpu.memref_slice %arg3[%dma_wait3A_718, %dma_wait3A_719] : memref<32x1000001xf32, #tpu.memory_space<hbm>> -> memref<32x128xf32, #tpu.memory_space<hbm>>
      %dma_wait3A_721 = arith.constant 0 : i32
      %dma_wait3A_722 = arith.constant 0 : i32
      %dma_wait3A_723 = tpu.memref_slice %arg11[%dma_wait3A_713, %dma_wait3A_721, %dma_wait3A_722] : memref<18x32x128xf32, #tpu.memory_space<vmem>> -> memref<1x32x128xf32, #tpu.memory_space<vmem>>
      %dma_wait3A_724 = tpu.memref_squeeze %dma_wait3A_723 : memref<1x32x128xf32, #tpu.memory_space<vmem>> -> memref<32x128xf32, #tpu.memory_space<vmem>>
      %dma_wait3A_725 = arith.constant 0 : i32
      %dma_wait3A_726 = arith.constant 0 : i32
      %dma_wait3A_727 = tpu.memref_slice %arg3[%dma_wait3A_725, %dma_wait3A_726] : memref<32x1000001xf32, #tpu.memory_space<hbm>> -> memref<32x128xf32, #tpu.memory_space<hbm>>
      tpu.wait_dma2 semaphore(%arg19 : memref<!tpu.dma_semaphore, #tpu.memory_space<semaphore_mem>>) src(%dma_wait3A_727 : memref<32x128xf32, #tpu.memory_space<hbm>>) dst(%dma_wait3A_724 : memref<32x128xf32, #tpu.memory_space<vmem>>)
      %dma_wait3A_728 = arith.constant 7 : i32
      %dma_wait3A_729 = arith.constant 0 : i32
      %dma_wait3A_730 = arith.constant 0 : i32
      %dma_wait3A_731 = tpu.memref_slice %arg11[%dma_wait3A_728, %dma_wait3A_729, %dma_wait3A_730] : memref<18x32x128xf32, #tpu.memory_space<vmem>> -> memref<1x32x128xf32, #tpu.memory_space<vmem>>
      %dma_wait3A_732 = tpu.memref_squeeze %dma_wait3A_731 : memref<1x32x128xf32, #tpu.memory_space<vmem>> -> memref<32x128xf32, #tpu.memory_space<vmem>>
      %dma_wait3A_733 = arith.constant 0 : i32
      %dma_wait3A_734 = arith.constant 0 : i32
      %dma_wait3A_735 = tpu.memref_slice %arg4[%dma_wait3A_733, %dma_wait3A_734] : memref<32x1000001xf32, #tpu.memory_space<hbm>> -> memref<32x128xf32, #tpu.memory_space<hbm>>
      %dma_wait3A_736 = arith.constant 0 : i32
      %dma_wait3A_737 = arith.constant 0 : i32
      %dma_wait3A_738 = tpu.memref_slice %arg11[%dma_wait3A_728, %dma_wait3A_736, %dma_wait3A_737] : memref<18x32x128xf32, #tpu.memory_space<vmem>> -> memref<1x32x128xf32, #tpu.memory_space<vmem>>
      %dma_wait3A_739 = tpu.memref_squeeze %dma_wait3A_738 : memref<1x32x128xf32, #tpu.memory_space<vmem>> -> memref<32x128xf32, #tpu.memory_space<vmem>>
      %dma_wait3A_740 = arith.constant 0 : i32
      %dma_wait3A_741 = arith.constant 0 : i32
      %dma_wait3A_742 = tpu.memref_slice %arg4[%dma_wait3A_740, %dma_wait3A_741] : memref<32x1000001xf32, #tpu.memory_space<hbm>> -> memref<32x128xf32, #tpu.memory_space<hbm>>
      tpu.wait_dma2 semaphore(%arg20 : memref<!tpu.dma_semaphore, #tpu.memory_space<semaphore_mem>>) src(%dma_wait3A_742 : memref<32x128xf32, #tpu.memory_space<hbm>>) dst(%dma_wait3A_739 : memref<32x128xf32, #tpu.memory_space<vmem>>)
      %get3A_743 = arith.index_cast %mul3A_397 : i32 to index
      %get3A_744 = tpu.vector_load %arg9[%get3A_743] {strides = array<i32>} : memref<512xi32, #tpu.memory_space<vmem>>, vector<16xi32>,
      %slice3A_745 = vector.extract_strided_slice %get3A_744 {offsets = [3], sizes = [1], strides = [1]} : vector<16xi32> to vector<1xi32>
      %squeeze3A_746 = vector.extract %slice3A_745[0] : i32 from vector<1xi32>
      %get3A_747 = arith.index_cast %mul3A_397 : i32 to index
      %get3A_748 = tpu.vector_load %arg10[%get3A_747] {strides = array<i32>} : memref<512xi32, #tpu.memory_space<vmem>>, vector<16xi32>,
      %slice3A_749 = vector.extract_strided_slice %get3A_748 {offsets = [3], sizes = [1], strides = [1]} : vector<16xi32> to vector<1xi32>
      %squeeze3A_750 = vector.extract %slice3A_749[0] : i32 from vector<1xi32>
      %ge3A_751 = arith.constant 999936 : i32
      %ge3A_752 = arith.cmpi sge, %squeeze3A_746, %ge3A_751 : i32
      %sub3A_753 = arith.constant 999936 : i32
      %sub3A_754 = arith.subi %squeeze3A_746, %sub3A_753 : i32
      %and3A_755 = arith.constant 127 : i32
      %and3A_756 = arith.andi %squeeze3A_746, %and3A_755 : i32
      %select_n3A_757 = arith.select %ge3A_752, %sub3A_754, %and3A_756 : i32
      %jit3A_758 = arith.constant 16 : i32
      %jit3A_759 = arith.constant 6 : i32
      %select_n3A_760 = arith.select %ge3A_752, %jit3A_758, %jit3A_759 : i32
      %iota3A_761 = tpu.iota {dimensions = array<i32: 0>} : vector<16xi32>
      %add3A_762 = arith.constant 0 : i32
      %add3A_763 = vector.broadcast %add3A_762 : i32 to vector<16xi32>
      %add3A_764 = arith.addi %iota3A_761, %add3A_763 : vector<16xi32>
      %broadcast_in_dim3A_765 = vector.broadcast %select_n3A_760 : i32 to vector<16xi32>
      %broadcast_in_dim3A_766 = vector.broadcast %select_n3A_757 : i32 to vector<16xi32>
      %gather3A_767 = tpu.vector_load_idx %arg11[%broadcast_in_dim3A_765, %add3A_764, %broadcast_in_dim3A_766] : memref<18x32x128xf32, #tpu.memory_space<vmem>>[vector<16xi32>, vector<16xi32>, vector<16xi32>], vector<16xf32>,
      %iota3A_768 = tpu.iota {dimensions = array<i32: 0>} : vector<16xi32>
      %add3A_769 = arith.constant 16 : i32
      %add3A_770 = vector.broadcast %add3A_769 : i32 to vector<16xi32>
      %add3A_771 = arith.addi %iota3A_768, %add3A_770 : vector<16xi32>
      %broadcast_in_dim3A_772 = vector.broadcast %select_n3A_760 : i32 to vector<16xi32>
      %broadcast_in_dim3A_773 = vector.broadcast %select_n3A_757 : i32 to vector<16xi32>
      %gather3A_774 = tpu.vector_load_idx %arg11[%broadcast_in_dim3A_772, %add3A_771, %broadcast_in_dim3A_773] : memref<18x32x128xf32, #tpu.memory_space<vmem>>[vector<16xi32>, vector<16xi32>, vector<16xi32>], vector<16xf32>,
      %ge3A_775 = arith.constant 999936 : i32
      %ge3A_776 = arith.cmpi sge, %squeeze3A_750, %ge3A_775 : i32
      %sub3A_777 = arith.constant 999936 : i32
      %sub3A_778 = arith.subi %squeeze3A_750, %sub3A_777 : i32
      %and3A_779 = arith.constant 127 : i32
      %and3A_780 = arith.andi %squeeze3A_750, %and3A_779 : i32
      %select_n3A_781 = arith.select %ge3A_776, %sub3A_778, %and3A_780 : i32
      %jit3A_782 = arith.constant 17 : i32
      %jit3A_783 = arith.constant 7 : i32
      %select_n3A_784 = arith.select %ge3A_776, %jit3A_782, %jit3A_783 : i32
      %iota3A_785 = tpu.iota {dimensions = array<i32: 0>} : vector<16xi32>
      %add3A_786 = arith.constant 0 : i32
      %add3A_787 = vector.broadcast %add3A_786 : i32 to vector<16xi32>
      %add3A_788 = arith.addi %iota3A_785, %add3A_787 : vector<16xi32>
      %broadcast_in_dim3A_789 = vector.broadcast %select_n3A_784 : i32 to vector<16xi32>
      %broadcast_in_dim3A_790 = vector.broadcast %select_n3A_781 : i32 to vector<16xi32>
      %gather3A_791 = tpu.vector_load_idx %arg11[%broadcast_in_dim3A_789, %add3A_788, %broadcast_in_dim3A_790] : memref<18x32x128xf32, #tpu.memory_space<vmem>>[vector<16xi32>, vector<16xi32>, vector<16xi32>], vector<16xf32>,
      %iota3A_792 = tpu.iota {dimensions = array<i32: 0>} : vector<16xi32>
      %add3A_793 = arith.constant 16 : i32
      %add3A_794 = vector.broadcast %add3A_793 : i32 to vector<16xi32>
      %add3A_795 = arith.addi %iota3A_792, %add3A_794 : vector<16xi32>
      %broadcast_in_dim3A_796 = vector.broadcast %select_n3A_784 : i32 to vector<16xi32>
      %broadcast_in_dim3A_797 = vector.broadcast %select_n3A_781 : i32 to vector<16xi32>
      %gather3A_798 = tpu.vector_load_idx %arg11[%broadcast_in_dim3A_796, %add3A_795, %broadcast_in_dim3A_797] : memref<18x32x128xf32, #tpu.memory_space<vmem>>[vector<16xi32>, vector<16xi32>, vector<16xi32>], vector<16xf32>,
      %mul3A_799 = arith.mulf %gather3A_767, %gather3A_791 : vector<16xf32>
      %iota3A_800 = tpu.iota {dimensions = array<i32: 0>} : vector<16xi32>
      %add3A_801 = arith.constant 0 : i32
      %add3A_802 = vector.broadcast %add3A_801 : i32 to vector<16xi32>
      %add3A_803 = arith.addi %iota3A_800, %add3A_802 : vector<16xi32>
      %broadcast_in_dim3A_804 = vector.broadcast %add3A_712 : i32 to vector<16xi32>
      tpu.vector_store_idx %arg12[%add3A_803, %broadcast_in_dim3A_804], %mul3A_799 : memref<32x512xf32, #tpu.memory_space<vmem>>[vector<16xi32>, vector<16xi32>], vector<16xf32>,
      %mul3A_805 = arith.mulf %gather3A_774, %gather3A_798 : vector<16xf32>
      %iota3A_806 = tpu.iota {dimensions = array<i32: 0>} : vector<16xi32>
      %add3A_807 = arith.constant 16 : i32
      %add3A_808 = vector.broadcast %add3A_807 : i32 to vector<16xi32>
      %add3A_809 = arith.addi %iota3A_806, %add3A_808 : vector<16xi32>
      %broadcast_in_dim3A_810 = vector.broadcast %add3A_712 : i32 to vector<16xi32>
      tpu.vector_store_idx %arg12[%add3A_809, %broadcast_in_dim3A_810], %mul3A_805 : memref<32x512xf32, #tpu.memory_space<vmem>>[vector<16xi32>, vector<16xi32>], vector<16xf32>,
      %add3A_811 = arith.constant 8 : i32
      %add3A_812 = arith.addi %add3A_712, %add3A_811 : i32
      %lt3A_813 = arith.constant 512 : i32
      %lt3A_814 = arith.cmpi slt, %add3A_812, %lt3A_813 : i32
      %convert_element_type3A_815 = arith.extui %lt3A_814 : i1 to i32
      %cond3A_816 = arith.constant 0 : i32
      %cond3A_817 = arith.cmpi ne, %convert_element_type3A_815, %cond3A_816 : i32
      scf.if %cond3A_817 {
        %get3A_2103 = arith.index_cast %mul3A_397 : i32 to index
        %get3A_2104 = tpu.vector_load %arg9[%get3A_2103] {strides = array<i32>} : memref<512xi32, #tpu.memory_space<vmem>>, vector<16xi32>,
        %slice3A_2105 = vector.extract_strided_slice %get3A_2104 {offsets = [11], sizes = [1], strides = [1]} : vector<16xi32> to vector<1xi32>
        %squeeze3A_2106 = vector.extract %slice3A_2105[0] : i32 from vector<1xi32>
        %get3A_2107 = arith.index_cast %mul3A_397 : i32 to index
        %get3A_2108 = tpu.vector_load %arg10[%get3A_2107] {strides = array<i32>} : memref<512xi32, #tpu.memory_space<vmem>>, vector<16xi32>,
        %slice3A_2109 = vector.extract_strided_slice %get3A_2108 {offsets = [11], sizes = [1], strides = [1]} : vector<16xi32> to vector<1xi32>
        %squeeze3A_2110 = vector.extract %slice3A_2109[0] : i32 from vector<1xi32>
        %shift_right_logical3A_2111 = arith.constant 7 : i32
        %shift_right_logical3A_2112 = arith.shrui %squeeze3A_2106, %shift_right_logical3A_2111 : i32
        %min3A_2113 = arith.constant 7811 : i32
        %min3A_2114 = arith.minsi %shift_right_logical3A_2112, %min3A_2113 : i32
        %mul3A_2115 = arith.constant 128 : i32
        %mul3A_2116 = arith.muli %min3A_2114, %mul3A_2115 : i32
        %multiple_of3A_2117 = tpu.assume_multiple %mul3A_2116, 128 : i32
        %dma_start3A_2118 = arith.constant 6 : i32
        %dma_start3A_2119 = arith.constant 0 : i32
        %dma_start3A_2120 = arith.constant 0 : i32
        %dma_start3A_2121 = tpu.memref_slice %arg11[%dma_start3A_2118, %dma_start3A_2119, %dma_start3A_2120] : memref<18x32x128xf32, #tpu.memory_space<vmem>> -> memref<1x32x128xf32, #tpu.memory_space<vmem>>
        %dma_start3A_2122 = tpu.memref_squeeze %dma_start3A_2121 : memref<1x32x128xf32, #tpu.memory_space<vmem>> -> memref<32x128xf32, #tpu.memory_space<vmem>>
        %dma_start3A_2123 = arith.constant 0 : i32
        %dma_start3A_2124 = tpu.memref_slice %arg3[%dma_start3A_2123, %multiple_of3A_2117] : memref<32x1000001xf32, #tpu.memory_space<hbm>> -> memref<32x128xf32, #tpu.memory_space<hbm>>
        %dma_start3A_2125 = arith.constant 0 : i32
        %dma_start3A_2126 = arith.constant 0 : i32
        %dma_start3A_2127 = tpu.memref_slice %arg11[%dma_start3A_2118, %dma_start3A_2125, %dma_start3A_2126] : memref<18x32x128xf32, #tpu.memory_space<vmem>> -> memref<1x32x128xf32, #tpu.memory_space<vmem>>
        %dma_start3A_2128 = tpu.memref_squeeze %dma_start3A_2127 : memref<1x32x128xf32, #tpu.memory_space<vmem>> -> memref<32x128xf32, #tpu.memory_space<vmem>>
        %dma_start3A_2129 = arith.constant 0 : i32
        %dma_start3A_2130 = tpu.memref_slice %arg3[%dma_start3A_2129, %multiple_of3A_2117] : memref<32x1000001xf32, #tpu.memory_space<hbm>> -> memref<32x128xf32, #tpu.memory_space<hbm>>
        tpu.enqueue_dma source(%dma_start3A_2130 : memref<32x128xf32, #tpu.memory_space<hbm>>) target(%dma_start3A_2128 : memref<32x128xf32, #tpu.memory_space<vmem>>) target_semaphore(%arg19 : memref<!tpu.dma_semaphore, #tpu.memory_space<semaphore_mem>>)
        %shift_right_logical3A_2131 = arith.constant 7 : i32
        %shift_right_logical3A_2132 = arith.shrui %squeeze3A_2110, %shift_right_logical3A_2131 : i32
        %min3A_2133 = arith.constant 7811 : i32
        %min3A_2134 = arith.minsi %shift_right_logical3A_2132, %min3A_2133 : i32
        %mul3A_2135 = arith.constant 128 : i32
        %mul3A_2136 = arith.muli %min3A_2134, %mul3A_2135 : i32
        %multiple_of3A_2137 = tpu.assume_multiple %mul3A_2136, 128 : i32
        %dma_start3A_2138 = arith.constant 7 : i32
        %dma_start3A_2139 = arith.constant 0 : i32
        %dma_start3A_2140 = arith.constant 0 : i32
        %dma_start3A_2141 = tpu.memref_slice %arg11[%dma_start3A_2138, %dma_start3A_2139, %dma_start3A_2140] : memref<18x32x128xf32, #tpu.memory_space<vmem>> -> memref<1x32x128xf32, #tpu.memory_space<vmem>>
        %dma_start3A_2142 = tpu.memref_squeeze %dma_start3A_2141 : memref<1x32x128xf32, #tpu.memory_space<vmem>> -> memref<32x128xf32, #tpu.memory_space<vmem>>
        %dma_start3A_2143 = arith.constant 0 : i32
        %dma_start3A_2144 = tpu.memref_slice %arg4[%dma_start3A_2143, %multiple_of3A_2137] : memref<32x1000001xf32, #tpu.memory_space<hbm>> -> memref<32x128xf32, #tpu.memory_space<hbm>>
        %dma_start3A_2145 = arith.constant 0 : i32
        %dma_start3A_2146 = arith.constant 0 : i32
        %dma_start3A_2147 = tpu.memref_slice %arg11[%dma_start3A_2138, %dma_start3A_2145, %dma_start3A_2146] : memref<18x32x128xf32, #tpu.memory_space<vmem>> -> memref<1x32x128xf32, #tpu.memory_space<vmem>>
        %dma_start3A_2148 = tpu.memref_squeeze %dma_start3A_2147 : memref<1x32x128xf32, #tpu.memory_space<vmem>> -> memref<32x128xf32, #tpu.memory_space<vmem>>
        %dma_start3A_2149 = arith.constant 0 : i32
        %dma_start3A_2150 = tpu.memref_slice %arg4[%dma_start3A_2149, %multiple_of3A_2137] : memref<32x1000001xf32, #tpu.memory_space<hbm>> -> memref<32x128xf32, #tpu.memory_space<hbm>>
        tpu.enqueue_dma source(%dma_start3A_2150 : memref<32x128xf32, #tpu.memory_space<hbm>>) target(%dma_start3A_2148 : memref<32x128xf32, #tpu.memory_space<vmem>>) target_semaphore(%arg20 : memref<!tpu.dma_semaphore, #tpu.memory_space<semaphore_mem>>)
      } else {
      }
      %add3A_818 = arith.constant 4 : i32
      %add3A_819 = arith.addi %mul3A_397, %add3A_818 : i32
      %dma_wait3A_820 = arith.constant 8 : i32
      %dma_wait3A_821 = arith.constant 0 : i32
      %dma_wait3A_822 = arith.constant 0 : i32
      %dma_wait3A_823 = tpu.memref_slice %arg11[%dma_wait3A_820, %dma_wait3A_821, %dma_wait3A_822] : memref<18x32x128xf32, #tpu.memory_space<vmem>> -> memref<1x32x128xf32, #tpu.memory_space<vmem>>
      %dma_wait3A_824 = tpu.memref_squeeze %dma_wait3A_823 : memref<1x32x128xf32, #tpu.memory_space<vmem>> -> memref<32x128xf32, #tpu.memory_space<vmem>>
      %dma_wait3A_825 = arith.constant 0 : i32
      %dma_wait3A_826 = arith.constant 0 : i32
      %dma_wait3A_827 = tpu.memref_slice %arg3[%dma_wait3A_825, %dma_wait3A_826] : memref<32x1000001xf32, #tpu.memory_space<hbm>> -> memref<32x128xf32, #tpu.memory_space<hbm>>
      %dma_wait3A_828 = arith.constant 0 : i32
      %dma_wait3A_829 = arith.constant 0 : i32
      %dma_wait3A_830 = tpu.memref_slice %arg11[%dma_wait3A_820, %dma_wait3A_828, %dma_wait3A_829] : memref<18x32x128xf32, #tpu.memory_space<vmem>> -> memref<1x32x128xf32, #tpu.memory_space<vmem>>
      %dma_wait3A_831 = tpu.memref_squeeze %dma_wait3A_830 : memref<1x32x128xf32, #tpu.memory_space<vmem>> -> memref<32x128xf32, #tpu.memory_space<vmem>>
      %dma_wait3A_832 = arith.constant 0 : i32
      %dma_wait3A_833 = arith.constant 0 : i32
      %dma_wait3A_834 = tpu.memref_slice %arg3[%dma_wait3A_832, %dma_wait3A_833] : memref<32x1000001xf32, #tpu.memory_space<hbm>> -> memref<32x128xf32, #tpu.memory_space<hbm>>
      tpu.wait_dma2 semaphore(%arg21 : memref<!tpu.dma_semaphore, #tpu.memory_space<semaphore_mem>>) src(%dma_wait3A_834 : memref<32x128xf32, #tpu.memory_space<hbm>>) dst(%dma_wait3A_831 : memref<32x128xf32, #tpu.memory_space<vmem>>)
      %dma_wait3A_835 = arith.constant 9 : i32
      %dma_wait3A_836 = arith.constant 0 : i32
      %dma_wait3A_837 = arith.constant 0 : i32
      %dma_wait3A_838 = tpu.memref_slice %arg11[%dma_wait3A_835, %dma_wait3A_836, %dma_wait3A_837] : memref<18x32x128xf32, #tpu.memory_space<vmem>> -> memref<1x32x128xf32, #tpu.memory_space<vmem>>
      %dma_wait3A_839 = tpu.memref_squeeze %dma_wait3A_838 : memref<1x32x128xf32, #tpu.memory_space<vmem>> -> memref<32x128xf32, #tpu.memory_space<vmem>>
      %dma_wait3A_840 = arith.constant 0 : i32
      %dma_wait3A_841 = arith.constant 0 : i32
      %dma_wait3A_842 = tpu.memref_slice %arg4[%dma_wait3A_840, %dma_wait3A_841] : memref<32x1000001xf32, #tpu.memory_space<hbm>> -> memref<32x128xf32, #tpu.memory_space<hbm>>
      %dma_wait3A_843 = arith.constant 0 : i32
      %dma_wait3A_844 = arith.constant 0 : i32
      %dma_wait3A_845 = tpu.memref_slice %arg11[%dma_wait3A_835, %dma_wait3A_843, %dma_wait3A_844] : memref<18x32x128xf32, #tpu.memory_space<vmem>> -> memref<1x32x128xf32, #tpu.memory_space<vmem>>
      %dma_wait3A_846 = tpu.memref_squeeze %dma_wait3A_845 : memref<1x32x128xf32, #tpu.memory_space<vmem>> -> memref<32x128xf32, #tpu.memory_space<vmem>>
      %dma_wait3A_847 = arith.constant 0 : i32
      %dma_wait3A_848 = arith.constant 0 : i32
      %dma_wait3A_849 = tpu.memref_slice %arg4[%dma_wait3A_847, %dma_wait3A_848] : memref<32x1000001xf32, #tpu.memory_space<hbm>> -> memref<32x128xf32, #tpu.memory_space<hbm>>
      tpu.wait_dma2 semaphore(%arg22 : memref<!tpu.dma_semaphore, #tpu.memory_space<semaphore_mem>>) src(%dma_wait3A_849 : memref<32x128xf32, #tpu.memory_space<hbm>>) dst(%dma_wait3A_846 : memref<32x128xf32, #tpu.memory_space<vmem>>)
      %get3A_850 = arith.index_cast %mul3A_397 : i32 to index
      %get3A_851 = tpu.vector_load %arg9[%get3A_850] {strides = array<i32>} : memref<512xi32, #tpu.memory_space<vmem>>, vector<16xi32>,
      %slice3A_852 = vector.extract_strided_slice %get3A_851 {offsets = [4], sizes = [1], strides = [1]} : vector<16xi32> to vector<1xi32>
      %squeeze3A_853 = vector.extract %slice3A_852[0] : i32 from vector<1xi32>
      %get3A_854 = arith.index_cast %mul3A_397 : i32 to index
      %get3A_855 = tpu.vector_load %arg10[%get3A_854] {strides = array<i32>} : memref<512xi32, #tpu.memory_space<vmem>>, vector<16xi32>,
      %slice3A_856 = vector.extract_strided_slice %get3A_855 {offsets = [4], sizes = [1], strides = [1]} : vector<16xi32> to vector<1xi32>
      %squeeze3A_857 = vector.extract %slice3A_856[0] : i32 from vector<1xi32>
      %ge3A_858 = arith.constant 999936 : i32
      %ge3A_859 = arith.cmpi sge, %squeeze3A_853, %ge3A_858 : i32
      %sub3A_860 = arith.constant 999936 : i32
      %sub3A_861 = arith.subi %squeeze3A_853, %sub3A_860 : i32
      %and3A_862 = arith.constant 127 : i32
      %and3A_863 = arith.andi %squeeze3A_853, %and3A_862 : i32
      %select_n3A_864 = arith.select %ge3A_859, %sub3A_861, %and3A_863 : i32
      %jit3A_865 = arith.constant 16 : i32
      %jit3A_866 = arith.constant 8 : i32
      %select_n3A_867 = arith.select %ge3A_859, %jit3A_865, %jit3A_866 : i32
      %iota3A_868 = tpu.iota {dimensions = array<i32: 0>} : vector<16xi32>
      %add3A_869 = arith.constant 0 : i32
      %add3A_870 = vector.broadcast %add3A_869 : i32 to vector<16xi32>
      %add3A_871 = arith.addi %iota3A_868, %add3A_870 : vector<16xi32>
      %broadcast_in_dim3A_872 = vector.broadcast %select_n3A_867 : i32 to vector<16xi32>
      %broadcast_in_dim3A_873 = vector.broadcast %select_n3A_864 : i32 to vector<16xi32>
      %gather3A_874 = tpu.vector_load_idx %arg11[%broadcast_in_dim3A_872, %add3A_871, %broadcast_in_dim3A_873] : memref<18x32x128xf32, #tpu.memory_space<vmem>>[vector<16xi32>, vector<16xi32>, vector<16xi32>], vector<16xf32>,
      %iota3A_875 = tpu.iota {dimensions = array<i32: 0>} : vector<16xi32>
      %add3A_876 = arith.constant 16 : i32
      %add3A_877 = vector.broadcast %add3A_876 : i32 to vector<16xi32>
      %add3A_878 = arith.addi %iota3A_875, %add3A_877 : vector<16xi32>
      %broadcast_in_dim3A_879 = vector.broadcast %select_n3A_867 : i32 to vector<16xi32>
      %broadcast_in_dim3A_880 = vector.broadcast %select_n3A_864 : i32 to vector<16xi32>
      %gather3A_881 = tpu.vector_load_idx %arg11[%broadcast_in_dim3A_879, %add3A_878, %broadcast_in_dim3A_880] : memref<18x32x128xf32, #tpu.memory_space<vmem>>[vector<16xi32>, vector<16xi32>, vector<16xi32>], vector<16xf32>,
      %ge3A_882 = arith.constant 999936 : i32
      %ge3A_883 = arith.cmpi sge, %squeeze3A_857, %ge3A_882 : i32
      %sub3A_884 = arith.constant 999936 : i32
      %sub3A_885 = arith.subi %squeeze3A_857, %sub3A_884 : i32
      %and3A_886 = arith.constant 127 : i32
      %and3A_887 = arith.andi %squeeze3A_857, %and3A_886 : i32
      %select_n3A_888 = arith.select %ge3A_883, %sub3A_885, %and3A_887 : i32
      %jit3A_889 = arith.constant 17 : i32
      %jit3A_890 = arith.constant 9 : i32
      %select_n3A_891 = arith.select %ge3A_883, %jit3A_889, %jit3A_890 : i32
      %iota3A_892 = tpu.iota {dimensions = array<i32: 0>} : vector<16xi32>
      %add3A_893 = arith.constant 0 : i32
      %add3A_894 = vector.broadcast %add3A_893 : i32 to vector<16xi32>
      %add3A_895 = arith.addi %iota3A_892, %add3A_894 : vector<16xi32>
      %broadcast_in_dim3A_896 = vector.broadcast %select_n3A_891 : i32 to vector<16xi32>
      %broadcast_in_dim3A_897 = vector.broadcast %select_n3A_888 : i32 to vector<16xi32>
      %gather3A_898 = tpu.vector_load_idx %arg11[%broadcast_in_dim3A_896, %add3A_895, %broadcast_in_dim3A_897] : memref<18x32x128xf32, #tpu.memory_space<vmem>>[vector<16xi32>, vector<16xi32>, vector<16xi32>], vector<16xf32>,
      %iota3A_899 = tpu.iota {dimensions = array<i32: 0>} : vector<16xi32>
      %add3A_900 = arith.constant 16 : i32
      %add3A_901 = vector.broadcast %add3A_900 : i32 to vector<16xi32>
      %add3A_902 = arith.addi %iota3A_899, %add3A_901 : vector<16xi32>
      %broadcast_in_dim3A_903 = vector.broadcast %select_n3A_891 : i32 to vector<16xi32>
      %broadcast_in_dim3A_904 = vector.broadcast %select_n3A_888 : i32 to vector<16xi32>
      %gather3A_905 = tpu.vector_load_idx %arg11[%broadcast_in_dim3A_903, %add3A_902, %broadcast_in_dim3A_904] : memref<18x32x128xf32, #tpu.memory_space<vmem>>[vector<16xi32>, vector<16xi32>, vector<16xi32>], vector<16xf32>,
      %mul3A_906 = arith.mulf %gather3A_874, %gather3A_898 : vector<16xf32>
      %iota3A_907 = tpu.iota {dimensions = array<i32: 0>} : vector<16xi32>
      %add3A_908 = arith.constant 0 : i32
      %add3A_909 = vector.broadcast %add3A_908 : i32 to vector<16xi32>
      %add3A_910 = arith.addi %iota3A_907, %add3A_909 : vector<16xi32>
      %broadcast_in_dim3A_911 = vector.broadcast %add3A_819 : i32 to vector<16xi32>
      tpu.vector_store_idx %arg12[%add3A_910, %broadcast_in_dim3A_911], %mul3A_906 : memref<32x512xf32, #tpu.memory_space<vmem>>[vector<16xi32>, vector<16xi32>], vector<16xf32>,
      %mul3A_912 = arith.mulf %gather3A_881, %gather3A_905 : vector<16xf32>
      %iota3A_913 = tpu.iota {dimensions = array<i32: 0>} : vector<16xi32>
      %add3A_914 = arith.constant 16 : i32
      %add3A_915 = vector.broadcast %add3A_914 : i32 to vector<16xi32>
      %add3A_916 = arith.addi %iota3A_913, %add3A_915 : vector<16xi32>
      %broadcast_in_dim3A_917 = vector.broadcast %add3A_819 : i32 to vector<16xi32>
      tpu.vector_store_idx %arg12[%add3A_916, %broadcast_in_dim3A_917], %mul3A_912 : memref<32x512xf32, #tpu.memory_space<vmem>>[vector<16xi32>, vector<16xi32>], vector<16xf32>,
      %add3A_918 = arith.constant 8 : i32
      %add3A_919 = arith.addi %add3A_819, %add3A_918 : i32
      %lt3A_920 = arith.constant 512 : i32
      %lt3A_921 = arith.cmpi slt, %add3A_919, %lt3A_920 : i32
      %convert_element_type3A_922 = arith.extui %lt3A_921 : i1 to i32
      %cond3A_923 = arith.constant 0 : i32
      %cond3A_924 = arith.cmpi ne, %convert_element_type3A_922, %cond3A_923 : i32
      scf.if %cond3A_924 {
        %get3A_2103 = arith.index_cast %mul3A_397 : i32 to index
        %get3A_2104 = tpu.vector_load %arg9[%get3A_2103] {strides = array<i32>} : memref<512xi32, #tpu.memory_space<vmem>>, vector<16xi32>,
        %slice3A_2105 = vector.extract_strided_slice %get3A_2104 {offsets = [12], sizes = [1], strides = [1]} : vector<16xi32> to vector<1xi32>
        %squeeze3A_2106 = vector.extract %slice3A_2105[0] : i32 from vector<1xi32>
        %get3A_2107 = arith.index_cast %mul3A_397 : i32 to index
        %get3A_2108 = tpu.vector_load %arg10[%get3A_2107] {strides = array<i32>} : memref<512xi32, #tpu.memory_space<vmem>>, vector<16xi32>,
        %slice3A_2109 = vector.extract_strided_slice %get3A_2108 {offsets = [12], sizes = [1], strides = [1]} : vector<16xi32> to vector<1xi32>
        %squeeze3A_2110 = vector.extract %slice3A_2109[0] : i32 from vector<1xi32>
        %shift_right_logical3A_2111 = arith.constant 7 : i32
        %shift_right_logical3A_2112 = arith.shrui %squeeze3A_2106, %shift_right_logical3A_2111 : i32
        %min3A_2113 = arith.constant 7811 : i32
        %min3A_2114 = arith.minsi %shift_right_logical3A_2112, %min3A_2113 : i32
        %mul3A_2115 = arith.constant 128 : i32
        %mul3A_2116 = arith.muli %min3A_2114, %mul3A_2115 : i32
        %multiple_of3A_2117 = tpu.assume_multiple %mul3A_2116, 128 : i32
        %dma_start3A_2118 = arith.constant 8 : i32
        %dma_start3A_2119 = arith.constant 0 : i32
        %dma_start3A_2120 = arith.constant 0 : i32
        %dma_start3A_2121 = tpu.memref_slice %arg11[%dma_start3A_2118, %dma_start3A_2119, %dma_start3A_2120] : memref<18x32x128xf32, #tpu.memory_space<vmem>> -> memref<1x32x128xf32, #tpu.memory_space<vmem>>
        %dma_start3A_2122 = tpu.memref_squeeze %dma_start3A_2121 : memref<1x32x128xf32, #tpu.memory_space<vmem>> -> memref<32x128xf32, #tpu.memory_space<vmem>>
        %dma_start3A_2123 = arith.constant 0 : i32
        %dma_start3A_2124 = tpu.memref_slice %arg3[%dma_start3A_2123, %multiple_of3A_2117] : memref<32x1000001xf32, #tpu.memory_space<hbm>> -> memref<32x128xf32, #tpu.memory_space<hbm>>
        %dma_start3A_2125 = arith.constant 0 : i32
        %dma_start3A_2126 = arith.constant 0 : i32
        %dma_start3A_2127 = tpu.memref_slice %arg11[%dma_start3A_2118, %dma_start3A_2125, %dma_start3A_2126] : memref<18x32x128xf32, #tpu.memory_space<vmem>> -> memref<1x32x128xf32, #tpu.memory_space<vmem>>
        %dma_start3A_2128 = tpu.memref_squeeze %dma_start3A_2127 : memref<1x32x128xf32, #tpu.memory_space<vmem>> -> memref<32x128xf32, #tpu.memory_space<vmem>>
        %dma_start3A_2129 = arith.constant 0 : i32
        %dma_start3A_2130 = tpu.memref_slice %arg3[%dma_start3A_2129, %multiple_of3A_2117] : memref<32x1000001xf32, #tpu.memory_space<hbm>> -> memref<32x128xf32, #tpu.memory_space<hbm>>
        tpu.enqueue_dma source(%dma_start3A_2130 : memref<32x128xf32, #tpu.memory_space<hbm>>) target(%dma_start3A_2128 : memref<32x128xf32, #tpu.memory_space<vmem>>) target_semaphore(%arg21 : memref<!tpu.dma_semaphore, #tpu.memory_space<semaphore_mem>>)
        %shift_right_logical3A_2131 = arith.constant 7 : i32
        %shift_right_logical3A_2132 = arith.shrui %squeeze3A_2110, %shift_right_logical3A_2131 : i32
        %min3A_2133 = arith.constant 7811 : i32
        %min3A_2134 = arith.minsi %shift_right_logical3A_2132, %min3A_2133 : i32
        %mul3A_2135 = arith.constant 128 : i32
        %mul3A_2136 = arith.muli %min3A_2134, %mul3A_2135 : i32
        %multiple_of3A_2137 = tpu.assume_multiple %mul3A_2136, 128 : i32
        %dma_start3A_2138 = arith.constant 9 : i32
        %dma_start3A_2139 = arith.constant 0 : i32
        %dma_start3A_2140 = arith.constant 0 : i32
        %dma_start3A_2141 = tpu.memref_slice %arg11[%dma_start3A_2138, %dma_start3A_2139, %dma_start3A_2140] : memref<18x32x128xf32, #tpu.memory_space<vmem>> -> memref<1x32x128xf32, #tpu.memory_space<vmem>>
        %dma_start3A_2142 = tpu.memref_squeeze %dma_start3A_2141 : memref<1x32x128xf32, #tpu.memory_space<vmem>> -> memref<32x128xf32, #tpu.memory_space<vmem>>
        %dma_start3A_2143 = arith.constant 0 : i32
        %dma_start3A_2144 = tpu.memref_slice %arg4[%dma_start3A_2143, %multiple_of3A_2137] : memref<32x1000001xf32, #tpu.memory_space<hbm>> -> memref<32x128xf32, #tpu.memory_space<hbm>>
        %dma_start3A_2145 = arith.constant 0 : i32
        %dma_start3A_2146 = arith.constant 0 : i32
        %dma_start3A_2147 = tpu.memref_slice %arg11[%dma_start3A_2138, %dma_start3A_2145, %dma_start3A_2146] : memref<18x32x128xf32, #tpu.memory_space<vmem>> -> memref<1x32x128xf32, #tpu.memory_space<vmem>>
        %dma_start3A_2148 = tpu.memref_squeeze %dma_start3A_2147 : memref<1x32x128xf32, #tpu.memory_space<vmem>> -> memref<32x128xf32, #tpu.memory_space<vmem>>
        %dma_start3A_2149 = arith.constant 0 : i32
        %dma_start3A_2150 = tpu.memref_slice %arg4[%dma_start3A_2149, %multiple_of3A_2137] : memref<32x1000001xf32, #tpu.memory_space<hbm>> -> memref<32x128xf32, #tpu.memory_space<hbm>>
        tpu.enqueue_dma source(%dma_start3A_2150 : memref<32x128xf32, #tpu.memory_space<hbm>>) target(%dma_start3A_2148 : memref<32x128xf32, #tpu.memory_space<vmem>>) target_semaphore(%arg22 : memref<!tpu.dma_semaphore, #tpu.memory_space<semaphore_mem>>)
      } else {
      }
      %add3A_925 = arith.constant 5 : i32
      %add3A_926 = arith.addi %mul3A_397, %add3A_925 : i32
      %dma_wait3A_927 = arith.constant 10 : i32
      %dma_wait3A_928 = arith.constant 0 : i32
      %dma_wait3A_929 = arith.constant 0 : i32
      %dma_wait3A_930 = tpu.memref_slice %arg11[%dma_wait3A_927, %dma_wait3A_928, %dma_wait3A_929] : memref<18x32x128xf32, #tpu.memory_space<vmem>> -> memref<1x32x128xf32, #tpu.memory_space<vmem>>
      %dma_wait3A_931 = tpu.memref_squeeze %dma_wait3A_930 : memref<1x32x128xf32, #tpu.memory_space<vmem>> -> memref<32x128xf32, #tpu.memory_space<vmem>>
      %dma_wait3A_932 = arith.constant 0 : i32
      %dma_wait3A_933 = arith.constant 0 : i32
      %dma_wait3A_934 = tpu.memref_slice %arg3[%dma_wait3A_932, %dma_wait3A_933] : memref<32x1000001xf32, #tpu.memory_space<hbm>> -> memref<32x128xf32, #tpu.memory_space<hbm>>
      %dma_wait3A_935 = arith.constant 0 : i32
      %dma_wait3A_936 = arith.constant 0 : i32
      %dma_wait3A_937 = tpu.memref_slice %arg11[%dma_wait3A_927, %dma_wait3A_935, %dma_wait3A_936] : memref<18x32x128xf32, #tpu.memory_space<vmem>> -> memref<1x32x128xf32, #tpu.memory_space<vmem>>
      %dma_wait3A_938 = tpu.memref_squeeze %dma_wait3A_937 : memref<1x32x128xf32, #tpu.memory_space<vmem>> -> memref<32x128xf32, #tpu.memory_space<vmem>>
      %dma_wait3A_939 = arith.constant 0 : i32
      %dma_wait3A_940 = arith.constant 0 : i32
      %dma_wait3A_941 = tpu.memref_slice %arg3[%dma_wait3A_939, %dma_wait3A_940] : memref<32x1000001xf32, #tpu.memory_space<hbm>> -> memref<32x128xf32, #tpu.memory_space<hbm>>
      tpu.wait_dma2 semaphore(%arg23 : memref<!tpu.dma_semaphore, #tpu.memory_space<semaphore_mem>>) src(%dma_wait3A_941 : memref<32x128xf32, #tpu.memory_space<hbm>>) dst(%dma_wait3A_938 : memref<32x128xf32, #tpu.memory_space<vmem>>)
      %dma_wait3A_942 = arith.constant 11 : i32
      %dma_wait3A_943 = arith.constant 0 : i32
      %dma_wait3A_944 = arith.constant 0 : i32
      %dma_wait3A_945 = tpu.memref_slice %arg11[%dma_wait3A_942, %dma_wait3A_943, %dma_wait3A_944] : memref<18x32x128xf32, #tpu.memory_space<vmem>> -> memref<1x32x128xf32, #tpu.memory_space<vmem>>
      %dma_wait3A_946 = tpu.memref_squeeze %dma_wait3A_945 : memref<1x32x128xf32, #tpu.memory_space<vmem>> -> memref<32x128xf32, #tpu.memory_space<vmem>>
      %dma_wait3A_947 = arith.constant 0 : i32
      %dma_wait3A_948 = arith.constant 0 : i32
      %dma_wait3A_949 = tpu.memref_slice %arg4[%dma_wait3A_947, %dma_wait3A_948] : memref<32x1000001xf32, #tpu.memory_space<hbm>> -> memref<32x128xf32, #tpu.memory_space<hbm>>
      %dma_wait3A_950 = arith.constant 0 : i32
      %dma_wait3A_951 = arith.constant 0 : i32
      %dma_wait3A_952 = tpu.memref_slice %arg11[%dma_wait3A_942, %dma_wait3A_950, %dma_wait3A_951] : memref<18x32x128xf32, #tpu.memory_space<vmem>> -> memref<1x32x128xf32, #tpu.memory_space<vmem>>
      %dma_wait3A_953 = tpu.memref_squeeze %dma_wait3A_952 : memref<1x32x128xf32, #tpu.memory_space<vmem>> -> memref<32x128xf32, #tpu.memory_space<vmem>>
      %dma_wait3A_954 = arith.constant 0 : i32
      %dma_wait3A_955 = arith.constant 0 : i32
      %dma_wait3A_956 = tpu.memref_slice %arg4[%dma_wait3A_954, %dma_wait3A_955] : memref<32x1000001xf32, #tpu.memory_space<hbm>> -> memref<32x128xf32, #tpu.memory_space<hbm>>
      tpu.wait_dma2 semaphore(%arg24 : memref<!tpu.dma_semaphore, #tpu.memory_space<semaphore_mem>>) src(%dma_wait3A_956 : memref<32x128xf32, #tpu.memory_space<hbm>>) dst(%dma_wait3A_953 : memref<32x128xf32, #tpu.memory_space<vmem>>)
      %get3A_957 = arith.index_cast %mul3A_397 : i32 to index
      %get3A_958 = tpu.vector_load %arg9[%get3A_957] {strides = array<i32>} : memref<512xi32, #tpu.memory_space<vmem>>, vector<16xi32>,
      %slice3A_959 = vector.extract_strided_slice %get3A_958 {offsets = [5], sizes = [1], strides = [1]} : vector<16xi32> to vector<1xi32>
      %squeeze3A_960 = vector.extract %slice3A_959[0] : i32 from vector<1xi32>
      %get3A_961 = arith.index_cast %mul3A_397 : i32 to index
      %get3A_962 = tpu.vector_load %arg10[%get3A_961] {strides = array<i32>} : memref<512xi32, #tpu.memory_space<vmem>>, vector<16xi32>,
      %slice3A_963 = vector.extract_strided_slice %get3A_962 {offsets = [5], sizes = [1], strides = [1]} : vector<16xi32> to vector<1xi32>
      %squeeze3A_964 = vector.extract %slice3A_963[0] : i32 from vector<1xi32>
      %ge3A_965 = arith.constant 999936 : i32
      %ge3A_966 = arith.cmpi sge, %squeeze3A_960, %ge3A_965 : i32
      %sub3A_967 = arith.constant 999936 : i32
      %sub3A_968 = arith.subi %squeeze3A_960, %sub3A_967 : i32
      %and3A_969 = arith.constant 127 : i32
      %and3A_970 = arith.andi %squeeze3A_960, %and3A_969 : i32
      %select_n3A_971 = arith.select %ge3A_966, %sub3A_968, %and3A_970 : i32
      %jit3A_972 = arith.constant 16 : i32
      %jit3A_973 = arith.constant 10 : i32
      %select_n3A_974 = arith.select %ge3A_966, %jit3A_972, %jit3A_973 : i32
      %iota3A_975 = tpu.iota {dimensions = array<i32: 0>} : vector<16xi32>
      %add3A_976 = arith.constant 0 : i32
      %add3A_977 = vector.broadcast %add3A_976 : i32 to vector<16xi32>
      %add3A_978 = arith.addi %iota3A_975, %add3A_977 : vector<16xi32>
      %broadcast_in_dim3A_979 = vector.broadcast %select_n3A_974 : i32 to vector<16xi32>
      %broadcast_in_dim3A_980 = vector.broadcast %select_n3A_971 : i32 to vector<16xi32>
      %gather3A_981 = tpu.vector_load_idx %arg11[%broadcast_in_dim3A_979, %add3A_978, %broadcast_in_dim3A_980] : memref<18x32x128xf32, #tpu.memory_space<vmem>>[vector<16xi32>, vector<16xi32>, vector<16xi32>], vector<16xf32>,
      %iota3A_982 = tpu.iota {dimensions = array<i32: 0>} : vector<16xi32>
      %add3A_983 = arith.constant 16 : i32
      %add3A_984 = vector.broadcast %add3A_983 : i32 to vector<16xi32>
      %add3A_985 = arith.addi %iota3A_982, %add3A_984 : vector<16xi32>
      %broadcast_in_dim3A_986 = vector.broadcast %select_n3A_974 : i32 to vector<16xi32>
      %broadcast_in_dim3A_987 = vector.broadcast %select_n3A_971 : i32 to vector<16xi32>
      %gather3A_988 = tpu.vector_load_idx %arg11[%broadcast_in_dim3A_986, %add3A_985, %broadcast_in_dim3A_987] : memref<18x32x128xf32, #tpu.memory_space<vmem>>[vector<16xi32>, vector<16xi32>, vector<16xi32>], vector<16xf32>,
      %ge3A_989 = arith.constant 999936 : i32
      %ge3A_990 = arith.cmpi sge, %squeeze3A_964, %ge3A_989 : i32
      %sub3A_991 = arith.constant 999936 : i32
      %sub3A_992 = arith.subi %squeeze3A_964, %sub3A_991 : i32
      %and3A_993 = arith.constant 127 : i32
      %and3A_994 = arith.andi %squeeze3A_964, %and3A_993 : i32
      %select_n3A_995 = arith.select %ge3A_990, %sub3A_992, %and3A_994 : i32
      %jit3A_996 = arith.constant 17 : i32
      %jit3A_997 = arith.constant 11 : i32
      %select_n3A_998 = arith.select %ge3A_990, %jit3A_996, %jit3A_997 : i32
      %iota3A_999 = tpu.iota {dimensions = array<i32: 0>} : vector<16xi32>
      %add3A_1000 = arith.constant 0 : i32
      %add3A_1001 = vector.broadcast %add3A_1000 : i32 to vector<16xi32>
      %add3A_1002 = arith.addi %iota3A_999, %add3A_1001 : vector<16xi32>
      %broadcast_in_dim3A_1003 = vector.broadcast %select_n3A_998 : i32 to vector<16xi32>
      %broadcast_in_dim3A_1004 = vector.broadcast %select_n3A_995 : i32 to vector<16xi32>
      %gather3A_1005 = tpu.vector_load_idx %arg11[%broadcast_in_dim3A_1003, %add3A_1002, %broadcast_in_dim3A_1004] : memref<18x32x128xf32, #tpu.memory_space<vmem>>[vector<16xi32>, vector<16xi32>, vector<16xi32>], vector<16xf32>,
      %iota3A_1006 = tpu.iota {dimensions = array<i32: 0>} : vector<16xi32>
      %add3A_1007 = arith.constant 16 : i32
      %add3A_1008 = vector.broadcast %add3A_1007 : i32 to vector<16xi32>
      %add3A_1009 = arith.addi %iota3A_1006, %add3A_1008 : vector<16xi32>
      %broadcast_in_dim3A_1010 = vector.broadcast %select_n3A_998 : i32 to vector<16xi32>
      %broadcast_in_dim3A_1011 = vector.broadcast %select_n3A_995 : i32 to vector<16xi32>
      %gather3A_1012 = tpu.vector_load_idx %arg11[%broadcast_in_dim3A_1010, %add3A_1009, %broadcast_in_dim3A_1011] : memref<18x32x128xf32, #tpu.memory_space<vmem>>[vector<16xi32>, vector<16xi32>, vector<16xi32>], vector<16xf32>,
      %mul3A_1013 = arith.mulf %gather3A_981, %gather3A_1005 : vector<16xf32>
      %iota3A_1014 = tpu.iota {dimensions = array<i32: 0>} : vector<16xi32>
      %add3A_1015 = arith.constant 0 : i32
      %add3A_1016 = vector.broadcast %add3A_1015 : i32 to vector<16xi32>
      %add3A_1017 = arith.addi %iota3A_1014, %add3A_1016 : vector<16xi32>
      %broadcast_in_dim3A_1018 = vector.broadcast %add3A_926 : i32 to vector<16xi32>
      tpu.vector_store_idx %arg12[%add3A_1017, %broadcast_in_dim3A_1018], %mul3A_1013 : memref<32x512xf32, #tpu.memory_space<vmem>>[vector<16xi32>, vector<16xi32>], vector<16xf32>,
      %mul3A_1019 = arith.mulf %gather3A_988, %gather3A_1012 : vector<16xf32>
      %iota3A_1020 = tpu.iota {dimensions = array<i32: 0>} : vector<16xi32>
      %add3A_1021 = arith.constant 16 : i32
      %add3A_1022 = vector.broadcast %add3A_1021 : i32 to vector<16xi32>
      %add3A_1023 = arith.addi %iota3A_1020, %add3A_1022 : vector<16xi32>
      %broadcast_in_dim3A_1024 = vector.broadcast %add3A_926 : i32 to vector<16xi32>
      tpu.vector_store_idx %arg12[%add3A_1023, %broadcast_in_dim3A_1024], %mul3A_1019 : memref<32x512xf32, #tpu.memory_space<vmem>>[vector<16xi32>, vector<16xi32>], vector<16xf32>,
      %add3A_1025 = arith.constant 8 : i32
      %add3A_1026 = arith.addi %add3A_926, %add3A_1025 : i32
      %lt3A_1027 = arith.constant 512 : i32
      %lt3A_1028 = arith.cmpi slt, %add3A_1026, %lt3A_1027 : i32
      %convert_element_type3A_1029 = arith.extui %lt3A_1028 : i1 to i32
      %cond3A_1030 = arith.constant 0 : i32
      %cond3A_1031 = arith.cmpi ne, %convert_element_type3A_1029, %cond3A_1030 : i32
      scf.if %cond3A_1031 {
        %get3A_2103 = arith.index_cast %mul3A_397 : i32 to index
        %get3A_2104 = tpu.vector_load %arg9[%get3A_2103] {strides = array<i32>} : memref<512xi32, #tpu.memory_space<vmem>>, vector<16xi32>,
        %slice3A_2105 = vector.extract_strided_slice %get3A_2104 {offsets = [13], sizes = [1], strides = [1]} : vector<16xi32> to vector<1xi32>
        %squeeze3A_2106 = vector.extract %slice3A_2105[0] : i32 from vector<1xi32>
        %get3A_2107 = arith.index_cast %mul3A_397 : i32 to index
        %get3A_2108 = tpu.vector_load %arg10[%get3A_2107] {strides = array<i32>} : memref<512xi32, #tpu.memory_space<vmem>>, vector<16xi32>,
        %slice3A_2109 = vector.extract_strided_slice %get3A_2108 {offsets = [13], sizes = [1], strides = [1]} : vector<16xi32> to vector<1xi32>
        %squeeze3A_2110 = vector.extract %slice3A_2109[0] : i32 from vector<1xi32>
        %shift_right_logical3A_2111 = arith.constant 7 : i32
        %shift_right_logical3A_2112 = arith.shrui %squeeze3A_2106, %shift_right_logical3A_2111 : i32
        %min3A_2113 = arith.constant 7811 : i32
        %min3A_2114 = arith.minsi %shift_right_logical3A_2112, %min3A_2113 : i32
        %mul3A_2115 = arith.constant 128 : i32
        %mul3A_2116 = arith.muli %min3A_2114, %mul3A_2115 : i32
        %multiple_of3A_2117 = tpu.assume_multiple %mul3A_2116, 128 : i32
        %dma_start3A_2118 = arith.constant 10 : i32
        %dma_start3A_2119 = arith.constant 0 : i32
        %dma_start3A_2120 = arith.constant 0 : i32
        %dma_start3A_2121 = tpu.memref_slice %arg11[%dma_start3A_2118, %dma_start3A_2119, %dma_start3A_2120] : memref<18x32x128xf32, #tpu.memory_space<vmem>> -> memref<1x32x128xf32, #tpu.memory_space<vmem>>
        %dma_start3A_2122 = tpu.memref_squeeze %dma_start3A_2121 : memref<1x32x128xf32, #tpu.memory_space<vmem>> -> memref<32x128xf32, #tpu.memory_space<vmem>>
        %dma_start3A_2123 = arith.constant 0 : i32
        %dma_start3A_2124 = tpu.memref_slice %arg3[%dma_start3A_2123, %multiple_of3A_2117] : memref<32x1000001xf32, #tpu.memory_space<hbm>> -> memref<32x128xf32, #tpu.memory_space<hbm>>
        %dma_start3A_2125 = arith.constant 0 : i32
        %dma_start3A_2126 = arith.constant 0 : i32
        %dma_start3A_2127 = tpu.memref_slice %arg11[%dma_start3A_2118, %dma_start3A_2125, %dma_start3A_2126] : memref<18x32x128xf32, #tpu.memory_space<vmem>> -> memref<1x32x128xf32, #tpu.memory_space<vmem>>
        %dma_start3A_2128 = tpu.memref_squeeze %dma_start3A_2127 : memref<1x32x128xf32, #tpu.memory_space<vmem>> -> memref<32x128xf32, #tpu.memory_space<vmem>>
        %dma_start3A_2129 = arith.constant 0 : i32
        %dma_start3A_2130 = tpu.memref_slice %arg3[%dma_start3A_2129, %multiple_of3A_2117] : memref<32x1000001xf32, #tpu.memory_space<hbm>> -> memref<32x128xf32, #tpu.memory_space<hbm>>
        tpu.enqueue_dma source(%dma_start3A_2130 : memref<32x128xf32, #tpu.memory_space<hbm>>) target(%dma_start3A_2128 : memref<32x128xf32, #tpu.memory_space<vmem>>) target_semaphore(%arg23 : memref<!tpu.dma_semaphore, #tpu.memory_space<semaphore_mem>>)
        %shift_right_logical3A_2131 = arith.constant 7 : i32
        %shift_right_logical3A_2132 = arith.shrui %squeeze3A_2110, %shift_right_logical3A_2131 : i32
        %min3A_2133 = arith.constant 7811 : i32
        %min3A_2134 = arith.minsi %shift_right_logical3A_2132, %min3A_2133 : i32
        %mul3A_2135 = arith.constant 128 : i32
        %mul3A_2136 = arith.muli %min3A_2134, %mul3A_2135 : i32
        %multiple_of3A_2137 = tpu.assume_multiple %mul3A_2136, 128 : i32
        %dma_start3A_2138 = arith.constant 11 : i32
        %dma_start3A_2139 = arith.constant 0 : i32
        %dma_start3A_2140 = arith.constant 0 : i32
        %dma_start3A_2141 = tpu.memref_slice %arg11[%dma_start3A_2138, %dma_start3A_2139, %dma_start3A_2140] : memref<18x32x128xf32, #tpu.memory_space<vmem>> -> memref<1x32x128xf32, #tpu.memory_space<vmem>>
        %dma_start3A_2142 = tpu.memref_squeeze %dma_start3A_2141 : memref<1x32x128xf32, #tpu.memory_space<vmem>> -> memref<32x128xf32, #tpu.memory_space<vmem>>
        %dma_start3A_2143 = arith.constant 0 : i32
        %dma_start3A_2144 = tpu.memref_slice %arg4[%dma_start3A_2143, %multiple_of3A_2137] : memref<32x1000001xf32, #tpu.memory_space<hbm>> -> memref<32x128xf32, #tpu.memory_space<hbm>>
        %dma_start3A_2145 = arith.constant 0 : i32
        %dma_start3A_2146 = arith.constant 0 : i32
        %dma_start3A_2147 = tpu.memref_slice %arg11[%dma_start3A_2138, %dma_start3A_2145, %dma_start3A_2146] : memref<18x32x128xf32, #tpu.memory_space<vmem>> -> memref<1x32x128xf32, #tpu.memory_space<vmem>>
        %dma_start3A_2148 = tpu.memref_squeeze %dma_start3A_2147 : memref<1x32x128xf32, #tpu.memory_space<vmem>> -> memref<32x128xf32, #tpu.memory_space<vmem>>
        %dma_start3A_2149 = arith.constant 0 : i32
        %dma_start3A_2150 = tpu.memref_slice %arg4[%dma_start3A_2149, %multiple_of3A_2137] : memref<32x1000001xf32, #tpu.memory_space<hbm>> -> memref<32x128xf32, #tpu.memory_space<hbm>>
        tpu.enqueue_dma source(%dma_start3A_2150 : memref<32x128xf32, #tpu.memory_space<hbm>>) target(%dma_start3A_2148 : memref<32x128xf32, #tpu.memory_space<vmem>>) target_semaphore(%arg24 : memref<!tpu.dma_semaphore, #tpu.memory_space<semaphore_mem>>)
      } else {
      }
      %add3A_1032 = arith.constant 6 : i32
      %add3A_1033 = arith.addi %mul3A_397, %add3A_1032 : i32
      %dma_wait3A_1034 = arith.constant 12 : i32
      %dma_wait3A_1035 = arith.constant 0 : i32
      %dma_wait3A_1036 = arith.constant 0 : i32
      %dma_wait3A_1037 = tpu.memref_slice %arg11[%dma_wait3A_1034, %dma_wait3A_1035, %dma_wait3A_1036] : memref<18x32x128xf32, #tpu.memory_space<vmem>> -> memref<1x32x128xf32, #tpu.memory_space<vmem>>
      %dma_wait3A_1038 = tpu.memref_squeeze %dma_wait3A_1037 : memref<1x32x128xf32, #tpu.memory_space<vmem>> -> memref<32x128xf32, #tpu.memory_space<vmem>>
      %dma_wait3A_1039 = arith.constant 0 : i32
      %dma_wait3A_1040 = arith.constant 0 : i32
      %dma_wait3A_1041 = tpu.memref_slice %arg3[%dma_wait3A_1039, %dma_wait3A_1040] : memref<32x1000001xf32, #tpu.memory_space<hbm>> -> memref<32x128xf32, #tpu.memory_space<hbm>>
      %dma_wait3A_1042 = arith.constant 0 : i32
      %dma_wait3A_1043 = arith.constant 0 : i32
      %dma_wait3A_1044 = tpu.memref_slice %arg11[%dma_wait3A_1034, %dma_wait3A_1042, %dma_wait3A_1043] : memref<18x32x128xf32, #tpu.memory_space<vmem>> -> memref<1x32x128xf32, #tpu.memory_space<vmem>>
      %dma_wait3A_1045 = tpu.memref_squeeze %dma_wait3A_1044 : memref<1x32x128xf32, #tpu.memory_space<vmem>> -> memref<32x128xf32, #tpu.memory_space<vmem>>
      %dma_wait3A_1046 = arith.constant 0 : i32
      %dma_wait3A_1047 = arith.constant 0 : i32
      %dma_wait3A_1048 = tpu.memref_slice %arg3[%dma_wait3A_1046, %dma_wait3A_1047] : memref<32x1000001xf32, #tpu.memory_space<hbm>> -> memref<32x128xf32, #tpu.memory_space<hbm>>
      tpu.wait_dma2 semaphore(%arg25 : memref<!tpu.dma_semaphore, #tpu.memory_space<semaphore_mem>>) src(%dma_wait3A_1048 : memref<32x128xf32, #tpu.memory_space<hbm>>) dst(%dma_wait3A_1045 : memref<32x128xf32, #tpu.memory_space<vmem>>)
      %dma_wait3A_1049 = arith.constant 13 : i32
      %dma_wait3A_1050 = arith.constant 0 : i32
      %dma_wait3A_1051 = arith.constant 0 : i32
      %dma_wait3A_1052 = tpu.memref_slice %arg11[%dma_wait3A_1049, %dma_wait3A_1050, %dma_wait3A_1051] : memref<18x32x128xf32, #tpu.memory_space<vmem>> -> memref<1x32x128xf32, #tpu.memory_space<vmem>>
      %dma_wait3A_1053 = tpu.memref_squeeze %dma_wait3A_1052 : memref<1x32x128xf32, #tpu.memory_space<vmem>> -> memref<32x128xf32, #tpu.memory_space<vmem>>
      %dma_wait3A_1054 = arith.constant 0 : i32
      %dma_wait3A_1055 = arith.constant 0 : i32
      %dma_wait3A_1056 = tpu.memref_slice %arg4[%dma_wait3A_1054, %dma_wait3A_1055] : memref<32x1000001xf32, #tpu.memory_space<hbm>> -> memref<32x128xf32, #tpu.memory_space<hbm>>
      %dma_wait3A_1057 = arith.constant 0 : i32
      %dma_wait3A_1058 = arith.constant 0 : i32
      %dma_wait3A_1059 = tpu.memref_slice %arg11[%dma_wait3A_1049, %dma_wait3A_1057, %dma_wait3A_1058] : memref<18x32x128xf32, #tpu.memory_space<vmem>> -> memref<1x32x128xf32, #tpu.memory_space<vmem>>
      %dma_wait3A_1060 = tpu.memref_squeeze %dma_wait3A_1059 : memref<1x32x128xf32, #tpu.memory_space<vmem>> -> memref<32x128xf32, #tpu.memory_space<vmem>>
      %dma_wait3A_1061 = arith.constant 0 : i32
      %dma_wait3A_1062 = arith.constant 0 : i32
      %dma_wait3A_1063 = tpu.memref_slice %arg4[%dma_wait3A_1061, %dma_wait3A_1062] : memref<32x1000001xf32, #tpu.memory_space<hbm>> -> memref<32x128xf32, #tpu.memory_space<hbm>>
      tpu.wait_dma2 semaphore(%arg26 : memref<!tpu.dma_semaphore, #tpu.memory_space<semaphore_mem>>) src(%dma_wait3A_1063 : memref<32x128xf32, #tpu.memory_space<hbm>>) dst(%dma_wait3A_1060 : memref<32x128xf32, #tpu.memory_space<vmem>>)
      %get3A_1064 = arith.index_cast %mul3A_397 : i32 to index
      %get3A_1065 = tpu.vector_load %arg9[%get3A_1064] {strides = array<i32>} : memref<512xi32, #tpu.memory_space<vmem>>, vector<16xi32>,
      %slice3A_1066 = vector.extract_strided_slice %get3A_1065 {offsets = [6], sizes = [1], strides = [1]} : vector<16xi32> to vector<1xi32>
      %squeeze3A_1067 = vector.extract %slice3A_1066[0] : i32 from vector<1xi32>
      %get3A_1068 = arith.index_cast %mul3A_397 : i32 to index
      %get3A_1069 = tpu.vector_load %arg10[%get3A_1068] {strides = array<i32>} : memref<512xi32, #tpu.memory_space<vmem>>, vector<16xi32>,
      %slice3A_1070 = vector.extract_strided_slice %get3A_1069 {offsets = [6], sizes = [1], strides = [1]} : vector<16xi32> to vector<1xi32>
      %squeeze3A_1071 = vector.extract %slice3A_1070[0] : i32 from vector<1xi32>
      %ge3A_1072 = arith.constant 999936 : i32
      %ge3A_1073 = arith.cmpi sge, %squeeze3A_1067, %ge3A_1072 : i32
      %sub3A_1074 = arith.constant 999936 : i32
      %sub3A_1075 = arith.subi %squeeze3A_1067, %sub3A_1074 : i32
      %and3A_1076 = arith.constant 127 : i32
      %and3A_1077 = arith.andi %squeeze3A_1067, %and3A_1076 : i32
      %select_n3A_1078 = arith.select %ge3A_1073, %sub3A_1075, %and3A_1077 : i32
      %jit3A_1079 = arith.constant 16 : i32
      %jit3A_1080 = arith.constant 12 : i32
      %select_n3A_1081 = arith.select %ge3A_1073, %jit3A_1079, %jit3A_1080 : i32
      %iota3A_1082 = tpu.iota {dimensions = array<i32: 0>} : vector<16xi32>
      %add3A_1083 = arith.constant 0 : i32
      %add3A_1084 = vector.broadcast %add3A_1083 : i32 to vector<16xi32>
      %add3A_1085 = arith.addi %iota3A_1082, %add3A_1084 : vector<16xi32>
      %broadcast_in_dim3A_1086 = vector.broadcast %select_n3A_1081 : i32 to vector<16xi32>
      %broadcast_in_dim3A_1087 = vector.broadcast %select_n3A_1078 : i32 to vector<16xi32>
      %gather3A_1088 = tpu.vector_load_idx %arg11[%broadcast_in_dim3A_1086, %add3A_1085, %broadcast_in_dim3A_1087] : memref<18x32x128xf32, #tpu.memory_space<vmem>>[vector<16xi32>, vector<16xi32>, vector<16xi32>], vector<16xf32>,
      %iota3A_1089 = tpu.iota {dimensions = array<i32: 0>} : vector<16xi32>
      %add3A_1090 = arith.constant 16 : i32
      %add3A_1091 = vector.broadcast %add3A_1090 : i32 to vector<16xi32>
      %add3A_1092 = arith.addi %iota3A_1089, %add3A_1091 : vector<16xi32>
      %broadcast_in_dim3A_1093 = vector.broadcast %select_n3A_1081 : i32 to vector<16xi32>
      %broadcast_in_dim3A_1094 = vector.broadcast %select_n3A_1078 : i32 to vector<16xi32>
      %gather3A_1095 = tpu.vector_load_idx %arg11[%broadcast_in_dim3A_1093, %add3A_1092, %broadcast_in_dim3A_1094] : memref<18x32x128xf32, #tpu.memory_space<vmem>>[vector<16xi32>, vector<16xi32>, vector<16xi32>], vector<16xf32>,
      %ge3A_1096 = arith.constant 999936 : i32
      %ge3A_1097 = arith.cmpi sge, %squeeze3A_1071, %ge3A_1096 : i32
      %sub3A_1098 = arith.constant 999936 : i32
      %sub3A_1099 = arith.subi %squeeze3A_1071, %sub3A_1098 : i32
      %and3A_1100 = arith.constant 127 : i32
      %and3A_1101 = arith.andi %squeeze3A_1071, %and3A_1100 : i32
      %select_n3A_1102 = arith.select %ge3A_1097, %sub3A_1099, %and3A_1101 : i32
      %jit3A_1103 = arith.constant 17 : i32
      %jit3A_1104 = arith.constant 13 : i32
      %select_n3A_1105 = arith.select %ge3A_1097, %jit3A_1103, %jit3A_1104 : i32
      %iota3A_1106 = tpu.iota {dimensions = array<i32: 0>} : vector<16xi32>
      %add3A_1107 = arith.constant 0 : i32
      %add3A_1108 = vector.broadcast %add3A_1107 : i32 to vector<16xi32>
      %add3A_1109 = arith.addi %iota3A_1106, %add3A_1108 : vector<16xi32>
      %broadcast_in_dim3A_1110 = vector.broadcast %select_n3A_1105 : i32 to vector<16xi32>
      %broadcast_in_dim3A_1111 = vector.broadcast %select_n3A_1102 : i32 to vector<16xi32>
      %gather3A_1112 = tpu.vector_load_idx %arg11[%broadcast_in_dim3A_1110, %add3A_1109, %broadcast_in_dim3A_1111] : memref<18x32x128xf32, #tpu.memory_space<vmem>>[vector<16xi32>, vector<16xi32>, vector<16xi32>], vector<16xf32>,
      %iota3A_1113 = tpu.iota {dimensions = array<i32: 0>} : vector<16xi32>
      %add3A_1114 = arith.constant 16 : i32
      %add3A_1115 = vector.broadcast %add3A_1114 : i32 to vector<16xi32>
      %add3A_1116 = arith.addi %iota3A_1113, %add3A_1115 : vector<16xi32>
      %broadcast_in_dim3A_1117 = vector.broadcast %select_n3A_1105 : i32 to vector<16xi32>
      %broadcast_in_dim3A_1118 = vector.broadcast %select_n3A_1102 : i32 to vector<16xi32>
      %gather3A_1119 = tpu.vector_load_idx %arg11[%broadcast_in_dim3A_1117, %add3A_1116, %broadcast_in_dim3A_1118] : memref<18x32x128xf32, #tpu.memory_space<vmem>>[vector<16xi32>, vector<16xi32>, vector<16xi32>], vector<16xf32>,
      %mul3A_1120 = arith.mulf %gather3A_1088, %gather3A_1112 : vector<16xf32>
      %iota3A_1121 = tpu.iota {dimensions = array<i32: 0>} : vector<16xi32>
      %add3A_1122 = arith.constant 0 : i32
      %add3A_1123 = vector.broadcast %add3A_1122 : i32 to vector<16xi32>
      %add3A_1124 = arith.addi %iota3A_1121, %add3A_1123 : vector<16xi32>
      %broadcast_in_dim3A_1125 = vector.broadcast %add3A_1033 : i32 to vector<16xi32>
      tpu.vector_store_idx %arg12[%add3A_1124, %broadcast_in_dim3A_1125], %mul3A_1120 : memref<32x512xf32, #tpu.memory_space<vmem>>[vector<16xi32>, vector<16xi32>], vector<16xf32>,
      %mul3A_1126 = arith.mulf %gather3A_1095, %gather3A_1119 : vector<16xf32>
      %iota3A_1127 = tpu.iota {dimensions = array<i32: 0>} : vector<16xi32>
      %add3A_1128 = arith.constant 16 : i32
      %add3A_1129 = vector.broadcast %add3A_1128 : i32 to vector<16xi32>
      %add3A_1130 = arith.addi %iota3A_1127, %add3A_1129 : vector<16xi32>
      %broadcast_in_dim3A_1131 = vector.broadcast %add3A_1033 : i32 to vector<16xi32>
      tpu.vector_store_idx %arg12[%add3A_1130, %broadcast_in_dim3A_1131], %mul3A_1126 : memref<32x512xf32, #tpu.memory_space<vmem>>[vector<16xi32>, vector<16xi32>], vector<16xf32>,
      %add3A_1132 = arith.constant 8 : i32
      %add3A_1133 = arith.addi %add3A_1033, %add3A_1132 : i32
      %lt3A_1134 = arith.constant 512 : i32
      %lt3A_1135 = arith.cmpi slt, %add3A_1133, %lt3A_1134 : i32
      %convert_element_type3A_1136 = arith.extui %lt3A_1135 : i1 to i32
      %cond3A_1137 = arith.constant 0 : i32
      %cond3A_1138 = arith.cmpi ne, %convert_element_type3A_1136, %cond3A_1137 : i32
      scf.if %cond3A_1138 {
        %get3A_2103 = arith.index_cast %mul3A_397 : i32 to index
        %get3A_2104 = tpu.vector_load %arg9[%get3A_2103] {strides = array<i32>} : memref<512xi32, #tpu.memory_space<vmem>>, vector<16xi32>,
        %slice3A_2105 = vector.extract_strided_slice %get3A_2104 {offsets = [14], sizes = [1], strides = [1]} : vector<16xi32> to vector<1xi32>
        %squeeze3A_2106 = vector.extract %slice3A_2105[0] : i32 from vector<1xi32>
        %get3A_2107 = arith.index_cast %mul3A_397 : i32 to index
        %get3A_2108 = tpu.vector_load %arg10[%get3A_2107] {strides = array<i32>} : memref<512xi32, #tpu.memory_space<vmem>>, vector<16xi32>,
        %slice3A_2109 = vector.extract_strided_slice %get3A_2108 {offsets = [14], sizes = [1], strides = [1]} : vector<16xi32> to vector<1xi32>
        %squeeze3A_2110 = vector.extract %slice3A_2109[0] : i32 from vector<1xi32>
        %shift_right_logical3A_2111 = arith.constant 7 : i32
        %shift_right_logical3A_2112 = arith.shrui %squeeze3A_2106, %shift_right_logical3A_2111 : i32
        %min3A_2113 = arith.constant 7811 : i32
        %min3A_2114 = arith.minsi %shift_right_logical3A_2112, %min3A_2113 : i32
        %mul3A_2115 = arith.constant 128 : i32
        %mul3A_2116 = arith.muli %min3A_2114, %mul3A_2115 : i32
        %multiple_of3A_2117 = tpu.assume_multiple %mul3A_2116, 128 : i32
        %dma_start3A_2118 = arith.constant 12 : i32
        %dma_start3A_2119 = arith.constant 0 : i32
        %dma_start3A_2120 = arith.constant 0 : i32
        %dma_start3A_2121 = tpu.memref_slice %arg11[%dma_start3A_2118, %dma_start3A_2119, %dma_start3A_2120] : memref<18x32x128xf32, #tpu.memory_space<vmem>> -> memref<1x32x128xf32, #tpu.memory_space<vmem>>
        %dma_start3A_2122 = tpu.memref_squeeze %dma_start3A_2121 : memref<1x32x128xf32, #tpu.memory_space<vmem>> -> memref<32x128xf32, #tpu.memory_space<vmem>>
        %dma_start3A_2123 = arith.constant 0 : i32
        %dma_start3A_2124 = tpu.memref_slice %arg3[%dma_start3A_2123, %multiple_of3A_2117] : memref<32x1000001xf32, #tpu.memory_space<hbm>> -> memref<32x128xf32, #tpu.memory_space<hbm>>
        %dma_start3A_2125 = arith.constant 0 : i32
        %dma_start3A_2126 = arith.constant 0 : i32
        %dma_start3A_2127 = tpu.memref_slice %arg11[%dma_start3A_2118, %dma_start3A_2125, %dma_start3A_2126] : memref<18x32x128xf32, #tpu.memory_space<vmem>> -> memref<1x32x128xf32, #tpu.memory_space<vmem>>
        %dma_start3A_2128 = tpu.memref_squeeze %dma_start3A_2127 : memref<1x32x128xf32, #tpu.memory_space<vmem>> -> memref<32x128xf32, #tpu.memory_space<vmem>>
        %dma_start3A_2129 = arith.constant 0 : i32
        %dma_start3A_2130 = tpu.memref_slice %arg3[%dma_start3A_2129, %multiple_of3A_2117] : memref<32x1000001xf32, #tpu.memory_space<hbm>> -> memref<32x128xf32, #tpu.memory_space<hbm>>
        tpu.enqueue_dma source(%dma_start3A_2130 : memref<32x128xf32, #tpu.memory_space<hbm>>) target(%dma_start3A_2128 : memref<32x128xf32, #tpu.memory_space<vmem>>) target_semaphore(%arg25 : memref<!tpu.dma_semaphore, #tpu.memory_space<semaphore_mem>>)
        %shift_right_logical3A_2131 = arith.constant 7 : i32
        %shift_right_logical3A_2132 = arith.shrui %squeeze3A_2110, %shift_right_logical3A_2131 : i32
        %min3A_2133 = arith.constant 7811 : i32
        %min3A_2134 = arith.minsi %shift_right_logical3A_2132, %min3A_2133 : i32
        %mul3A_2135 = arith.constant 128 : i32
        %mul3A_2136 = arith.muli %min3A_2134, %mul3A_2135 : i32
        %multiple_of3A_2137 = tpu.assume_multiple %mul3A_2136, 128 : i32
        %dma_start3A_2138 = arith.constant 13 : i32
        %dma_start3A_2139 = arith.constant 0 : i32
        %dma_start3A_2140 = arith.constant 0 : i32
        %dma_start3A_2141 = tpu.memref_slice %arg11[%dma_start3A_2138, %dma_start3A_2139, %dma_start3A_2140] : memref<18x32x128xf32, #tpu.memory_space<vmem>> -> memref<1x32x128xf32, #tpu.memory_space<vmem>>
        %dma_start3A_2142 = tpu.memref_squeeze %dma_start3A_2141 : memref<1x32x128xf32, #tpu.memory_space<vmem>> -> memref<32x128xf32, #tpu.memory_space<vmem>>
        %dma_start3A_2143 = arith.constant 0 : i32
        %dma_start3A_2144 = tpu.memref_slice %arg4[%dma_start3A_2143, %multiple_of3A_2137] : memref<32x1000001xf32, #tpu.memory_space<hbm>> -> memref<32x128xf32, #tpu.memory_space<hbm>>
        %dma_start3A_2145 = arith.constant 0 : i32
        %dma_start3A_2146 = arith.constant 0 : i32
        %dma_start3A_2147 = tpu.memref_slice %arg11[%dma_start3A_2138, %dma_start3A_2145, %dma_start3A_2146] : memref<18x32x128xf32, #tpu.memory_space<vmem>> -> memref<1x32x128xf32, #tpu.memory_space<vmem>>
        %dma_start3A_2148 = tpu.memref_squeeze %dma_start3A_2147 : memref<1x32x128xf32, #tpu.memory_space<vmem>> -> memref<32x128xf32, #tpu.memory_space<vmem>>
        %dma_start3A_2149 = arith.constant 0 : i32
        %dma_start3A_2150 = tpu.memref_slice %arg4[%dma_start3A_2149, %multiple_of3A_2137] : memref<32x1000001xf32, #tpu.memory_space<hbm>> -> memref<32x128xf32, #tpu.memory_space<hbm>>
        tpu.enqueue_dma source(%dma_start3A_2150 : memref<32x128xf32, #tpu.memory_space<hbm>>) target(%dma_start3A_2148 : memref<32x128xf32, #tpu.memory_space<vmem>>) target_semaphore(%arg26 : memref<!tpu.dma_semaphore, #tpu.memory_space<semaphore_mem>>)
      } else {
      }
      %add3A_1139 = arith.constant 7 : i32
      %add3A_1140 = arith.addi %mul3A_397, %add3A_1139 : i32
      %dma_wait3A_1141 = arith.constant 14 : i32
      %dma_wait3A_1142 = arith.constant 0 : i32
      %dma_wait3A_1143 = arith.constant 0 : i32
      %dma_wait3A_1144 = tpu.memref_slice %arg11[%dma_wait3A_1141, %dma_wait3A_1142, %dma_wait3A_1143] : memref<18x32x128xf32, #tpu.memory_space<vmem>> -> memref<1x32x128xf32, #tpu.memory_space<vmem>>
      %dma_wait3A_1145 = tpu.memref_squeeze %dma_wait3A_1144 : memref<1x32x128xf32, #tpu.memory_space<vmem>> -> memref<32x128xf32, #tpu.memory_space<vmem>>
      %dma_wait3A_1146 = arith.constant 0 : i32
      %dma_wait3A_1147 = arith.constant 0 : i32
      %dma_wait3A_1148 = tpu.memref_slice %arg3[%dma_wait3A_1146, %dma_wait3A_1147] : memref<32x1000001xf32, #tpu.memory_space<hbm>> -> memref<32x128xf32, #tpu.memory_space<hbm>>
      %dma_wait3A_1149 = arith.constant 0 : i32
      %dma_wait3A_1150 = arith.constant 0 : i32
      %dma_wait3A_1151 = tpu.memref_slice %arg11[%dma_wait3A_1141, %dma_wait3A_1149, %dma_wait3A_1150] : memref<18x32x128xf32, #tpu.memory_space<vmem>> -> memref<1x32x128xf32, #tpu.memory_space<vmem>>
      %dma_wait3A_1152 = tpu.memref_squeeze %dma_wait3A_1151 : memref<1x32x128xf32, #tpu.memory_space<vmem>> -> memref<32x128xf32, #tpu.memory_space<vmem>>
      %dma_wait3A_1153 = arith.constant 0 : i32
      %dma_wait3A_1154 = arith.constant 0 : i32
      %dma_wait3A_1155 = tpu.memref_slice %arg3[%dma_wait3A_1153, %dma_wait3A_1154] : memref<32x1000001xf32, #tpu.memory_space<hbm>> -> memref<32x128xf32, #tpu.memory_space<hbm>>
      tpu.wait_dma2 semaphore(%arg27 : memref<!tpu.dma_semaphore, #tpu.memory_space<semaphore_mem>>) src(%dma_wait3A_1155 : memref<32x128xf32, #tpu.memory_space<hbm>>) dst(%dma_wait3A_1152 : memref<32x128xf32, #tpu.memory_space<vmem>>)
      %dma_wait3A_1156 = arith.constant 15 : i32
      %dma_wait3A_1157 = arith.constant 0 : i32
      %dma_wait3A_1158 = arith.constant 0 : i32
      %dma_wait3A_1159 = tpu.memref_slice %arg11[%dma_wait3A_1156, %dma_wait3A_1157, %dma_wait3A_1158] : memref<18x32x128xf32, #tpu.memory_space<vmem>> -> memref<1x32x128xf32, #tpu.memory_space<vmem>>
      %dma_wait3A_1160 = tpu.memref_squeeze %dma_wait3A_1159 : memref<1x32x128xf32, #tpu.memory_space<vmem>> -> memref<32x128xf32, #tpu.memory_space<vmem>>
      %dma_wait3A_1161 = arith.constant 0 : i32
      %dma_wait3A_1162 = arith.constant 0 : i32
      %dma_wait3A_1163 = tpu.memref_slice %arg4[%dma_wait3A_1161, %dma_wait3A_1162] : memref<32x1000001xf32, #tpu.memory_space<hbm>> -> memref<32x128xf32, #tpu.memory_space<hbm>>
      %dma_wait3A_1164 = arith.constant 0 : i32
      %dma_wait3A_1165 = arith.constant 0 : i32
      %dma_wait3A_1166 = tpu.memref_slice %arg11[%dma_wait3A_1156, %dma_wait3A_1164, %dma_wait3A_1165] : memref<18x32x128xf32, #tpu.memory_space<vmem>> -> memref<1x32x128xf32, #tpu.memory_space<vmem>>
      %dma_wait3A_1167 = tpu.memref_squeeze %dma_wait3A_1166 : memref<1x32x128xf32, #tpu.memory_space<vmem>> -> memref<32x128xf32, #tpu.memory_space<vmem>>
      %dma_wait3A_1168 = arith.constant 0 : i32
      %dma_wait3A_1169 = arith.constant 0 : i32
      %dma_wait3A_1170 = tpu.memref_slice %arg4[%dma_wait3A_1168, %dma_wait3A_1169] : memref<32x1000001xf32, #tpu.memory_space<hbm>> -> memref<32x128xf32, #tpu.memory_space<hbm>>
      tpu.wait_dma2 semaphore(%arg28 : memref<!tpu.dma_semaphore, #tpu.memory_space<semaphore_mem>>) src(%dma_wait3A_1170 : memref<32x128xf32, #tpu.memory_space<hbm>>) dst(%dma_wait3A_1167 : memref<32x128xf32, #tpu.memory_space<vmem>>)
      %get3A_1171 = arith.index_cast %mul3A_397 : i32 to index
      %get3A_1172 = tpu.vector_load %arg9[%get3A_1171] {strides = array<i32>} : memref<512xi32, #tpu.memory_space<vmem>>, vector<16xi32>,
      %slice3A_1173 = vector.extract_strided_slice %get3A_1172 {offsets = [7], sizes = [1], strides = [1]} : vector<16xi32> to vector<1xi32>
      %squeeze3A_1174 = vector.extract %slice3A_1173[0] : i32 from vector<1xi32>
      %get3A_1175 = arith.index_cast %mul3A_397 : i32 to index
      %get3A_1176 = tpu.vector_load %arg10[%get3A_1175] {strides = array<i32>} : memref<512xi32, #tpu.memory_space<vmem>>, vector<16xi32>,
      %slice3A_1177 = vector.extract_strided_slice %get3A_1176 {offsets = [7], sizes = [1], strides = [1]} : vector<16xi32> to vector<1xi32>
      %squeeze3A_1178 = vector.extract %slice3A_1177[0] : i32 from vector<1xi32>
      %ge3A_1179 = arith.constant 999936 : i32
      %ge3A_1180 = arith.cmpi sge, %squeeze3A_1174, %ge3A_1179 : i32
      %sub3A_1181 = arith.constant 999936 : i32
      %sub3A_1182 = arith.subi %squeeze3A_1174, %sub3A_1181 : i32
      %and3A_1183 = arith.constant 127 : i32
      %and3A_1184 = arith.andi %squeeze3A_1174, %and3A_1183 : i32
      %select_n3A_1185 = arith.select %ge3A_1180, %sub3A_1182, %and3A_1184 : i32
      %jit3A_1186 = arith.constant 16 : i32
      %jit3A_1187 = arith.constant 14 : i32
      %select_n3A_1188 = arith.select %ge3A_1180, %jit3A_1186, %jit3A_1187 : i32
      %iota3A_1189 = tpu.iota {dimensions = array<i32: 0>} : vector<16xi32>
      %add3A_1190 = arith.constant 0 : i32
      %add3A_1191 = vector.broadcast %add3A_1190 : i32 to vector<16xi32>
      %add3A_1192 = arith.addi %iota3A_1189, %add3A_1191 : vector<16xi32>
      %broadcast_in_dim3A_1193 = vector.broadcast %select_n3A_1188 : i32 to vector<16xi32>
      %broadcast_in_dim3A_1194 = vector.broadcast %select_n3A_1185 : i32 to vector<16xi32>
      %gather3A_1195 = tpu.vector_load_idx %arg11[%broadcast_in_dim3A_1193, %add3A_1192, %broadcast_in_dim3A_1194] : memref<18x32x128xf32, #tpu.memory_space<vmem>>[vector<16xi32>, vector<16xi32>, vector<16xi32>], vector<16xf32>,
      %iota3A_1196 = tpu.iota {dimensions = array<i32: 0>} : vector<16xi32>
      %add3A_1197 = arith.constant 16 : i32
      %add3A_1198 = vector.broadcast %add3A_1197 : i32 to vector<16xi32>
      %add3A_1199 = arith.addi %iota3A_1196, %add3A_1198 : vector<16xi32>
      %broadcast_in_dim3A_1200 = vector.broadcast %select_n3A_1188 : i32 to vector<16xi32>
      %broadcast_in_dim3A_1201 = vector.broadcast %select_n3A_1185 : i32 to vector<16xi32>
      %gather3A_1202 = tpu.vector_load_idx %arg11[%broadcast_in_dim3A_1200, %add3A_1199, %broadcast_in_dim3A_1201] : memref<18x32x128xf32, #tpu.memory_space<vmem>>[vector<16xi32>, vector<16xi32>, vector<16xi32>], vector<16xf32>,
      %ge3A_1203 = arith.constant 999936 : i32
      %ge3A_1204 = arith.cmpi sge, %squeeze3A_1178, %ge3A_1203 : i32
      %sub3A_1205 = arith.constant 999936 : i32
      %sub3A_1206 = arith.subi %squeeze3A_1178, %sub3A_1205 : i32
      %and3A_1207 = arith.constant 127 : i32
      %and3A_1208 = arith.andi %squeeze3A_1178, %and3A_1207 : i32
      %select_n3A_1209 = arith.select %ge3A_1204, %sub3A_1206, %and3A_1208 : i32
      %jit3A_1210 = arith.constant 17 : i32
      %jit3A_1211 = arith.constant 15 : i32
      %select_n3A_1212 = arith.select %ge3A_1204, %jit3A_1210, %jit3A_1211 : i32
      %iota3A_1213 = tpu.iota {dimensions = array<i32: 0>} : vector<16xi32>
      %add3A_1214 = arith.constant 0 : i32
      %add3A_1215 = vector.broadcast %add3A_1214 : i32 to vector<16xi32>
      %add3A_1216 = arith.addi %iota3A_1213, %add3A_1215 : vector<16xi32>
      %broadcast_in_dim3A_1217 = vector.broadcast %select_n3A_1212 : i32 to vector<16xi32>
      %broadcast_in_dim3A_1218 = vector.broadcast %select_n3A_1209 : i32 to vector<16xi32>
      %gather3A_1219 = tpu.vector_load_idx %arg11[%broadcast_in_dim3A_1217, %add3A_1216, %broadcast_in_dim3A_1218] : memref<18x32x128xf32, #tpu.memory_space<vmem>>[vector<16xi32>, vector<16xi32>, vector<16xi32>], vector<16xf32>,
      %iota3A_1220 = tpu.iota {dimensions = array<i32: 0>} : vector<16xi32>
      %add3A_1221 = arith.constant 16 : i32
      %add3A_1222 = vector.broadcast %add3A_1221 : i32 to vector<16xi32>
      %add3A_1223 = arith.addi %iota3A_1220, %add3A_1222 : vector<16xi32>
      %broadcast_in_dim3A_1224 = vector.broadcast %select_n3A_1212 : i32 to vector<16xi32>
      %broadcast_in_dim3A_1225 = vector.broadcast %select_n3A_1209 : i32 to vector<16xi32>
      %gather3A_1226 = tpu.vector_load_idx %arg11[%broadcast_in_dim3A_1224, %add3A_1223, %broadcast_in_dim3A_1225] : memref<18x32x128xf32, #tpu.memory_space<vmem>>[vector<16xi32>, vector<16xi32>, vector<16xi32>], vector<16xf32>,
      %mul3A_1227 = arith.mulf %gather3A_1195, %gather3A_1219 : vector<16xf32>
      %iota3A_1228 = tpu.iota {dimensions = array<i32: 0>} : vector<16xi32>
      %add3A_1229 = arith.constant 0 : i32
      %add3A_1230 = vector.broadcast %add3A_1229 : i32 to vector<16xi32>
      %add3A_1231 = arith.addi %iota3A_1228, %add3A_1230 : vector<16xi32>
      %broadcast_in_dim3A_1232 = vector.broadcast %add3A_1140 : i32 to vector<16xi32>
      tpu.vector_store_idx %arg12[%add3A_1231, %broadcast_in_dim3A_1232], %mul3A_1227 : memref<32x512xf32, #tpu.memory_space<vmem>>[vector<16xi32>, vector<16xi32>], vector<16xf32>,
      %mul3A_1233 = arith.mulf %gather3A_1202, %gather3A_1226 : vector<16xf32>
      %iota3A_1234 = tpu.iota {dimensions = array<i32: 0>} : vector<16xi32>
      %add3A_1235 = arith.constant 16 : i32
      %add3A_1236 = vector.broadcast %add3A_1235 : i32 to vector<16xi32>
      %add3A_1237 = arith.addi %iota3A_1234, %add3A_1236 : vector<16xi32>
      %broadcast_in_dim3A_1238 = vector.broadcast %add3A_1140 : i32 to vector<16xi32>
      tpu.vector_store_idx %arg12[%add3A_1237, %broadcast_in_dim3A_1238], %mul3A_1233 : memref<32x512xf32, #tpu.memory_space<vmem>>[vector<16xi32>, vector<16xi32>], vector<16xf32>,
      %add3A_1239 = arith.constant 8 : i32
      %add3A_1240 = arith.addi %add3A_1140, %add3A_1239 : i32
      %lt3A_1241 = arith.constant 512 : i32
      %lt3A_1242 = arith.cmpi slt, %add3A_1240, %lt3A_1241 : i32
      %convert_element_type3A_1243 = arith.extui %lt3A_1242 : i1 to i32
      %cond3A_1244 = arith.constant 0 : i32
      %cond3A_1245 = arith.cmpi ne, %convert_element_type3A_1243, %cond3A_1244 : i32
      scf.if %cond3A_1245 {
        %get3A_2103 = arith.index_cast %mul3A_397 : i32 to index
        %get3A_2104 = tpu.vector_load %arg9[%get3A_2103] {strides = array<i32>} : memref<512xi32, #tpu.memory_space<vmem>>, vector<16xi32>,
        %slice3A_2105 = vector.extract_strided_slice %get3A_2104 {offsets = [15], sizes = [1], strides = [1]} : vector<16xi32> to vector<1xi32>
        %squeeze3A_2106 = vector.extract %slice3A_2105[0] : i32 from vector<1xi32>
        %get3A_2107 = arith.index_cast %mul3A_397 : i32 to index
        %get3A_2108 = tpu.vector_load %arg10[%get3A_2107] {strides = array<i32>} : memref<512xi32, #tpu.memory_space<vmem>>, vector<16xi32>,
        %slice3A_2109 = vector.extract_strided_slice %get3A_2108 {offsets = [15], sizes = [1], strides = [1]} : vector<16xi32> to vector<1xi32>
        %squeeze3A_2110 = vector.extract %slice3A_2109[0] : i32 from vector<1xi32>
        %shift_right_logical3A_2111 = arith.constant 7 : i32
        %shift_right_logical3A_2112 = arith.shrui %squeeze3A_2106, %shift_right_logical3A_2111 : i32
        %min3A_2113 = arith.constant 7811 : i32
        %min3A_2114 = arith.minsi %shift_right_logical3A_2112, %min3A_2113 : i32
        %mul3A_2115 = arith.constant 128 : i32
        %mul3A_2116 = arith.muli %min3A_2114, %mul3A_2115 : i32
        %multiple_of3A_2117 = tpu.assume_multiple %mul3A_2116, 128 : i32
        %dma_start3A_2118 = arith.constant 14 : i32
        %dma_start3A_2119 = arith.constant 0 : i32
        %dma_start3A_2120 = arith.constant 0 : i32
        %dma_start3A_2121 = tpu.memref_slice %arg11[%dma_start3A_2118, %dma_start3A_2119, %dma_start3A_2120] : memref<18x32x128xf32, #tpu.memory_space<vmem>> -> memref<1x32x128xf32, #tpu.memory_space<vmem>>
        %dma_start3A_2122 = tpu.memref_squeeze %dma_start3A_2121 : memref<1x32x128xf32, #tpu.memory_space<vmem>> -> memref<32x128xf32, #tpu.memory_space<vmem>>
        %dma_start3A_2123 = arith.constant 0 : i32
        %dma_start3A_2124 = tpu.memref_slice %arg3[%dma_start3A_2123, %multiple_of3A_2117] : memref<32x1000001xf32, #tpu.memory_space<hbm>> -> memref<32x128xf32, #tpu.memory_space<hbm>>
        %dma_start3A_2125 = arith.constant 0 : i32
        %dma_start3A_2126 = arith.constant 0 : i32
        %dma_start3A_2127 = tpu.memref_slice %arg11[%dma_start3A_2118, %dma_start3A_2125, %dma_start3A_2126] : memref<18x32x128xf32, #tpu.memory_space<vmem>> -> memref<1x32x128xf32, #tpu.memory_space<vmem>>
        %dma_start3A_2128 = tpu.memref_squeeze %dma_start3A_2127 : memref<1x32x128xf32, #tpu.memory_space<vmem>> -> memref<32x128xf32, #tpu.memory_space<vmem>>
        %dma_start3A_2129 = arith.constant 0 : i32
        %dma_start3A_2130 = tpu.memref_slice %arg3[%dma_start3A_2129, %multiple_of3A_2117] : memref<32x1000001xf32, #tpu.memory_space<hbm>> -> memref<32x128xf32, #tpu.memory_space<hbm>>
        tpu.enqueue_dma source(%dma_start3A_2130 : memref<32x128xf32, #tpu.memory_space<hbm>>) target(%dma_start3A_2128 : memref<32x128xf32, #tpu.memory_space<vmem>>) target_semaphore(%arg27 : memref<!tpu.dma_semaphore, #tpu.memory_space<semaphore_mem>>)
        %shift_right_logical3A_2131 = arith.constant 7 : i32
        %shift_right_logical3A_2132 = arith.shrui %squeeze3A_2110, %shift_right_logical3A_2131 : i32
        %min3A_2133 = arith.constant 7811 : i32
        %min3A_2134 = arith.minsi %shift_right_logical3A_2132, %min3A_2133 : i32
        %mul3A_2135 = arith.constant 128 : i32
        %mul3A_2136 = arith.muli %min3A_2134, %mul3A_2135 : i32
        %multiple_of3A_2137 = tpu.assume_multiple %mul3A_2136, 128 : i32
        %dma_start3A_2138 = arith.constant 15 : i32
        %dma_start3A_2139 = arith.constant 0 : i32
        %dma_start3A_2140 = arith.constant 0 : i32
        %dma_start3A_2141 = tpu.memref_slice %arg11[%dma_start3A_2138, %dma_start3A_2139, %dma_start3A_2140] : memref<18x32x128xf32, #tpu.memory_space<vmem>> -> memref<1x32x128xf32, #tpu.memory_space<vmem>>
        %dma_start3A_2142 = tpu.memref_squeeze %dma_start3A_2141 : memref<1x32x128xf32, #tpu.memory_space<vmem>> -> memref<32x128xf32, #tpu.memory_space<vmem>>
        %dma_start3A_2143 = arith.constant 0 : i32
        %dma_start3A_2144 = tpu.memref_slice %arg4[%dma_start3A_2143, %multiple_of3A_2137] : memref<32x1000001xf32, #tpu.memory_space<hbm>> -> memref<32x128xf32, #tpu.memory_space<hbm>>
        %dma_start3A_2145 = arith.constant 0 : i32
        %dma_start3A_2146 = arith.constant 0 : i32
        %dma_start3A_2147 = tpu.memref_slice %arg11[%dma_start3A_2138, %dma_start3A_2145, %dma_start3A_2146] : memref<18x32x128xf32, #tpu.memory_space<vmem>> -> memref<1x32x128xf32, #tpu.memory_space<vmem>>
        %dma_start3A_2148 = tpu.memref_squeeze %dma_start3A_2147 : memref<1x32x128xf32, #tpu.memory_space<vmem>> -> memref<32x128xf32, #tpu.memory_space<vmem>>
        %dma_start3A_2149 = arith.constant 0 : i32
        %dma_start3A_2150 = tpu.memref_slice %arg4[%dma_start3A_2149, %multiple_of3A_2137] : memref<32x1000001xf32, #tpu.memory_space<hbm>> -> memref<32x128xf32, #tpu.memory_space<hbm>>
        tpu.enqueue_dma source(%dma_start3A_2150 : memref<32x128xf32, #tpu.memory_space<hbm>>) target(%dma_start3A_2148 : memref<32x128xf32, #tpu.memory_space<vmem>>) target_semaphore(%arg28 : memref<!tpu.dma_semaphore, #tpu.memory_space<semaphore_mem>>)
      } else {
      }
      %add3A_1246 = arith.constant 8 : i32
      %add3A_1247 = arith.addi %mul3A_397, %add3A_1246 : i32
      %dma_wait3A_1248 = arith.constant 0 : i32
      %dma_wait3A_1249 = arith.constant 0 : i32
      %dma_wait3A_1250 = arith.constant 0 : i32
      %dma_wait3A_1251 = tpu.memref_slice %arg11[%dma_wait3A_1248, %dma_wait3A_1249, %dma_wait3A_1250] : memref<18x32x128xf32, #tpu.memory_space<vmem>> -> memref<1x32x128xf32, #tpu.memory_space<vmem>>
      %dma_wait3A_1252 = tpu.memref_squeeze %dma_wait3A_1251 : memref<1x32x128xf32, #tpu.memory_space<vmem>> -> memref<32x128xf32, #tpu.memory_space<vmem>>
      %dma_wait3A_1253 = arith.constant 0 : i32
      %dma_wait3A_1254 = arith.constant 0 : i32
      %dma_wait3A_1255 = tpu.memref_slice %arg3[%dma_wait3A_1253, %dma_wait3A_1254] : memref<32x1000001xf32, #tpu.memory_space<hbm>> -> memref<32x128xf32, #tpu.memory_space<hbm>>
      %dma_wait3A_1256 = arith.constant 0 : i32
      %dma_wait3A_1257 = arith.constant 0 : i32
      %dma_wait3A_1258 = tpu.memref_slice %arg11[%dma_wait3A_1248, %dma_wait3A_1256, %dma_wait3A_1257] : memref<18x32x128xf32, #tpu.memory_space<vmem>> -> memref<1x32x128xf32, #tpu.memory_space<vmem>>
      %dma_wait3A_1259 = tpu.memref_squeeze %dma_wait3A_1258 : memref<1x32x128xf32, #tpu.memory_space<vmem>> -> memref<32x128xf32, #tpu.memory_space<vmem>>
      %dma_wait3A_1260 = arith.constant 0 : i32
      %dma_wait3A_1261 = arith.constant 0 : i32
      %dma_wait3A_1262 = tpu.memref_slice %arg3[%dma_wait3A_1260, %dma_wait3A_1261] : memref<32x1000001xf32, #tpu.memory_space<hbm>> -> memref<32x128xf32, #tpu.memory_space<hbm>>
      tpu.wait_dma2 semaphore(%arg13 : memref<!tpu.dma_semaphore, #tpu.memory_space<semaphore_mem>>) src(%dma_wait3A_1262 : memref<32x128xf32, #tpu.memory_space<hbm>>) dst(%dma_wait3A_1259 : memref<32x128xf32, #tpu.memory_space<vmem>>)
      %dma_wait3A_1263 = arith.constant 1 : i32
      %dma_wait3A_1264 = arith.constant 0 : i32
      %dma_wait3A_1265 = arith.constant 0 : i32
      %dma_wait3A_1266 = tpu.memref_slice %arg11[%dma_wait3A_1263, %dma_wait3A_1264, %dma_wait3A_1265] : memref<18x32x128xf32, #tpu.memory_space<vmem>> -> memref<1x32x128xf32, #tpu.memory_space<vmem>>
      %dma_wait3A_1267 = tpu.memref_squeeze %dma_wait3A_1266 : memref<1x32x128xf32, #tpu.memory_space<vmem>> -> memref<32x128xf32, #tpu.memory_space<vmem>>
      %dma_wait3A_1268 = arith.constant 0 : i32
      %dma_wait3A_1269 = arith.constant 0 : i32
      %dma_wait3A_1270 = tpu.memref_slice %arg4[%dma_wait3A_1268, %dma_wait3A_1269] : memref<32x1000001xf32, #tpu.memory_space<hbm>> -> memref<32x128xf32, #tpu.memory_space<hbm>>
      %dma_wait3A_1271 = arith.constant 0 : i32
      %dma_wait3A_1272 = arith.constant 0 : i32
      %dma_wait3A_1273 = tpu.memref_slice %arg11[%dma_wait3A_1263, %dma_wait3A_1271, %dma_wait3A_1272] : memref<18x32x128xf32, #tpu.memory_space<vmem>> -> memref<1x32x128xf32, #tpu.memory_space<vmem>>
      %dma_wait3A_1274 = tpu.memref_squeeze %dma_wait3A_1273 : memref<1x32x128xf32, #tpu.memory_space<vmem>> -> memref<32x128xf32, #tpu.memory_space<vmem>>
      %dma_wait3A_1275 = arith.constant 0 : i32
      %dma_wait3A_1276 = arith.constant 0 : i32
      %dma_wait3A_1277 = tpu.memref_slice %arg4[%dma_wait3A_1275, %dma_wait3A_1276] : memref<32x1000001xf32, #tpu.memory_space<hbm>> -> memref<32x128xf32, #tpu.memory_space<hbm>>
      tpu.wait_dma2 semaphore(%arg14 : memref<!tpu.dma_semaphore, #tpu.memory_space<semaphore_mem>>) src(%dma_wait3A_1277 : memref<32x128xf32, #tpu.memory_space<hbm>>) dst(%dma_wait3A_1274 : memref<32x128xf32, #tpu.memory_space<vmem>>)
      %get3A_1278 = arith.index_cast %mul3A_397 : i32 to index
      %get3A_1279 = tpu.vector_load %arg9[%get3A_1278] {strides = array<i32>} : memref<512xi32, #tpu.memory_space<vmem>>, vector<16xi32>,
      %slice3A_1280 = vector.extract_strided_slice %get3A_1279 {offsets = [8], sizes = [1], strides = [1]} : vector<16xi32> to vector<1xi32>
      %squeeze3A_1281 = vector.extract %slice3A_1280[0] : i32 from vector<1xi32>
      %get3A_1282 = arith.index_cast %mul3A_397 : i32 to index
      %get3A_1283 = tpu.vector_load %arg10[%get3A_1282] {strides = array<i32>} : memref<512xi32, #tpu.memory_space<vmem>>, vector<16xi32>,
      %slice3A_1284 = vector.extract_strided_slice %get3A_1283 {offsets = [8], sizes = [1], strides = [1]} : vector<16xi32> to vector<1xi32>
      %squeeze3A_1285 = vector.extract %slice3A_1284[0] : i32 from vector<1xi32>
      %ge3A_1286 = arith.constant 999936 : i32
      %ge3A_1287 = arith.cmpi sge, %squeeze3A_1281, %ge3A_1286 : i32
      %sub3A_1288 = arith.constant 999936 : i32
      %sub3A_1289 = arith.subi %squeeze3A_1281, %sub3A_1288 : i32
      %and3A_1290 = arith.constant 127 : i32
      %and3A_1291 = arith.andi %squeeze3A_1281, %and3A_1290 : i32
      %select_n3A_1292 = arith.select %ge3A_1287, %sub3A_1289, %and3A_1291 : i32
      %jit3A_1293 = arith.constant 16 : i32
      %jit3A_1294 = arith.constant 0 : i32
      %select_n3A_1295 = arith.select %ge3A_1287, %jit3A_1293, %jit3A_1294 : i32
      %iota3A_1296 = tpu.iota {dimensions = array<i32: 0>} : vector<16xi32>
      %add3A_1297 = arith.constant 0 : i32
      %add3A_1298 = vector.broadcast %add3A_1297 : i32 to vector<16xi32>
      %add3A_1299 = arith.addi %iota3A_1296, %add3A_1298 : vector<16xi32>
      %broadcast_in_dim3A_1300 = vector.broadcast %select_n3A_1295 : i32 to vector<16xi32>
      %broadcast_in_dim3A_1301 = vector.broadcast %select_n3A_1292 : i32 to vector<16xi32>
      %gather3A_1302 = tpu.vector_load_idx %arg11[%broadcast_in_dim3A_1300, %add3A_1299, %broadcast_in_dim3A_1301] : memref<18x32x128xf32, #tpu.memory_space<vmem>>[vector<16xi32>, vector<16xi32>, vector<16xi32>], vector<16xf32>,
      %iota3A_1303 = tpu.iota {dimensions = array<i32: 0>} : vector<16xi32>
      %add3A_1304 = arith.constant 16 : i32
      %add3A_1305 = vector.broadcast %add3A_1304 : i32 to vector<16xi32>
      %add3A_1306 = arith.addi %iota3A_1303, %add3A_1305 : vector<16xi32>
      %broadcast_in_dim3A_1307 = vector.broadcast %select_n3A_1295 : i32 to vector<16xi32>
      %broadcast_in_dim3A_1308 = vector.broadcast %select_n3A_1292 : i32 to vector<16xi32>
      %gather3A_1309 = tpu.vector_load_idx %arg11[%broadcast_in_dim3A_1307, %add3A_1306, %broadcast_in_dim3A_1308] : memref<18x32x128xf32, #tpu.memory_space<vmem>>[vector<16xi32>, vector<16xi32>, vector<16xi32>], vector<16xf32>,
      %ge3A_1310 = arith.constant 999936 : i32
      %ge3A_1311 = arith.cmpi sge, %squeeze3A_1285, %ge3A_1310 : i32
      %sub3A_1312 = arith.constant 999936 : i32
      %sub3A_1313 = arith.subi %squeeze3A_1285, %sub3A_1312 : i32
      %and3A_1314 = arith.constant 127 : i32
      %and3A_1315 = arith.andi %squeeze3A_1285, %and3A_1314 : i32
      %select_n3A_1316 = arith.select %ge3A_1311, %sub3A_1313, %and3A_1315 : i32
      %jit3A_1317 = arith.constant 17 : i32
      %jit3A_1318 = arith.constant 1 : i32
      %select_n3A_1319 = arith.select %ge3A_1311, %jit3A_1317, %jit3A_1318 : i32
      %iota3A_1320 = tpu.iota {dimensions = array<i32: 0>} : vector<16xi32>
      %add3A_1321 = arith.constant 0 : i32
      %add3A_1322 = vector.broadcast %add3A_1321 : i32 to vector<16xi32>
      %add3A_1323 = arith.addi %iota3A_1320, %add3A_1322 : vector<16xi32>
      %broadcast_in_dim3A_1324 = vector.broadcast %select_n3A_1319 : i32 to vector<16xi32>
      %broadcast_in_dim3A_1325 = vector.broadcast %select_n3A_1316 : i32 to vector<16xi32>
      %gather3A_1326 = tpu.vector_load_idx %arg11[%broadcast_in_dim3A_1324, %add3A_1323, %broadcast_in_dim3A_1325] : memref<18x32x128xf32, #tpu.memory_space<vmem>>[vector<16xi32>, vector<16xi32>, vector<16xi32>], vector<16xf32>,
      %iota3A_1327 = tpu.iota {dimensions = array<i32: 0>} : vector<16xi32>
      %add3A_1328 = arith.constant 16 : i32
      %add3A_1329 = vector.broadcast %add3A_1328 : i32 to vector<16xi32>
      %add3A_1330 = arith.addi %iota3A_1327, %add3A_1329 : vector<16xi32>
      %broadcast_in_dim3A_1331 = vector.broadcast %select_n3A_1319 : i32 to vector<16xi32>
      %broadcast_in_dim3A_1332 = vector.broadcast %select_n3A_1316 : i32 to vector<16xi32>
      %gather3A_1333 = tpu.vector_load_idx %arg11[%broadcast_in_dim3A_1331, %add3A_1330, %broadcast_in_dim3A_1332] : memref<18x32x128xf32, #tpu.memory_space<vmem>>[vector<16xi32>, vector<16xi32>, vector<16xi32>], vector<16xf32>,
      %mul3A_1334 = arith.mulf %gather3A_1302, %gather3A_1326 : vector<16xf32>
      %iota3A_1335 = tpu.iota {dimensions = array<i32: 0>} : vector<16xi32>
      %add3A_1336 = arith.constant 0 : i32
      %add3A_1337 = vector.broadcast %add3A_1336 : i32 to vector<16xi32>
      %add3A_1338 = arith.addi %iota3A_1335, %add3A_1337 : vector<16xi32>
      %broadcast_in_dim3A_1339 = vector.broadcast %add3A_1247 : i32 to vector<16xi32>
      tpu.vector_store_idx %arg12[%add3A_1338, %broadcast_in_dim3A_1339], %mul3A_1334 : memref<32x512xf32, #tpu.memory_space<vmem>>[vector<16xi32>, vector<16xi32>], vector<16xf32>,
      %mul3A_1340 = arith.mulf %gather3A_1309, %gather3A_1333 : vector<16xf32>
      %iota3A_1341 = tpu.iota {dimensions = array<i32: 0>} : vector<16xi32>
      %add3A_1342 = arith.constant 16 : i32
      %add3A_1343 = vector.broadcast %add3A_1342 : i32 to vector<16xi32>
      %add3A_1344 = arith.addi %iota3A_1341, %add3A_1343 : vector<16xi32>
      %broadcast_in_dim3A_1345 = vector.broadcast %add3A_1247 : i32 to vector<16xi32>
      tpu.vector_store_idx %arg12[%add3A_1344, %broadcast_in_dim3A_1345], %mul3A_1340 : memref<32x512xf32, #tpu.memory_space<vmem>>[vector<16xi32>, vector<16xi32>], vector<16xf32>,
      %add3A_1346 = arith.constant 8 : i32
      %add3A_1347 = arith.addi %add3A_1247, %add3A_1346 : i32
      %lt3A_1348 = arith.constant 512 : i32
      %lt3A_1349 = arith.cmpi slt, %add3A_1347, %lt3A_1348 : i32
      %convert_element_type3A_1350 = arith.extui %lt3A_1349 : i1 to i32
      %cond3A_1351 = arith.constant 0 : i32
      %cond3A_1352 = arith.cmpi ne, %convert_element_type3A_1350, %cond3A_1351 : i32
      scf.if %cond3A_1352 {
        %get3A_2103 = arith.index_cast %min3A_401 : i32 to index
        %get3A_2104 = tpu.vector_load %arg9[%get3A_2103] {strides = array<i32>} : memref<512xi32, #tpu.memory_space<vmem>>, vector<16xi32>,
        %slice3A_2105 = vector.extract_strided_slice %get3A_2104 {offsets = [0], sizes = [1], strides = [1]} : vector<16xi32> to vector<1xi32>
        %squeeze3A_2106 = vector.extract %slice3A_2105[0] : i32 from vector<1xi32>
        %get3A_2107 = arith.index_cast %min3A_401 : i32 to index
        %get3A_2108 = tpu.vector_load %arg10[%get3A_2107] {strides = array<i32>} : memref<512xi32, #tpu.memory_space<vmem>>, vector<16xi32>,
        %slice3A_2109 = vector.extract_strided_slice %get3A_2108 {offsets = [0], sizes = [1], strides = [1]} : vector<16xi32> to vector<1xi32>
        %squeeze3A_2110 = vector.extract %slice3A_2109[0] : i32 from vector<1xi32>
        %shift_right_logical3A_2111 = arith.constant 7 : i32
        %shift_right_logical3A_2112 = arith.shrui %squeeze3A_2106, %shift_right_logical3A_2111 : i32
        %min3A_2113 = arith.constant 7811 : i32
        %min3A_2114 = arith.minsi %shift_right_logical3A_2112, %min3A_2113 : i32
        %mul3A_2115 = arith.constant 128 : i32
        %mul3A_2116 = arith.muli %min3A_2114, %mul3A_2115 : i32
        %multiple_of3A_2117 = tpu.assume_multiple %mul3A_2116, 128 : i32
        %dma_start3A_2118 = arith.constant 0 : i32
        %dma_start3A_2119 = arith.constant 0 : i32
        %dma_start3A_2120 = arith.constant 0 : i32
        %dma_start3A_2121 = tpu.memref_slice %arg11[%dma_start3A_2118, %dma_start3A_2119, %dma_start3A_2120] : memref<18x32x128xf32, #tpu.memory_space<vmem>> -> memref<1x32x128xf32, #tpu.memory_space<vmem>>
        %dma_start3A_2122 = tpu.memref_squeeze %dma_start3A_2121 : memref<1x32x128xf32, #tpu.memory_space<vmem>> -> memref<32x128xf32, #tpu.memory_space<vmem>>
        %dma_start3A_2123 = arith.constant 0 : i32
        %dma_start3A_2124 = tpu.memref_slice %arg3[%dma_start3A_2123, %multiple_of3A_2117] : memref<32x1000001xf32, #tpu.memory_space<hbm>> -> memref<32x128xf32, #tpu.memory_space<hbm>>
        %dma_start3A_2125 = arith.constant 0 : i32
        %dma_start3A_2126 = arith.constant 0 : i32
        %dma_start3A_2127 = tpu.memref_slice %arg11[%dma_start3A_2118, %dma_start3A_2125, %dma_start3A_2126] : memref<18x32x128xf32, #tpu.memory_space<vmem>> -> memref<1x32x128xf32, #tpu.memory_space<vmem>>
        %dma_start3A_2128 = tpu.memref_squeeze %dma_start3A_2127 : memref<1x32x128xf32, #tpu.memory_space<vmem>> -> memref<32x128xf32, #tpu.memory_space<vmem>>
        %dma_start3A_2129 = arith.constant 0 : i32
        %dma_start3A_2130 = tpu.memref_slice %arg3[%dma_start3A_2129, %multiple_of3A_2117] : memref<32x1000001xf32, #tpu.memory_space<hbm>> -> memref<32x128xf32, #tpu.memory_space<hbm>>
        tpu.enqueue_dma source(%dma_start3A_2130 : memref<32x128xf32, #tpu.memory_space<hbm>>) target(%dma_start3A_2128 : memref<32x128xf32, #tpu.memory_space<vmem>>) target_semaphore(%arg13 : memref<!tpu.dma_semaphore, #tpu.memory_space<semaphore_mem>>)
        %shift_right_logical3A_2131 = arith.constant 7 : i32
        %shift_right_logical3A_2132 = arith.shrui %squeeze3A_2110, %shift_right_logical3A_2131 : i32
        %min3A_2133 = arith.constant 7811 : i32
        %min3A_2134 = arith.minsi %shift_right_logical3A_2132, %min3A_2133 : i32
        %mul3A_2135 = arith.constant 128 : i32
        %mul3A_2136 = arith.muli %min3A_2134, %mul3A_2135 : i32
        %multiple_of3A_2137 = tpu.assume_multiple %mul3A_2136, 128 : i32
        %dma_start3A_2138 = arith.constant 1 : i32
        %dma_start3A_2139 = arith.constant 0 : i32
        %dma_start3A_2140 = arith.constant 0 : i32
        %dma_start3A_2141 = tpu.memref_slice %arg11[%dma_start3A_2138, %dma_start3A_2139, %dma_start3A_2140] : memref<18x32x128xf32, #tpu.memory_space<vmem>> -> memref<1x32x128xf32, #tpu.memory_space<vmem>>
        %dma_start3A_2142 = tpu.memref_squeeze %dma_start3A_2141 : memref<1x32x128xf32, #tpu.memory_space<vmem>> -> memref<32x128xf32, #tpu.memory_space<vmem>>
        %dma_start3A_2143 = arith.constant 0 : i32
        %dma_start3A_2144 = tpu.memref_slice %arg4[%dma_start3A_2143, %multiple_of3A_2137] : memref<32x1000001xf32, #tpu.memory_space<hbm>> -> memref<32x128xf32, #tpu.memory_space<hbm>>
        %dma_start3A_2145 = arith.constant 0 : i32
        %dma_start3A_2146 = arith.constant 0 : i32
        %dma_start3A_2147 = tpu.memref_slice %arg11[%dma_start3A_2138, %dma_start3A_2145, %dma_start3A_2146] : memref<18x32x128xf32, #tpu.memory_space<vmem>> -> memref<1x32x128xf32, #tpu.memory_space<vmem>>
        %dma_start3A_2148 = tpu.memref_squeeze %dma_start3A_2147 : memref<1x32x128xf32, #tpu.memory_space<vmem>> -> memref<32x128xf32, #tpu.memory_space<vmem>>
        %dma_start3A_2149 = arith.constant 0 : i32
        %dma_start3A_2150 = tpu.memref_slice %arg4[%dma_start3A_2149, %multiple_of3A_2137] : memref<32x1000001xf32, #tpu.memory_space<hbm>> -> memref<32x128xf32, #tpu.memory_space<hbm>>
        tpu.enqueue_dma source(%dma_start3A_2150 : memref<32x128xf32, #tpu.memory_space<hbm>>) target(%dma_start3A_2148 : memref<32x128xf32, #tpu.memory_space<vmem>>) target_semaphore(%arg14 : memref<!tpu.dma_semaphore, #tpu.memory_space<semaphore_mem>>)
      } else {
      }
      %add3A_1353 = arith.constant 9 : i32
      %add3A_1354 = arith.addi %mul3A_397, %add3A_1353 : i32
      %dma_wait3A_1355 = arith.constant 2 : i32
      %dma_wait3A_1356 = arith.constant 0 : i32
      %dma_wait3A_1357 = arith.constant 0 : i32
      %dma_wait3A_1358 = tpu.memref_slice %arg11[%dma_wait3A_1355, %dma_wait3A_1356, %dma_wait3A_1357] : memref<18x32x128xf32, #tpu.memory_space<vmem>> -> memref<1x32x128xf32, #tpu.memory_space<vmem>>
      %dma_wait3A_1359 = tpu.memref_squeeze %dma_wait3A_1358 : memref<1x32x128xf32, #tpu.memory_space<vmem>> -> memref<32x128xf32, #tpu.memory_space<vmem>>
      %dma_wait3A_1360 = arith.constant 0 : i32
      %dma_wait3A_1361 = arith.constant 0 : i32
      %dma_wait3A_1362 = tpu.memref_slice %arg3[%dma_wait3A_1360, %dma_wait3A_1361] : memref<32x1000001xf32, #tpu.memory_space<hbm>> -> memref<32x128xf32, #tpu.memory_space<hbm>>
      %dma_wait3A_1363 = arith.constant 0 : i32
      %dma_wait3A_1364 = arith.constant 0 : i32
      %dma_wait3A_1365 = tpu.memref_slice %arg11[%dma_wait3A_1355, %dma_wait3A_1363, %dma_wait3A_1364] : memref<18x32x128xf32, #tpu.memory_space<vmem>> -> memref<1x32x128xf32, #tpu.memory_space<vmem>>
      %dma_wait3A_1366 = tpu.memref_squeeze %dma_wait3A_1365 : memref<1x32x128xf32, #tpu.memory_space<vmem>> -> memref<32x128xf32, #tpu.memory_space<vmem>>
      %dma_wait3A_1367 = arith.constant 0 : i32
      %dma_wait3A_1368 = arith.constant 0 : i32
      %dma_wait3A_1369 = tpu.memref_slice %arg3[%dma_wait3A_1367, %dma_wait3A_1368] : memref<32x1000001xf32, #tpu.memory_space<hbm>> -> memref<32x128xf32, #tpu.memory_space<hbm>>
      tpu.wait_dma2 semaphore(%arg15 : memref<!tpu.dma_semaphore, #tpu.memory_space<semaphore_mem>>) src(%dma_wait3A_1369 : memref<32x128xf32, #tpu.memory_space<hbm>>) dst(%dma_wait3A_1366 : memref<32x128xf32, #tpu.memory_space<vmem>>)
      %dma_wait3A_1370 = arith.constant 3 : i32
      %dma_wait3A_1371 = arith.constant 0 : i32
      %dma_wait3A_1372 = arith.constant 0 : i32
      %dma_wait3A_1373 = tpu.memref_slice %arg11[%dma_wait3A_1370, %dma_wait3A_1371, %dma_wait3A_1372] : memref<18x32x128xf32, #tpu.memory_space<vmem>> -> memref<1x32x128xf32, #tpu.memory_space<vmem>>
      %dma_wait3A_1374 = tpu.memref_squeeze %dma_wait3A_1373 : memref<1x32x128xf32, #tpu.memory_space<vmem>> -> memref<32x128xf32, #tpu.memory_space<vmem>>
      %dma_wait3A_1375 = arith.constant 0 : i32
      %dma_wait3A_1376 = arith.constant 0 : i32
      %dma_wait3A_1377 = tpu.memref_slice %arg4[%dma_wait3A_1375, %dma_wait3A_1376] : memref<32x1000001xf32, #tpu.memory_space<hbm>> -> memref<32x128xf32, #tpu.memory_space<hbm>>
      %dma_wait3A_1378 = arith.constant 0 : i32
      %dma_wait3A_1379 = arith.constant 0 : i32
      %dma_wait3A_1380 = tpu.memref_slice %arg11[%dma_wait3A_1370, %dma_wait3A_1378, %dma_wait3A_1379] : memref<18x32x128xf32, #tpu.memory_space<vmem>> -> memref<1x32x128xf32, #tpu.memory_space<vmem>>
      %dma_wait3A_1381 = tpu.memref_squeeze %dma_wait3A_1380 : memref<1x32x128xf32, #tpu.memory_space<vmem>> -> memref<32x128xf32, #tpu.memory_space<vmem>>
      %dma_wait3A_1382 = arith.constant 0 : i32
      %dma_wait3A_1383 = arith.constant 0 : i32
      %dma_wait3A_1384 = tpu.memref_slice %arg4[%dma_wait3A_1382, %dma_wait3A_1383] : memref<32x1000001xf32, #tpu.memory_space<hbm>> -> memref<32x128xf32, #tpu.memory_space<hbm>>
      tpu.wait_dma2 semaphore(%arg16 : memref<!tpu.dma_semaphore, #tpu.memory_space<semaphore_mem>>) src(%dma_wait3A_1384 : memref<32x128xf32, #tpu.memory_space<hbm>>) dst(%dma_wait3A_1381 : memref<32x128xf32, #tpu.memory_space<vmem>>)
      %get3A_1385 = arith.index_cast %mul3A_397 : i32 to index
      %get3A_1386 = tpu.vector_load %arg9[%get3A_1385] {strides = array<i32>} : memref<512xi32, #tpu.memory_space<vmem>>, vector<16xi32>,
      %slice3A_1387 = vector.extract_strided_slice %get3A_1386 {offsets = [9], sizes = [1], strides = [1]} : vector<16xi32> to vector<1xi32>
      %squeeze3A_1388 = vector.extract %slice3A_1387[0] : i32 from vector<1xi32>
      %get3A_1389 = arith.index_cast %mul3A_397 : i32 to index
      %get3A_1390 = tpu.vector_load %arg10[%get3A_1389] {strides = array<i32>} : memref<512xi32, #tpu.memory_space<vmem>>, vector<16xi32>,
      %slice3A_1391 = vector.extract_strided_slice %get3A_1390 {offsets = [9], sizes = [1], strides = [1]} : vector<16xi32> to vector<1xi32>
      %squeeze3A_1392 = vector.extract %slice3A_1391[0] : i32 from vector<1xi32>
      %ge3A_1393 = arith.constant 999936 : i32
      %ge3A_1394 = arith.cmpi sge, %squeeze3A_1388, %ge3A_1393 : i32
      %sub3A_1395 = arith.constant 999936 : i32
      %sub3A_1396 = arith.subi %squeeze3A_1388, %sub3A_1395 : i32
      %and3A_1397 = arith.constant 127 : i32
      %and3A_1398 = arith.andi %squeeze3A_1388, %and3A_1397 : i32
      %select_n3A_1399 = arith.select %ge3A_1394, %sub3A_1396, %and3A_1398 : i32
      %jit3A_1400 = arith.constant 16 : i32
      %jit3A_1401 = arith.constant 2 : i32
      %select_n3A_1402 = arith.select %ge3A_1394, %jit3A_1400, %jit3A_1401 : i32
      %iota3A_1403 = tpu.iota {dimensions = array<i32: 0>} : vector<16xi32>
      %add3A_1404 = arith.constant 0 : i32
      %add3A_1405 = vector.broadcast %add3A_1404 : i32 to vector<16xi32>
      %add3A_1406 = arith.addi %iota3A_1403, %add3A_1405 : vector<16xi32>
      %broadcast_in_dim3A_1407 = vector.broadcast %select_n3A_1402 : i32 to vector<16xi32>
      %broadcast_in_dim3A_1408 = vector.broadcast %select_n3A_1399 : i32 to vector<16xi32>
      %gather3A_1409 = tpu.vector_load_idx %arg11[%broadcast_in_dim3A_1407, %add3A_1406, %broadcast_in_dim3A_1408] : memref<18x32x128xf32, #tpu.memory_space<vmem>>[vector<16xi32>, vector<16xi32>, vector<16xi32>], vector<16xf32>,
      %iota3A_1410 = tpu.iota {dimensions = array<i32: 0>} : vector<16xi32>
      %add3A_1411 = arith.constant 16 : i32
      %add3A_1412 = vector.broadcast %add3A_1411 : i32 to vector<16xi32>
      %add3A_1413 = arith.addi %iota3A_1410, %add3A_1412 : vector<16xi32>
      %broadcast_in_dim3A_1414 = vector.broadcast %select_n3A_1402 : i32 to vector<16xi32>
      %broadcast_in_dim3A_1415 = vector.broadcast %select_n3A_1399 : i32 to vector<16xi32>
      %gather3A_1416 = tpu.vector_load_idx %arg11[%broadcast_in_dim3A_1414, %add3A_1413, %broadcast_in_dim3A_1415] : memref<18x32x128xf32, #tpu.memory_space<vmem>>[vector<16xi32>, vector<16xi32>, vector<16xi32>], vector<16xf32>,
      %ge3A_1417 = arith.constant 999936 : i32
      %ge3A_1418 = arith.cmpi sge, %squeeze3A_1392, %ge3A_1417 : i32
      %sub3A_1419 = arith.constant 999936 : i32
      %sub3A_1420 = arith.subi %squeeze3A_1392, %sub3A_1419 : i32
      %and3A_1421 = arith.constant 127 : i32
      %and3A_1422 = arith.andi %squeeze3A_1392, %and3A_1421 : i32
      %select_n3A_1423 = arith.select %ge3A_1418, %sub3A_1420, %and3A_1422 : i32
      %jit3A_1424 = arith.constant 17 : i32
      %jit3A_1425 = arith.constant 3 : i32
      %select_n3A_1426 = arith.select %ge3A_1418, %jit3A_1424, %jit3A_1425 : i32
      %iota3A_1427 = tpu.iota {dimensions = array<i32: 0>} : vector<16xi32>
      %add3A_1428 = arith.constant 0 : i32
      %add3A_1429 = vector.broadcast %add3A_1428 : i32 to vector<16xi32>
      %add3A_1430 = arith.addi %iota3A_1427, %add3A_1429 : vector<16xi32>
      %broadcast_in_dim3A_1431 = vector.broadcast %select_n3A_1426 : i32 to vector<16xi32>
      %broadcast_in_dim3A_1432 = vector.broadcast %select_n3A_1423 : i32 to vector<16xi32>
      %gather3A_1433 = tpu.vector_load_idx %arg11[%broadcast_in_dim3A_1431, %add3A_1430, %broadcast_in_dim3A_1432] : memref<18x32x128xf32, #tpu.memory_space<vmem>>[vector<16xi32>, vector<16xi32>, vector<16xi32>], vector<16xf32>,
      %iota3A_1434 = tpu.iota {dimensions = array<i32: 0>} : vector<16xi32>
      %add3A_1435 = arith.constant 16 : i32
      %add3A_1436 = vector.broadcast %add3A_1435 : i32 to vector<16xi32>
      %add3A_1437 = arith.addi %iota3A_1434, %add3A_1436 : vector<16xi32>
      %broadcast_in_dim3A_1438 = vector.broadcast %select_n3A_1426 : i32 to vector<16xi32>
      %broadcast_in_dim3A_1439 = vector.broadcast %select_n3A_1423 : i32 to vector<16xi32>
      %gather3A_1440 = tpu.vector_load_idx %arg11[%broadcast_in_dim3A_1438, %add3A_1437, %broadcast_in_dim3A_1439] : memref<18x32x128xf32, #tpu.memory_space<vmem>>[vector<16xi32>, vector<16xi32>, vector<16xi32>], vector<16xf32>,
      %mul3A_1441 = arith.mulf %gather3A_1409, %gather3A_1433 : vector<16xf32>
      %iota3A_1442 = tpu.iota {dimensions = array<i32: 0>} : vector<16xi32>
      %add3A_1443 = arith.constant 0 : i32
      %add3A_1444 = vector.broadcast %add3A_1443 : i32 to vector<16xi32>
      %add3A_1445 = arith.addi %iota3A_1442, %add3A_1444 : vector<16xi32>
      %broadcast_in_dim3A_1446 = vector.broadcast %add3A_1354 : i32 to vector<16xi32>
      tpu.vector_store_idx %arg12[%add3A_1445, %broadcast_in_dim3A_1446], %mul3A_1441 : memref<32x512xf32, #tpu.memory_space<vmem>>[vector<16xi32>, vector<16xi32>], vector<16xf32>,
      %mul3A_1447 = arith.mulf %gather3A_1416, %gather3A_1440 : vector<16xf32>
      %iota3A_1448 = tpu.iota {dimensions = array<i32: 0>} : vector<16xi32>
      %add3A_1449 = arith.constant 16 : i32
      %add3A_1450 = vector.broadcast %add3A_1449 : i32 to vector<16xi32>
      %add3A_1451 = arith.addi %iota3A_1448, %add3A_1450 : vector<16xi32>
      %broadcast_in_dim3A_1452 = vector.broadcast %add3A_1354 : i32 to vector<16xi32>
      tpu.vector_store_idx %arg12[%add3A_1451, %broadcast_in_dim3A_1452], %mul3A_1447 : memref<32x512xf32, #tpu.memory_space<vmem>>[vector<16xi32>, vector<16xi32>], vector<16xf32>,
      %add3A_1453 = arith.constant 8 : i32
      %add3A_1454 = arith.addi %add3A_1354, %add3A_1453 : i32
      %lt3A_1455 = arith.constant 512 : i32
      %lt3A_1456 = arith.cmpi slt, %add3A_1454, %lt3A_1455 : i32
      %convert_element_type3A_1457 = arith.extui %lt3A_1456 : i1 to i32
      %cond3A_1458 = arith.constant 0 : i32
      %cond3A_1459 = arith.cmpi ne, %convert_element_type3A_1457, %cond3A_1458 : i32
      scf.if %cond3A_1459 {
        %get3A_2103 = arith.index_cast %min3A_401 : i32 to index
        %get3A_2104 = tpu.vector_load %arg9[%get3A_2103] {strides = array<i32>} : memref<512xi32, #tpu.memory_space<vmem>>, vector<16xi32>,
        %slice3A_2105 = vector.extract_strided_slice %get3A_2104 {offsets = [1], sizes = [1], strides = [1]} : vector<16xi32> to vector<1xi32>
        %squeeze3A_2106 = vector.extract %slice3A_2105[0] : i32 from vector<1xi32>
        %get3A_2107 = arith.index_cast %min3A_401 : i32 to index
        %get3A_2108 = tpu.vector_load %arg10[%get3A_2107] {strides = array<i32>} : memref<512xi32, #tpu.memory_space<vmem>>, vector<16xi32>,
        %slice3A_2109 = vector.extract_strided_slice %get3A_2108 {offsets = [1], sizes = [1], strides = [1]} : vector<16xi32> to vector<1xi32>
        %squeeze3A_2110 = vector.extract %slice3A_2109[0] : i32 from vector<1xi32>
        %shift_right_logical3A_2111 = arith.constant 7 : i32
        %shift_right_logical3A_2112 = arith.shrui %squeeze3A_2106, %shift_right_logical3A_2111 : i32
        %min3A_2113 = arith.constant 7811 : i32
        %min3A_2114 = arith.minsi %shift_right_logical3A_2112, %min3A_2113 : i32
        %mul3A_2115 = arith.constant 128 : i32
        %mul3A_2116 = arith.muli %min3A_2114, %mul3A_2115 : i32
        %multiple_of3A_2117 = tpu.assume_multiple %mul3A_2116, 128 : i32
        %dma_start3A_2118 = arith.constant 2 : i32
        %dma_start3A_2119 = arith.constant 0 : i32
        %dma_start3A_2120 = arith.constant 0 : i32
        %dma_start3A_2121 = tpu.memref_slice %arg11[%dma_start3A_2118, %dma_start3A_2119, %dma_start3A_2120] : memref<18x32x128xf32, #tpu.memory_space<vmem>> -> memref<1x32x128xf32, #tpu.memory_space<vmem>>
        %dma_start3A_2122 = tpu.memref_squeeze %dma_start3A_2121 : memref<1x32x128xf32, #tpu.memory_space<vmem>> -> memref<32x128xf32, #tpu.memory_space<vmem>>
        %dma_start3A_2123 = arith.constant 0 : i32
        %dma_start3A_2124 = tpu.memref_slice %arg3[%dma_start3A_2123, %multiple_of3A_2117] : memref<32x1000001xf32, #tpu.memory_space<hbm>> -> memref<32x128xf32, #tpu.memory_space<hbm>>
        %dma_start3A_2125 = arith.constant 0 : i32
        %dma_start3A_2126 = arith.constant 0 : i32
        %dma_start3A_2127 = tpu.memref_slice %arg11[%dma_start3A_2118, %dma_start3A_2125, %dma_start3A_2126] : memref<18x32x128xf32, #tpu.memory_space<vmem>> -> memref<1x32x128xf32, #tpu.memory_space<vmem>>
        %dma_start3A_2128 = tpu.memref_squeeze %dma_start3A_2127 : memref<1x32x128xf32, #tpu.memory_space<vmem>> -> memref<32x128xf32, #tpu.memory_space<vmem>>
        %dma_start3A_2129 = arith.constant 0 : i32
        %dma_start3A_2130 = tpu.memref_slice %arg3[%dma_start3A_2129, %multiple_of3A_2117] : memref<32x1000001xf32, #tpu.memory_space<hbm>> -> memref<32x128xf32, #tpu.memory_space<hbm>>
        tpu.enqueue_dma source(%dma_start3A_2130 : memref<32x128xf32, #tpu.memory_space<hbm>>) target(%dma_start3A_2128 : memref<32x128xf32, #tpu.memory_space<vmem>>) target_semaphore(%arg15 : memref<!tpu.dma_semaphore, #tpu.memory_space<semaphore_mem>>)
        %shift_right_logical3A_2131 = arith.constant 7 : i32
        %shift_right_logical3A_2132 = arith.shrui %squeeze3A_2110, %shift_right_logical3A_2131 : i32
        %min3A_2133 = arith.constant 7811 : i32
        %min3A_2134 = arith.minsi %shift_right_logical3A_2132, %min3A_2133 : i32
        %mul3A_2135 = arith.constant 128 : i32
        %mul3A_2136 = arith.muli %min3A_2134, %mul3A_2135 : i32
        %multiple_of3A_2137 = tpu.assume_multiple %mul3A_2136, 128 : i32
        %dma_start3A_2138 = arith.constant 3 : i32
        %dma_start3A_2139 = arith.constant 0 : i32
        %dma_start3A_2140 = arith.constant 0 : i32
        %dma_start3A_2141 = tpu.memref_slice %arg11[%dma_start3A_2138, %dma_start3A_2139, %dma_start3A_2140] : memref<18x32x128xf32, #tpu.memory_space<vmem>> -> memref<1x32x128xf32, #tpu.memory_space<vmem>>
        %dma_start3A_2142 = tpu.memref_squeeze %dma_start3A_2141 : memref<1x32x128xf32, #tpu.memory_space<vmem>> -> memref<32x128xf32, #tpu.memory_space<vmem>>
        %dma_start3A_2143 = arith.constant 0 : i32
        %dma_start3A_2144 = tpu.memref_slice %arg4[%dma_start3A_2143, %multiple_of3A_2137] : memref<32x1000001xf32, #tpu.memory_space<hbm>> -> memref<32x128xf32, #tpu.memory_space<hbm>>
        %dma_start3A_2145 = arith.constant 0 : i32
        %dma_start3A_2146 = arith.constant 0 : i32
        %dma_start3A_2147 = tpu.memref_slice %arg11[%dma_start3A_2138, %dma_start3A_2145, %dma_start3A_2146] : memref<18x32x128xf32, #tpu.memory_space<vmem>> -> memref<1x32x128xf32, #tpu.memory_space<vmem>>
        %dma_start3A_2148 = tpu.memref_squeeze %dma_start3A_2147 : memref<1x32x128xf32, #tpu.memory_space<vmem>> -> memref<32x128xf32, #tpu.memory_space<vmem>>
        %dma_start3A_2149 = arith.constant 0 : i32
        %dma_start3A_2150 = tpu.memref_slice %arg4[%dma_start3A_2149, %multiple_of3A_2137] : memref<32x1000001xf32, #tpu.memory_space<hbm>> -> memref<32x128xf32, #tpu.memory_space<hbm>>
        tpu.enqueue_dma source(%dma_start3A_2150 : memref<32x128xf32, #tpu.memory_space<hbm>>) target(%dma_start3A_2148 : memref<32x128xf32, #tpu.memory_space<vmem>>) target_semaphore(%arg16 : memref<!tpu.dma_semaphore, #tpu.memory_space<semaphore_mem>>)
      } else {
      }
      %add3A_1460 = arith.constant 10 : i32
      %add3A_1461 = arith.addi %mul3A_397, %add3A_1460 : i32
      %dma_wait3A_1462 = arith.constant 4 : i32
      %dma_wait3A_1463 = arith.constant 0 : i32
      %dma_wait3A_1464 = arith.constant 0 : i32
      %dma_wait3A_1465 = tpu.memref_slice %arg11[%dma_wait3A_1462, %dma_wait3A_1463, %dma_wait3A_1464] : memref<18x32x128xf32, #tpu.memory_space<vmem>> -> memref<1x32x128xf32, #tpu.memory_space<vmem>>
      %dma_wait3A_1466 = tpu.memref_squeeze %dma_wait3A_1465 : memref<1x32x128xf32, #tpu.memory_space<vmem>> -> memref<32x128xf32, #tpu.memory_space<vmem>>
      %dma_wait3A_1467 = arith.constant 0 : i32
      %dma_wait3A_1468 = arith.constant 0 : i32
      %dma_wait3A_1469 = tpu.memref_slice %arg3[%dma_wait3A_1467, %dma_wait3A_1468] : memref<32x1000001xf32, #tpu.memory_space<hbm>> -> memref<32x128xf32, #tpu.memory_space<hbm>>
      %dma_wait3A_1470 = arith.constant 0 : i32
      %dma_wait3A_1471 = arith.constant 0 : i32
      %dma_wait3A_1472 = tpu.memref_slice %arg11[%dma_wait3A_1462, %dma_wait3A_1470, %dma_wait3A_1471] : memref<18x32x128xf32, #tpu.memory_space<vmem>> -> memref<1x32x128xf32, #tpu.memory_space<vmem>>
      %dma_wait3A_1473 = tpu.memref_squeeze %dma_wait3A_1472 : memref<1x32x128xf32, #tpu.memory_space<vmem>> -> memref<32x128xf32, #tpu.memory_space<vmem>>
      %dma_wait3A_1474 = arith.constant 0 : i32
      %dma_wait3A_1475 = arith.constant 0 : i32
      %dma_wait3A_1476 = tpu.memref_slice %arg3[%dma_wait3A_1474, %dma_wait3A_1475] : memref<32x1000001xf32, #tpu.memory_space<hbm>> -> memref<32x128xf32, #tpu.memory_space<hbm>>
      tpu.wait_dma2 semaphore(%arg17 : memref<!tpu.dma_semaphore, #tpu.memory_space<semaphore_mem>>) src(%dma_wait3A_1476 : memref<32x128xf32, #tpu.memory_space<hbm>>) dst(%dma_wait3A_1473 : memref<32x128xf32, #tpu.memory_space<vmem>>)
      %dma_wait3A_1477 = arith.constant 5 : i32
      %dma_wait3A_1478 = arith.constant 0 : i32
      %dma_wait3A_1479 = arith.constant 0 : i32
      %dma_wait3A_1480 = tpu.memref_slice %arg11[%dma_wait3A_1477, %dma_wait3A_1478, %dma_wait3A_1479] : memref<18x32x128xf32, #tpu.memory_space<vmem>> -> memref<1x32x128xf32, #tpu.memory_space<vmem>>
      %dma_wait3A_1481 = tpu.memref_squeeze %dma_wait3A_1480 : memref<1x32x128xf32, #tpu.memory_space<vmem>> -> memref<32x128xf32, #tpu.memory_space<vmem>>
      %dma_wait3A_1482 = arith.constant 0 : i32
      %dma_wait3A_1483 = arith.constant 0 : i32
      %dma_wait3A_1484 = tpu.memref_slice %arg4[%dma_wait3A_1482, %dma_wait3A_1483] : memref<32x1000001xf32, #tpu.memory_space<hbm>> -> memref<32x128xf32, #tpu.memory_space<hbm>>
      %dma_wait3A_1485 = arith.constant 0 : i32
      %dma_wait3A_1486 = arith.constant 0 : i32
      %dma_wait3A_1487 = tpu.memref_slice %arg11[%dma_wait3A_1477, %dma_wait3A_1485, %dma_wait3A_1486] : memref<18x32x128xf32, #tpu.memory_space<vmem>> -> memref<1x32x128xf32, #tpu.memory_space<vmem>>
      %dma_wait3A_1488 = tpu.memref_squeeze %dma_wait3A_1487 : memref<1x32x128xf32, #tpu.memory_space<vmem>> -> memref<32x128xf32, #tpu.memory_space<vmem>>
      %dma_wait3A_1489 = arith.constant 0 : i32
      %dma_wait3A_1490 = arith.constant 0 : i32
      %dma_wait3A_1491 = tpu.memref_slice %arg4[%dma_wait3A_1489, %dma_wait3A_1490] : memref<32x1000001xf32, #tpu.memory_space<hbm>> -> memref<32x128xf32, #tpu.memory_space<hbm>>
      tpu.wait_dma2 semaphore(%arg18 : memref<!tpu.dma_semaphore, #tpu.memory_space<semaphore_mem>>) src(%dma_wait3A_1491 : memref<32x128xf32, #tpu.memory_space<hbm>>) dst(%dma_wait3A_1488 : memref<32x128xf32, #tpu.memory_space<vmem>>)
      %get3A_1492 = arith.index_cast %mul3A_397 : i32 to index
      %get3A_1493 = tpu.vector_load %arg9[%get3A_1492] {strides = array<i32>} : memref<512xi32, #tpu.memory_space<vmem>>, vector<16xi32>,
      %slice3A_1494 = vector.extract_strided_slice %get3A_1493 {offsets = [10], sizes = [1], strides = [1]} : vector<16xi32> to vector<1xi32>
      %squeeze3A_1495 = vector.extract %slice3A_1494[0] : i32 from vector<1xi32>
      %get3A_1496 = arith.index_cast %mul3A_397 : i32 to index
      %get3A_1497 = tpu.vector_load %arg10[%get3A_1496] {strides = array<i32>} : memref<512xi32, #tpu.memory_space<vmem>>, vector<16xi32>,
      %slice3A_1498 = vector.extract_strided_slice %get3A_1497 {offsets = [10], sizes = [1], strides = [1]} : vector<16xi32> to vector<1xi32>
      %squeeze3A_1499 = vector.extract %slice3A_1498[0] : i32 from vector<1xi32>
      %ge3A_1500 = arith.constant 999936 : i32
      %ge3A_1501 = arith.cmpi sge, %squeeze3A_1495, %ge3A_1500 : i32
      %sub3A_1502 = arith.constant 999936 : i32
      %sub3A_1503 = arith.subi %squeeze3A_1495, %sub3A_1502 : i32
      %and3A_1504 = arith.constant 127 : i32
      %and3A_1505 = arith.andi %squeeze3A_1495, %and3A_1504 : i32
      %select_n3A_1506 = arith.select %ge3A_1501, %sub3A_1503, %and3A_1505 : i32
      %jit3A_1507 = arith.constant 16 : i32
      %jit3A_1508 = arith.constant 4 : i32
      %select_n3A_1509 = arith.select %ge3A_1501, %jit3A_1507, %jit3A_1508 : i32
      %iota3A_1510 = tpu.iota {dimensions = array<i32: 0>} : vector<16xi32>
      %add3A_1511 = arith.constant 0 : i32
      %add3A_1512 = vector.broadcast %add3A_1511 : i32 to vector<16xi32>
      %add3A_1513 = arith.addi %iota3A_1510, %add3A_1512 : vector<16xi32>
      %broadcast_in_dim3A_1514 = vector.broadcast %select_n3A_1509 : i32 to vector<16xi32>
      %broadcast_in_dim3A_1515 = vector.broadcast %select_n3A_1506 : i32 to vector<16xi32>
      %gather3A_1516 = tpu.vector_load_idx %arg11[%broadcast_in_dim3A_1514, %add3A_1513, %broadcast_in_dim3A_1515] : memref<18x32x128xf32, #tpu.memory_space<vmem>>[vector<16xi32>, vector<16xi32>, vector<16xi32>], vector<16xf32>,
      %iota3A_1517 = tpu.iota {dimensions = array<i32: 0>} : vector<16xi32>
      %add3A_1518 = arith.constant 16 : i32
      %add3A_1519 = vector.broadcast %add3A_1518 : i32 to vector<16xi32>
      %add3A_1520 = arith.addi %iota3A_1517, %add3A_1519 : vector<16xi32>
      %broadcast_in_dim3A_1521 = vector.broadcast %select_n3A_1509 : i32 to vector<16xi32>
      %broadcast_in_dim3A_1522 = vector.broadcast %select_n3A_1506 : i32 to vector<16xi32>
      %gather3A_1523 = tpu.vector_load_idx %arg11[%broadcast_in_dim3A_1521, %add3A_1520, %broadcast_in_dim3A_1522] : memref<18x32x128xf32, #tpu.memory_space<vmem>>[vector<16xi32>, vector<16xi32>, vector<16xi32>], vector<16xf32>,
      %ge3A_1524 = arith.constant 999936 : i32
      %ge3A_1525 = arith.cmpi sge, %squeeze3A_1499, %ge3A_1524 : i32
      %sub3A_1526 = arith.constant 999936 : i32
      %sub3A_1527 = arith.subi %squeeze3A_1499, %sub3A_1526 : i32
      %and3A_1528 = arith.constant 127 : i32
      %and3A_1529 = arith.andi %squeeze3A_1499, %and3A_1528 : i32
      %select_n3A_1530 = arith.select %ge3A_1525, %sub3A_1527, %and3A_1529 : i32
      %jit3A_1531 = arith.constant 17 : i32
      %jit3A_1532 = arith.constant 5 : i32
      %select_n3A_1533 = arith.select %ge3A_1525, %jit3A_1531, %jit3A_1532 : i32
      %iota3A_1534 = tpu.iota {dimensions = array<i32: 0>} : vector<16xi32>
      %add3A_1535 = arith.constant 0 : i32
      %add3A_1536 = vector.broadcast %add3A_1535 : i32 to vector<16xi32>
      %add3A_1537 = arith.addi %iota3A_1534, %add3A_1536 : vector<16xi32>
      %broadcast_in_dim3A_1538 = vector.broadcast %select_n3A_1533 : i32 to vector<16xi32>
      %broadcast_in_dim3A_1539 = vector.broadcast %select_n3A_1530 : i32 to vector<16xi32>
      %gather3A_1540 = tpu.vector_load_idx %arg11[%broadcast_in_dim3A_1538, %add3A_1537, %broadcast_in_dim3A_1539] : memref<18x32x128xf32, #tpu.memory_space<vmem>>[vector<16xi32>, vector<16xi32>, vector<16xi32>], vector<16xf32>,
      %iota3A_1541 = tpu.iota {dimensions = array<i32: 0>} : vector<16xi32>
      %add3A_1542 = arith.constant 16 : i32
      %add3A_1543 = vector.broadcast %add3A_1542 : i32 to vector<16xi32>
      %add3A_1544 = arith.addi %iota3A_1541, %add3A_1543 : vector<16xi32>
      %broadcast_in_dim3A_1545 = vector.broadcast %select_n3A_1533 : i32 to vector<16xi32>
      %broadcast_in_dim3A_1546 = vector.broadcast %select_n3A_1530 : i32 to vector<16xi32>
      %gather3A_1547 = tpu.vector_load_idx %arg11[%broadcast_in_dim3A_1545, %add3A_1544, %broadcast_in_dim3A_1546] : memref<18x32x128xf32, #tpu.memory_space<vmem>>[vector<16xi32>, vector<16xi32>, vector<16xi32>], vector<16xf32>,
      %mul3A_1548 = arith.mulf %gather3A_1516, %gather3A_1540 : vector<16xf32>
      %iota3A_1549 = tpu.iota {dimensions = array<i32: 0>} : vector<16xi32>
      %add3A_1550 = arith.constant 0 : i32
      %add3A_1551 = vector.broadcast %add3A_1550 : i32 to vector<16xi32>
      %add3A_1552 = arith.addi %iota3A_1549, %add3A_1551 : vector<16xi32>
      %broadcast_in_dim3A_1553 = vector.broadcast %add3A_1461 : i32 to vector<16xi32>
      tpu.vector_store_idx %arg12[%add3A_1552, %broadcast_in_dim3A_1553], %mul3A_1548 : memref<32x512xf32, #tpu.memory_space<vmem>>[vector<16xi32>, vector<16xi32>], vector<16xf32>,
      %mul3A_1554 = arith.mulf %gather3A_1523, %gather3A_1547 : vector<16xf32>
      %iota3A_1555 = tpu.iota {dimensions = array<i32: 0>} : vector<16xi32>
      %add3A_1556 = arith.constant 16 : i32
      %add3A_1557 = vector.broadcast %add3A_1556 : i32 to vector<16xi32>
      %add3A_1558 = arith.addi %iota3A_1555, %add3A_1557 : vector<16xi32>
      %broadcast_in_dim3A_1559 = vector.broadcast %add3A_1461 : i32 to vector<16xi32>
      tpu.vector_store_idx %arg12[%add3A_1558, %broadcast_in_dim3A_1559], %mul3A_1554 : memref<32x512xf32, #tpu.memory_space<vmem>>[vector<16xi32>, vector<16xi32>], vector<16xf32>,
      %add3A_1560 = arith.constant 8 : i32
      %add3A_1561 = arith.addi %add3A_1461, %add3A_1560 : i32
      %lt3A_1562 = arith.constant 512 : i32
      %lt3A_1563 = arith.cmpi slt, %add3A_1561, %lt3A_1562 : i32
      %convert_element_type3A_1564 = arith.extui %lt3A_1563 : i1 to i32
      %cond3A_1565 = arith.constant 0 : i32
      %cond3A_1566 = arith.cmpi ne, %convert_element_type3A_1564, %cond3A_1565 : i32
      scf.if %cond3A_1566 {
        %get3A_2103 = arith.index_cast %min3A_401 : i32 to index
        %get3A_2104 = tpu.vector_load %arg9[%get3A_2103] {strides = array<i32>} : memref<512xi32, #tpu.memory_space<vmem>>, vector<16xi32>,
        %slice3A_2105 = vector.extract_strided_slice %get3A_2104 {offsets = [2], sizes = [1], strides = [1]} : vector<16xi32> to vector<1xi32>
        %squeeze3A_2106 = vector.extract %slice3A_2105[0] : i32 from vector<1xi32>
        %get3A_2107 = arith.index_cast %min3A_401 : i32 to index
        %get3A_2108 = tpu.vector_load %arg10[%get3A_2107] {strides = array<i32>} : memref<512xi32, #tpu.memory_space<vmem>>, vector<16xi32>,
        %slice3A_2109 = vector.extract_strided_slice %get3A_2108 {offsets = [2], sizes = [1], strides = [1]} : vector<16xi32> to vector<1xi32>
        %squeeze3A_2110 = vector.extract %slice3A_2109[0] : i32 from vector<1xi32>
        %shift_right_logical3A_2111 = arith.constant 7 : i32
        %shift_right_logical3A_2112 = arith.shrui %squeeze3A_2106, %shift_right_logical3A_2111 : i32
        %min3A_2113 = arith.constant 7811 : i32
        %min3A_2114 = arith.minsi %shift_right_logical3A_2112, %min3A_2113 : i32
        %mul3A_2115 = arith.constant 128 : i32
        %mul3A_2116 = arith.muli %min3A_2114, %mul3A_2115 : i32
        %multiple_of3A_2117 = tpu.assume_multiple %mul3A_2116, 128 : i32
        %dma_start3A_2118 = arith.constant 4 : i32
        %dma_start3A_2119 = arith.constant 0 : i32
        %dma_start3A_2120 = arith.constant 0 : i32
        %dma_start3A_2121 = tpu.memref_slice %arg11[%dma_start3A_2118, %dma_start3A_2119, %dma_start3A_2120] : memref<18x32x128xf32, #tpu.memory_space<vmem>> -> memref<1x32x128xf32, #tpu.memory_space<vmem>>
        %dma_start3A_2122 = tpu.memref_squeeze %dma_start3A_2121 : memref<1x32x128xf32, #tpu.memory_space<vmem>> -> memref<32x128xf32, #tpu.memory_space<vmem>>
        %dma_start3A_2123 = arith.constant 0 : i32
        %dma_start3A_2124 = tpu.memref_slice %arg3[%dma_start3A_2123, %multiple_of3A_2117] : memref<32x1000001xf32, #tpu.memory_space<hbm>> -> memref<32x128xf32, #tpu.memory_space<hbm>>
        %dma_start3A_2125 = arith.constant 0 : i32
        %dma_start3A_2126 = arith.constant 0 : i32
        %dma_start3A_2127 = tpu.memref_slice %arg11[%dma_start3A_2118, %dma_start3A_2125, %dma_start3A_2126] : memref<18x32x128xf32, #tpu.memory_space<vmem>> -> memref<1x32x128xf32, #tpu.memory_space<vmem>>
        %dma_start3A_2128 = tpu.memref_squeeze %dma_start3A_2127 : memref<1x32x128xf32, #tpu.memory_space<vmem>> -> memref<32x128xf32, #tpu.memory_space<vmem>>
        %dma_start3A_2129 = arith.constant 0 : i32
        %dma_start3A_2130 = tpu.memref_slice %arg3[%dma_start3A_2129, %multiple_of3A_2117] : memref<32x1000001xf32, #tpu.memory_space<hbm>> -> memref<32x128xf32, #tpu.memory_space<hbm>>
        tpu.enqueue_dma source(%dma_start3A_2130 : memref<32x128xf32, #tpu.memory_space<hbm>>) target(%dma_start3A_2128 : memref<32x128xf32, #tpu.memory_space<vmem>>) target_semaphore(%arg17 : memref<!tpu.dma_semaphore, #tpu.memory_space<semaphore_mem>>)
        %shift_right_logical3A_2131 = arith.constant 7 : i32
        %shift_right_logical3A_2132 = arith.shrui %squeeze3A_2110, %shift_right_logical3A_2131 : i32
        %min3A_2133 = arith.constant 7811 : i32
        %min3A_2134 = arith.minsi %shift_right_logical3A_2132, %min3A_2133 : i32
        %mul3A_2135 = arith.constant 128 : i32
        %mul3A_2136 = arith.muli %min3A_2134, %mul3A_2135 : i32
        %multiple_of3A_2137 = tpu.assume_multiple %mul3A_2136, 128 : i32
        %dma_start3A_2138 = arith.constant 5 : i32
        %dma_start3A_2139 = arith.constant 0 : i32
        %dma_start3A_2140 = arith.constant 0 : i32
        %dma_start3A_2141 = tpu.memref_slice %arg11[%dma_start3A_2138, %dma_start3A_2139, %dma_start3A_2140] : memref<18x32x128xf32, #tpu.memory_space<vmem>> -> memref<1x32x128xf32, #tpu.memory_space<vmem>>
        %dma_start3A_2142 = tpu.memref_squeeze %dma_start3A_2141 : memref<1x32x128xf32, #tpu.memory_space<vmem>> -> memref<32x128xf32, #tpu.memory_space<vmem>>
        %dma_start3A_2143 = arith.constant 0 : i32
        %dma_start3A_2144 = tpu.memref_slice %arg4[%dma_start3A_2143, %multiple_of3A_2137] : memref<32x1000001xf32, #tpu.memory_space<hbm>> -> memref<32x128xf32, #tpu.memory_space<hbm>>
        %dma_start3A_2145 = arith.constant 0 : i32
        %dma_start3A_2146 = arith.constant 0 : i32
        %dma_start3A_2147 = tpu.memref_slice %arg11[%dma_start3A_2138, %dma_start3A_2145, %dma_start3A_2146] : memref<18x32x128xf32, #tpu.memory_space<vmem>> -> memref<1x32x128xf32, #tpu.memory_space<vmem>>
        %dma_start3A_2148 = tpu.memref_squeeze %dma_start3A_2147 : memref<1x32x128xf32, #tpu.memory_space<vmem>> -> memref<32x128xf32, #tpu.memory_space<vmem>>
        %dma_start3A_2149 = arith.constant 0 : i32
        %dma_start3A_2150 = tpu.memref_slice %arg4[%dma_start3A_2149, %multiple_of3A_2137] : memref<32x1000001xf32, #tpu.memory_space<hbm>> -> memref<32x128xf32, #tpu.memory_space<hbm>>
        tpu.enqueue_dma source(%dma_start3A_2150 : memref<32x128xf32, #tpu.memory_space<hbm>>) target(%dma_start3A_2148 : memref<32x128xf32, #tpu.memory_space<vmem>>) target_semaphore(%arg18 : memref<!tpu.dma_semaphore, #tpu.memory_space<semaphore_mem>>)
      } else {
      }
      %add3A_1567 = arith.constant 11 : i32
      %add3A_1568 = arith.addi %mul3A_397, %add3A_1567 : i32
      %dma_wait3A_1569 = arith.constant 6 : i32
      %dma_wait3A_1570 = arith.constant 0 : i32
      %dma_wait3A_1571 = arith.constant 0 : i32
      %dma_wait3A_1572 = tpu.memref_slice %arg11[%dma_wait3A_1569, %dma_wait3A_1570, %dma_wait3A_1571] : memref<18x32x128xf32, #tpu.memory_space<vmem>> -> memref<1x32x128xf32, #tpu.memory_space<vmem>>
      %dma_wait3A_1573 = tpu.memref_squeeze %dma_wait3A_1572 : memref<1x32x128xf32, #tpu.memory_space<vmem>> -> memref<32x128xf32, #tpu.memory_space<vmem>>
      %dma_wait3A_1574 = arith.constant 0 : i32
      %dma_wait3A_1575 = arith.constant 0 : i32
      %dma_wait3A_1576 = tpu.memref_slice %arg3[%dma_wait3A_1574, %dma_wait3A_1575] : memref<32x1000001xf32, #tpu.memory_space<hbm>> -> memref<32x128xf32, #tpu.memory_space<hbm>>
      %dma_wait3A_1577 = arith.constant 0 : i32
      %dma_wait3A_1578 = arith.constant 0 : i32
      %dma_wait3A_1579 = tpu.memref_slice %arg11[%dma_wait3A_1569, %dma_wait3A_1577, %dma_wait3A_1578] : memref<18x32x128xf32, #tpu.memory_space<vmem>> -> memref<1x32x128xf32, #tpu.memory_space<vmem>>
      %dma_wait3A_1580 = tpu.memref_squeeze %dma_wait3A_1579 : memref<1x32x128xf32, #tpu.memory_space<vmem>> -> memref<32x128xf32, #tpu.memory_space<vmem>>
      %dma_wait3A_1581 = arith.constant 0 : i32
      %dma_wait3A_1582 = arith.constant 0 : i32
      %dma_wait3A_1583 = tpu.memref_slice %arg3[%dma_wait3A_1581, %dma_wait3A_1582] : memref<32x1000001xf32, #tpu.memory_space<hbm>> -> memref<32x128xf32, #tpu.memory_space<hbm>>
      tpu.wait_dma2 semaphore(%arg19 : memref<!tpu.dma_semaphore, #tpu.memory_space<semaphore_mem>>) src(%dma_wait3A_1583 : memref<32x128xf32, #tpu.memory_space<hbm>>) dst(%dma_wait3A_1580 : memref<32x128xf32, #tpu.memory_space<vmem>>)
      %dma_wait3A_1584 = arith.constant 7 : i32
      %dma_wait3A_1585 = arith.constant 0 : i32
      %dma_wait3A_1586 = arith.constant 0 : i32
      %dma_wait3A_1587 = tpu.memref_slice %arg11[%dma_wait3A_1584, %dma_wait3A_1585, %dma_wait3A_1586] : memref<18x32x128xf32, #tpu.memory_space<vmem>> -> memref<1x32x128xf32, #tpu.memory_space<vmem>>
      %dma_wait3A_1588 = tpu.memref_squeeze %dma_wait3A_1587 : memref<1x32x128xf32, #tpu.memory_space<vmem>> -> memref<32x128xf32, #tpu.memory_space<vmem>>
      %dma_wait3A_1589 = arith.constant 0 : i32
      %dma_wait3A_1590 = arith.constant 0 : i32
      %dma_wait3A_1591 = tpu.memref_slice %arg4[%dma_wait3A_1589, %dma_wait3A_1590] : memref<32x1000001xf32, #tpu.memory_space<hbm>> -> memref<32x128xf32, #tpu.memory_space<hbm>>
      %dma_wait3A_1592 = arith.constant 0 : i32
      %dma_wait3A_1593 = arith.constant 0 : i32
      %dma_wait3A_1594 = tpu.memref_slice %arg11[%dma_wait3A_1584, %dma_wait3A_1592, %dma_wait3A_1593] : memref<18x32x128xf32, #tpu.memory_space<vmem>> -> memref<1x32x128xf32, #tpu.memory_space<vmem>>
      %dma_wait3A_1595 = tpu.memref_squeeze %dma_wait3A_1594 : memref<1x32x128xf32, #tpu.memory_space<vmem>> -> memref<32x128xf32, #tpu.memory_space<vmem>>
      %dma_wait3A_1596 = arith.constant 0 : i32
      %dma_wait3A_1597 = arith.constant 0 : i32
      %dma_wait3A_1598 = tpu.memref_slice %arg4[%dma_wait3A_1596, %dma_wait3A_1597] : memref<32x1000001xf32, #tpu.memory_space<hbm>> -> memref<32x128xf32, #tpu.memory_space<hbm>>
      tpu.wait_dma2 semaphore(%arg20 : memref<!tpu.dma_semaphore, #tpu.memory_space<semaphore_mem>>) src(%dma_wait3A_1598 : memref<32x128xf32, #tpu.memory_space<hbm>>) dst(%dma_wait3A_1595 : memref<32x128xf32, #tpu.memory_space<vmem>>)
      %get3A_1599 = arith.index_cast %mul3A_397 : i32 to index
      %get3A_1600 = tpu.vector_load %arg9[%get3A_1599] {strides = array<i32>} : memref<512xi32, #tpu.memory_space<vmem>>, vector<16xi32>,
      %slice3A_1601 = vector.extract_strided_slice %get3A_1600 {offsets = [11], sizes = [1], strides = [1]} : vector<16xi32> to vector<1xi32>
      %squeeze3A_1602 = vector.extract %slice3A_1601[0] : i32 from vector<1xi32>
      %get3A_1603 = arith.index_cast %mul3A_397 : i32 to index
      %get3A_1604 = tpu.vector_load %arg10[%get3A_1603] {strides = array<i32>} : memref<512xi32, #tpu.memory_space<vmem>>, vector<16xi32>,
      %slice3A_1605 = vector.extract_strided_slice %get3A_1604 {offsets = [11], sizes = [1], strides = [1]} : vector<16xi32> to vector<1xi32>
      %squeeze3A_1606 = vector.extract %slice3A_1605[0] : i32 from vector<1xi32>
      %ge3A_1607 = arith.constant 999936 : i32
      %ge3A_1608 = arith.cmpi sge, %squeeze3A_1602, %ge3A_1607 : i32
      %sub3A_1609 = arith.constant 999936 : i32
      %sub3A_1610 = arith.subi %squeeze3A_1602, %sub3A_1609 : i32
      %and3A_1611 = arith.constant 127 : i32
      %and3A_1612 = arith.andi %squeeze3A_1602, %and3A_1611 : i32
      %select_n3A_1613 = arith.select %ge3A_1608, %sub3A_1610, %and3A_1612 : i32
      %jit3A_1614 = arith.constant 16 : i32
      %jit3A_1615 = arith.constant 6 : i32
      %select_n3A_1616 = arith.select %ge3A_1608, %jit3A_1614, %jit3A_1615 : i32
      %iota3A_1617 = tpu.iota {dimensions = array<i32: 0>} : vector<16xi32>
      %add3A_1618 = arith.constant 0 : i32
      %add3A_1619 = vector.broadcast %add3A_1618 : i32 to vector<16xi32>
      %add3A_1620 = arith.addi %iota3A_1617, %add3A_1619 : vector<16xi32>
      %broadcast_in_dim3A_1621 = vector.broadcast %select_n3A_1616 : i32 to vector<16xi32>
      %broadcast_in_dim3A_1622 = vector.broadcast %select_n3A_1613 : i32 to vector<16xi32>
      %gather3A_1623 = tpu.vector_load_idx %arg11[%broadcast_in_dim3A_1621, %add3A_1620, %broadcast_in_dim3A_1622] : memref<18x32x128xf32, #tpu.memory_space<vmem>>[vector<16xi32>, vector<16xi32>, vector<16xi32>], vector<16xf32>,
      %iota3A_1624 = tpu.iota {dimensions = array<i32: 0>} : vector<16xi32>
      %add3A_1625 = arith.constant 16 : i32
      %add3A_1626 = vector.broadcast %add3A_1625 : i32 to vector<16xi32>
      %add3A_1627 = arith.addi %iota3A_1624, %add3A_1626 : vector<16xi32>
      %broadcast_in_dim3A_1628 = vector.broadcast %select_n3A_1616 : i32 to vector<16xi32>
      %broadcast_in_dim3A_1629 = vector.broadcast %select_n3A_1613 : i32 to vector<16xi32>
      %gather3A_1630 = tpu.vector_load_idx %arg11[%broadcast_in_dim3A_1628, %add3A_1627, %broadcast_in_dim3A_1629] : memref<18x32x128xf32, #tpu.memory_space<vmem>>[vector<16xi32>, vector<16xi32>, vector<16xi32>], vector<16xf32>,
      %ge3A_1631 = arith.constant 999936 : i32
      %ge3A_1632 = arith.cmpi sge, %squeeze3A_1606, %ge3A_1631 : i32
      %sub3A_1633 = arith.constant 999936 : i32
      %sub3A_1634 = arith.subi %squeeze3A_1606, %sub3A_1633 : i32
      %and3A_1635 = arith.constant 127 : i32
      %and3A_1636 = arith.andi %squeeze3A_1606, %and3A_1635 : i32
      %select_n3A_1637 = arith.select %ge3A_1632, %sub3A_1634, %and3A_1636 : i32
      %jit3A_1638 = arith.constant 17 : i32
      %jit3A_1639 = arith.constant 7 : i32
      %select_n3A_1640 = arith.select %ge3A_1632, %jit3A_1638, %jit3A_1639 : i32
      %iota3A_1641 = tpu.iota {dimensions = array<i32: 0>} : vector<16xi32>
      %add3A_1642 = arith.constant 0 : i32
      %add3A_1643 = vector.broadcast %add3A_1642 : i32 to vector<16xi32>
      %add3A_1644 = arith.addi %iota3A_1641, %add3A_1643 : vector<16xi32>
      %broadcast_in_dim3A_1645 = vector.broadcast %select_n3A_1640 : i32 to vector<16xi32>
      %broadcast_in_dim3A_1646 = vector.broadcast %select_n3A_1637 : i32 to vector<16xi32>
      %gather3A_1647 = tpu.vector_load_idx %arg11[%broadcast_in_dim3A_1645, %add3A_1644, %broadcast_in_dim3A_1646] : memref<18x32x128xf32, #tpu.memory_space<vmem>>[vector<16xi32>, vector<16xi32>, vector<16xi32>], vector<16xf32>,
      %iota3A_1648 = tpu.iota {dimensions = array<i32: 0>} : vector<16xi32>
      %add3A_1649 = arith.constant 16 : i32
      %add3A_1650 = vector.broadcast %add3A_1649 : i32 to vector<16xi32>
      %add3A_1651 = arith.addi %iota3A_1648, %add3A_1650 : vector<16xi32>
      %broadcast_in_dim3A_1652 = vector.broadcast %select_n3A_1640 : i32 to vector<16xi32>
      %broadcast_in_dim3A_1653 = vector.broadcast %select_n3A_1637 : i32 to vector<16xi32>
      %gather3A_1654 = tpu.vector_load_idx %arg11[%broadcast_in_dim3A_1652, %add3A_1651, %broadcast_in_dim3A_1653] : memref<18x32x128xf32, #tpu.memory_space<vmem>>[vector<16xi32>, vector<16xi32>, vector<16xi32>], vector<16xf32>,
      %mul3A_1655 = arith.mulf %gather3A_1623, %gather3A_1647 : vector<16xf32>
      %iota3A_1656 = tpu.iota {dimensions = array<i32: 0>} : vector<16xi32>
      %add3A_1657 = arith.constant 0 : i32
      %add3A_1658 = vector.broadcast %add3A_1657 : i32 to vector<16xi32>
      %add3A_1659 = arith.addi %iota3A_1656, %add3A_1658 : vector<16xi32>
      %broadcast_in_dim3A_1660 = vector.broadcast %add3A_1568 : i32 to vector<16xi32>
      tpu.vector_store_idx %arg12[%add3A_1659, %broadcast_in_dim3A_1660], %mul3A_1655 : memref<32x512xf32, #tpu.memory_space<vmem>>[vector<16xi32>, vector<16xi32>], vector<16xf32>,
      %mul3A_1661 = arith.mulf %gather3A_1630, %gather3A_1654 : vector<16xf32>
      %iota3A_1662 = tpu.iota {dimensions = array<i32: 0>} : vector<16xi32>
      %add3A_1663 = arith.constant 16 : i32
      %add3A_1664 = vector.broadcast %add3A_1663 : i32 to vector<16xi32>
      %add3A_1665 = arith.addi %iota3A_1662, %add3A_1664 : vector<16xi32>
      %broadcast_in_dim3A_1666 = vector.broadcast %add3A_1568 : i32 to vector<16xi32>
      tpu.vector_store_idx %arg12[%add3A_1665, %broadcast_in_dim3A_1666], %mul3A_1661 : memref<32x512xf32, #tpu.memory_space<vmem>>[vector<16xi32>, vector<16xi32>], vector<16xf32>,
      %add3A_1667 = arith.constant 8 : i32
      %add3A_1668 = arith.addi %add3A_1568, %add3A_1667 : i32
      %lt3A_1669 = arith.constant 512 : i32
      %lt3A_1670 = arith.cmpi slt, %add3A_1668, %lt3A_1669 : i32
      %convert_element_type3A_1671 = arith.extui %lt3A_1670 : i1 to i32
      %cond3A_1672 = arith.constant 0 : i32
      %cond3A_1673 = arith.cmpi ne, %convert_element_type3A_1671, %cond3A_1672 : i32
      scf.if %cond3A_1673 {
        %get3A_2103 = arith.index_cast %min3A_401 : i32 to index
        %get3A_2104 = tpu.vector_load %arg9[%get3A_2103] {strides = array<i32>} : memref<512xi32, #tpu.memory_space<vmem>>, vector<16xi32>,
        %slice3A_2105 = vector.extract_strided_slice %get3A_2104 {offsets = [3], sizes = [1], strides = [1]} : vector<16xi32> to vector<1xi32>
        %squeeze3A_2106 = vector.extract %slice3A_2105[0] : i32 from vector<1xi32>
        %get3A_2107 = arith.index_cast %min3A_401 : i32 to index
        %get3A_2108 = tpu.vector_load %arg10[%get3A_2107] {strides = array<i32>} : memref<512xi32, #tpu.memory_space<vmem>>, vector<16xi32>,
        %slice3A_2109 = vector.extract_strided_slice %get3A_2108 {offsets = [3], sizes = [1], strides = [1]} : vector<16xi32> to vector<1xi32>
        %squeeze3A_2110 = vector.extract %slice3A_2109[0] : i32 from vector<1xi32>
        %shift_right_logical3A_2111 = arith.constant 7 : i32
        %shift_right_logical3A_2112 = arith.shrui %squeeze3A_2106, %shift_right_logical3A_2111 : i32
        %min3A_2113 = arith.constant 7811 : i32
        %min3A_2114 = arith.minsi %shift_right_logical3A_2112, %min3A_2113 : i32
        %mul3A_2115 = arith.constant 128 : i32
        %mul3A_2116 = arith.muli %min3A_2114, %mul3A_2115 : i32
        %multiple_of3A_2117 = tpu.assume_multiple %mul3A_2116, 128 : i32
        %dma_start3A_2118 = arith.constant 6 : i32
        %dma_start3A_2119 = arith.constant 0 : i32
        %dma_start3A_2120 = arith.constant 0 : i32
        %dma_start3A_2121 = tpu.memref_slice %arg11[%dma_start3A_2118, %dma_start3A_2119, %dma_start3A_2120] : memref<18x32x128xf32, #tpu.memory_space<vmem>> -> memref<1x32x128xf32, #tpu.memory_space<vmem>>
        %dma_start3A_2122 = tpu.memref_squeeze %dma_start3A_2121 : memref<1x32x128xf32, #tpu.memory_space<vmem>> -> memref<32x128xf32, #tpu.memory_space<vmem>>
        %dma_start3A_2123 = arith.constant 0 : i32
        %dma_start3A_2124 = tpu.memref_slice %arg3[%dma_start3A_2123, %multiple_of3A_2117] : memref<32x1000001xf32, #tpu.memory_space<hbm>> -> memref<32x128xf32, #tpu.memory_space<hbm>>
        %dma_start3A_2125 = arith.constant 0 : i32
        %dma_start3A_2126 = arith.constant 0 : i32
        %dma_start3A_2127 = tpu.memref_slice %arg11[%dma_start3A_2118, %dma_start3A_2125, %dma_start3A_2126] : memref<18x32x128xf32, #tpu.memory_space<vmem>> -> memref<1x32x128xf32, #tpu.memory_space<vmem>>
        %dma_start3A_2128 = tpu.memref_squeeze %dma_start3A_2127 : memref<1x32x128xf32, #tpu.memory_space<vmem>> -> memref<32x128xf32, #tpu.memory_space<vmem>>
        %dma_start3A_2129 = arith.constant 0 : i32
        %dma_start3A_2130 = tpu.memref_slice %arg3[%dma_start3A_2129, %multiple_of3A_2117] : memref<32x1000001xf32, #tpu.memory_space<hbm>> -> memref<32x128xf32, #tpu.memory_space<hbm>>
        tpu.enqueue_dma source(%dma_start3A_2130 : memref<32x128xf32, #tpu.memory_space<hbm>>) target(%dma_start3A_2128 : memref<32x128xf32, #tpu.memory_space<vmem>>) target_semaphore(%arg19 : memref<!tpu.dma_semaphore, #tpu.memory_space<semaphore_mem>>)
        %shift_right_logical3A_2131 = arith.constant 7 : i32
        %shift_right_logical3A_2132 = arith.shrui %squeeze3A_2110, %shift_right_logical3A_2131 : i32
        %min3A_2133 = arith.constant 7811 : i32
        %min3A_2134 = arith.minsi %shift_right_logical3A_2132, %min3A_2133 : i32
        %mul3A_2135 = arith.constant 128 : i32
        %mul3A_2136 = arith.muli %min3A_2134, %mul3A_2135 : i32
        %multiple_of3A_2137 = tpu.assume_multiple %mul3A_2136, 128 : i32
        %dma_start3A_2138 = arith.constant 7 : i32
        %dma_start3A_2139 = arith.constant 0 : i32
        %dma_start3A_2140 = arith.constant 0 : i32
        %dma_start3A_2141 = tpu.memref_slice %arg11[%dma_start3A_2138, %dma_start3A_2139, %dma_start3A_2140] : memref<18x32x128xf32, #tpu.memory_space<vmem>> -> memref<1x32x128xf32, #tpu.memory_space<vmem>>
        %dma_start3A_2142 = tpu.memref_squeeze %dma_start3A_2141 : memref<1x32x128xf32, #tpu.memory_space<vmem>> -> memref<32x128xf32, #tpu.memory_space<vmem>>
        %dma_start3A_2143 = arith.constant 0 : i32
        %dma_start3A_2144 = tpu.memref_slice %arg4[%dma_start3A_2143, %multiple_of3A_2137] : memref<32x1000001xf32, #tpu.memory_space<hbm>> -> memref<32x128xf32, #tpu.memory_space<hbm>>
        %dma_start3A_2145 = arith.constant 0 : i32
        %dma_start3A_2146 = arith.constant 0 : i32
        %dma_start3A_2147 = tpu.memref_slice %arg11[%dma_start3A_2138, %dma_start3A_2145, %dma_start3A_2146] : memref<18x32x128xf32, #tpu.memory_space<vmem>> -> memref<1x32x128xf32, #tpu.memory_space<vmem>>
        %dma_start3A_2148 = tpu.memref_squeeze %dma_start3A_2147 : memref<1x32x128xf32, #tpu.memory_space<vmem>> -> memref<32x128xf32, #tpu.memory_space<vmem>>
        %dma_start3A_2149 = arith.constant 0 : i32
        %dma_start3A_2150 = tpu.memref_slice %arg4[%dma_start3A_2149, %multiple_of3A_2137] : memref<32x1000001xf32, #tpu.memory_space<hbm>> -> memref<32x128xf32, #tpu.memory_space<hbm>>
        tpu.enqueue_dma source(%dma_start3A_2150 : memref<32x128xf32, #tpu.memory_space<hbm>>) target(%dma_start3A_2148 : memref<32x128xf32, #tpu.memory_space<vmem>>) target_semaphore(%arg20 : memref<!tpu.dma_semaphore, #tpu.memory_space<semaphore_mem>>)
      } else {
      }
      %add3A_1674 = arith.constant 12 : i32
      %add3A_1675 = arith.addi %mul3A_397, %add3A_1674 : i32
      %dma_wait3A_1676 = arith.constant 8 : i32
      %dma_wait3A_1677 = arith.constant 0 : i32
      %dma_wait3A_1678 = arith.constant 0 : i32
      %dma_wait3A_1679 = tpu.memref_slice %arg11[%dma_wait3A_1676, %dma_wait3A_1677, %dma_wait3A_1678] : memref<18x32x128xf32, #tpu.memory_space<vmem>> -> memref<1x32x128xf32, #tpu.memory_space<vmem>>
      %dma_wait3A_1680 = tpu.memref_squeeze %dma_wait3A_1679 : memref<1x32x128xf32, #tpu.memory_space<vmem>> -> memref<32x128xf32, #tpu.memory_space<vmem>>
      %dma_wait3A_1681 = arith.constant 0 : i32
      %dma_wait3A_1682 = arith.constant 0 : i32
      %dma_wait3A_1683 = tpu.memref_slice %arg3[%dma_wait3A_1681, %dma_wait3A_1682] : memref<32x1000001xf32, #tpu.memory_space<hbm>> -> memref<32x128xf32, #tpu.memory_space<hbm>>
      %dma_wait3A_1684 = arith.constant 0 : i32
      %dma_wait3A_1685 = arith.constant 0 : i32
      %dma_wait3A_1686 = tpu.memref_slice %arg11[%dma_wait3A_1676, %dma_wait3A_1684, %dma_wait3A_1685] : memref<18x32x128xf32, #tpu.memory_space<vmem>> -> memref<1x32x128xf32, #tpu.memory_space<vmem>>
      %dma_wait3A_1687 = tpu.memref_squeeze %dma_wait3A_1686 : memref<1x32x128xf32, #tpu.memory_space<vmem>> -> memref<32x128xf32, #tpu.memory_space<vmem>>
      %dma_wait3A_1688 = arith.constant 0 : i32
      %dma_wait3A_1689 = arith.constant 0 : i32
      %dma_wait3A_1690 = tpu.memref_slice %arg3[%dma_wait3A_1688, %dma_wait3A_1689] : memref<32x1000001xf32, #tpu.memory_space<hbm>> -> memref<32x128xf32, #tpu.memory_space<hbm>>
      tpu.wait_dma2 semaphore(%arg21 : memref<!tpu.dma_semaphore, #tpu.memory_space<semaphore_mem>>) src(%dma_wait3A_1690 : memref<32x128xf32, #tpu.memory_space<hbm>>) dst(%dma_wait3A_1687 : memref<32x128xf32, #tpu.memory_space<vmem>>)
      %dma_wait3A_1691 = arith.constant 9 : i32
      %dma_wait3A_1692 = arith.constant 0 : i32
      %dma_wait3A_1693 = arith.constant 0 : i32
      %dma_wait3A_1694 = tpu.memref_slice %arg11[%dma_wait3A_1691, %dma_wait3A_1692, %dma_wait3A_1693] : memref<18x32x128xf32, #tpu.memory_space<vmem>> -> memref<1x32x128xf32, #tpu.memory_space<vmem>>
      %dma_wait3A_1695 = tpu.memref_squeeze %dma_wait3A_1694 : memref<1x32x128xf32, #tpu.memory_space<vmem>> -> memref<32x128xf32, #tpu.memory_space<vmem>>
      %dma_wait3A_1696 = arith.constant 0 : i32
      %dma_wait3A_1697 = arith.constant 0 : i32
      %dma_wait3A_1698 = tpu.memref_slice %arg4[%dma_wait3A_1696, %dma_wait3A_1697] : memref<32x1000001xf32, #tpu.memory_space<hbm>> -> memref<32x128xf32, #tpu.memory_space<hbm>>
      %dma_wait3A_1699 = arith.constant 0 : i32
      %dma_wait3A_1700 = arith.constant 0 : i32
      %dma_wait3A_1701 = tpu.memref_slice %arg11[%dma_wait3A_1691, %dma_wait3A_1699, %dma_wait3A_1700] : memref<18x32x128xf32, #tpu.memory_space<vmem>> -> memref<1x32x128xf32, #tpu.memory_space<vmem>>
      %dma_wait3A_1702 = tpu.memref_squeeze %dma_wait3A_1701 : memref<1x32x128xf32, #tpu.memory_space<vmem>> -> memref<32x128xf32, #tpu.memory_space<vmem>>
      %dma_wait3A_1703 = arith.constant 0 : i32
      %dma_wait3A_1704 = arith.constant 0 : i32
      %dma_wait3A_1705 = tpu.memref_slice %arg4[%dma_wait3A_1703, %dma_wait3A_1704] : memref<32x1000001xf32, #tpu.memory_space<hbm>> -> memref<32x128xf32, #tpu.memory_space<hbm>>
      tpu.wait_dma2 semaphore(%arg22 : memref<!tpu.dma_semaphore, #tpu.memory_space<semaphore_mem>>) src(%dma_wait3A_1705 : memref<32x128xf32, #tpu.memory_space<hbm>>) dst(%dma_wait3A_1702 : memref<32x128xf32, #tpu.memory_space<vmem>>)
      %get3A_1706 = arith.index_cast %mul3A_397 : i32 to index
      %get3A_1707 = tpu.vector_load %arg9[%get3A_1706] {strides = array<i32>} : memref<512xi32, #tpu.memory_space<vmem>>, vector<16xi32>,
      %slice3A_1708 = vector.extract_strided_slice %get3A_1707 {offsets = [12], sizes = [1], strides = [1]} : vector<16xi32> to vector<1xi32>
      %squeeze3A_1709 = vector.extract %slice3A_1708[0] : i32 from vector<1xi32>
      %get3A_1710 = arith.index_cast %mul3A_397 : i32 to index
      %get3A_1711 = tpu.vector_load %arg10[%get3A_1710] {strides = array<i32>} : memref<512xi32, #tpu.memory_space<vmem>>, vector<16xi32>,
      %slice3A_1712 = vector.extract_strided_slice %get3A_1711 {offsets = [12], sizes = [1], strides = [1]} : vector<16xi32> to vector<1xi32>
      %squeeze3A_1713 = vector.extract %slice3A_1712[0] : i32 from vector<1xi32>
      %ge3A_1714 = arith.constant 999936 : i32
      %ge3A_1715 = arith.cmpi sge, %squeeze3A_1709, %ge3A_1714 : i32
      %sub3A_1716 = arith.constant 999936 : i32
      %sub3A_1717 = arith.subi %squeeze3A_1709, %sub3A_1716 : i32
      %and3A_1718 = arith.constant 127 : i32
      %and3A_1719 = arith.andi %squeeze3A_1709, %and3A_1718 : i32
      %select_n3A_1720 = arith.select %ge3A_1715, %sub3A_1717, %and3A_1719 : i32
      %jit3A_1721 = arith.constant 16 : i32
      %jit3A_1722 = arith.constant 8 : i32
      %select_n3A_1723 = arith.select %ge3A_1715, %jit3A_1721, %jit3A_1722 : i32
      %iota3A_1724 = tpu.iota {dimensions = array<i32: 0>} : vector<16xi32>
      %add3A_1725 = arith.constant 0 : i32
      %add3A_1726 = vector.broadcast %add3A_1725 : i32 to vector<16xi32>
      %add3A_1727 = arith.addi %iota3A_1724, %add3A_1726 : vector<16xi32>
      %broadcast_in_dim3A_1728 = vector.broadcast %select_n3A_1723 : i32 to vector<16xi32>
      %broadcast_in_dim3A_1729 = vector.broadcast %select_n3A_1720 : i32 to vector<16xi32>
      %gather3A_1730 = tpu.vector_load_idx %arg11[%broadcast_in_dim3A_1728, %add3A_1727, %broadcast_in_dim3A_1729] : memref<18x32x128xf32, #tpu.memory_space<vmem>>[vector<16xi32>, vector<16xi32>, vector<16xi32>], vector<16xf32>,
      %iota3A_1731 = tpu.iota {dimensions = array<i32: 0>} : vector<16xi32>
      %add3A_1732 = arith.constant 16 : i32
      %add3A_1733 = vector.broadcast %add3A_1732 : i32 to vector<16xi32>
      %add3A_1734 = arith.addi %iota3A_1731, %add3A_1733 : vector<16xi32>
      %broadcast_in_dim3A_1735 = vector.broadcast %select_n3A_1723 : i32 to vector<16xi32>
      %broadcast_in_dim3A_1736 = vector.broadcast %select_n3A_1720 : i32 to vector<16xi32>
      %gather3A_1737 = tpu.vector_load_idx %arg11[%broadcast_in_dim3A_1735, %add3A_1734, %broadcast_in_dim3A_1736] : memref<18x32x128xf32, #tpu.memory_space<vmem>>[vector<16xi32>, vector<16xi32>, vector<16xi32>], vector<16xf32>,
      %ge3A_1738 = arith.constant 999936 : i32
      %ge3A_1739 = arith.cmpi sge, %squeeze3A_1713, %ge3A_1738 : i32
      %sub3A_1740 = arith.constant 999936 : i32
      %sub3A_1741 = arith.subi %squeeze3A_1713, %sub3A_1740 : i32
      %and3A_1742 = arith.constant 127 : i32
      %and3A_1743 = arith.andi %squeeze3A_1713, %and3A_1742 : i32
      %select_n3A_1744 = arith.select %ge3A_1739, %sub3A_1741, %and3A_1743 : i32
      %jit3A_1745 = arith.constant 17 : i32
      %jit3A_1746 = arith.constant 9 : i32
      %select_n3A_1747 = arith.select %ge3A_1739, %jit3A_1745, %jit3A_1746 : i32
      %iota3A_1748 = tpu.iota {dimensions = array<i32: 0>} : vector<16xi32>
      %add3A_1749 = arith.constant 0 : i32
      %add3A_1750 = vector.broadcast %add3A_1749 : i32 to vector<16xi32>
      %add3A_1751 = arith.addi %iota3A_1748, %add3A_1750 : vector<16xi32>
      %broadcast_in_dim3A_1752 = vector.broadcast %select_n3A_1747 : i32 to vector<16xi32>
      %broadcast_in_dim3A_1753 = vector.broadcast %select_n3A_1744 : i32 to vector<16xi32>
      %gather3A_1754 = tpu.vector_load_idx %arg11[%broadcast_in_dim3A_1752, %add3A_1751, %broadcast_in_dim3A_1753] : memref<18x32x128xf32, #tpu.memory_space<vmem>>[vector<16xi32>, vector<16xi32>, vector<16xi32>], vector<16xf32>,
      %iota3A_1755 = tpu.iota {dimensions = array<i32: 0>} : vector<16xi32>
      %add3A_1756 = arith.constant 16 : i32
      %add3A_1757 = vector.broadcast %add3A_1756 : i32 to vector<16xi32>
      %add3A_1758 = arith.addi %iota3A_1755, %add3A_1757 : vector<16xi32>
      %broadcast_in_dim3A_1759 = vector.broadcast %select_n3A_1747 : i32 to vector<16xi32>
      %broadcast_in_dim3A_1760 = vector.broadcast %select_n3A_1744 : i32 to vector<16xi32>
      %gather3A_1761 = tpu.vector_load_idx %arg11[%broadcast_in_dim3A_1759, %add3A_1758, %broadcast_in_dim3A_1760] : memref<18x32x128xf32, #tpu.memory_space<vmem>>[vector<16xi32>, vector<16xi32>, vector<16xi32>], vector<16xf32>,
      %mul3A_1762 = arith.mulf %gather3A_1730, %gather3A_1754 : vector<16xf32>
      %iota3A_1763 = tpu.iota {dimensions = array<i32: 0>} : vector<16xi32>
      %add3A_1764 = arith.constant 0 : i32
      %add3A_1765 = vector.broadcast %add3A_1764 : i32 to vector<16xi32>
      %add3A_1766 = arith.addi %iota3A_1763, %add3A_1765 : vector<16xi32>
      %broadcast_in_dim3A_1767 = vector.broadcast %add3A_1675 : i32 to vector<16xi32>
      tpu.vector_store_idx %arg12[%add3A_1766, %broadcast_in_dim3A_1767], %mul3A_1762 : memref<32x512xf32, #tpu.memory_space<vmem>>[vector<16xi32>, vector<16xi32>], vector<16xf32>,
      %mul3A_1768 = arith.mulf %gather3A_1737, %gather3A_1761 : vector<16xf32>
      %iota3A_1769 = tpu.iota {dimensions = array<i32: 0>} : vector<16xi32>
      %add3A_1770 = arith.constant 16 : i32
      %add3A_1771 = vector.broadcast %add3A_1770 : i32 to vector<16xi32>
      %add3A_1772 = arith.addi %iota3A_1769, %add3A_1771 : vector<16xi32>
      %broadcast_in_dim3A_1773 = vector.broadcast %add3A_1675 : i32 to vector<16xi32>
      tpu.vector_store_idx %arg12[%add3A_1772, %broadcast_in_dim3A_1773], %mul3A_1768 : memref<32x512xf32, #tpu.memory_space<vmem>>[vector<16xi32>, vector<16xi32>], vector<16xf32>,
      %add3A_1774 = arith.constant 8 : i32
      %add3A_1775 = arith.addi %add3A_1675, %add3A_1774 : i32
      %lt3A_1776 = arith.constant 512 : i32
      %lt3A_1777 = arith.cmpi slt, %add3A_1775, %lt3A_1776 : i32
      %convert_element_type3A_1778 = arith.extui %lt3A_1777 : i1 to i32
      %cond3A_1779 = arith.constant 0 : i32
      %cond3A_1780 = arith.cmpi ne, %convert_element_type3A_1778, %cond3A_1779 : i32
      scf.if %cond3A_1780 {
        %get3A_2103 = arith.index_cast %min3A_401 : i32 to index
        %get3A_2104 = tpu.vector_load %arg9[%get3A_2103] {strides = array<i32>} : memref<512xi32, #tpu.memory_space<vmem>>, vector<16xi32>,
        %slice3A_2105 = vector.extract_strided_slice %get3A_2104 {offsets = [4], sizes = [1], strides = [1]} : vector<16xi32> to vector<1xi32>
        %squeeze3A_2106 = vector.extract %slice3A_2105[0] : i32 from vector<1xi32>
        %get3A_2107 = arith.index_cast %min3A_401 : i32 to index
        %get3A_2108 = tpu.vector_load %arg10[%get3A_2107] {strides = array<i32>} : memref<512xi32, #tpu.memory_space<vmem>>, vector<16xi32>,
        %slice3A_2109 = vector.extract_strided_slice %get3A_2108 {offsets = [4], sizes = [1], strides = [1]} : vector<16xi32> to vector<1xi32>
        %squeeze3A_2110 = vector.extract %slice3A_2109[0] : i32 from vector<1xi32>
        %shift_right_logical3A_2111 = arith.constant 7 : i32
        %shift_right_logical3A_2112 = arith.shrui %squeeze3A_2106, %shift_right_logical3A_2111 : i32
        %min3A_2113 = arith.constant 7811 : i32
        %min3A_2114 = arith.minsi %shift_right_logical3A_2112, %min3A_2113 : i32
        %mul3A_2115 = arith.constant 128 : i32
        %mul3A_2116 = arith.muli %min3A_2114, %mul3A_2115 : i32
        %multiple_of3A_2117 = tpu.assume_multiple %mul3A_2116, 128 : i32
        %dma_start3A_2118 = arith.constant 8 : i32
        %dma_start3A_2119 = arith.constant 0 : i32
        %dma_start3A_2120 = arith.constant 0 : i32
        %dma_start3A_2121 = tpu.memref_slice %arg11[%dma_start3A_2118, %dma_start3A_2119, %dma_start3A_2120] : memref<18x32x128xf32, #tpu.memory_space<vmem>> -> memref<1x32x128xf32, #tpu.memory_space<vmem>>
        %dma_start3A_2122 = tpu.memref_squeeze %dma_start3A_2121 : memref<1x32x128xf32, #tpu.memory_space<vmem>> -> memref<32x128xf32, #tpu.memory_space<vmem>>
        %dma_start3A_2123 = arith.constant 0 : i32
        %dma_start3A_2124 = tpu.memref_slice %arg3[%dma_start3A_2123, %multiple_of3A_2117] : memref<32x1000001xf32, #tpu.memory_space<hbm>> -> memref<32x128xf32, #tpu.memory_space<hbm>>
        %dma_start3A_2125 = arith.constant 0 : i32
        %dma_start3A_2126 = arith.constant 0 : i32
        %dma_start3A_2127 = tpu.memref_slice %arg11[%dma_start3A_2118, %dma_start3A_2125, %dma_start3A_2126] : memref<18x32x128xf32, #tpu.memory_space<vmem>> -> memref<1x32x128xf32, #tpu.memory_space<vmem>>
        %dma_start3A_2128 = tpu.memref_squeeze %dma_start3A_2127 : memref<1x32x128xf32, #tpu.memory_space<vmem>> -> memref<32x128xf32, #tpu.memory_space<vmem>>
        %dma_start3A_2129 = arith.constant 0 : i32
        %dma_start3A_2130 = tpu.memref_slice %arg3[%dma_start3A_2129, %multiple_of3A_2117] : memref<32x1000001xf32, #tpu.memory_space<hbm>> -> memref<32x128xf32, #tpu.memory_space<hbm>>
        tpu.enqueue_dma source(%dma_start3A_2130 : memref<32x128xf32, #tpu.memory_space<hbm>>) target(%dma_start3A_2128 : memref<32x128xf32, #tpu.memory_space<vmem>>) target_semaphore(%arg21 : memref<!tpu.dma_semaphore, #tpu.memory_space<semaphore_mem>>)
        %shift_right_logical3A_2131 = arith.constant 7 : i32
        %shift_right_logical3A_2132 = arith.shrui %squeeze3A_2110, %shift_right_logical3A_2131 : i32
        %min3A_2133 = arith.constant 7811 : i32
        %min3A_2134 = arith.minsi %shift_right_logical3A_2132, %min3A_2133 : i32
        %mul3A_2135 = arith.constant 128 : i32
        %mul3A_2136 = arith.muli %min3A_2134, %mul3A_2135 : i32
        %multiple_of3A_2137 = tpu.assume_multiple %mul3A_2136, 128 : i32
        %dma_start3A_2138 = arith.constant 9 : i32
        %dma_start3A_2139 = arith.constant 0 : i32
        %dma_start3A_2140 = arith.constant 0 : i32
        %dma_start3A_2141 = tpu.memref_slice %arg11[%dma_start3A_2138, %dma_start3A_2139, %dma_start3A_2140] : memref<18x32x128xf32, #tpu.memory_space<vmem>> -> memref<1x32x128xf32, #tpu.memory_space<vmem>>
        %dma_start3A_2142 = tpu.memref_squeeze %dma_start3A_2141 : memref<1x32x128xf32, #tpu.memory_space<vmem>> -> memref<32x128xf32, #tpu.memory_space<vmem>>
        %dma_start3A_2143 = arith.constant 0 : i32
        %dma_start3A_2144 = tpu.memref_slice %arg4[%dma_start3A_2143, %multiple_of3A_2137] : memref<32x1000001xf32, #tpu.memory_space<hbm>> -> memref<32x128xf32, #tpu.memory_space<hbm>>
        %dma_start3A_2145 = arith.constant 0 : i32
        %dma_start3A_2146 = arith.constant 0 : i32
        %dma_start3A_2147 = tpu.memref_slice %arg11[%dma_start3A_2138, %dma_start3A_2145, %dma_start3A_2146] : memref<18x32x128xf32, #tpu.memory_space<vmem>> -> memref<1x32x128xf32, #tpu.memory_space<vmem>>
        %dma_start3A_2148 = tpu.memref_squeeze %dma_start3A_2147 : memref<1x32x128xf32, #tpu.memory_space<vmem>> -> memref<32x128xf32, #tpu.memory_space<vmem>>
        %dma_start3A_2149 = arith.constant 0 : i32
        %dma_start3A_2150 = tpu.memref_slice %arg4[%dma_start3A_2149, %multiple_of3A_2137] : memref<32x1000001xf32, #tpu.memory_space<hbm>> -> memref<32x128xf32, #tpu.memory_space<hbm>>
        tpu.enqueue_dma source(%dma_start3A_2150 : memref<32x128xf32, #tpu.memory_space<hbm>>) target(%dma_start3A_2148 : memref<32x128xf32, #tpu.memory_space<vmem>>) target_semaphore(%arg22 : memref<!tpu.dma_semaphore, #tpu.memory_space<semaphore_mem>>)
      } else {
      }
      %add3A_1781 = arith.constant 13 : i32
      %add3A_1782 = arith.addi %mul3A_397, %add3A_1781 : i32
      %dma_wait3A_1783 = arith.constant 10 : i32
      %dma_wait3A_1784 = arith.constant 0 : i32
      %dma_wait3A_1785 = arith.constant 0 : i32
      %dma_wait3A_1786 = tpu.memref_slice %arg11[%dma_wait3A_1783, %dma_wait3A_1784, %dma_wait3A_1785] : memref<18x32x128xf32, #tpu.memory_space<vmem>> -> memref<1x32x128xf32, #tpu.memory_space<vmem>>
      %dma_wait3A_1787 = tpu.memref_squeeze %dma_wait3A_1786 : memref<1x32x128xf32, #tpu.memory_space<vmem>> -> memref<32x128xf32, #tpu.memory_space<vmem>>
      %dma_wait3A_1788 = arith.constant 0 : i32
      %dma_wait3A_1789 = arith.constant 0 : i32
      %dma_wait3A_1790 = tpu.memref_slice %arg3[%dma_wait3A_1788, %dma_wait3A_1789] : memref<32x1000001xf32, #tpu.memory_space<hbm>> -> memref<32x128xf32, #tpu.memory_space<hbm>>
      %dma_wait3A_1791 = arith.constant 0 : i32
      %dma_wait3A_1792 = arith.constant 0 : i32
      %dma_wait3A_1793 = tpu.memref_slice %arg11[%dma_wait3A_1783, %dma_wait3A_1791, %dma_wait3A_1792] : memref<18x32x128xf32, #tpu.memory_space<vmem>> -> memref<1x32x128xf32, #tpu.memory_space<vmem>>
      %dma_wait3A_1794 = tpu.memref_squeeze %dma_wait3A_1793 : memref<1x32x128xf32, #tpu.memory_space<vmem>> -> memref<32x128xf32, #tpu.memory_space<vmem>>
      %dma_wait3A_1795 = arith.constant 0 : i32
      %dma_wait3A_1796 = arith.constant 0 : i32
      %dma_wait3A_1797 = tpu.memref_slice %arg3[%dma_wait3A_1795, %dma_wait3A_1796] : memref<32x1000001xf32, #tpu.memory_space<hbm>> -> memref<32x128xf32, #tpu.memory_space<hbm>>
      tpu.wait_dma2 semaphore(%arg23 : memref<!tpu.dma_semaphore, #tpu.memory_space<semaphore_mem>>) src(%dma_wait3A_1797 : memref<32x128xf32, #tpu.memory_space<hbm>>) dst(%dma_wait3A_1794 : memref<32x128xf32, #tpu.memory_space<vmem>>)
      %dma_wait3A_1798 = arith.constant 11 : i32
      %dma_wait3A_1799 = arith.constant 0 : i32
      %dma_wait3A_1800 = arith.constant 0 : i32
      %dma_wait3A_1801 = tpu.memref_slice %arg11[%dma_wait3A_1798, %dma_wait3A_1799, %dma_wait3A_1800] : memref<18x32x128xf32, #tpu.memory_space<vmem>> -> memref<1x32x128xf32, #tpu.memory_space<vmem>>
      %dma_wait3A_1802 = tpu.memref_squeeze %dma_wait3A_1801 : memref<1x32x128xf32, #tpu.memory_space<vmem>> -> memref<32x128xf32, #tpu.memory_space<vmem>>
      %dma_wait3A_1803 = arith.constant 0 : i32
      %dma_wait3A_1804 = arith.constant 0 : i32
      %dma_wait3A_1805 = tpu.memref_slice %arg4[%dma_wait3A_1803, %dma_wait3A_1804] : memref<32x1000001xf32, #tpu.memory_space<hbm>> -> memref<32x128xf32, #tpu.memory_space<hbm>>
      %dma_wait3A_1806 = arith.constant 0 : i32
      %dma_wait3A_1807 = arith.constant 0 : i32
      %dma_wait3A_1808 = tpu.memref_slice %arg11[%dma_wait3A_1798, %dma_wait3A_1806, %dma_wait3A_1807] : memref<18x32x128xf32, #tpu.memory_space<vmem>> -> memref<1x32x128xf32, #tpu.memory_space<vmem>>
      %dma_wait3A_1809 = tpu.memref_squeeze %dma_wait3A_1808 : memref<1x32x128xf32, #tpu.memory_space<vmem>> -> memref<32x128xf32, #tpu.memory_space<vmem>>
      %dma_wait3A_1810 = arith.constant 0 : i32
      %dma_wait3A_1811 = arith.constant 0 : i32
      %dma_wait3A_1812 = tpu.memref_slice %arg4[%dma_wait3A_1810, %dma_wait3A_1811] : memref<32x1000001xf32, #tpu.memory_space<hbm>> -> memref<32x128xf32, #tpu.memory_space<hbm>>
      tpu.wait_dma2 semaphore(%arg24 : memref<!tpu.dma_semaphore, #tpu.memory_space<semaphore_mem>>) src(%dma_wait3A_1812 : memref<32x128xf32, #tpu.memory_space<hbm>>) dst(%dma_wait3A_1809 : memref<32x128xf32, #tpu.memory_space<vmem>>)
      %get3A_1813 = arith.index_cast %mul3A_397 : i32 to index
      %get3A_1814 = tpu.vector_load %arg9[%get3A_1813] {strides = array<i32>} : memref<512xi32, #tpu.memory_space<vmem>>, vector<16xi32>,
      %slice3A_1815 = vector.extract_strided_slice %get3A_1814 {offsets = [13], sizes = [1], strides = [1]} : vector<16xi32> to vector<1xi32>
      %squeeze3A_1816 = vector.extract %slice3A_1815[0] : i32 from vector<1xi32>
      %get3A_1817 = arith.index_cast %mul3A_397 : i32 to index
      %get3A_1818 = tpu.vector_load %arg10[%get3A_1817] {strides = array<i32>} : memref<512xi32, #tpu.memory_space<vmem>>, vector<16xi32>,
      %slice3A_1819 = vector.extract_strided_slice %get3A_1818 {offsets = [13], sizes = [1], strides = [1]} : vector<16xi32> to vector<1xi32>
      %squeeze3A_1820 = vector.extract %slice3A_1819[0] : i32 from vector<1xi32>
      %ge3A_1821 = arith.constant 999936 : i32
      %ge3A_1822 = arith.cmpi sge, %squeeze3A_1816, %ge3A_1821 : i32
      %sub3A_1823 = arith.constant 999936 : i32
      %sub3A_1824 = arith.subi %squeeze3A_1816, %sub3A_1823 : i32
      %and3A_1825 = arith.constant 127 : i32
      %and3A_1826 = arith.andi %squeeze3A_1816, %and3A_1825 : i32
      %select_n3A_1827 = arith.select %ge3A_1822, %sub3A_1824, %and3A_1826 : i32
      %jit3A_1828 = arith.constant 16 : i32
      %jit3A_1829 = arith.constant 10 : i32
      %select_n3A_1830 = arith.select %ge3A_1822, %jit3A_1828, %jit3A_1829 : i32
      %iota3A_1831 = tpu.iota {dimensions = array<i32: 0>} : vector<16xi32>
      %add3A_1832 = arith.constant 0 : i32
      %add3A_1833 = vector.broadcast %add3A_1832 : i32 to vector<16xi32>
      %add3A_1834 = arith.addi %iota3A_1831, %add3A_1833 : vector<16xi32>
      %broadcast_in_dim3A_1835 = vector.broadcast %select_n3A_1830 : i32 to vector<16xi32>
      %broadcast_in_dim3A_1836 = vector.broadcast %select_n3A_1827 : i32 to vector<16xi32>
      %gather3A_1837 = tpu.vector_load_idx %arg11[%broadcast_in_dim3A_1835, %add3A_1834, %broadcast_in_dim3A_1836] : memref<18x32x128xf32, #tpu.memory_space<vmem>>[vector<16xi32>, vector<16xi32>, vector<16xi32>], vector<16xf32>,
      %iota3A_1838 = tpu.iota {dimensions = array<i32: 0>} : vector<16xi32>
      %add3A_1839 = arith.constant 16 : i32
      %add3A_1840 = vector.broadcast %add3A_1839 : i32 to vector<16xi32>
      %add3A_1841 = arith.addi %iota3A_1838, %add3A_1840 : vector<16xi32>
      %broadcast_in_dim3A_1842 = vector.broadcast %select_n3A_1830 : i32 to vector<16xi32>
      %broadcast_in_dim3A_1843 = vector.broadcast %select_n3A_1827 : i32 to vector<16xi32>
      %gather3A_1844 = tpu.vector_load_idx %arg11[%broadcast_in_dim3A_1842, %add3A_1841, %broadcast_in_dim3A_1843] : memref<18x32x128xf32, #tpu.memory_space<vmem>>[vector<16xi32>, vector<16xi32>, vector<16xi32>], vector<16xf32>,
      %ge3A_1845 = arith.constant 999936 : i32
      %ge3A_1846 = arith.cmpi sge, %squeeze3A_1820, %ge3A_1845 : i32
      %sub3A_1847 = arith.constant 999936 : i32
      %sub3A_1848 = arith.subi %squeeze3A_1820, %sub3A_1847 : i32
      %and3A_1849 = arith.constant 127 : i32
      %and3A_1850 = arith.andi %squeeze3A_1820, %and3A_1849 : i32
      %select_n3A_1851 = arith.select %ge3A_1846, %sub3A_1848, %and3A_1850 : i32
      %jit3A_1852 = arith.constant 17 : i32
      %jit3A_1853 = arith.constant 11 : i32
      %select_n3A_1854 = arith.select %ge3A_1846, %jit3A_1852, %jit3A_1853 : i32
      %iota3A_1855 = tpu.iota {dimensions = array<i32: 0>} : vector<16xi32>
      %add3A_1856 = arith.constant 0 : i32
      %add3A_1857 = vector.broadcast %add3A_1856 : i32 to vector<16xi32>
      %add3A_1858 = arith.addi %iota3A_1855, %add3A_1857 : vector<16xi32>
      %broadcast_in_dim3A_1859 = vector.broadcast %select_n3A_1854 : i32 to vector<16xi32>
      %broadcast_in_dim3A_1860 = vector.broadcast %select_n3A_1851 : i32 to vector<16xi32>
      %gather3A_1861 = tpu.vector_load_idx %arg11[%broadcast_in_dim3A_1859, %add3A_1858, %broadcast_in_dim3A_1860] : memref<18x32x128xf32, #tpu.memory_space<vmem>>[vector<16xi32>, vector<16xi32>, vector<16xi32>], vector<16xf32>,
      %iota3A_1862 = tpu.iota {dimensions = array<i32: 0>} : vector<16xi32>
      %add3A_1863 = arith.constant 16 : i32
      %add3A_1864 = vector.broadcast %add3A_1863 : i32 to vector<16xi32>
      %add3A_1865 = arith.addi %iota3A_1862, %add3A_1864 : vector<16xi32>
      %broadcast_in_dim3A_1866 = vector.broadcast %select_n3A_1854 : i32 to vector<16xi32>
      %broadcast_in_dim3A_1867 = vector.broadcast %select_n3A_1851 : i32 to vector<16xi32>
      %gather3A_1868 = tpu.vector_load_idx %arg11[%broadcast_in_dim3A_1866, %add3A_1865, %broadcast_in_dim3A_1867] : memref<18x32x128xf32, #tpu.memory_space<vmem>>[vector<16xi32>, vector<16xi32>, vector<16xi32>], vector<16xf32>,
      %mul3A_1869 = arith.mulf %gather3A_1837, %gather3A_1861 : vector<16xf32>
      %iota3A_1870 = tpu.iota {dimensions = array<i32: 0>} : vector<16xi32>
      %add3A_1871 = arith.constant 0 : i32
      %add3A_1872 = vector.broadcast %add3A_1871 : i32 to vector<16xi32>
      %add3A_1873 = arith.addi %iota3A_1870, %add3A_1872 : vector<16xi32>
      %broadcast_in_dim3A_1874 = vector.broadcast %add3A_1782 : i32 to vector<16xi32>
      tpu.vector_store_idx %arg12[%add3A_1873, %broadcast_in_dim3A_1874], %mul3A_1869 : memref<32x512xf32, #tpu.memory_space<vmem>>[vector<16xi32>, vector<16xi32>], vector<16xf32>,
      %mul3A_1875 = arith.mulf %gather3A_1844, %gather3A_1868 : vector<16xf32>
      %iota3A_1876 = tpu.iota {dimensions = array<i32: 0>} : vector<16xi32>
      %add3A_1877 = arith.constant 16 : i32
      %add3A_1878 = vector.broadcast %add3A_1877 : i32 to vector<16xi32>
      %add3A_1879 = arith.addi %iota3A_1876, %add3A_1878 : vector<16xi32>
      %broadcast_in_dim3A_1880 = vector.broadcast %add3A_1782 : i32 to vector<16xi32>
      tpu.vector_store_idx %arg12[%add3A_1879, %broadcast_in_dim3A_1880], %mul3A_1875 : memref<32x512xf32, #tpu.memory_space<vmem>>[vector<16xi32>, vector<16xi32>], vector<16xf32>,
      %add3A_1881 = arith.constant 8 : i32
      %add3A_1882 = arith.addi %add3A_1782, %add3A_1881 : i32
      %lt3A_1883 = arith.constant 512 : i32
      %lt3A_1884 = arith.cmpi slt, %add3A_1882, %lt3A_1883 : i32
      %convert_element_type3A_1885 = arith.extui %lt3A_1884 : i1 to i32
      %cond3A_1886 = arith.constant 0 : i32
      %cond3A_1887 = arith.cmpi ne, %convert_element_type3A_1885, %cond3A_1886 : i32
      scf.if %cond3A_1887 {
        %get3A_2103 = arith.index_cast %min3A_401 : i32 to index
        %get3A_2104 = tpu.vector_load %arg9[%get3A_2103] {strides = array<i32>} : memref<512xi32, #tpu.memory_space<vmem>>, vector<16xi32>,
        %slice3A_2105 = vector.extract_strided_slice %get3A_2104 {offsets = [5], sizes = [1], strides = [1]} : vector<16xi32> to vector<1xi32>
        %squeeze3A_2106 = vector.extract %slice3A_2105[0] : i32 from vector<1xi32>
        %get3A_2107 = arith.index_cast %min3A_401 : i32 to index
        %get3A_2108 = tpu.vector_load %arg10[%get3A_2107] {strides = array<i32>} : memref<512xi32, #tpu.memory_space<vmem>>, vector<16xi32>,
        %slice3A_2109 = vector.extract_strided_slice %get3A_2108 {offsets = [5], sizes = [1], strides = [1]} : vector<16xi32> to vector<1xi32>
        %squeeze3A_2110 = vector.extract %slice3A_2109[0] : i32 from vector<1xi32>
        %shift_right_logical3A_2111 = arith.constant 7 : i32
        %shift_right_logical3A_2112 = arith.shrui %squeeze3A_2106, %shift_right_logical3A_2111 : i32
        %min3A_2113 = arith.constant 7811 : i32
        %min3A_2114 = arith.minsi %shift_right_logical3A_2112, %min3A_2113 : i32
        %mul3A_2115 = arith.constant 128 : i32
        %mul3A_2116 = arith.muli %min3A_2114, %mul3A_2115 : i32
        %multiple_of3A_2117 = tpu.assume_multiple %mul3A_2116, 128 : i32
        %dma_start3A_2118 = arith.constant 10 : i32
        %dma_start3A_2119 = arith.constant 0 : i32
        %dma_start3A_2120 = arith.constant 0 : i32
        %dma_start3A_2121 = tpu.memref_slice %arg11[%dma_start3A_2118, %dma_start3A_2119, %dma_start3A_2120] : memref<18x32x128xf32, #tpu.memory_space<vmem>> -> memref<1x32x128xf32, #tpu.memory_space<vmem>>
        %dma_start3A_2122 = tpu.memref_squeeze %dma_start3A_2121 : memref<1x32x128xf32, #tpu.memory_space<vmem>> -> memref<32x128xf32, #tpu.memory_space<vmem>>
        %dma_start3A_2123 = arith.constant 0 : i32
        %dma_start3A_2124 = tpu.memref_slice %arg3[%dma_start3A_2123, %multiple_of3A_2117] : memref<32x1000001xf32, #tpu.memory_space<hbm>> -> memref<32x128xf32, #tpu.memory_space<hbm>>
        %dma_start3A_2125 = arith.constant 0 : i32
        %dma_start3A_2126 = arith.constant 0 : i32
        %dma_start3A_2127 = tpu.memref_slice %arg11[%dma_start3A_2118, %dma_start3A_2125, %dma_start3A_2126] : memref<18x32x128xf32, #tpu.memory_space<vmem>> -> memref<1x32x128xf32, #tpu.memory_space<vmem>>
        %dma_start3A_2128 = tpu.memref_squeeze %dma_start3A_2127 : memref<1x32x128xf32, #tpu.memory_space<vmem>> -> memref<32x128xf32, #tpu.memory_space<vmem>>
        %dma_start3A_2129 = arith.constant 0 : i32
        %dma_start3A_2130 = tpu.memref_slice %arg3[%dma_start3A_2129, %multiple_of3A_2117] : memref<32x1000001xf32, #tpu.memory_space<hbm>> -> memref<32x128xf32, #tpu.memory_space<hbm>>
        tpu.enqueue_dma source(%dma_start3A_2130 : memref<32x128xf32, #tpu.memory_space<hbm>>) target(%dma_start3A_2128 : memref<32x128xf32, #tpu.memory_space<vmem>>) target_semaphore(%arg23 : memref<!tpu.dma_semaphore, #tpu.memory_space<semaphore_mem>>)
        %shift_right_logical3A_2131 = arith.constant 7 : i32
        %shift_right_logical3A_2132 = arith.shrui %squeeze3A_2110, %shift_right_logical3A_2131 : i32
        %min3A_2133 = arith.constant 7811 : i32
        %min3A_2134 = arith.minsi %shift_right_logical3A_2132, %min3A_2133 : i32
        %mul3A_2135 = arith.constant 128 : i32
        %mul3A_2136 = arith.muli %min3A_2134, %mul3A_2135 : i32
        %multiple_of3A_2137 = tpu.assume_multiple %mul3A_2136, 128 : i32
        %dma_start3A_2138 = arith.constant 11 : i32
        %dma_start3A_2139 = arith.constant 0 : i32
        %dma_start3A_2140 = arith.constant 0 : i32
        %dma_start3A_2141 = tpu.memref_slice %arg11[%dma_start3A_2138, %dma_start3A_2139, %dma_start3A_2140] : memref<18x32x128xf32, #tpu.memory_space<vmem>> -> memref<1x32x128xf32, #tpu.memory_space<vmem>>
        %dma_start3A_2142 = tpu.memref_squeeze %dma_start3A_2141 : memref<1x32x128xf32, #tpu.memory_space<vmem>> -> memref<32x128xf32, #tpu.memory_space<vmem>>
        %dma_start3A_2143 = arith.constant 0 : i32
        %dma_start3A_2144 = tpu.memref_slice %arg4[%dma_start3A_2143, %multiple_of3A_2137] : memref<32x1000001xf32, #tpu.memory_space<hbm>> -> memref<32x128xf32, #tpu.memory_space<hbm>>
        %dma_start3A_2145 = arith.constant 0 : i32
        %dma_start3A_2146 = arith.constant 0 : i32
        %dma_start3A_2147 = tpu.memref_slice %arg11[%dma_start3A_2138, %dma_start3A_2145, %dma_start3A_2146] : memref<18x32x128xf32, #tpu.memory_space<vmem>> -> memref<1x32x128xf32, #tpu.memory_space<vmem>>
        %dma_start3A_2148 = tpu.memref_squeeze %dma_start3A_2147 : memref<1x32x128xf32, #tpu.memory_space<vmem>> -> memref<32x128xf32, #tpu.memory_space<vmem>>
        %dma_start3A_2149 = arith.constant 0 : i32
        %dma_start3A_2150 = tpu.memref_slice %arg4[%dma_start3A_2149, %multiple_of3A_2137] : memref<32x1000001xf32, #tpu.memory_space<hbm>> -> memref<32x128xf32, #tpu.memory_space<hbm>>
        tpu.enqueue_dma source(%dma_start3A_2150 : memref<32x128xf32, #tpu.memory_space<hbm>>) target(%dma_start3A_2148 : memref<32x128xf32, #tpu.memory_space<vmem>>) target_semaphore(%arg24 : memref<!tpu.dma_semaphore, #tpu.memory_space<semaphore_mem>>)
      } else {
      }
      %add3A_1888 = arith.constant 14 : i32
      %add3A_1889 = arith.addi %mul3A_397, %add3A_1888 : i32
      %dma_wait3A_1890 = arith.constant 12 : i32
      %dma_wait3A_1891 = arith.constant 0 : i32
      %dma_wait3A_1892 = arith.constant 0 : i32
      %dma_wait3A_1893 = tpu.memref_slice %arg11[%dma_wait3A_1890, %dma_wait3A_1891, %dma_wait3A_1892] : memref<18x32x128xf32, #tpu.memory_space<vmem>> -> memref<1x32x128xf32, #tpu.memory_space<vmem>>
      %dma_wait3A_1894 = tpu.memref_squeeze %dma_wait3A_1893 : memref<1x32x128xf32, #tpu.memory_space<vmem>> -> memref<32x128xf32, #tpu.memory_space<vmem>>
      %dma_wait3A_1895 = arith.constant 0 : i32
      %dma_wait3A_1896 = arith.constant 0 : i32
      %dma_wait3A_1897 = tpu.memref_slice %arg3[%dma_wait3A_1895, %dma_wait3A_1896] : memref<32x1000001xf32, #tpu.memory_space<hbm>> -> memref<32x128xf32, #tpu.memory_space<hbm>>
      %dma_wait3A_1898 = arith.constant 0 : i32
      %dma_wait3A_1899 = arith.constant 0 : i32
      %dma_wait3A_1900 = tpu.memref_slice %arg11[%dma_wait3A_1890, %dma_wait3A_1898, %dma_wait3A_1899] : memref<18x32x128xf32, #tpu.memory_space<vmem>> -> memref<1x32x128xf32, #tpu.memory_space<vmem>>
      %dma_wait3A_1901 = tpu.memref_squeeze %dma_wait3A_1900 : memref<1x32x128xf32, #tpu.memory_space<vmem>> -> memref<32x128xf32, #tpu.memory_space<vmem>>
      %dma_wait3A_1902 = arith.constant 0 : i32
      %dma_wait3A_1903 = arith.constant 0 : i32
      %dma_wait3A_1904 = tpu.memref_slice %arg3[%dma_wait3A_1902, %dma_wait3A_1903] : memref<32x1000001xf32, #tpu.memory_space<hbm>> -> memref<32x128xf32, #tpu.memory_space<hbm>>
      tpu.wait_dma2 semaphore(%arg25 : memref<!tpu.dma_semaphore, #tpu.memory_space<semaphore_mem>>) src(%dma_wait3A_1904 : memref<32x128xf32, #tpu.memory_space<hbm>>) dst(%dma_wait3A_1901 : memref<32x128xf32, #tpu.memory_space<vmem>>)
      %dma_wait3A_1905 = arith.constant 13 : i32
      %dma_wait3A_1906 = arith.constant 0 : i32
      %dma_wait3A_1907 = arith.constant 0 : i32
      %dma_wait3A_1908 = tpu.memref_slice %arg11[%dma_wait3A_1905, %dma_wait3A_1906, %dma_wait3A_1907] : memref<18x32x128xf32, #tpu.memory_space<vmem>> -> memref<1x32x128xf32, #tpu.memory_space<vmem>>
      %dma_wait3A_1909 = tpu.memref_squeeze %dma_wait3A_1908 : memref<1x32x128xf32, #tpu.memory_space<vmem>> -> memref<32x128xf32, #tpu.memory_space<vmem>>
      %dma_wait3A_1910 = arith.constant 0 : i32
      %dma_wait3A_1911 = arith.constant 0 : i32
      %dma_wait3A_1912 = tpu.memref_slice %arg4[%dma_wait3A_1910, %dma_wait3A_1911] : memref<32x1000001xf32, #tpu.memory_space<hbm>> -> memref<32x128xf32, #tpu.memory_space<hbm>>
      %dma_wait3A_1913 = arith.constant 0 : i32
      %dma_wait3A_1914 = arith.constant 0 : i32
      %dma_wait3A_1915 = tpu.memref_slice %arg11[%dma_wait3A_1905, %dma_wait3A_1913, %dma_wait3A_1914] : memref<18x32x128xf32, #tpu.memory_space<vmem>> -> memref<1x32x128xf32, #tpu.memory_space<vmem>>
      %dma_wait3A_1916 = tpu.memref_squeeze %dma_wait3A_1915 : memref<1x32x128xf32, #tpu.memory_space<vmem>> -> memref<32x128xf32, #tpu.memory_space<vmem>>
      %dma_wait3A_1917 = arith.constant 0 : i32
      %dma_wait3A_1918 = arith.constant 0 : i32
      %dma_wait3A_1919 = tpu.memref_slice %arg4[%dma_wait3A_1917, %dma_wait3A_1918] : memref<32x1000001xf32, #tpu.memory_space<hbm>> -> memref<32x128xf32, #tpu.memory_space<hbm>>
      tpu.wait_dma2 semaphore(%arg26 : memref<!tpu.dma_semaphore, #tpu.memory_space<semaphore_mem>>) src(%dma_wait3A_1919 : memref<32x128xf32, #tpu.memory_space<hbm>>) dst(%dma_wait3A_1916 : memref<32x128xf32, #tpu.memory_space<vmem>>)
      %get3A_1920 = arith.index_cast %mul3A_397 : i32 to index
      %get3A_1921 = tpu.vector_load %arg9[%get3A_1920] {strides = array<i32>} : memref<512xi32, #tpu.memory_space<vmem>>, vector<16xi32>,
      %slice3A_1922 = vector.extract_strided_slice %get3A_1921 {offsets = [14], sizes = [1], strides = [1]} : vector<16xi32> to vector<1xi32>
      %squeeze3A_1923 = vector.extract %slice3A_1922[0] : i32 from vector<1xi32>
      %get3A_1924 = arith.index_cast %mul3A_397 : i32 to index
      %get3A_1925 = tpu.vector_load %arg10[%get3A_1924] {strides = array<i32>} : memref<512xi32, #tpu.memory_space<vmem>>, vector<16xi32>,
      %slice3A_1926 = vector.extract_strided_slice %get3A_1925 {offsets = [14], sizes = [1], strides = [1]} : vector<16xi32> to vector<1xi32>
      %squeeze3A_1927 = vector.extract %slice3A_1926[0] : i32 from vector<1xi32>
      %ge3A_1928 = arith.constant 999936 : i32
      %ge3A_1929 = arith.cmpi sge, %squeeze3A_1923, %ge3A_1928 : i32
      %sub3A_1930 = arith.constant 999936 : i32
      %sub3A_1931 = arith.subi %squeeze3A_1923, %sub3A_1930 : i32
      %and3A_1932 = arith.constant 127 : i32
      %and3A_1933 = arith.andi %squeeze3A_1923, %and3A_1932 : i32
      %select_n3A_1934 = arith.select %ge3A_1929, %sub3A_1931, %and3A_1933 : i32
      %jit3A_1935 = arith.constant 16 : i32
      %jit3A_1936 = arith.constant 12 : i32
      %select_n3A_1937 = arith.select %ge3A_1929, %jit3A_1935, %jit3A_1936 : i32
      %iota3A_1938 = tpu.iota {dimensions = array<i32: 0>} : vector<16xi32>
      %add3A_1939 = arith.constant 0 : i32
      %add3A_1940 = vector.broadcast %add3A_1939 : i32 to vector<16xi32>
      %add3A_1941 = arith.addi %iota3A_1938, %add3A_1940 : vector<16xi32>
      %broadcast_in_dim3A_1942 = vector.broadcast %select_n3A_1937 : i32 to vector<16xi32>
      %broadcast_in_dim3A_1943 = vector.broadcast %select_n3A_1934 : i32 to vector<16xi32>
      %gather3A_1944 = tpu.vector_load_idx %arg11[%broadcast_in_dim3A_1942, %add3A_1941, %broadcast_in_dim3A_1943] : memref<18x32x128xf32, #tpu.memory_space<vmem>>[vector<16xi32>, vector<16xi32>, vector<16xi32>], vector<16xf32>,
      %iota3A_1945 = tpu.iota {dimensions = array<i32: 0>} : vector<16xi32>
      %add3A_1946 = arith.constant 16 : i32
      %add3A_1947 = vector.broadcast %add3A_1946 : i32 to vector<16xi32>
      %add3A_1948 = arith.addi %iota3A_1945, %add3A_1947 : vector<16xi32>
      %broadcast_in_dim3A_1949 = vector.broadcast %select_n3A_1937 : i32 to vector<16xi32>
      %broadcast_in_dim3A_1950 = vector.broadcast %select_n3A_1934 : i32 to vector<16xi32>
      %gather3A_1951 = tpu.vector_load_idx %arg11[%broadcast_in_dim3A_1949, %add3A_1948, %broadcast_in_dim3A_1950] : memref<18x32x128xf32, #tpu.memory_space<vmem>>[vector<16xi32>, vector<16xi32>, vector<16xi32>], vector<16xf32>,
      %ge3A_1952 = arith.constant 999936 : i32
      %ge3A_1953 = arith.cmpi sge, %squeeze3A_1927, %ge3A_1952 : i32
      %sub3A_1954 = arith.constant 999936 : i32
      %sub3A_1955 = arith.subi %squeeze3A_1927, %sub3A_1954 : i32
      %and3A_1956 = arith.constant 127 : i32
      %and3A_1957 = arith.andi %squeeze3A_1927, %and3A_1956 : i32
      %select_n3A_1958 = arith.select %ge3A_1953, %sub3A_1955, %and3A_1957 : i32
      %jit3A_1959 = arith.constant 17 : i32
      %jit3A_1960 = arith.constant 13 : i32
      %select_n3A_1961 = arith.select %ge3A_1953, %jit3A_1959, %jit3A_1960 : i32
      %iota3A_1962 = tpu.iota {dimensions = array<i32: 0>} : vector<16xi32>
      %add3A_1963 = arith.constant 0 : i32
      %add3A_1964 = vector.broadcast %add3A_1963 : i32 to vector<16xi32>
      %add3A_1965 = arith.addi %iota3A_1962, %add3A_1964 : vector<16xi32>
      %broadcast_in_dim3A_1966 = vector.broadcast %select_n3A_1961 : i32 to vector<16xi32>
      %broadcast_in_dim3A_1967 = vector.broadcast %select_n3A_1958 : i32 to vector<16xi32>
      %gather3A_1968 = tpu.vector_load_idx %arg11[%broadcast_in_dim3A_1966, %add3A_1965, %broadcast_in_dim3A_1967] : memref<18x32x128xf32, #tpu.memory_space<vmem>>[vector<16xi32>, vector<16xi32>, vector<16xi32>], vector<16xf32>,
      %iota3A_1969 = tpu.iota {dimensions = array<i32: 0>} : vector<16xi32>
      %add3A_1970 = arith.constant 16 : i32
      %add3A_1971 = vector.broadcast %add3A_1970 : i32 to vector<16xi32>
      %add3A_1972 = arith.addi %iota3A_1969, %add3A_1971 : vector<16xi32>
      %broadcast_in_dim3A_1973 = vector.broadcast %select_n3A_1961 : i32 to vector<16xi32>
      %broadcast_in_dim3A_1974 = vector.broadcast %select_n3A_1958 : i32 to vector<16xi32>
      %gather3A_1975 = tpu.vector_load_idx %arg11[%broadcast_in_dim3A_1973, %add3A_1972, %broadcast_in_dim3A_1974] : memref<18x32x128xf32, #tpu.memory_space<vmem>>[vector<16xi32>, vector<16xi32>, vector<16xi32>], vector<16xf32>,
      %mul3A_1976 = arith.mulf %gather3A_1944, %gather3A_1968 : vector<16xf32>
      %iota3A_1977 = tpu.iota {dimensions = array<i32: 0>} : vector<16xi32>
      %add3A_1978 = arith.constant 0 : i32
      %add3A_1979 = vector.broadcast %add3A_1978 : i32 to vector<16xi32>
      %add3A_1980 = arith.addi %iota3A_1977, %add3A_1979 : vector<16xi32>
      %broadcast_in_dim3A_1981 = vector.broadcast %add3A_1889 : i32 to vector<16xi32>
      tpu.vector_store_idx %arg12[%add3A_1980, %broadcast_in_dim3A_1981], %mul3A_1976 : memref<32x512xf32, #tpu.memory_space<vmem>>[vector<16xi32>, vector<16xi32>], vector<16xf32>,
      %mul3A_1982 = arith.mulf %gather3A_1951, %gather3A_1975 : vector<16xf32>
      %iota3A_1983 = tpu.iota {dimensions = array<i32: 0>} : vector<16xi32>
      %add3A_1984 = arith.constant 16 : i32
      %add3A_1985 = vector.broadcast %add3A_1984 : i32 to vector<16xi32>
      %add3A_1986 = arith.addi %iota3A_1983, %add3A_1985 : vector<16xi32>
      %broadcast_in_dim3A_1987 = vector.broadcast %add3A_1889 : i32 to vector<16xi32>
      tpu.vector_store_idx %arg12[%add3A_1986, %broadcast_in_dim3A_1987], %mul3A_1982 : memref<32x512xf32, #tpu.memory_space<vmem>>[vector<16xi32>, vector<16xi32>], vector<16xf32>,
      %add3A_1988 = arith.constant 8 : i32
      %add3A_1989 = arith.addi %add3A_1889, %add3A_1988 : i32
      %lt3A_1990 = arith.constant 512 : i32
      %lt3A_1991 = arith.cmpi slt, %add3A_1989, %lt3A_1990 : i32
      %convert_element_type3A_1992 = arith.extui %lt3A_1991 : i1 to i32
      %cond3A_1993 = arith.constant 0 : i32
      %cond3A_1994 = arith.cmpi ne, %convert_element_type3A_1992, %cond3A_1993 : i32
      scf.if %cond3A_1994 {
        %get3A_2103 = arith.index_cast %min3A_401 : i32 to index
        %get3A_2104 = tpu.vector_load %arg9[%get3A_2103] {strides = array<i32>} : memref<512xi32, #tpu.memory_space<vmem>>, vector<16xi32>,
        %slice3A_2105 = vector.extract_strided_slice %get3A_2104 {offsets = [6], sizes = [1], strides = [1]} : vector<16xi32> to vector<1xi32>
        %squeeze3A_2106 = vector.extract %slice3A_2105[0] : i32 from vector<1xi32>
        %get3A_2107 = arith.index_cast %min3A_401 : i32 to index
        %get3A_2108 = tpu.vector_load %arg10[%get3A_2107] {strides = array<i32>} : memref<512xi32, #tpu.memory_space<vmem>>, vector<16xi32>,
        %slice3A_2109 = vector.extract_strided_slice %get3A_2108 {offsets = [6], sizes = [1], strides = [1]} : vector<16xi32> to vector<1xi32>
        %squeeze3A_2110 = vector.extract %slice3A_2109[0] : i32 from vector<1xi32>
        %shift_right_logical3A_2111 = arith.constant 7 : i32
        %shift_right_logical3A_2112 = arith.shrui %squeeze3A_2106, %shift_right_logical3A_2111 : i32
        %min3A_2113 = arith.constant 7811 : i32
        %min3A_2114 = arith.minsi %shift_right_logical3A_2112, %min3A_2113 : i32
        %mul3A_2115 = arith.constant 128 : i32
        %mul3A_2116 = arith.muli %min3A_2114, %mul3A_2115 : i32
        %multiple_of3A_2117 = tpu.assume_multiple %mul3A_2116, 128 : i32
        %dma_start3A_2118 = arith.constant 12 : i32
        %dma_start3A_2119 = arith.constant 0 : i32
        %dma_start3A_2120 = arith.constant 0 : i32
        %dma_start3A_2121 = tpu.memref_slice %arg11[%dma_start3A_2118, %dma_start3A_2119, %dma_start3A_2120] : memref<18x32x128xf32, #tpu.memory_space<vmem>> -> memref<1x32x128xf32, #tpu.memory_space<vmem>>
        %dma_start3A_2122 = tpu.memref_squeeze %dma_start3A_2121 : memref<1x32x128xf32, #tpu.memory_space<vmem>> -> memref<32x128xf32, #tpu.memory_space<vmem>>
        %dma_start3A_2123 = arith.constant 0 : i32
        %dma_start3A_2124 = tpu.memref_slice %arg3[%dma_start3A_2123, %multiple_of3A_2117] : memref<32x1000001xf32, #tpu.memory_space<hbm>> -> memref<32x128xf32, #tpu.memory_space<hbm>>
        %dma_start3A_2125 = arith.constant 0 : i32
        %dma_start3A_2126 = arith.constant 0 : i32
        %dma_start3A_2127 = tpu.memref_slice %arg11[%dma_start3A_2118, %dma_start3A_2125, %dma_start3A_2126] : memref<18x32x128xf32, #tpu.memory_space<vmem>> -> memref<1x32x128xf32, #tpu.memory_space<vmem>>
        %dma_start3A_2128 = tpu.memref_squeeze %dma_start3A_2127 : memref<1x32x128xf32, #tpu.memory_space<vmem>> -> memref<32x128xf32, #tpu.memory_space<vmem>>
        %dma_start3A_2129 = arith.constant 0 : i32
        %dma_start3A_2130 = tpu.memref_slice %arg3[%dma_start3A_2129, %multiple_of3A_2117] : memref<32x1000001xf32, #tpu.memory_space<hbm>> -> memref<32x128xf32, #tpu.memory_space<hbm>>
        tpu.enqueue_dma source(%dma_start3A_2130 : memref<32x128xf32, #tpu.memory_space<hbm>>) target(%dma_start3A_2128 : memref<32x128xf32, #tpu.memory_space<vmem>>) target_semaphore(%arg25 : memref<!tpu.dma_semaphore, #tpu.memory_space<semaphore_mem>>)
        %shift_right_logical3A_2131 = arith.constant 7 : i32
        %shift_right_logical3A_2132 = arith.shrui %squeeze3A_2110, %shift_right_logical3A_2131 : i32
        %min3A_2133 = arith.constant 7811 : i32
        %min3A_2134 = arith.minsi %shift_right_logical3A_2132, %min3A_2133 : i32
        %mul3A_2135 = arith.constant 128 : i32
        %mul3A_2136 = arith.muli %min3A_2134, %mul3A_2135 : i32
        %multiple_of3A_2137 = tpu.assume_multiple %mul3A_2136, 128 : i32
        %dma_start3A_2138 = arith.constant 13 : i32
        %dma_start3A_2139 = arith.constant 0 : i32
        %dma_start3A_2140 = arith.constant 0 : i32
        %dma_start3A_2141 = tpu.memref_slice %arg11[%dma_start3A_2138, %dma_start3A_2139, %dma_start3A_2140] : memref<18x32x128xf32, #tpu.memory_space<vmem>> -> memref<1x32x128xf32, #tpu.memory_space<vmem>>
        %dma_start3A_2142 = tpu.memref_squeeze %dma_start3A_2141 : memref<1x32x128xf32, #tpu.memory_space<vmem>> -> memref<32x128xf32, #tpu.memory_space<vmem>>
        %dma_start3A_2143 = arith.constant 0 : i32
        %dma_start3A_2144 = tpu.memref_slice %arg4[%dma_start3A_2143, %multiple_of3A_2137] : memref<32x1000001xf32, #tpu.memory_space<hbm>> -> memref<32x128xf32, #tpu.memory_space<hbm>>
        %dma_start3A_2145 = arith.constant 0 : i32
        %dma_start3A_2146 = arith.constant 0 : i32
        %dma_start3A_2147 = tpu.memref_slice %arg11[%dma_start3A_2138, %dma_start3A_2145, %dma_start3A_2146] : memref<18x32x128xf32, #tpu.memory_space<vmem>> -> memref<1x32x128xf32, #tpu.memory_space<vmem>>
        %dma_start3A_2148 = tpu.memref_squeeze %dma_start3A_2147 : memref<1x32x128xf32, #tpu.memory_space<vmem>> -> memref<32x128xf32, #tpu.memory_space<vmem>>
        %dma_start3A_2149 = arith.constant 0 : i32
        %dma_start3A_2150 = tpu.memref_slice %arg4[%dma_start3A_2149, %multiple_of3A_2137] : memref<32x1000001xf32, #tpu.memory_space<hbm>> -> memref<32x128xf32, #tpu.memory_space<hbm>>
        tpu.enqueue_dma source(%dma_start3A_2150 : memref<32x128xf32, #tpu.memory_space<hbm>>) target(%dma_start3A_2148 : memref<32x128xf32, #tpu.memory_space<vmem>>) target_semaphore(%arg26 : memref<!tpu.dma_semaphore, #tpu.memory_space<semaphore_mem>>)
      } else {
      }
      %add3A_1995 = arith.constant 15 : i32
      %add3A_1996 = arith.addi %mul3A_397, %add3A_1995 : i32
      %dma_wait3A_1997 = arith.constant 14 : i32
      %dma_wait3A_1998 = arith.constant 0 : i32
      %dma_wait3A_1999 = arith.constant 0 : i32
      %dma_wait3A_2000 = tpu.memref_slice %arg11[%dma_wait3A_1997, %dma_wait3A_1998, %dma_wait3A_1999] : memref<18x32x128xf32, #tpu.memory_space<vmem>> -> memref<1x32x128xf32, #tpu.memory_space<vmem>>
      %dma_wait3A_2001 = tpu.memref_squeeze %dma_wait3A_2000 : memref<1x32x128xf32, #tpu.memory_space<vmem>> -> memref<32x128xf32, #tpu.memory_space<vmem>>
      %dma_wait3A_2002 = arith.constant 0 : i32
      %dma_wait3A_2003 = arith.constant 0 : i32
      %dma_wait3A_2004 = tpu.memref_slice %arg3[%dma_wait3A_2002, %dma_wait3A_2003] : memref<32x1000001xf32, #tpu.memory_space<hbm>> -> memref<32x128xf32, #tpu.memory_space<hbm>>
      %dma_wait3A_2005 = arith.constant 0 : i32
      %dma_wait3A_2006 = arith.constant 0 : i32
      %dma_wait3A_2007 = tpu.memref_slice %arg11[%dma_wait3A_1997, %dma_wait3A_2005, %dma_wait3A_2006] : memref<18x32x128xf32, #tpu.memory_space<vmem>> -> memref<1x32x128xf32, #tpu.memory_space<vmem>>
      %dma_wait3A_2008 = tpu.memref_squeeze %dma_wait3A_2007 : memref<1x32x128xf32, #tpu.memory_space<vmem>> -> memref<32x128xf32, #tpu.memory_space<vmem>>
      %dma_wait3A_2009 = arith.constant 0 : i32
      %dma_wait3A_2010 = arith.constant 0 : i32
      %dma_wait3A_2011 = tpu.memref_slice %arg3[%dma_wait3A_2009, %dma_wait3A_2010] : memref<32x1000001xf32, #tpu.memory_space<hbm>> -> memref<32x128xf32, #tpu.memory_space<hbm>>
      tpu.wait_dma2 semaphore(%arg27 : memref<!tpu.dma_semaphore, #tpu.memory_space<semaphore_mem>>) src(%dma_wait3A_2011 : memref<32x128xf32, #tpu.memory_space<hbm>>) dst(%dma_wait3A_2008 : memref<32x128xf32, #tpu.memory_space<vmem>>)
      %dma_wait3A_2012 = arith.constant 15 : i32
      %dma_wait3A_2013 = arith.constant 0 : i32
      %dma_wait3A_2014 = arith.constant 0 : i32
      %dma_wait3A_2015 = tpu.memref_slice %arg11[%dma_wait3A_2012, %dma_wait3A_2013, %dma_wait3A_2014] : memref<18x32x128xf32, #tpu.memory_space<vmem>> -> memref<1x32x128xf32, #tpu.memory_space<vmem>>
      %dma_wait3A_2016 = tpu.memref_squeeze %dma_wait3A_2015 : memref<1x32x128xf32, #tpu.memory_space<vmem>> -> memref<32x128xf32, #tpu.memory_space<vmem>>
      %dma_wait3A_2017 = arith.constant 0 : i32
      %dma_wait3A_2018 = arith.constant 0 : i32
      %dma_wait3A_2019 = tpu.memref_slice %arg4[%dma_wait3A_2017, %dma_wait3A_2018] : memref<32x1000001xf32, #tpu.memory_space<hbm>> -> memref<32x128xf32, #tpu.memory_space<hbm>>
      %dma_wait3A_2020 = arith.constant 0 : i32
      %dma_wait3A_2021 = arith.constant 0 : i32
      %dma_wait3A_2022 = tpu.memref_slice %arg11[%dma_wait3A_2012, %dma_wait3A_2020, %dma_wait3A_2021] : memref<18x32x128xf32, #tpu.memory_space<vmem>> -> memref<1x32x128xf32, #tpu.memory_space<vmem>>
      %dma_wait3A_2023 = tpu.memref_squeeze %dma_wait3A_2022 : memref<1x32x128xf32, #tpu.memory_space<vmem>> -> memref<32x128xf32, #tpu.memory_space<vmem>>
      %dma_wait3A_2024 = arith.constant 0 : i32
      %dma_wait3A_2025 = arith.constant 0 : i32
      %dma_wait3A_2026 = tpu.memref_slice %arg4[%dma_wait3A_2024, %dma_wait3A_2025] : memref<32x1000001xf32, #tpu.memory_space<hbm>> -> memref<32x128xf32, #tpu.memory_space<hbm>>
      tpu.wait_dma2 semaphore(%arg28 : memref<!tpu.dma_semaphore, #tpu.memory_space<semaphore_mem>>) src(%dma_wait3A_2026 : memref<32x128xf32, #tpu.memory_space<hbm>>) dst(%dma_wait3A_2023 : memref<32x128xf32, #tpu.memory_space<vmem>>)
      %get3A_2027 = arith.index_cast %mul3A_397 : i32 to index
      %get3A_2028 = tpu.vector_load %arg9[%get3A_2027] {strides = array<i32>} : memref<512xi32, #tpu.memory_space<vmem>>, vector<16xi32>,
      %slice3A_2029 = vector.extract_strided_slice %get3A_2028 {offsets = [15], sizes = [1], strides = [1]} : vector<16xi32> to vector<1xi32>
      %squeeze3A_2030 = vector.extract %slice3A_2029[0] : i32 from vector<1xi32>
      %get3A_2031 = arith.index_cast %mul3A_397 : i32 to index
      %get3A_2032 = tpu.vector_load %arg10[%get3A_2031] {strides = array<i32>} : memref<512xi32, #tpu.memory_space<vmem>>, vector<16xi32>,
      %slice3A_2033 = vector.extract_strided_slice %get3A_2032 {offsets = [15], sizes = [1], strides = [1]} : vector<16xi32> to vector<1xi32>
      %squeeze3A_2034 = vector.extract %slice3A_2033[0] : i32 from vector<1xi32>
      %ge3A_2035 = arith.constant 999936 : i32
      %ge3A_2036 = arith.cmpi sge, %squeeze3A_2030, %ge3A_2035 : i32
      %sub3A_2037 = arith.constant 999936 : i32
      %sub3A_2038 = arith.subi %squeeze3A_2030, %sub3A_2037 : i32
      %and3A_2039 = arith.constant 127 : i32
      %and3A_2040 = arith.andi %squeeze3A_2030, %and3A_2039 : i32
      %select_n3A_2041 = arith.select %ge3A_2036, %sub3A_2038, %and3A_2040 : i32
      %jit3A_2042 = arith.constant 16 : i32
      %jit3A_2043 = arith.constant 14 : i32
      %select_n3A_2044 = arith.select %ge3A_2036, %jit3A_2042, %jit3A_2043 : i32
      %iota3A_2045 = tpu.iota {dimensions = array<i32: 0>} : vector<16xi32>
      %add3A_2046 = arith.constant 0 : i32
      %add3A_2047 = vector.broadcast %add3A_2046 : i32 to vector<16xi32>
      %add3A_2048 = arith.addi %iota3A_2045, %add3A_2047 : vector<16xi32>
      %broadcast_in_dim3A_2049 = vector.broadcast %select_n3A_2044 : i32 to vector<16xi32>
      %broadcast_in_dim3A_2050 = vector.broadcast %select_n3A_2041 : i32 to vector<16xi32>
      %gather3A_2051 = tpu.vector_load_idx %arg11[%broadcast_in_dim3A_2049, %add3A_2048, %broadcast_in_dim3A_2050] : memref<18x32x128xf32, #tpu.memory_space<vmem>>[vector<16xi32>, vector<16xi32>, vector<16xi32>], vector<16xf32>,
      %iota3A_2052 = tpu.iota {dimensions = array<i32: 0>} : vector<16xi32>
      %add3A_2053 = arith.constant 16 : i32
      %add3A_2054 = vector.broadcast %add3A_2053 : i32 to vector<16xi32>
      %add3A_2055 = arith.addi %iota3A_2052, %add3A_2054 : vector<16xi32>
      %broadcast_in_dim3A_2056 = vector.broadcast %select_n3A_2044 : i32 to vector<16xi32>
      %broadcast_in_dim3A_2057 = vector.broadcast %select_n3A_2041 : i32 to vector<16xi32>
      %gather3A_2058 = tpu.vector_load_idx %arg11[%broadcast_in_dim3A_2056, %add3A_2055, %broadcast_in_dim3A_2057] : memref<18x32x128xf32, #tpu.memory_space<vmem>>[vector<16xi32>, vector<16xi32>, vector<16xi32>], vector<16xf32>,
      %ge3A_2059 = arith.constant 999936 : i32
      %ge3A_2060 = arith.cmpi sge, %squeeze3A_2034, %ge3A_2059 : i32
      %sub3A_2061 = arith.constant 999936 : i32
      %sub3A_2062 = arith.subi %squeeze3A_2034, %sub3A_2061 : i32
      %and3A_2063 = arith.constant 127 : i32
      %and3A_2064 = arith.andi %squeeze3A_2034, %and3A_2063 : i32
      %select_n3A_2065 = arith.select %ge3A_2060, %sub3A_2062, %and3A_2064 : i32
      %jit3A_2066 = arith.constant 17 : i32
      %jit3A_2067 = arith.constant 15 : i32
      %select_n3A_2068 = arith.select %ge3A_2060, %jit3A_2066, %jit3A_2067 : i32
      %iota3A_2069 = tpu.iota {dimensions = array<i32: 0>} : vector<16xi32>
      %add3A_2070 = arith.constant 0 : i32
      %add3A_2071 = vector.broadcast %add3A_2070 : i32 to vector<16xi32>
      %add3A_2072 = arith.addi %iota3A_2069, %add3A_2071 : vector<16xi32>
      %broadcast_in_dim3A_2073 = vector.broadcast %select_n3A_2068 : i32 to vector<16xi32>
      %broadcast_in_dim3A_2074 = vector.broadcast %select_n3A_2065 : i32 to vector<16xi32>
      %gather3A_2075 = tpu.vector_load_idx %arg11[%broadcast_in_dim3A_2073, %add3A_2072, %broadcast_in_dim3A_2074] : memref<18x32x128xf32, #tpu.memory_space<vmem>>[vector<16xi32>, vector<16xi32>, vector<16xi32>], vector<16xf32>,
      %iota3A_2076 = tpu.iota {dimensions = array<i32: 0>} : vector<16xi32>
      %add3A_2077 = arith.constant 16 : i32
      %add3A_2078 = vector.broadcast %add3A_2077 : i32 to vector<16xi32>
      %add3A_2079 = arith.addi %iota3A_2076, %add3A_2078 : vector<16xi32>
      %broadcast_in_dim3A_2080 = vector.broadcast %select_n3A_2068 : i32 to vector<16xi32>
      %broadcast_in_dim3A_2081 = vector.broadcast %select_n3A_2065 : i32 to vector<16xi32>
      %gather3A_2082 = tpu.vector_load_idx %arg11[%broadcast_in_dim3A_2080, %add3A_2079, %broadcast_in_dim3A_2081] : memref<18x32x128xf32, #tpu.memory_space<vmem>>[vector<16xi32>, vector<16xi32>, vector<16xi32>], vector<16xf32>,
      %mul3A_2083 = arith.mulf %gather3A_2051, %gather3A_2075 : vector<16xf32>
      %iota3A_2084 = tpu.iota {dimensions = array<i32: 0>} : vector<16xi32>
      %add3A_2085 = arith.constant 0 : i32
      %add3A_2086 = vector.broadcast %add3A_2085 : i32 to vector<16xi32>
      %add3A_2087 = arith.addi %iota3A_2084, %add3A_2086 : vector<16xi32>
      %broadcast_in_dim3A_2088 = vector.broadcast %add3A_1996 : i32 to vector<16xi32>
      tpu.vector_store_idx %arg12[%add3A_2087, %broadcast_in_dim3A_2088], %mul3A_2083 : memref<32x512xf32, #tpu.memory_space<vmem>>[vector<16xi32>, vector<16xi32>], vector<16xf32>,
      %mul3A_2089 = arith.mulf %gather3A_2058, %gather3A_2082 : vector<16xf32>
      %iota3A_2090 = tpu.iota {dimensions = array<i32: 0>} : vector<16xi32>
      %add3A_2091 = arith.constant 16 : i32
      %add3A_2092 = vector.broadcast %add3A_2091 : i32 to vector<16xi32>
      %add3A_2093 = arith.addi %iota3A_2090, %add3A_2092 : vector<16xi32>
      %broadcast_in_dim3A_2094 = vector.broadcast %add3A_1996 : i32 to vector<16xi32>
      tpu.vector_store_idx %arg12[%add3A_2093, %broadcast_in_dim3A_2094], %mul3A_2089 : memref<32x512xf32, #tpu.memory_space<vmem>>[vector<16xi32>, vector<16xi32>], vector<16xf32>,
      %add3A_2095 = arith.constant 8 : i32
      %add3A_2096 = arith.addi %add3A_1996, %add3A_2095 : i32
      %lt3A_2097 = arith.constant 512 : i32
      %lt3A_2098 = arith.cmpi slt, %add3A_2096, %lt3A_2097 : i32
      %convert_element_type3A_2099 = arith.extui %lt3A_2098 : i1 to i32
      %cond3A_2100 = arith.constant 0 : i32
      %cond3A_2101 = arith.cmpi ne, %convert_element_type3A_2099, %cond3A_2100 : i32
      scf.if %cond3A_2101 {
        %get3A_2103 = arith.index_cast %min3A_401 : i32 to index
        %get3A_2104 = tpu.vector_load %arg9[%get3A_2103] {strides = array<i32>} : memref<512xi32, #tpu.memory_space<vmem>>, vector<16xi32>,
        %slice3A_2105 = vector.extract_strided_slice %get3A_2104 {offsets = [7], sizes = [1], strides = [1]} : vector<16xi32> to vector<1xi32>
        %squeeze3A_2106 = vector.extract %slice3A_2105[0] : i32 from vector<1xi32>
        %get3A_2107 = arith.index_cast %min3A_401 : i32 to index
        %get3A_2108 = tpu.vector_load %arg10[%get3A_2107] {strides = array<i32>} : memref<512xi32, #tpu.memory_space<vmem>>, vector<16xi32>,
        %slice3A_2109 = vector.extract_strided_slice %get3A_2108 {offsets = [7], sizes = [1], strides = [1]} : vector<16xi32> to vector<1xi32>
        %squeeze3A_2110 = vector.extract %slice3A_2109[0] : i32 from vector<1xi32>
        %shift_right_logical3A_2111 = arith.constant 7 : i32
        %shift_right_logical3A_2112 = arith.shrui %squeeze3A_2106, %shift_right_logical3A_2111 : i32
        %min3A_2113 = arith.constant 7811 : i32
        %min3A_2114 = arith.minsi %shift_right_logical3A_2112, %min3A_2113 : i32
        %mul3A_2115 = arith.constant 128 : i32
        %mul3A_2116 = arith.muli %min3A_2114, %mul3A_2115 : i32
        %multiple_of3A_2117 = tpu.assume_multiple %mul3A_2116, 128 : i32
        %dma_start3A_2118 = arith.constant 14 : i32
        %dma_start3A_2119 = arith.constant 0 : i32
        %dma_start3A_2120 = arith.constant 0 : i32
        %dma_start3A_2121 = tpu.memref_slice %arg11[%dma_start3A_2118, %dma_start3A_2119, %dma_start3A_2120] : memref<18x32x128xf32, #tpu.memory_space<vmem>> -> memref<1x32x128xf32, #tpu.memory_space<vmem>>
        %dma_start3A_2122 = tpu.memref_squeeze %dma_start3A_2121 : memref<1x32x128xf32, #tpu.memory_space<vmem>> -> memref<32x128xf32, #tpu.memory_space<vmem>>
        %dma_start3A_2123 = arith.constant 0 : i32
        %dma_start3A_2124 = tpu.memref_slice %arg3[%dma_start3A_2123, %multiple_of3A_2117] : memref<32x1000001xf32, #tpu.memory_space<hbm>> -> memref<32x128xf32, #tpu.memory_space<hbm>>
        %dma_start3A_2125 = arith.constant 0 : i32
        %dma_start3A_2126 = arith.constant 0 : i32
        %dma_start3A_2127 = tpu.memref_slice %arg11[%dma_start3A_2118, %dma_start3A_2125, %dma_start3A_2126] : memref<18x32x128xf32, #tpu.memory_space<vmem>> -> memref<1x32x128xf32, #tpu.memory_space<vmem>>
        %dma_start3A_2128 = tpu.memref_squeeze %dma_start3A_2127 : memref<1x32x128xf32, #tpu.memory_space<vmem>> -> memref<32x128xf32, #tpu.memory_space<vmem>>
        %dma_start3A_2129 = arith.constant 0 : i32
        %dma_start3A_2130 = tpu.memref_slice %arg3[%dma_start3A_2129, %multiple_of3A_2117] : memref<32x1000001xf32, #tpu.memory_space<hbm>> -> memref<32x128xf32, #tpu.memory_space<hbm>>
        tpu.enqueue_dma source(%dma_start3A_2130 : memref<32x128xf32, #tpu.memory_space<hbm>>) target(%dma_start3A_2128 : memref<32x128xf32, #tpu.memory_space<vmem>>) target_semaphore(%arg27 : memref<!tpu.dma_semaphore, #tpu.memory_space<semaphore_mem>>)
        %shift_right_logical3A_2131 = arith.constant 7 : i32
        %shift_right_logical3A_2132 = arith.shrui %squeeze3A_2110, %shift_right_logical3A_2131 : i32
        %min3A_2133 = arith.constant 7811 : i32
        %min3A_2134 = arith.minsi %shift_right_logical3A_2132, %min3A_2133 : i32
        %mul3A_2135 = arith.constant 128 : i32
        %mul3A_2136 = arith.muli %min3A_2134, %mul3A_2135 : i32
        %multiple_of3A_2137 = tpu.assume_multiple %mul3A_2136, 128 : i32
        %dma_start3A_2138 = arith.constant 15 : i32
        %dma_start3A_2139 = arith.constant 0 : i32
        %dma_start3A_2140 = arith.constant 0 : i32
        %dma_start3A_2141 = tpu.memref_slice %arg11[%dma_start3A_2138, %dma_start3A_2139, %dma_start3A_2140] : memref<18x32x128xf32, #tpu.memory_space<vmem>> -> memref<1x32x128xf32, #tpu.memory_space<vmem>>
        %dma_start3A_2142 = tpu.memref_squeeze %dma_start3A_2141 : memref<1x32x128xf32, #tpu.memory_space<vmem>> -> memref<32x128xf32, #tpu.memory_space<vmem>>
        %dma_start3A_2143 = arith.constant 0 : i32
        %dma_start3A_2144 = tpu.memref_slice %arg4[%dma_start3A_2143, %multiple_of3A_2137] : memref<32x1000001xf32, #tpu.memory_space<hbm>> -> memref<32x128xf32, #tpu.memory_space<hbm>>
        %dma_start3A_2145 = arith.constant 0 : i32
        %dma_start3A_2146 = arith.constant 0 : i32
        %dma_start3A_2147 = tpu.memref_slice %arg11[%dma_start3A_2138, %dma_start3A_2145, %dma_start3A_2146] : memref<18x32x128xf32, #tpu.memory_space<vmem>> -> memref<1x32x128xf32, #tpu.memory_space<vmem>>
        %dma_start3A_2148 = tpu.memref_squeeze %dma_start3A_2147 : memref<1x32x128xf32, #tpu.memory_space<vmem>> -> memref<32x128xf32, #tpu.memory_space<vmem>>
        %dma_start3A_2149 = arith.constant 0 : i32
        %dma_start3A_2150 = tpu.memref_slice %arg4[%dma_start3A_2149, %multiple_of3A_2137] : memref<32x1000001xf32, #tpu.memory_space<hbm>> -> memref<32x128xf32, #tpu.memory_space<hbm>>
        tpu.enqueue_dma source(%dma_start3A_2150 : memref<32x128xf32, #tpu.memory_space<hbm>>) target(%dma_start3A_2148 : memref<32x128xf32, #tpu.memory_space<vmem>>) target_semaphore(%arg28 : memref<!tpu.dma_semaphore, #tpu.memory_space<semaphore_mem>>)
      } else {
      }
      %scan3A_2102 = arith.constant 0 : i32
      scf.yield %scan3A_2102 : i32
    }
    %scan3A_393 = arith.constant 32 : i32
    "tpu.region"() ({
      %run_scoped3A_394 = tpu.sem_alloc : memref<!tpu.dma_semaphore, #tpu.memory_space<semaphore_mem>>
      %dma_start3A_395 = arith.constant 0 : i32
      %dma_start3A_396 = tpu.memref_slice %arg7[%dma_start3A_395, %mul3A_2] : memref<32x16384xf32, #tpu.memory_space<hbm>> -> memref<32x512xf32, #tpu.memory_space<hbm>>
      %dma_start3A_397 = arith.constant 0 : i32
      %dma_start3A_398 = tpu.memref_slice %arg7[%dma_start3A_397, %mul3A_2] : memref<32x16384xf32, #tpu.memory_space<hbm>> -> memref<32x512xf32, #tpu.memory_space<hbm>>
      tpu.enqueue_dma source(%arg12 : memref<32x512xf32, #tpu.memory_space<vmem>>) target(%dma_start3A_398 : memref<32x512xf32, #tpu.memory_space<hbm>>) target_semaphore(%run_scoped3A_394 : memref<!tpu.dma_semaphore, #tpu.memory_space<semaphore_mem>>)
      %dma_wait3A = arith.constant 0 : i32
      %dma_wait3A_399 = tpu.memref_slice %arg7[%dma_wait3A, %mul3A_2] : memref<32x16384xf32, #tpu.memory_space<hbm>> -> memref<32x512xf32, #tpu.memory_space<hbm>>
      %dma_wait3A_400 = arith.constant 0 : i32
      %dma_wait3A_401 = tpu.memref_slice %arg7[%dma_wait3A_400, %mul3A_2] : memref<32x16384xf32, #tpu.memory_space<hbm>> -> memref<32x512xf32, #tpu.memory_space<hbm>>
      tpu.wait_dma2 semaphore(%run_scoped3A_394 : memref<!tpu.dma_semaphore, #tpu.memory_space<semaphore_mem>>) src(%arg12 : memref<32x512xf32, #tpu.memory_space<vmem>>) dst(%dma_wait3A_401 : memref<32x512xf32, #tpu.memory_space<hbm>>)
      tpu.yield
    }) : () -> ()
    return
  }
}

</mosaic_0001>

<sc_bundles>
// kernel: kernel.3.cloned.1.call-start
scs
__scs_entry_jumppad:
0x0: {  	(pc) =	sbr.rel $0x88, $3  }
0x1: {  	(tag) =	ssettag $0x0;
	lr =	simm.s32 $0x1  }
0x2: {  	[smem:$0x3F9E] =	sst lr;
	_ =	strace $0xD0000000  }
0x3: {  	_ = 	snop  }
0x4: {  	_ = 	snop  }
0x5: {  	_ = 	snop  }
0x6: {  	_ = 	snop  }
0x7: {  	_ = 	snop  }
__scs_overlays_trampoline_lowered:
0x8: {  	[smem:$0x3FAD] =	sst s0  }
0x9: {  	[smem:$0x3FAE] =	sst s1  }
0xa: {  	[smem:$0x3FAF] =	sst s2  }
0xb: {  	[smem:$0x3FB0] =	sst s3  }
0xc: {  	[smem:$0x3FB1] =	sst s4  }
0xd: {  	[smem:$0x3FB2] =	sst s5  }
0xe: {  	[smem:$0x3FB3] =	sst s6  }
0xf: {  	[smem:$0x3FB4] =	sst s7  }
0x10: {  	[smem:$0x3FB5] =	sst s8  }
0x11: {  	[smem:$0x3FB6] =	sst s9;
	s0 =	simm.s32 @!p0 $0x0  }
0x12: {  	s1 =	sld [smem:$0x3F9C];
	s0 =	simm.s32 @p0 $0x1  }
0x13: {  	[smem:$0x3FB7] =	sst s0;
	s0 =	simm.s32 @!p1 $0x0  }
0x14: {  	s2 =	sld [smem:$0x3F9B];
	s0 =	simm.s32 @p1 $0x1  }
0x15: {  	[smem:$0x3FB8] =	sst s0;
	s0 =	simm.s32 @!p2 $0x0  }
0x16: {  	s3 =	sld [smem:$0x3FDB];
	s0 =	simm.s32 @p2 $0x1  }
0x17: {  	s4 =	simm.s32 $0x1BF5;
	[smem:$0x3FBA] =	sst s0  }
0x18: {  	s0 =	sld [smem:$0x3F9D];
	_ =	swait.ge [sflag:s4], $0x0  }
0x19: {  	s7 =	sld [smem:$0x3F9E]  }
0x1a: {  	s8 =	sadd.s32 $0xFFFFE003, lr  }
0x1b: {  	s9 =	sadd.s32 $0xFFFFFEF7, lr;
	s5 =	simm.s32 $0xFFFFFFFF;
	p2 =	slt.u32 s8, $0xFFFFF086  }
0x1c: {  	p1 =	slt.u32 s9, $0xF7A;
	s5 =	simm.s32 @!p2 $0x0  }
0x1d: {  	s5 =	simm.s32 @p1 $0x1;
	p0 =	seq.s32 s7, s2  }
0x1e: {  	s7 =	smul.u32 @!p0 $0xF7A, s2;
	p2 =	seq.s32 @!p0 s5, $0x0  }
0x1f: {  	s9 =	smul.u32 $0xF7A, s1;
	s8 =	simm.s32 @!p0 $0x1BF5;
	p2 =	por !p2, p0  }
0x20: {  	[sflag:s8] =	ssyncset.s32 @!p0 $0xFFFFF086;
	s6 =	sadd.s32 @!p0 s3, s7;
	s7 =	simm.s32 @!p0 $0x108  }
0x21: {  	s3 =	sadd.s32 s3, s9;
	s6 =	sadd.s32 @!p0 $0x88, s6;
	s7 =	simm.s32 @p2 $0x1082  }
0x22: {  	[simem:s7], [sflag:s8] =	dma.local @!p0 [hbm:s6], $0xF7A  }
0x23: {  	s9 =	sor.u32 $0xD0000000, s2;
	s6 =	simm.s32 $0x108;
	_ =	swait.ge @!p0 [sflag:s8], $0x0  }
0x24: {  	s3 =	sadd.s32 $0x88, s3;
	s6 =	simm.s32 @!p1 $0x1082;
	[sflag:s4] =	ssyncset.s32 $0xFFFFF086  }
0x25: {  	[simem:s6], [sflag:s4] =	dma.local [hbm:s3], $0xF7A  }
0x26: {  	[smem:$0x3F9E] =	sst s1;
	(tag) =	ssettag s2;
	_ =	strace s9  }
0x27: {  	s1 =	sld [smem:$0x3FAE]  }
0x28: {  	s2 =	sld [smem:$0x3FAF]  }
0x29: {  	s4 =	sld [smem:$0x3FB1]  }
0x2a: {  	p0 =	seq.s32 s5, $0x0;
	s5 =	sld [smem:$0x3FB2]  }
0x2b: {  	s6 =	sld [smem:$0x3FB3]  }
0x2c: {  	s7 =	sld [smem:$0x3FB4]  }
0x2d: {  	s3 =	simm.s32 $0x108;
	s8 =	sld [smem:$0x3FB5]  }
0x2e: {  	s3 =	simm.s32 @!p0 $0x1082;
	s9 =	sld [smem:$0x3FB6]  }
0x2f: {  	lr =	sadd.s32 s0, s3;
	s0 =	sld [smem:$0x3FAD]  }
0x30: {  	s3 =	sld [smem:$0x3FB0]  }
0x31: {  	[smem:$0x3FB9] =	sst s10  }
0x32: {  	s10 =	sld [smem:$0x3FB7];
	_ =	sdelay $0x3  }
0x33: {  	p0 =	seq.s32 s10, $0x1;
	s10 =	sld [smem:$0x3FB9];
	_ =	sdelay $0x3  }
0x34: {  	[smem:$0x3FB9] =	sst s10  }
0x35: {  	s10 =	sld [smem:$0x3FB8];
	_ =	sdelay $0x3  }
0x36: {  	p1 =	seq.s32 s10, $0x1;
	s10 =	sld [smem:$0x3FB9];
	_ =	sdelay $0x3  }
0x37: {  	[smem:$0x3FB9] =	sst s10  }
0x38: {  	s10 =	sld [smem:$0x3FBA]  }
0x39: {  	_ = 	snop;
	(pc) =	sbr.ind lr, $3  }
0x3a: {  	_ = 	snop  }
0x3b: {  	_ = 	snop  }
0x3c: {  	p2 =	seq.s32 s10, $0x1;
	s10 =	sld [smem:$0x3FB9]  }
0x3d: {  	_ =	shalt  }
0x3e: {  	_ =	shalt  }
0x3f: {  	_ =	shalt  }
0x40: {  	_ =	shalt  }
0x41: {  	_ =	shalt  }
0x42: {  	_ =	shalt  }
0x43: {  	_ =	shalt  }
0x44: {  	_ =	shalt  }
0x45: {  	_ =	shalt  }
0x46: {  	_ =	shalt  }
0x47: {  	_ =	shalt  }
0x48: {  	_ =	shalt  }
0x49: {  	_ =	shalt  }
0x4a: {  	_ =	shalt  }
0x4b: {  	_ =	shalt  }
0x4c: {  	_ =	shalt  }
0x4d: {  	_ =	shalt  }
0x4e: {  	_ =	shalt  }
0x4f: {  	_ =	shalt  }
0x50: {  	_ =	shalt  }
0x51: {  	_ =	shalt  }
0x52: {  	_ =	shalt  }
0x53: {  	_ =	shalt  }
0x54: {  	_ =	shalt  }
0x55: {  	_ =	shalt  }
0x56: {  	_ =	shalt  }
0x57: {  	_ =	shalt  }
0x58: {  	_ =	shalt  }
0x59: {  	_ =	shalt  }
0x5a: {  	_ =	shalt  }
0x5b: {  	_ =	shalt  }
0x5c: {  	_ =	shalt  }
0x5d: {  	_ =	shalt  }
0x5e: {  	_ =	shalt  }
0x5f: {  	_ =	shalt  }
0x60: {  	_ =	shalt  }
0x61: {  	_ =	shalt  }
0x62: {  	_ =	shalt  }
0x63: {  	_ =	shalt  }
0x64: {  	_ =	shalt  }
0x65: {  	_ =	shalt  }
0x66: {  	_ =	shalt  }
0x67: {  	_ =	shalt  }
0x68: {  	_ =	shalt  }
0x69: {  	_ =	shalt  }
0x6a: {  	_ =	shalt  }
0x6b: {  	_ =	shalt  }
0x6c: {  	_ =	shalt  }
0x6d: {  	_ =	shalt  }
0x6e: {  	_ =	shalt  }
0x6f: {  	_ =	shalt  }
0x70: {  	_ =	shalt  }
0x71: {  	_ =	shalt  }
0x72: {  	_ =	shalt  }
0x73: {  	_ =	shalt  }
0x74: {  	_ =	shalt  }
0x75: {  	_ =	shalt  }
0x76: {  	_ =	shalt  }
0x77: {  	_ =	shalt  }
0x78: {  	_ =	shalt  }
0x79: {  	_ =	shalt  }
0x7a: {  	_ =	shalt  }
0x7b: {  	_ =	shalt  }
0x7c: {  	_ =	shalt  }
0x7d: {  	_ =	shalt  }
0x7e: {  	_ =	shalt  }
0x7f: {  	_ =	shalt  }
0x80: {  	_ =	shalt  }
0x81: {  	_ =	shalt  }
0x82: {  	_ =	shalt  }
0x83: {  	_ =	shalt  }
0x84: {  	_ =	shalt  }
0x85: {  	_ =	shalt  }
0x86: {  	_ =	shalt  }
0x87: {  	_ =	shalt  }
.Lfunc_end0:
.L_simem_size_0:
called_computation_lowered:
.L_overlay_start_0:
0x88: {  	s2 =	sld [smem:$0x3FD9]  }
0x89: {  	s3 =	sld [smem:$0x3FFE];
	_ =	sdelay $0x1  }
0x8a: {  	s1 =	srdreg.scid  }
0x8b: {  	s0 =	sand.u32 $0x1, s1  }
0x8c: {  	s17 =	sshll.u32 s0, $0xA;
	s2 =	sadd.s32 s3, s2  }
0x8d: {  	s2 =	sadd.s32 s2, s17  }
0x8e: {  	[smem:$0x3FC5] =	sst s2  }
0x8f: {  	_ = 	snop  }
0x90: {  	s2 =	sld [smem:$0x3FC9]  }
0x91: {  	s18 =	sld [smem:$0x3FC8]  }
0x92: {  	s4 =	sld [smem:$0x3FC7]  }
0x93: {  	s5 =	sld [smem:$0x3FD0];
	(tm) =	ssettm $0x1  }
0x94: {  	s6 =	sld [smem:$0x3FFB];
	_ =	sdelay $0x3  }
0x95: {  	_ =	strace s6  }
0x96: {  	s6 =	sld [smem:$0x3FFC];
	_ =	sdelay $0x3  }
0x97: {  	_ =	strace s6  }
0x98: {  	s6 =	sld [smem:$0x3FFD];
	_ =	sdelay $0x3  }
0x99: {  	_ =	strace s6  }
0x9a: {  	_ =	strace $0x8FFFFFFF  }
0x9b: {  	s19 =	sld [smem:$0x3FDB];
	_ =	sdelay $0x1  }
0x9c: {  	s7 =	simm.s32 $_scs_section_size  }
0x9d: {  	s8 =	simm.s32 $_size__tile_overlayer_lowered;
	s9 =	simm.s32 $_tile_overlayer_lowered  }
0x9e: {  	s22 =	simm.s32 $0x1BFF;
	s21 =	sshll.u32 s9, $0x1;
	s6 =	sadd.s32 s7, s19  }
0x9f: {  	s10 =	simm.s32 $0x0;
	s20 =	sshll.u32 s8, $0x1;
	s8 =	sadd.s32 s21, s6  }
0xa0: {  	[timem:s10], [sflag:s22] =	dma.local [hbm:s8], s20  }
0xa1: {  	_ =	swait.ge [sflag:s22], s20  }
0xa2: {  	s7 =	ssub.s32 $0x0, s20;
	[sflag:s22] =	ssyncset.done $0x0  }
0xa3: {  	[sflag:s22] =	ssyncadd.s32 s7;
	_ =	sdelay $0x1  }
0xa4: {  	s23 =	simm.s32 $0x1B8B  }
0xa5: {  	_ =	swait.ge [sflag:s23], $0x1  }
0xa6: {  	[sflag:s23] =	ssyncset.done $0x0  }
0xa7: {  	s25 =	simm.s32 $0x1B8E;
	s24 =	sld [smem:$0x3FFE];
	[sflag:s23] =	ssyncadd.s32 $0xFFFFFFFF  }
0xa8: {  	s26 =	simm.s32 $execute0_lowered;
	[smem:$0x3FD2] =	sst s25  }
0xa9: {  	s8 =	sshll.u32 s26, $0x1;
	_ =	strace $0x80000046;
	[dreg:$0x1] =	wrdreg $0xFFFFFFFF  }
0xaa: {  	s28 =	simm.s32 $_size_execute0_lowered;
	s6 =	sadd.s32 s6, s8;
	[dreg:$0x0] =	wrdreg $0x0  }
0xab: {  	s8 =	sshll.u32 s28, $0x1;
	[dreg:$0x2] =	wrdreg s6  }
0xac: {  	[dreg:$0x3] =	wrdreg s8  }
0xad: {  	[dreg:$0x4] =	wrdreg $0xC0  }
0xae: {  	_ =	task [dreg:s10], $0x5FFFF  }
0xaf: {  	[dreg:$0x1] =	wrdreg $0xFFFFFFFF  }
0xb0: {  	[dreg:$0x0] =	wrdreg $0x60  }
0xb1: {  	[dreg:$0x2] =	wrdreg s2  }
0xb2: {  	[dreg:$0x3] =	wrdreg s18  }
0xb3: {  	[dreg:$0x4] =	wrdreg s4  }
0xb4: {  	[dreg:$0x5] =	wrdreg s24  }
0xb5: {  	[dreg:$0x6] =	wrdreg s5  }
0xb6: {  	[dreg:$0x7] =	wrdreg $0x9  }
0xb7: {  	_ =	task.clear_ibuf [dreg:s10], $0x8FFFF;
	_ =	strace $0x90000046  }
0xb8: {  	s29 =	simm.s32 $0x9;
	_ =	strace $0x80000048  }
0xb9: {  	_ =	swait.ge [sflag:s29], $0x1  }
0xba: {  	[sflag:s29] =	ssyncadd.s32 $0xFFFFFFFF  }
0xbb: {  	_ =	strace $0x90000048  }
0xbc: {  	_ =	sfence  }
0xbd: {  	s30 =	sld [smem:$0x0];
	_ =	sdelay $0x2  }
0xbe: {  	s31 =	sshll.u32 s1, $0xD;
	s1 =	sshrl.u32 s1, $0x2  }
0xbf: {  	s3 =	sand.u32 $0x4000, s31;
	s1 =	sadd.s32 s1, s30  }
0xc0: {  	s0 =	sor.u32 s3, s0;
	s1 =	sshll.u32 s1, $0x11  }
0xc1: {  	s0 =	sor.u32 s1, s0  }
0xc2: {  	s0 =	sadd.s32 $0x8F2B, s0  }
0xc3: {  	[sflag:s0] =	ssyncadd.remote.s32 $0x1  }
0xc4: {  	_ =	sfence.sel $0xFFFF  }
0xc5: {  	[dreg:$0x0] =	wrdreg $0xFFFFFFFF;
	(pc) =	sbr.abs _section_cstart, $3  }
0xc6: {  	[dreg:$0x1] =	wrdreg $0xFFFFFFFF  }
0xc7: {  	_ =	task.clear_ibuf [dreg:s10], $0x2FFFF;
	_ =	strace $0x9FFFFFFF  }
0xc8: {  	(tm) =	ssettm $0x7FFFFFFF  }
0xc9: {  	_ =	shalt  }
tec
execute0_lowered:
.L_overlay_start_1:
0x0: {  	(tag) =	ssettag $0x1  }
0x1: {  	s0 =	rddreg [dreg:$0x0]  }
0x2: {  	s1 =	rddreg [dreg:$0x1]  }
0x3: {  	s2 =	rddreg [dreg:$0x2]  }
0x4: {  	s3 =	rddreg [dreg:$0x3];
	v0 =	vlaneseq.u32;
	v1 =	vimm.s32 $0x1380  }
0x5: {  	s4 =	rddreg [dreg:$0x4];
	s6 =	simm.s32 $0x0;
	s5 =	srdreg.scid;
	vm0 =	vcmask $0x300;
	v2 =	vimm.s32 $0x3380;
	vm1 =	vcmask $0x704  }
0x6: {  	s24 =	stileid.u32;
	vm15 =	vcmask $0xB08;
	s13 =	simm.s32 $0x7A1400;
	s14 =	simm.s32 $0x600;
	v1 =	vsel vm0, $0x0, v1;
	v2 =	vsel vm0, $0x2000, v2  }
0x7: {  	vm4 =	vcmask $0xF0C;
	s28 =	simm.s32 $0xE600;
	s29 =	simm.s32 $0xF600;
	s9 =	simm.s32 $0x400;
	v1 =	vsel vm1, $0x80, v1;
	v2 =	vsel vm1, $0x2080, v2  }
0x8: {  	vm5 =	vcmask $0x1310;
	s11 =	simm.s32 $0x3;
	s12 =	simm.s32 $0x8;
	s10 =	simm.s32 $0xA;
	v1 =	vsel vm15, $0x100, v1;
	v2 =	vsel vm15, $0x2100, v2  }
0x9: {  	vm6 =	vcmask $0x1714;
	s15 =	simm.s32 $0xB;
	s16 =	simm.s32 $0xC;
	s17 =	simm.s32 $0xD;
	v1 =	vsel vm4, $0x180, v1;
	v2 =	vsel vm4, $0x2180, v2  }
0xa: {  	vm7 =	vcmask $0x1B18;
	s18 =	simm.s32 $0xE;
	s19 =	simm.s32 $0xF;
	s20 =	simm.s32 $0x10;
	v1 =	vsel vm5, $0x200, v1;
	v2 =	vsel vm5, $0x2200, v2  }
0xb: {  	vm8 =	vcmask $0x1F1C;
	s31 =	simm.s32 $0xE600;
	[smem:$0x7FF] =	sst s6;
	s5 =	sand.u32 $0x1, s5;
	v1 =	vsel vm6, $0x280, v1;
	v2 =	vsel vm6, $0x2280, v2  }
0xc: {  	vm9 =	vcmask $0x2320;
	s6 =	sshll.u32 s24, $0xA;
	s8 =	sadd.s32 $0x400, s3;
	s3 =	sadd.s32 $0x600, s3;
	v1 =	vsel vm7, $0x300, v1;
	v2 =	vsel vm7, $0x2300, v2  }
0xd: {  	vm10 =	vcmask $0x2724;
	s24 =	simm.s32 $0x11;
	_ =	strace $0x80000047;
	[dreg:$0x6] =	wrdreg s8;
	v1 =	vsel vm8, $0x380, v1;
	v2 =	vsel vm8, $0x2380, v2  }
0xe: {  	vm11 =	vcmask $0x2B28;
	s7 =	sshll.u32 s5, $0x9;
	s5 =	ssub.s32 $0x2, s5;
	[dreg:$0x7] =	wrdreg s3;
	v1 =	vsel vm9, $0x1000, v1;
	v2 =	vsel vm9, $0x3000, v2  }
0xf: {  	vm12 =	vcmask $0x2F2C;
	s8 =	simm.s32 $0x7;
	s6 =	sor.u32 s7, s6;
	s25 =	sshrl.u32 s5, $0x1;
	v1 =	vsel vm10, $0x1080, v1;
	v2 =	vsel vm10, $0x3080, v2  }
.Ltmp0:
0x10: {  	vm13 =	vcmask $0x3330;
	s7 =	sshrl.u32 s6, $0x3;
	s3 =	ssub.s32 s5, s25;
	v1 =	vsel vm11, $0x1100, v1;
	v2 =	vsel vm11, $0x3100, v2;
	(pc) =	sbr.rel .LBB2_1-.Ltmp0, $4  }
0x11: {  	vm14 =	vcmask $0x3734;
	s26 =	sadd.s32 s4, s6;
	s5 =	simm.s32 $0x4;
	s6 =	simm.s32 $0x5;
	v1 =	vsel vm12, $0x1180, v1;
	v2 =	vsel vm12, $0x3180, v2  }
0x12: {  	v0 =	vmul.u32 $0x80, v0;
	s4 =	simm.s32 $0x9;
	s0 =	sadd.s32 s0, s7;
	[dreg:$0x9] =	wrdreg s26;
	v1 =	vsel vm13, $0x1200, v1;
	v2 =	vsel vm13, $0x3200, v2  }
0x13: {  	vm15 =	vcmask $0x3B38;
	s30 =	smax.u32 s3, $0x1;
	s3 =	simm.s32 $0x12600;
	[dreg:$0x8] =	wrdreg s0;
	v3 =	vsel vm14, $0x1280, v1;
	v4 =	vsel vm14, $0x3280, v2  }
0x14: {  	s7 =	simm.s32 $0x6;
	[dreg:$0xa] =	wrdreg s30;
	s0 =	simm.s32 $0x0;
	v1 =	vor.u32 $0x800, v0;
	v2 =	vsel vm15, $0x1300, v3;
	v3 =	vsel vm15, $0x3300, v4  }
.LBB2_6:
0x15: {  	s21 =	rddreg [dreg:$0x9]  }
0x16: {  	s0 =	simm.s32 $0x1000;
	s22 =	simm.s32 $0x20000;
	s24 =	simm.s32 $0x11  }
0x17: {  	[hbm4b:s21+s0] =	stream.strided.scatter [tilespmem:s3], [sflag:$0x11], $0x4000, s22, s0, $0x38;
	[tilespmem:$0x16600] =	vst v63  }
0x18: {  	_ =	swait.ge [sflag:s24], $0x4000  }
0x19: {  	s26 =	rddreg [dreg:$0xb]  }
0x1a: {  	s30 =	rddreg [dreg:$0xa];
	s0 =	sadd.s32 $0x1, s26  }
0x1b: {  	p0 =	sne.s32 s0, s30  }
.Ltmp1:
0x1c: {  	_ = 	snop;
	(pc) =	sbr.rel @!p0 .LBB2_7-.Ltmp1, $3  }
0x1d: {  	_ =	sdelay $0x1  }
0x1e: {  	[sflag:s24] =	ssyncset.done $0x0  }
0x1f: {  	s28 =	simm.s32 $0xE600;
	s29 =	simm.s32 $0xF600;
	[sflag:s24] =	ssyncadd.s32 $0xFFFFC000  }
.LBB2_1:
0x20: {  	[dreg:$0xb] =	wrdreg s0  }
0x21: {  	s21 =	simm.s32 $0x0;
	s22 =	rddreg [dreg:$0x6];
	s23 =	simm.s32 $0x10600  }
0x22: {  	[tilespmem:s23], [sflag:$0x11] =	stream.linear.gather [hbm4b:s22+s21], $0x1000, $0x38;
	[tilespmem:$0x16600] =	vst v63  }
0x23: {  	_ =	swait.ge [sflag:s24], $0x1000  }
0x24: {  	[sflag:s24] =	ssyncset.done $0x0  }
0x25: {  	s26 =	simm.s32 $0x11600;
	s25 =	rddreg [dreg:$0x7];
	[sflag:s24] =	ssyncadd.s32 $0xFFFFF000  }
0x26: {  	[tilespmem:s26], [sflag:$0x11] =	stream.linear.gather [hbm4b:s25+s21], $0x1000, $0x38;
	[tilespmem:$0x16600] =	vst v63  }
0x27: {  	_ =	swait.ge [sflag:s24], $0x1000  }
0x28: {  	[sflag:s24] =	ssyncset.done $0x0  }
0x29: {  	s30 =	rddreg [dreg:$0x8];
	[sflag:s24] =	ssyncadd.s32 $0xFFFFF000  }
0x2a: {  	[tilespmem:s21], [sflag:$0x11] =	stream.linear.gather [hbm4b:s30+s21], $0x200, $0x38;
	[tilespmem:$0x16600] =	vst v63  }
0x2b: {  	_ =	swait.ge [sflag:s24], $0x200  }
0x2c: {  	[sflag:s24] =	ssyncset.done $0x0  }
0x2d: {  	s22 =	simm.s32 $0x0;
	[sflag:s24] =	ssyncadd.s32 $0xFFFFFE00  }
0x2e: {  	v4 =	vld [tilespmem:s22+$0x0];
	_ =	sdelay $0x4  }
0x2f: {  	v5 =	vmul.u32 $0x1B3B, v4;
	v4 =	vmul.u32 $0x1E2B, v4  }
0x30: {  	s21 =	simm.s32 $0x10  }
0x31: {  	v6 =	vld [tilespmem:s21+$0x0];
	v4 =	vadd.s32 $0x1D53, v4  }
0x32: {  	v5 =	vadd.s32 $0x1C99, v5;
	v8 =	vshrl.u32 v4, $0x10  }
0x33: {  	v7 =	vshrl.u32 v5, $0x10;
	v4 =	vxor.u32 v4, v8  }
0x34: {  	v5 =	vxor.u32 v5, v7;
	v4 =	vmul.u32 $0x45D9F3B, v4  }
0x35: {  	v7 =	vmul.u32 $0x45D9F3B, v5  }
0x36: {  	v9 =	vmul.u32 $0x1B3B, v6;
	v5 =	vshrl.u32 v4, $0x10  }
0x37: {  	v6 =	vmul.u32 $0x1E2B, v6;
	v8 =	vshrl.u32 v7, $0x10;
	v5 =	vxor.u32 v4, v5  }
0x38: {  	v4 =	vxor.u32 v7, v8;
	v7 =	vmulhi.u32 $0x431BDA1D, v5  }
0x39: {  	s23 =	simm.s32 $0x20;
	s24 =	simm.s32 $0xC0;
	v8 =	vadd.s32 $0x1C99, v9;
	v9 =	vadd.s32 $0x1D53, v6;
	v6 =	vmulhi.u32 $0x431BDA1D, v4  }
.LBB2_2:
0x3a: {  	p0 =	sne.s32 s24, $0x7C0;
	v10 =	vld [tilespmem:s23+$0x0];
	v11 =	vshrl.u32 v8, $0x10;
	v12 =	vshrl.u32 v9, $0x10;
	v7 =	vshrl.u32 v7, $0x12;
	s25 =	smov.u32 s21;
	s21 =	smov.u32 s23  }
0x3b: {  	v8 =	vxor.u32 v8, v11;
	v9 =	vxor.u32 v9, v12;
	v7 =	vmul.u32 $0xF4241, v7  }
0x3c: {  	v6 =	vshrl.u32 v6, $0x12;
	v8 =	vmul.u32 $0x45D9F3B, v8;
	v9 =	vmul.u32 $0x45D9F3B, v9  }
.Ltmp2:
0x3d: {  	v6 =	vmul.u32 $0xF4241, v6;
	v5 =	vsub.s32 v5, v7;
	(pc) =	sbr.rel @p0 .LBB2_2-.Ltmp2, $4  }
0x3e: {  	v11 =	vshrl.u32 v8, $0x10;
	v7 =	vshrl.u32 v9, $0x10;
	[tilespmem:s22+$0x400] =	vst v5  }
0x3f: {  	v12 =	vmul.u32 $0x1B3B, v10;
	v10 =	vmul.u32 $0x1E2B, v10;
	v5 =	vxor.u32 v9, v7  }
0x40: {  	v13 =	vsub.s32 v4, v6;
	v4 =	vxor.u32 v8, v11;
	v7 =	vmulhi.u32 $0x431BDA1D, v5  }
0x41: {  	s23 =	sshra.s32 s24, $0x2;
	s24 =	sadd.s32 $0x40, s24;
	v6 =	vmulhi.u32 $0x431BDA1D, v4;
	v8 =	vadd.s32 $0x1C99, v12;
	v9 =	vadd.s32 $0x1D53, v10;
	[tilespmem:s22+$0x200] =	vst v13;
	s22 =	smov.u32 s25  }
0x42: {  	v10 =	vld [tilespmem:s23+$0x0];
	_ =	sdelay $0x3  }
0x43: {  	v11 =	vshrl.u32 v8, $0x10;
	v12 =	vshrl.u32 v9, $0x10;
	v7 =	vshrl.u32 v7, $0x12  }
0x44: {  	v8 =	vxor.u32 v8, v11;
	v9 =	vxor.u32 v9, v12;
	v54 =	vmul.u32 $0x1E2B, v10  }
0x45: {  	v7 =	vmul.u32 $0xF4241, v7;
	v6 =	vshrl.u32 v6, $0x12;
	v10 =	vmul.u32 $0x1B3B, v10  }
0x46: {  	v8 =	vmul.u32 $0x45D9F3B, v8;
	v9 =	vmul.u32 $0x45D9F3B, v9;
	v11 =	vadd.s32 $0x1D53, v54  }
0x47: {  	v6 =	vmul.u32 $0xF4241, v6;
	v10 =	vadd.s32 $0x1C99, v10;
	v55 =	vshrl.u32 v11, $0x10  }
0x48: {  	v5 =	vsub.s32 v5, v7;
	v56 =	vshrl.u32 v10, $0x10;
	v11 =	vxor.u32 v11, v55  }
0x49: {  	v57 =	vshrl.u32 v9, $0x10;
	v7 =	vxor.u32 v10, v56;
	v58 =	vmul.u32 $0x45D9F3B, v11  }
0x4a: {  	v59 =	vshrl.u32 v8, $0x10;
	v9 =	vxor.u32 v9, v57;
	v7 =	vmul.u32 $0x45D9F3B, v7  }
0x4b: {  	v8 =	vxor.u32 v8, v59;
	v60 =	vmulhi.u32 $0x431BDA1D, v9;
	v61 =	vshrl.u32 v58, $0x10  }
0x4c: {  	v13 =	vmulhi.u32 $0x431BDA1D, v8;
	v14 =	vshrl.u32 v7, $0x10;
	v10 =	vxor.u32 v58, v61  }
0x4d: {  	v11 =	vshrl.u32 v60, $0x12;
	v7 =	vxor.u32 v7, v14;
	v12 =	vmulhi.u32 $0x431BDA1D, v10  }
0x4e: {  	v13 =	vshrl.u32 v13, $0x12;
	v11 =	vmul.u32 $0xF4241, v11;
	v14 =	vmulhi.u32 $0x431BDA1D, v7  }
0x4f: {  	[tilespmem:s22+$0x400] =	vst v5;
	v4 =	vsub.s32 v4, v6;
	v5 =	vmul.u32 $0xF4241, v13;
	v62 =	vshrl.u32 v12, $0x12  }
0x50: {  	[tilespmem:s22+$0x200] =	vst v4;
	v4 =	vsub.s32 v9, v11;
	v63 =	vshrl.u32 v14, $0x12;
	v6 =	vmul.u32 $0xF4241, v62  }
0x51: {  	[tilespmem:s21+$0x400] =	vst v4;
	v4 =	vsub.s32 v8, v5;
	v5 =	vmul.u32 $0xF4241, v63  }
0x52: {  	[tilespmem:s21+$0x200] =	vst v4;
	v4 =	vsub.s32 v10, v6  }
0x53: {  	[tilespmem:s23+$0x400] =	vst v4;
	v4 =	vsub.s32 v7, v5  }
0x54: {  	[tilespmem:s23+$0x200] =	vst v4  }
0x55: {  	v4 =	vld [tilespmem:$0x200];
	_ =	sdelay $0x4  }
0x56: {  	(v2sf) =	vpush v4, $0x0  }
0x57: {  	v4 =	vld [tilespmem:$0x400];
	_ =	sdelay $0x4  }
0x58: {  	(v2sf) =	vpush v4, $0x0;
	_ =	sdelay $0x8  }
0x59: {  	s30 =	spop (v2sf)  }
0x5a: {  	s21 =	sshrl.u32 s30, $0x7  }
0x5b: {  	s21 =	smin.u32 s21, $0x1E83  }
0x5c: {  	s21 =	sshll.u32 s21, $0x7  }
0x5d: {  	s0 =	sadd.s32 s1, s21;
	s21 =	simm.s32 $0x400  }
0x5e: {  	[tilespmem:s14], [sflag:$0x1] =	stream.strided.gather [hbm4b:s0+s21], $0x1000, s13, s21, $0x38;
	[tilespmem:$0x16600] =	vst v63  }
0x5f: {  	s23 =	spop (v2sf)  }
0x60: {  	s22 =	sshrl.u32 s23, $0x7  }
0x61: {  	s22 =	smin.u32 s22, $0x1E83  }
0x62: {  	s22 =	sshll.u32 s22, $0x7  }
0x63: {  	s24 =	simm.s32 $0x1600;
	s22 =	sadd.s32 s2, s22  }
0x64: {  	[tilespmem:s24], [sflag:$0x2] =	stream.strided.gather [hbm4b:s22+s21], $0x1000, s13, s21, $0x38;
	[tilespmem:$0x16600] =	vst v63  }
0x65: {  	v4 =	vld [tilespmem:$0x200];
	_ =	sdelay $0x4  }
0x66: {  	(v2sf) =	vpush v4, $0x1  }
0x67: {  	v4 =	vld [tilespmem:$0x400];
	_ =	sdelay $0x4  }
0x68: {  	(v2sf) =	vpush v4, $0x1;
	_ =	sdelay $0x8  }
0x69: {  	s25 =	spop (v2sf)  }
0x6a: {  	s22 =	sshrl.u32 s25, $0x7  }
0x6b: {  	s22 =	smin.u32 s22, $0x1E83  }
0x6c: {  	s22 =	sshll.u32 s22, $0x7  }
0x6d: {  	s26 =	simm.s32 $0x2600;
	s22 =	sadd.s32 s1, s22  }
0x6e: {  	[tilespmem:s26], [sflag:$0x3] =	stream.strided.gather [hbm4b:s22+s21], $0x1000, s13, s21, $0x38;
	[tilespmem:$0x16600] =	vst v63  }
0x6f: {  	s30 =	spop (v2sf)  }
0x70: {  	s22 =	sshrl.u32 s30, $0x7  }
0x71: {  	s22 =	smin.u32 s22, $0x1E83  }
0x72: {  	s22 =	sshll.u32 s22, $0x7  }
0x73: {  	s0 =	simm.s32 $0x3600;
	s22 =	sadd.s32 s2, s22  }
0x74: {  	[tilespmem:s0], [sflag:$0x4] =	stream.strided.gather [hbm4b:s22+s21], $0x1000, s13, s21, $0x38;
	[tilespmem:$0x16600] =	vst v63  }
0x75: {  	v4 =	vld [tilespmem:$0x200];
	_ =	sdelay $0x4  }
0x76: {  	(v2sf) =	vpush v4, $0x2  }
0x77: {  	v4 =	vld [tilespmem:$0x400];
	_ =	sdelay $0x4  }
0x78: {  	(v2sf) =	vpush v4, $0x2;
	_ =	sdelay $0x8  }
0x79: {  	s23 =	spop (v2sf)  }
0x7a: {  	s22 =	sshrl.u32 s23, $0x7  }
0x7b: {  	s22 =	smin.u32 s22, $0x1E83  }
0x7c: {  	s22 =	sshll.u32 s22, $0x7  }
0x7d: {  	s24 =	simm.s32 $0x4600;
	s22 =	sadd.s32 s1, s22  }
0x7e: {  	[tilespmem:s24], [sflag:$0x5] =	stream.strided.gather [hbm4b:s22+s21], $0x1000, s13, s21, $0x38;
	[tilespmem:$0x16600] =	vst v63  }
0x7f: {  	s25 =	spop (v2sf)  }
0x80: {  	s22 =	sshrl.u32 s25, $0x7  }
0x81: {  	s22 =	smin.u32 s22, $0x1E83  }
0x82: {  	s22 =	sshll.u32 s22, $0x7  }
0x83: {  	s26 =	simm.s32 $0x5600;
	s22 =	sadd.s32 s2, s22  }
0x84: {  	[tilespmem:s26], [sflag:$0x6] =	stream.strided.gather [hbm4b:s22+s21], $0x1000, s13, s21, $0x38;
	[tilespmem:$0x16600] =	vst v63  }
0x85: {  	v4 =	vld [tilespmem:$0x200];
	_ =	sdelay $0x4  }
0x86: {  	(v2sf) =	vpush v4, $0x3  }
0x87: {  	v4 =	vld [tilespmem:$0x400];
	_ =	sdelay $0x4  }
0x88: {  	(v2sf) =	vpush v4, $0x3;
	_ =	sdelay $0x8  }
0x89: {  	s30 =	spop (v2sf)  }
0x8a: {  	s22 =	sshrl.u32 s30, $0x7  }
0x8b: {  	s22 =	smin.u32 s22, $0x1E83  }
0x8c: {  	s22 =	sshll.u32 s22, $0x7  }
0x8d: {  	s0 =	simm.s32 $0x6600;
	s22 =	sadd.s32 s1, s22  }
0x8e: {  	[tilespmem:s0], [sflag:$0x7] =	stream.strided.gather [hbm4b:s22+s21], $0x1000, s13, s21, $0x38;
	[tilespmem:$0x16600] =	vst v63  }
0x8f: {  	s23 =	spop (v2sf)  }
0x90: {  	s22 =	sshrl.u32 s23, $0x7  }
0x91: {  	s22 =	smin.u32 s22, $0x1E83  }
0x92: {  	s22 =	sshll.u32 s22, $0x7  }
0x93: {  	s24 =	simm.s32 $0x7600;
	s22 =	sadd.s32 s2, s22  }
0x94: {  	[tilespmem:s24], [sflag:$0x8] =	stream.strided.gather [hbm4b:s22+s21], $0x1000, s13, s21, $0x38;
	[tilespmem:$0x16600] =	vst v63  }
0x95: {  	v4 =	vld [tilespmem:$0x200];
	_ =	sdelay $0x4  }
0x96: {  	(v2sf) =	vpush v4, $0x4  }
0x97: {  	v4 =	vld [tilespmem:$0x400];
	_ =	sdelay $0x4  }
0x98: {  	(v2sf) =	vpush v4, $0x4;
	_ =	sdelay $0x8  }
0x99: {  	s25 =	spop (v2sf)  }
0x9a: {  	s22 =	sshrl.u32 s25, $0x7  }
0x9b: {  	s22 =	smin.u32 s22, $0x1E83  }
0x9c: {  	s22 =	sshll.u32 s22, $0x7  }
0x9d: {  	s26 =	simm.s32 $0x8600;
	s22 =	sadd.s32 s1, s22  }
0x9e: {  	[tilespmem:s26], [sflag:$0x9] =	stream.strided.gather [hbm4b:s22+s21], $0x1000, s13, s21, $0x38;
	[tilespmem:$0x16600] =	vst v63  }
0x9f: {  	s30 =	spop (v2sf)  }
0xa0: {  	s22 =	sshrl.u32 s30, $0x7  }
0xa1: {  	s22 =	smin.u32 s22, $0x1E83  }
0xa2: {  	s22 =	sshll.u32 s22, $0x7  }
0xa3: {  	s0 =	simm.s32 $0x9600;
	s22 =	sadd.s32 s2, s22  }
0xa4: {  	[tilespmem:s0], [sflag:$0xA] =	stream.strided.gather [hbm4b:s22+s21], $0x1000, s13, s21, $0x38;
	[tilespmem:$0x16600] =	vst v63  }
0xa5: {  	v4 =	vld [tilespmem:$0x200];
	_ =	sdelay $0x4  }
0xa6: {  	(v2sf) =	vpush v4, $0x5  }
0xa7: {  	v4 =	vld [tilespmem:$0x400];
	_ =	sdelay $0x4  }
0xa8: {  	(v2sf) =	vpush v4, $0x5;
	_ =	sdelay $0x8  }
0xa9: {  	s23 =	spop (v2sf)  }
0xaa: {  	s22 =	sshrl.u32 s23, $0x7  }
0xab: {  	s22 =	smin.u32 s22, $0x1E83  }
0xac: {  	s22 =	sshll.u32 s22, $0x7  }
0xad: {  	s24 =	simm.s32 $0xA600;
	s22 =	sadd.s32 s1, s22  }
0xae: {  	[tilespmem:s24], [sflag:$0xB] =	stream.strided.gather [hbm4b:s22+s21], $0x1000, s13, s21, $0x38;
	[tilespmem:$0x16600] =	vst v63  }
0xaf: {  	s25 =	spop (v2sf)  }
0xb0: {  	s22 =	sshrl.u32 s25, $0x7  }
0xb1: {  	s22 =	smin.u32 s22, $0x1E83  }
0xb2: {  	s22 =	sshll.u32 s22, $0x7  }
0xb3: {  	s26 =	simm.s32 $0xB600;
	s22 =	sadd.s32 s2, s22  }
0xb4: {  	[tilespmem:s26], [sflag:$0xC] =	stream.strided.gather [hbm4b:s22+s21], $0x1000, s13, s21, $0x38;
	[tilespmem:$0x16600] =	vst v63  }
0xb5: {  	v4 =	vld [tilespmem:$0x200];
	_ =	sdelay $0x4  }
0xb6: {  	(v2sf) =	vpush v4, $0x6  }
0xb7: {  	v4 =	vld [tilespmem:$0x400];
	_ =	sdelay $0x4  }
0xb8: {  	(v2sf) =	vpush v4, $0x6;
	_ =	sdelay $0x8  }
0xb9: {  	s30 =	spop (v2sf)  }
0xba: {  	s22 =	sshrl.u32 s30, $0x7  }
0xbb: {  	s22 =	smin.u32 s22, $0x1E83  }
0xbc: {  	s22 =	sshll.u32 s22, $0x7  }
0xbd: {  	s0 =	simm.s32 $0xC600;
	s22 =	sadd.s32 s1, s22  }
0xbe: {  	[tilespmem:s0], [sflag:$0xD] =	stream.strided.gather [hbm4b:s22+s21], $0x1000, s13, s21, $0x38;
	[tilespmem:$0x16600] =	vst v63  }
0xbf: {  	s24 =	spop (v2sf)  }
0xc0: {  	s22 =	sshrl.u32 s24, $0x7  }
0xc1: {  	s22 =	smin.u32 s22, $0x1E83  }
0xc2: {  	s22 =	sshll.u32 s22, $0x7  }
0xc3: {  	s25 =	simm.s32 $0xD600;
	s22 =	sadd.s32 s2, s22  }
0xc4: {  	[tilespmem:s25], [sflag:$0xE] =	stream.strided.gather [hbm4b:s22+s21], $0x1000, s13, s21, $0x38;
	[tilespmem:$0x16600] =	vst v63  }
0xc5: {  	v4 =	vld [tilespmem:$0x200];
	_ =	sdelay $0x4  }
0xc6: {  	(v2sf) =	vpush v4, $0x7  }
0xc7: {  	v4 =	vld [tilespmem:$0x400];
	_ =	sdelay $0x4  }
0xc8: {  	(v2sf) =	vpush v4, $0x7;
	_ =	sdelay $0x8  }
0xc9: {  	s26 =	spop (v2sf)  }
0xca: {  	s22 =	sshrl.u32 s26, $0x7  }
0xcb: {  	s22 =	smin.u32 s22, $0x1E83  }
0xcc: {  	s22 =	sshll.u32 s22, $0x7  }
0xcd: {  	s22 =	sadd.s32 s1, s22  }
0xce: {  	[tilespmem:s28], [sflag:$0xF] =	stream.strided.gather [hbm4b:s22+s21], $0x1000, s13, s21, $0x38;
	[tilespmem:$0x16600] =	vst v63  }
0xcf: {  	s30 =	spop (v2sf)  }
0xd0: {  	s22 =	sshrl.u32 s30, $0x7  }
0xd1: {  	s22 =	smin.u32 s22, $0x1E83  }
0xd2: {  	s22 =	sshll.u32 s22, $0x7  }
0xd3: {  	s22 =	sadd.s32 s2, s22  }
0xd4: {  	[tilespmem:s29], [sflag:$0x10] =	stream.strided.gather [hbm4b:s22+s21], $0x1000, s13, s21, $0x38;
	[tilespmem:$0x16600] =	vst v63  }
0xd5: {  	s23 =	simm.s32 $0x200;
	s22 =	simm.s32 $0x0  }
.LBB2_4:
0xd6: {  	s0 =	simm.s32 $0x1  }
0xd7: {  	_ =	swait.ge [sflag:s0], $0x1000  }
0xd8: {  	[sflag:s0] =	ssyncset.done $0x0  }
0xd9: {  	s30 =	simm.s32 $0x2;
	[sflag:s0] =	ssyncadd.s32 $0xFFFFF000  }
0xda: {  	_ =	swait.ge [sflag:s30], $0x1000  }
0xdb: {  	[sflag:s30] =	ssyncset.done $0x0  }
0xdc: {  	[sflag:s30] =	ssyncadd.s32 $0xFFFFF000  }
0xdd: {  	v4 =	vld [tilespmem:s23+$0x0];
	_ =	sdelay $0x1  }
0xde: {  	v5 =	vld [tilespmem:s21+$0x0];
	_ =	sdelay $0x2  }
0xdf: {  	(v2sf) =	vpush v4, $0x0;
	_ =	sdelay $0x1  }
0xe0: {  	(v2sf) =	vpush v5, $0x0;
	_ =	sdelay $0xc  }
0xe1: {  	s24 =	spop (v2sf)  }
0xe2: {  	p0 =	sgt.s32 s24, $0xF41FF;
	s25 =	sadd.s32 $0xFFF0BE00, s24;
	s24 =	sand.u32 $0x7F, s24  }
0xe3: {  	s26 =	spop (v2sf);
	s24 =	smov.u32 @p0 s25;
	s25 =	simm.s32 $0x10000  }
0xe4: {  	p1 =	sgt.s32 s26, $0xF41FF;
	v4 =	vmov s24;
	s24 =	sadd.s32 $0xFFF0BE00, s26;
	s26 =	sand.u32 $0x7F, s26  }
0xe5: {  	s25 =	simm.s32 @!p0 $0x0;
	v5 =	vand.u32 $0xFFFFFF80, v4;
	s26 =	smov.u32 @p1 s24  }
0xe6: {  	v4 =	vand.u32 $0x7F, v4;
	s24 =	simm.s32 $0x11000;
	v5 =	vadd.s32 s25, v5;
	v6 =	vmov s26  }
0xe7: {  	s24 =	simm.s32 @!p1 $0x1000;
	v4 =	vor.u32 v4, v5;
	v5 =	vand.u32 $0xFFFFFF80, v6  }
0xe8: {  	v6 =	vand.u32 $0x7F, v6;
	v7 =	vadd.s32 v0, v4;
	v5 =	vadd.s32 s24, v5  }
0xe9: {  	v4 =	vadd.s32 v1, v4;
	v5 =	vor.u32 v6, v5  }
0xea: {  	v6 =	vadd.s32 v0, v5  }
0xeb: {  	v5 =	vadd.s32 v1, v5;
	_ =	sdelay $0x1  }
0xec: {  	v8 =	vmov s22;
	v7 =	vld.idx.msk [tilespmem:v7+s14+$0x0], $0xffff  }
0xed: {  	v9 =	vshll.u32 v8, $0x3;
	v4 =	vld.idx.msk [tilespmem:v4+s14+$0x0], $0xffff  }
0xee: {  	v8 =	vand.u32 $0x70, v8;
	v9 =	vand.u32 $0xC00, v9;
	v6 =	vld.idx.msk [tilespmem:v6+s14+$0x0], $0xffff  }
0xef: {  	v8 =	vor.u32 v8, v9;
	v5 =	vld.idx.msk [tilespmem:v5+s14+$0x0], $0xffff  }
0xf0: {  	v9 =	vor.u32 v2, v8  }
0xf1: {  	v8 =	vor.u32 v3, v8;
	_ =	sdelay $0x1  }
0xf2: {  	v6 =	vmul.f32 v6, v7  }
0xf3: {  	v4 =	vmul.f32 v5, v4  }
0xf4: {  	[tilespmem:v9+s3+$0x0] =	vst.idx.msk $0xffff, v6  }
0xf5: {  	[tilespmem:v8+s3+$0x0] =	vst.idx.msk $0xffff, v4  }
0xf6: {  	v4 =	vld [tilespmem:s23+$0x0];
	_ =	sdelay $0x4  }
0xf7: {  	(v2sf) =	vpush v4, $0x8  }
0xf8: {  	v4 =	vld [tilespmem:s21+$0x0];
	_ =	sdelay $0x4  }
0xf9: {  	(v2sf) =	vpush v4, $0x8;
	_ =	sdelay $0x8  }
0xfa: {  	s26 =	spop (v2sf)  }
0xfb: {  	s24 =	sshrl.u32 s26, $0x7  }
0xfc: {  	s24 =	smin.u32 s24, $0x1E83  }
0xfd: {  	s24 =	sshll.u32 s24, $0x7  }
0xfe: {  	s24 =	sadd.s32 s1, s24  }
0xff: {  	[tilespmem:s14], [sflag:$0x1] =	stream.strided.gather [hbm4b:s24+s9], $0x1000, s13, s9, $0x38;
	[tilespmem:$0x16600] =	vst v63  }
0x100: {  	s25 =	spop (v2sf)  }
0x101: {  	s24 =	sshrl.u32 s25, $0x7  }
0x102: {  	s24 =	smin.u32 s24, $0x1E83  }
0x103: {  	s24 =	sshll.u32 s24, $0x7  }
0x104: {  	s26 =	simm.s32 $0x1600;
	s24 =	sadd.s32 s2, s24  }
0x105: {  	[tilespmem:s26], [sflag:$0x2] =	stream.strided.gather [hbm4b:s24+s9], $0x1000, s13, s9, $0x38;
	[tilespmem:$0x16600] =	vst v63  }
0x106: {  	_ =	swait.ge [sflag:s11], $0x1000  }
0x107: {  	[sflag:s11] =	ssyncset.done $0x0  }
0x108: {  	[sflag:s11] =	ssyncadd.s32 $0xFFFFF000  }
0x109: {  	_ =	swait.ge [sflag:s5], $0x1000  }
0x10a: {  	[sflag:s5] =	ssyncset.done $0x0  }
0x10b: {  	[sflag:s5] =	ssyncadd.s32 $0xFFFFF000  }
0x10c: {  	v4 =	vld [tilespmem:s23+$0x0];
	_ =	sdelay $0x1  }
0x10d: {  	v5 =	vld [tilespmem:s21+$0x0];
	_ =	sdelay $0x2  }
0x10e: {  	(v2sf) =	vpush v4, $0x1;
	_ =	sdelay $0x1  }
0x10f: {  	(v2sf) =	vpush v5, $0x1;
	_ =	sdelay $0xc  }
0x110: {  	s26 =	spop (v2sf)  }
0x111: {  	p0 =	sgt.s32 s26, $0xF41FF;
	s25 =	sadd.s32 $0xFFF0BE00, s26;
	s24 =	sand.u32 $0x7F, s26  }
0x112: {  	s26 =	spop (v2sf);
	s24 =	smov.u32 @p0 s25;
	s25 =	simm.s32 $0x10000  }
0x113: {  	p1 =	sgt.s32 s26, $0xF41FF;
	v4 =	vmov s24;
	s24 =	sadd.s32 $0xFFF0BE00, s26;
	s26 =	sand.u32 $0x7F, s26  }
0x114: {  	s25 =	simm.s32 @!p0 $0x2000;
	v5 =	vand.u32 $0xFFFFFF80, v4;
	s26 =	smov.u32 @p1 s24  }
0x115: {  	v4 =	vand.u32 $0x7F, v4;
	s24 =	simm.s32 $0x11000;
	v5 =	vadd.s32 s25, v5;
	v56 =	vmov s26  }
0x116: {  	s24 =	simm.s32 @!p1 $0x3000;
	v4 =	vor.u32 v4, v5;
	v5 =	vand.u32 $0xFFFFFF80, v56  }
0x117: {  	v6 =	vand.u32 $0x7F, v56;
	v57 =	vadd.s32 v0, v4;
	v5 =	vadd.s32 s24, v5  }
0x118: {  	v4 =	vadd.s32 v1, v4;
	v5 =	vor.u32 v6, v5  }
0x119: {  	v6 =	vadd.s32 v0, v5  }
0x11a: {  	v5 =	vadd.s32 v1, v5  }
0x11b: {  	s26 =	sadd.s32 $0x1, s22  }
0x11c: {  	v58 =	vmov s26;
	v7 =	vld.idx.msk [tilespmem:v57+s14+$0x0], $0xffff  }
0x11d: {  	v59 =	vshll.u32 v58, $0x3;
	v4 =	vld.idx.msk [tilespmem:v4+s14+$0x0], $0xffff  }
0x11e: {  	v8 =	vand.u32 $0x71, v58;
	v9 =	vand.u32 $0xC00, v59;
	v6 =	vld.idx.msk [tilespmem:v6+s14+$0x0], $0xffff  }
0x11f: {  	v8 =	vor.u32 v8, v9;
	v5 =	vld.idx.msk [tilespmem:v5+s14+$0x0], $0xffff  }
0x120: {  	v9 =	vor.u32 v2, v8  }
0x121: {  	v8 =	vor.u32 v3, v8;
	_ =	sdelay $0x1  }
0x122: {  	v6 =	vmul.f32 v6, v7  }
0x123: {  	v4 =	vmul.f32 v5, v4  }
0x124: {  	[tilespmem:v9+s3+$0x0] =	vst.idx.msk $0xffff, v6  }
0x125: {  	[tilespmem:v8+s3+$0x0] =	vst.idx.msk $0xffff, v4  }
0x126: {  	v4 =	vld [tilespmem:s23+$0x0];
	_ =	sdelay $0x4  }
0x127: {  	(v2sf) =	vpush v4, $0x9  }
0x128: {  	v4 =	vld [tilespmem:s21+$0x0];
	_ =	sdelay $0x4  }
0x129: {  	(v2sf) =	vpush v4, $0x9;
	_ =	sdelay $0x8  }
0x12a: {  	s25 =	spop (v2sf)  }
0x12b: {  	s24 =	sshrl.u32 s25, $0x7  }
0x12c: {  	s24 =	smin.u32 s24, $0x1E83  }
0x12d: {  	s24 =	sshll.u32 s24, $0x7  }
0x12e: {  	s26 =	simm.s32 $0x2600;
	s24 =	sadd.s32 s1, s24  }
0x12f: {  	[tilespmem:s26], [sflag:$0x3] =	stream.strided.gather [hbm4b:s24+s9], $0x1000, s13, s9, $0x38;
	[tilespmem:$0x16600] =	vst v63  }
0x130: {  	s25 =	spop (v2sf)  }
0x131: {  	s24 =	sshrl.u32 s25, $0x7  }
0x132: {  	s24 =	smin.u32 s24, $0x1E83  }
0x133: {  	s24 =	sshll.u32 s24, $0x7  }
0x134: {  	s26 =	simm.s32 $0x3600;
	s24 =	sadd.s32 s2, s24  }
0x135: {  	[tilespmem:s26], [sflag:$0x4] =	stream.strided.gather [hbm4b:s24+s9], $0x1000, s13, s9, $0x38;
	[tilespmem:$0x16600] =	vst v63  }
0x136: {  	_ =	swait.ge [sflag:s6], $0x1000  }
0x137: {  	[sflag:s6] =	ssyncset.done $0x0  }
0x138: {  	[sflag:s6] =	ssyncadd.s32 $0xFFFFF000  }
0x139: {  	_ =	swait.ge [sflag:s7], $0x1000  }
0x13a: {  	[sflag:s7] =	ssyncset.done $0x0  }
0x13b: {  	[sflag:s7] =	ssyncadd.s32 $0xFFFFF000  }
0x13c: {  	v4 =	vld [tilespmem:s23+$0x0];
	_ =	sdelay $0x1  }
0x13d: {  	v5 =	vld [tilespmem:s21+$0x0];
	_ =	sdelay $0x2  }
0x13e: {  	(v2sf) =	vpush v4, $0x2;
	_ =	sdelay $0x1  }
0x13f: {  	(v2sf) =	vpush v5, $0x2;
	_ =	sdelay $0xc  }
0x140: {  	s26 =	spop (v2sf)  }
0x141: {  	p0 =	sgt.s32 s26, $0xF41FF;
	s25 =	sadd.s32 $0xFFF0BE00, s26;
	s24 =	sand.u32 $0x7F, s26  }
0x142: {  	s26 =	spop (v2sf);
	s24 =	smov.u32 @p0 s25;
	s25 =	simm.s32 $0x10000  }
0x143: {  	p1 =	sgt.s32 s26, $0xF41FF;
	v4 =	vmov s24;
	s24 =	sadd.s32 $0xFFF0BE00, s26;
	s26 =	sand.u32 $0x7F, s26  }
0x144: {  	s25 =	simm.s32 @!p0 $0x4000;
	v5 =	vand.u32 $0xFFFFFF80, v4;
	s26 =	smov.u32 @p1 s24  }
0x145: {  	v4 =	vand.u32 $0x7F, v4;
	s24 =	simm.s32 $0x11000;
	v5 =	vadd.s32 s25, v5;
	v60 =	vmov s26  }
0x146: {  	s24 =	simm.s32 @!p1 $0x5000;
	v4 =	vor.u32 v4, v5;
	v5 =	vand.u32 $0xFFFFFF80, v60  }
0x147: {  	v6 =	vand.u32 $0x7F, v60;
	v61 =	vadd.s32 v0, v4;
	v5 =	vadd.s32 s24, v5  }
0x148: {  	v4 =	vadd.s32 v1, v4;
	v5 =	vor.u32 v6, v5  }
0x149: {  	v6 =	vadd.s32 v0, v5  }
0x14a: {  	v5 =	vadd.s32 v1, v5  }
0x14b: {  	s26 =	sadd.s32 $0x2, s22  }
0x14c: {  	v62 =	vmov s26;
	v7 =	vld.idx.msk [tilespmem:v61+s14+$0x0], $0xffff  }
0x14d: {  	v63 =	vshll.u32 v62, $0x3;
	v4 =	vld.idx.msk [tilespmem:v4+s14+$0x0], $0xffff  }
0x14e: {  	v8 =	vand.u32 $0x72, v62;
	v9 =	vand.u32 $0xC00, v63;
	v6 =	vld.idx.msk [tilespmem:v6+s14+$0x0], $0xffff  }
0x14f: {  	v8 =	vor.u32 v8, v9;
	v5 =	vld.idx.msk [tilespmem:v5+s14+$0x0], $0xffff  }
0x150: {  	v9 =	vor.u32 v2, v8  }
0x151: {  	v8 =	vor.u32 v3, v8;
	_ =	sdelay $0x1  }
0x152: {  	v6 =	vmul.f32 v6, v7  }
0x153: {  	v4 =	vmul.f32 v5, v4  }
0x154: {  	[tilespmem:v9+s3+$0x0] =	vst.idx.msk $0xffff, v6  }
0x155: {  	[tilespmem:v8+s3+$0x0] =	vst.idx.msk $0xffff, v4  }
0x156: {  	v4 =	vld [tilespmem:s23+$0x0];
	_ =	sdelay $0x4  }
0x157: {  	(v2sf) =	vpush v4, $0xA  }
0x158: {  	v4 =	vld [tilespmem:s21+$0x0];
	_ =	sdelay $0x4  }
0x159: {  	(v2sf) =	vpush v4, $0xA;
	_ =	sdelay $0x8  }
0x15a: {  	s25 =	spop (v2sf)  }
0x15b: {  	s24 =	sshrl.u32 s25, $0x7  }
0x15c: {  	s24 =	smin.u32 s24, $0x1E83  }
0x15d: {  	s24 =	sshll.u32 s24, $0x7  }
0x15e: {  	s26 =	simm.s32 $0x4600;
	s24 =	sadd.s32 s1, s24  }
0x15f: {  	[tilespmem:s26], [sflag:$0x5] =	stream.strided.gather [hbm4b:s24+s9], $0x1000, s13, s9, $0x38;
	[tilespmem:$0x16600] =	vst v63  }
0x160: {  	s25 =	spop (v2sf)  }
0x161: {  	s24 =	sshrl.u32 s25, $0x7  }
0x162: {  	s24 =	smin.u32 s24, $0x1E83  }
0x163: {  	s24 =	sshll.u32 s24, $0x7  }
0x164: {  	s26 =	simm.s32 $0x5600;
	s24 =	sadd.s32 s2, s24  }
0x165: {  	[tilespmem:s26], [sflag:$0x6] =	stream.strided.gather [hbm4b:s24+s9], $0x1000, s13, s9, $0x38;
	[tilespmem:$0x16600] =	vst v63  }
0x166: {  	_ =	swait.ge [sflag:s8], $0x1000  }
0x167: {  	[sflag:s8] =	ssyncset.done $0x0  }
0x168: {  	[sflag:s8] =	ssyncadd.s32 $0xFFFFF000  }
0x169: {  	_ =	swait.ge [sflag:s12], $0x1000  }
0x16a: {  	[sflag:s12] =	ssyncset.done $0x0  }
0x16b: {  	[sflag:s12] =	ssyncadd.s32 $0xFFFFF000  }
0x16c: {  	v4 =	vld [tilespmem:s23+$0x0];
	_ =	sdelay $0x1  }
0x16d: {  	v5 =	vld [tilespmem:s21+$0x0];
	_ =	sdelay $0x2  }
0x16e: {  	(v2sf) =	vpush v4, $0x3;
	_ =	sdelay $0x1  }
0x16f: {  	(v2sf) =	vpush v5, $0x3;
	_ =	sdelay $0xc  }
0x170: {  	s26 =	spop (v2sf)  }
0x171: {  	p0 =	sgt.s32 s26, $0xF41FF;
	s25 =	sadd.s32 $0xFFF0BE00, s26;
	s24 =	sand.u32 $0x7F, s26  }
0x172: {  	s26 =	spop (v2sf);
	s24 =	smov.u32 @p0 s25;
	s25 =	simm.s32 $0x10000  }
0x173: {  	p1 =	sgt.s32 s26, $0xF41FF;
	v4 =	vmov s24;
	s24 =	sadd.s32 $0xFFF0BE00, s26;
	s26 =	sand.u32 $0x7F, s26  }
0x174: {  	s25 =	simm.s32 @!p0 $0x6000;
	v5 =	vand.u32 $0xFFFFFF80, v4;
	s26 =	smov.u32 @p1 s24  }
0x175: {  	v4 =	vand.u32 $0x7F, v4;
	s24 =	simm.s32 $0x11000;
	v5 =	vadd.s32 s25, v5;
	v12 =	vmov s26  }
0x176: {  	s24 =	simm.s32 @!p1 $0x7000;
	v4 =	vor.u32 v4, v5;
	v5 =	vand.u32 $0xFFFFFF80, v12  }
0x177: {  	v6 =	vand.u32 $0x7F, v12;
	v13 =	vadd.s32 v0, v4;
	v5 =	vadd.s32 s24, v5  }
0x178: {  	v4 =	vadd.s32 v1, v4;
	v5 =	vor.u32 v6, v5  }
0x179: {  	v6 =	vadd.s32 v0, v5  }
0x17a: {  	v5 =	vadd.s32 v1, v5  }
0x17b: {  	s26 =	sadd.s32 $0x3, s22  }
0x17c: {  	v14 =	vmov s26;
	v7 =	vld.idx.msk [tilespmem:v13+s14+$0x0], $0xffff  }
0x17d: {  	v15 =	vshll.u32 v14, $0x3;
	v4 =	vld.idx.msk [tilespmem:v4+s14+$0x0], $0xffff  }
0x17e: {  	v8 =	vand.u32 $0x73, v14;
	v9 =	vand.u32 $0xC00, v15;
	v6 =	vld.idx.msk [tilespmem:v6+s14+$0x0], $0xffff  }
0x17f: {  	v8 =	vor.u32 v8, v9;
	v5 =	vld.idx.msk [tilespmem:v5+s14+$0x0], $0xffff  }
0x180: {  	v9 =	vor.u32 v2, v8  }
0x181: {  	v8 =	vor.u32 v3, v8;
	_ =	sdelay $0x1  }
0x182: {  	v6 =	vmul.f32 v6, v7  }
0x183: {  	v4 =	vmul.f32 v5, v4  }
0x184: {  	[tilespmem:v9+s3+$0x0] =	vst.idx.msk $0xffff, v6  }
0x185: {  	[tilespmem:v8+s3+$0x0] =	vst.idx.msk $0xffff, v4  }
0x186: {  	v4 =	vld [tilespmem:s23+$0x0];
	_ =	sdelay $0x4  }
0x187: {  	(v2sf) =	vpush v4, $0xB  }
0x188: {  	v4 =	vld [tilespmem:s21+$0x0];
	_ =	sdelay $0x4  }
0x189: {  	(v2sf) =	vpush v4, $0xB;
	_ =	sdelay $0x8  }
0x18a: {  	s25 =	spop (v2sf)  }
0x18b: {  	s24 =	sshrl.u32 s25, $0x7  }
0x18c: {  	s24 =	smin.u32 s24, $0x1E83  }
0x18d: {  	s24 =	sshll.u32 s24, $0x7  }
0x18e: {  	s26 =	simm.s32 $0x6600;
	s24 =	sadd.s32 s1, s24  }
0x18f: {  	[tilespmem:s26], [sflag:$0x7] =	stream.strided.gather [hbm4b:s24+s9], $0x1000, s13, s9, $0x38;
	[tilespmem:$0x16600] =	vst v63  }
0x190: {  	s25 =	spop (v2sf)  }
0x191: {  	s24 =	sshrl.u32 s25, $0x7  }
0x192: {  	s24 =	smin.u32 s24, $0x1E83  }
0x193: {  	s24 =	sshll.u32 s24, $0x7  }
0x194: {  	s26 =	simm.s32 $0x7600;
	s24 =	sadd.s32 s2, s24  }
0x195: {  	[tilespmem:s26], [sflag:$0x8] =	stream.strided.gather [hbm4b:s24+s9], $0x1000, s13, s9, $0x38;
	[tilespmem:$0x16600] =	vst v63  }
0x196: {  	_ =	swait.ge [sflag:s4], $0x1000  }
0x197: {  	[sflag:s4] =	ssyncset.done $0x0  }
0x198: {  	[sflag:s4] =	ssyncadd.s32 $0xFFFFF000  }
0x199: {  	_ =	swait.ge [sflag:s10], $0x1000  }
0x19a: {  	[sflag:s10] =	ssyncset.done $0x0  }
0x19b: {  	[sflag:s10] =	ssyncadd.s32 $0xFFFFF000  }
0x19c: {  	v4 =	vld [tilespmem:s23+$0x0];
	_ =	sdelay $0x1  }
0x19d: {  	v5 =	vld [tilespmem:s21+$0x0];
	_ =	sdelay $0x2  }
0x19e: {  	(v2sf) =	vpush v4, $0x4;
	_ =	sdelay $0x1  }
0x19f: {  	(v2sf) =	vpush v5, $0x4;
	_ =	sdelay $0xc  }
0x1a0: {  	s26 =	spop (v2sf)  }
0x1a1: {  	p0 =	sgt.s32 s26, $0xF41FF;
	s25 =	sadd.s32 $0xFFF0BE00, s26;
	s24 =	sand.u32 $0x7F, s26  }
0x1a2: {  	s26 =	spop (v2sf);
	s24 =	smov.u32 @p0 s25;
	s25 =	simm.s32 $0x10000  }
0x1a3: {  	p1 =	sgt.s32 s26, $0xF41FF;
	v4 =	vmov s24;
	s24 =	sadd.s32 $0xFFF0BE00, s26;
	s26 =	sand.u32 $0x7F, s26  }
0x1a4: {  	s25 =	simm.s32 @!p0 $0x8000;
	v5 =	vand.u32 $0xFFFFFF80, v4;
	s26 =	smov.u32 @p1 s24  }
0x1a5: {  	v4 =	vand.u32 $0x7F, v4;
	s24 =	simm.s32 $0x11000;
	v5 =	vadd.s32 s25, v5;
	v16 =	vmov s26  }
0x1a6: {  	s24 =	simm.s32 @!p1 $0x9000;
	v4 =	vor.u32 v4, v5;
	v5 =	vand.u32 $0xFFFFFF80, v16  }
0x1a7: {  	v6 =	vand.u32 $0x7F, v16;
	v17 =	vadd.s32 v0, v4;
	v5 =	vadd.s32 s24, v5  }
0x1a8: {  	v4 =	vadd.s32 v1, v4;
	v5 =	vor.u32 v6, v5  }
0x1a9: {  	v6 =	vadd.s32 v0, v5  }
0x1aa: {  	v5 =	vadd.s32 v1, v5  }
0x1ab: {  	s26 =	sadd.s32 $0x4, s22  }
0x1ac: {  	v18 =	vmov s26;
	v7 =	vld.idx.msk [tilespmem:v17+s14+$0x0], $0xffff  }
0x1ad: {  	v19 =	vshll.u32 v18, $0x3;
	v4 =	vld.idx.msk [tilespmem:v4+s14+$0x0], $0xffff  }
0x1ae: {  	v8 =	vand.u32 $0x74, v18;
	v9 =	vand.u32 $0xC00, v19;
	v6 =	vld.idx.msk [tilespmem:v6+s14+$0x0], $0xffff  }
0x1af: {  	v8 =	vor.u32 v8, v9;
	v5 =	vld.idx.msk [tilespmem:v5+s14+$0x0], $0xffff  }
0x1b0: {  	v9 =	vor.u32 v2, v8  }
0x1b1: {  	v8 =	vor.u32 v3, v8;
	_ =	sdelay $0x1  }
0x1b2: {  	v6 =	vmul.f32 v6, v7  }
0x1b3: {  	v4 =	vmul.f32 v5, v4  }
0x1b4: {  	[tilespmem:v9+s3+$0x0] =	vst.idx.msk $0xffff, v6  }
0x1b5: {  	[tilespmem:v8+s3+$0x0] =	vst.idx.msk $0xffff, v4  }
0x1b6: {  	v4 =	vld [tilespmem:s23+$0x0];
	_ =	sdelay $0x4  }
0x1b7: {  	(v2sf) =	vpush v4, $0xC  }
0x1b8: {  	v4 =	vld [tilespmem:s21+$0x0];
	_ =	sdelay $0x4  }
0x1b9: {  	(v2sf) =	vpush v4, $0xC;
	_ =	sdelay $0x8  }
0x1ba: {  	s25 =	spop (v2sf)  }
0x1bb: {  	s24 =	sshrl.u32 s25, $0x7  }
0x1bc: {  	s24 =	smin.u32 s24, $0x1E83  }
0x1bd: {  	s24 =	sshll.u32 s24, $0x7  }
0x1be: {  	s26 =	simm.s32 $0x8600;
	s24 =	sadd.s32 s1, s24  }
0x1bf: {  	[tilespmem:s26], [sflag:$0x9] =	stream.strided.gather [hbm4b:s24+s9], $0x1000, s13, s9, $0x38;
	[tilespmem:$0x16600] =	vst v63  }
0x1c0: {  	s25 =	spop (v2sf)  }
0x1c1: {  	s24 =	sshrl.u32 s25, $0x7  }
0x1c2: {  	s24 =	smin.u32 s24, $0x1E83  }
0x1c3: {  	s24 =	sshll.u32 s24, $0x7  }
0x1c4: {  	s26 =	simm.s32 $0x9600;
	s24 =	sadd.s32 s2, s24  }
0x1c5: {  	[tilespmem:s26], [sflag:$0xA] =	stream.strided.gather [hbm4b:s24+s9], $0x1000, s13, s9, $0x38;
	[tilespmem:$0x16600] =	vst v63  }
0x1c6: {  	_ =	swait.ge [sflag:s15], $0x1000  }
0x1c7: {  	[sflag:s15] =	ssyncset.done $0x0  }
0x1c8: {  	[sflag:s15] =	ssyncadd.s32 $0xFFFFF000  }
0x1c9: {  	_ =	swait.ge [sflag:s16], $0x1000  }
0x1ca: {  	[sflag:s16] =	ssyncset.done $0x0  }
0x1cb: {  	[sflag:s16] =	ssyncadd.s32 $0xFFFFF000  }
0x1cc: {  	v4 =	vld [tilespmem:s23+$0x0];
	_ =	sdelay $0x1  }
0x1cd: {  	v5 =	vld [tilespmem:s21+$0x0];
	_ =	sdelay $0x2  }
0x1ce: {  	(v2sf) =	vpush v4, $0x5;
	_ =	sdelay $0x1  }
0x1cf: {  	(v2sf) =	vpush v5, $0x5;
	_ =	sdelay $0xc  }
0x1d0: {  	s26 =	spop (v2sf)  }
0x1d1: {  	p0 =	sgt.s32 s26, $0xF41FF;
	s25 =	sadd.s32 $0xFFF0BE00, s26;
	s24 =	sand.u32 $0x7F, s26  }
0x1d2: {  	s26 =	spop (v2sf);
	s24 =	smov.u32 @p0 s25;
	s25 =	simm.s32 $0x10000  }
0x1d3: {  	p1 =	sgt.s32 s26, $0xF41FF;
	v4 =	vmov s24;
	s24 =	sadd.s32 $0xFFF0BE00, s26;
	s26 =	sand.u32 $0x7F, s26  }
0x1d4: {  	s25 =	simm.s32 @!p0 $0xA000;
	v5 =	vand.u32 $0xFFFFFF80, v4;
	s26 =	smov.u32 @p1 s24  }
0x1d5: {  	v4 =	vand.u32 $0x7F, v4;
	s24 =	simm.s32 $0x11000;
	v5 =	vadd.s32 s25, v5;
	v20 =	vmov s26  }
0x1d6: {  	s24 =	simm.s32 @!p1 $0xB000;
	v4 =	vor.u32 v4, v5;
	v5 =	vand.u32 $0xFFFFFF80, v20  }
0x1d7: {  	v6 =	vand.u32 $0x7F, v20;
	v21 =	vadd.s32 v0, v4;
	v5 =	vadd.s32 s24, v5  }
0x1d8: {  	v4 =	vadd.s32 v1, v4;
	v5 =	vor.u32 v6, v5  }
0x1d9: {  	v6 =	vadd.s32 v0, v5  }
0x1da: {  	v5 =	vadd.s32 v1, v5  }
0x1db: {  	s26 =	sadd.s32 $0x5, s22  }
0x1dc: {  	v22 =	vmov s26;
	v7 =	vld.idx.msk [tilespmem:v21+s14+$0x0], $0xffff  }
0x1dd: {  	v23 =	vshll.u32 v22, $0x3;
	v4 =	vld.idx.msk [tilespmem:v4+s14+$0x0], $0xffff  }
0x1de: {  	v8 =	vand.u32 $0x75, v22;
	v9 =	vand.u32 $0xC00, v23;
	v6 =	vld.idx.msk [tilespmem:v6+s14+$0x0], $0xffff  }
0x1df: {  	v8 =	vor.u32 v8, v9;
	v5 =	vld.idx.msk [tilespmem:v5+s14+$0x0], $0xffff  }
0x1e0: {  	v9 =	vor.u32 v2, v8  }
0x1e1: {  	v8 =	vor.u32 v3, v8;
	_ =	sdelay $0x1  }
0x1e2: {  	v6 =	vmul.f32 v6, v7  }
0x1e3: {  	v4 =	vmul.f32 v5, v4  }
0x1e4: {  	[tilespmem:v9+s3+$0x0] =	vst.idx.msk $0xffff, v6  }
0x1e5: {  	[tilespmem:v8+s3+$0x0] =	vst.idx.msk $0xffff, v4  }
0x1e6: {  	v4 =	vld [tilespmem:s23+$0x0];
	_ =	sdelay $0x4  }
0x1e7: {  	(v2sf) =	vpush v4, $0xD  }
0x1e8: {  	v4 =	vld [tilespmem:s21+$0x0];
	_ =	sdelay $0x4  }
0x1e9: {  	(v2sf) =	vpush v4, $0xD;
	_ =	sdelay $0x8  }
0x1ea: {  	s25 =	spop (v2sf)  }
0x1eb: {  	s24 =	sshrl.u32 s25, $0x7  }
0x1ec: {  	s24 =	smin.u32 s24, $0x1E83  }
0x1ed: {  	s24 =	sshll.u32 s24, $0x7  }
0x1ee: {  	s26 =	simm.s32 $0xA600;
	s24 =	sadd.s32 s1, s24  }
0x1ef: {  	[tilespmem:s26], [sflag:$0xB] =	stream.strided.gather [hbm4b:s24+s9], $0x1000, s13, s9, $0x38;
	[tilespmem:$0x16600] =	vst v63  }
0x1f0: {  	s25 =	spop (v2sf)  }
0x1f1: {  	s24 =	sshrl.u32 s25, $0x7  }
0x1f2: {  	s24 =	smin.u32 s24, $0x1E83  }
0x1f3: {  	s24 =	sshll.u32 s24, $0x7  }
0x1f4: {  	s26 =	simm.s32 $0xB600;
	s24 =	sadd.s32 s2, s24  }
0x1f5: {  	[tilespmem:s26], [sflag:$0xC] =	stream.strided.gather [hbm4b:s24+s9], $0x1000, s13, s9, $0x38;
	[tilespmem:$0x16600] =	vst v63  }
0x1f6: {  	_ =	swait.ge [sflag:s17], $0x1000  }
0x1f7: {  	[sflag:s17] =	ssyncset.done $0x0  }
0x1f8: {  	[sflag:s17] =	ssyncadd.s32 $0xFFFFF000  }
0x1f9: {  	_ =	swait.ge [sflag:s18], $0x1000  }
0x1fa: {  	[sflag:s18] =	ssyncset.done $0x0  }
0x1fb: {  	[sflag:s18] =	ssyncadd.s32 $0xFFFFF000  }
0x1fc: {  	v4 =	vld [tilespmem:s23+$0x0];
	_ =	sdelay $0x1  }
0x1fd: {  	v5 =	vld [tilespmem:s21+$0x0];
	_ =	sdelay $0x2  }
0x1fe: {  	(v2sf) =	vpush v4, $0x6;
	_ =	sdelay $0x1  }
0x1ff: {  	(v2sf) =	vpush v5, $0x6;
	_ =	sdelay $0xc  }
0x200: {  	s26 =	spop (v2sf)  }
0x201: {  	p0 =	sgt.s32 s26, $0xF41FF;
	s25 =	sadd.s32 $0xFFF0BE00, s26;
	s24 =	sand.u32 $0x7F, s26  }
0x202: {  	s26 =	spop (v2sf);
	s24 =	smov.u32 @p0 s25;
	s25 =	simm.s32 $0x10000  }
0x203: {  	p1 =	sgt.s32 s26, $0xF41FF;
	v4 =	vmov s24;
	s24 =	sadd.s32 $0xFFF0BE00, s26;
	s26 =	sand.u32 $0x7F, s26  }
0x204: {  	s25 =	simm.s32 @!p0 $0xC000;
	v5 =	vand.u32 $0xFFFFFF80, v4;
	s26 =	smov.u32 @p1 s24  }
0x205: {  	v4 =	vand.u32 $0x7F, v4;
	s24 =	simm.s32 $0x11000;
	v5 =	vadd.s32 s25, v5;
	v24 =	vmov s26  }
0x206: {  	s24 =	simm.s32 @!p1 $0xD000;
	v4 =	vor.u32 v4, v5;
	v5 =	vand.u32 $0xFFFFFF80, v24  }
0x207: {  	v6 =	vand.u32 $0x7F, v24;
	v25 =	vadd.s32 v0, v4;
	v5 =	vadd.s32 s24, v5  }
0x208: {  	v4 =	vadd.s32 v1, v4;
	v5 =	vor.u32 v6, v5  }
0x209: {  	v6 =	vadd.s32 v0, v5  }
0x20a: {  	v5 =	vadd.s32 v1, v5  }
0x20b: {  	s26 =	sadd.s32 $0x6, s22  }
0x20c: {  	v26 =	vmov s26;
	v7 =	vld.idx.msk [tilespmem:v25+s14+$0x0], $0xffff  }
0x20d: {  	v27 =	vshll.u32 v26, $0x3;
	v4 =	vld.idx.msk [tilespmem:v4+s14+$0x0], $0xffff  }
0x20e: {  	v8 =	vand.u32 $0x76, v26;
	v9 =	vand.u32 $0xC00, v27;
	v6 =	vld.idx.msk [tilespmem:v6+s14+$0x0], $0xffff  }
0x20f: {  	v8 =	vor.u32 v8, v9;
	v5 =	vld.idx.msk [tilespmem:v5+s14+$0x0], $0xffff  }
0x210: {  	v9 =	vor.u32 v2, v8  }
0x211: {  	v8 =	vor.u32 v3, v8;
	_ =	sdelay $0x1  }
0x212: {  	v6 =	vmul.f32 v6, v7  }
0x213: {  	v4 =	vmul.f32 v5, v4  }
0x214: {  	[tilespmem:v9+s3+$0x0] =	vst.idx.msk $0xffff, v6  }
0x215: {  	[tilespmem:v8+s3+$0x0] =	vst.idx.msk $0xffff, v4  }
0x216: {  	v4 =	vld [tilespmem:s23+$0x0];
	_ =	sdelay $0x4  }
0x217: {  	(v2sf) =	vpush v4, $0xE  }
0x218: {  	v4 =	vld [tilespmem:s21+$0x0];
	_ =	sdelay $0x4  }
0x219: {  	(v2sf) =	vpush v4, $0xE;
	_ =	sdelay $0x8  }
0x21a: {  	s25 =	spop (v2sf)  }
0x21b: {  	s24 =	sshrl.u32 s25, $0x7  }
0x21c: {  	s24 =	smin.u32 s24, $0x1E83  }
0x21d: {  	s24 =	sshll.u32 s24, $0x7  }
0x21e: {  	s26 =	simm.s32 $0xC600;
	s24 =	sadd.s32 s1, s24  }
0x21f: {  	[tilespmem:s26], [sflag:$0xD] =	stream.strided.gather [hbm4b:s24+s9], $0x1000, s13, s9, $0x38;
	[tilespmem:$0x16600] =	vst v63  }
0x220: {  	s25 =	spop (v2sf)  }
0x221: {  	s24 =	sshrl.u32 s25, $0x7  }
0x222: {  	s24 =	smin.u32 s24, $0x1E83  }
0x223: {  	s24 =	sshll.u32 s24, $0x7  }
0x224: {  	s26 =	simm.s32 $0xD600;
	s24 =	sadd.s32 s2, s24  }
0x225: {  	[tilespmem:s26], [sflag:$0xE] =	stream.strided.gather [hbm4b:s24+s9], $0x1000, s13, s9, $0x38;
	[tilespmem:$0x16600] =	vst v63  }
0x226: {  	_ =	swait.ge [sflag:s19], $0x1000  }
0x227: {  	[sflag:s19] =	ssyncset.done $0x0  }
0x228: {  	[sflag:s19] =	ssyncadd.s32 $0xFFFFF000  }
0x229: {  	_ =	swait.ge [sflag:s20], $0x1000  }
0x22a: {  	[sflag:s20] =	ssyncset.done $0x0  }
0x22b: {  	[sflag:s20] =	ssyncadd.s32 $0xFFFFF000  }
0x22c: {  	v4 =	vld [tilespmem:s23+$0x0];
	_ =	sdelay $0x1  }
0x22d: {  	v5 =	vld [tilespmem:s21+$0x0];
	_ =	sdelay $0x2  }
0x22e: {  	(v2sf) =	vpush v4, $0x7;
	_ =	sdelay $0x1  }
0x22f: {  	(v2sf) =	vpush v5, $0x7;
	_ =	sdelay $0xc  }
0x230: {  	s26 =	spop (v2sf)  }
0x231: {  	p0 =	sgt.s32 s26, $0xF41FF;
	s25 =	sadd.s32 $0xFFF0BE00, s26;
	s24 =	sand.u32 $0x7F, s26  }
0x232: {  	s26 =	spop (v2sf);
	s24 =	smov.u32 @p0 s25;
	s25 =	simm.s32 $0x10000  }
0x233: {  	p1 =	sgt.s32 s26, $0xF41FF;
	v4 =	vmov s24;
	s24 =	sadd.s32 $0xFFF0BE00, s26;
	s26 =	sand.u32 $0x7F, s26  }
0x234: {  	s25 =	simm.s32 @!p0 $0xE000;
	v5 =	vand.u32 $0xFFFFFF80, v4;
	s26 =	smov.u32 @p1 s24  }
0x235: {  	v4 =	vand.u32 $0x7F, v4;
	s24 =	simm.s32 $0x11000;
	v5 =	vadd.s32 s25, v5;
	v28 =	vmov s26  }
0x236: {  	s24 =	simm.s32 @!p1 $0xF000;
	v4 =	vor.u32 v4, v5;
	v5 =	vand.u32 $0xFFFFFF80, v28  }
0x237: {  	v6 =	vand.u32 $0x7F, v28;
	v29 =	vadd.s32 v0, v4;
	v5 =	vadd.s32 s24, v5  }
0x238: {  	v4 =	vadd.s32 v1, v4;
	v5 =	vor.u32 v6, v5  }
0x239: {  	v6 =	vadd.s32 v0, v5  }
0x23a: {  	v5 =	vadd.s32 v1, v5  }
0x23b: {  	s25 =	sadd.s32 $0x7, s22  }
0x23c: {  	v30 =	vmov s25;
	v7 =	vld.idx.msk [tilespmem:v29+s14+$0x0], $0xffff  }
0x23d: {  	v31 =	vshll.u32 v30, $0x3;
	v4 =	vld.idx.msk [tilespmem:v4+s14+$0x0], $0xffff  }
0x23e: {  	v8 =	vand.u32 $0x77, v30;
	v9 =	vand.u32 $0xC00, v31;
	v6 =	vld.idx.msk [tilespmem:v6+s14+$0x0], $0xffff  }
0x23f: {  	v8 =	vor.u32 v8, v9;
	v5 =	vld.idx.msk [tilespmem:v5+s14+$0x0], $0xffff  }
0x240: {  	v9 =	vor.u32 v2, v8  }
0x241: {  	v8 =	vor.u32 v3, v8;
	_ =	sdelay $0x1  }
0x242: {  	v6 =	vmul.f32 v6, v7  }
0x243: {  	v4 =	vmul.f32 v5, v4  }
0x244: {  	[tilespmem:v9+s3+$0x0] =	vst.idx.msk $0xffff, v6  }
0x245: {  	[tilespmem:v8+s3+$0x0] =	vst.idx.msk $0xffff, v4  }
0x246: {  	v4 =	vld [tilespmem:s23+$0x0];
	_ =	sdelay $0x4  }
0x247: {  	(v2sf) =	vpush v4, $0xF  }
0x248: {  	v4 =	vld [tilespmem:s21+$0x0];
	_ =	sdelay $0x4  }
0x249: {  	(v2sf) =	vpush v4, $0xF;
	_ =	sdelay $0x8  }
0x24a: {  	s26 =	spop (v2sf)  }
0x24b: {  	s24 =	sshrl.u32 s26, $0x7  }
0x24c: {  	s24 =	smin.u32 s24, $0x1E83  }
0x24d: {  	s24 =	sshll.u32 s24, $0x7  }
0x24e: {  	s24 =	sadd.s32 s1, s24  }
0x24f: {  	[tilespmem:s28], [sflag:$0xF] =	stream.strided.gather [hbm4b:s24+s9], $0x1000, s13, s9, $0x38;
	[tilespmem:$0x16600] =	vst v63  }
0x250: {  	s28 =	spop (v2sf)  }
0x251: {  	s24 =	sshrl.u32 s28, $0x7  }
0x252: {  	s24 =	smin.u32 s24, $0x1E83  }
0x253: {  	s24 =	sshll.u32 s24, $0x7  }
0x254: {  	s24 =	sadd.s32 s2, s24  }
0x255: {  	[tilespmem:s29], [sflag:$0x10] =	stream.strided.gather [hbm4b:s24+s9], $0x1000, s13, s9, $0x38;
	[tilespmem:$0x16600] =	vst v63  }
0x256: {  	_ =	swait.ge [sflag:s0], $0x1000  }
0x257: {  	[sflag:s0] =	ssyncset.done $0x0  }
0x258: {  	[sflag:s0] =	ssyncadd.s32 $0xFFFFF000  }
0x259: {  	_ =	swait.ge [sflag:s30], $0x1000  }
0x25a: {  	[sflag:s30] =	ssyncset.done $0x0  }
0x25b: {  	[sflag:s30] =	ssyncadd.s32 $0xFFFFF000  }
0x25c: {  	v4 =	vld [tilespmem:s23+$0x0];
	_ =	sdelay $0x1  }
0x25d: {  	v5 =	vld [tilespmem:s21+$0x0];
	_ =	sdelay $0x2  }
0x25e: {  	(v2sf) =	vpush v4, $0x8;
	_ =	sdelay $0x1  }
0x25f: {  	(v2sf) =	vpush v5, $0x8;
	_ =	sdelay $0xc  }
0x260: {  	s30 =	spop (v2sf)  }
0x261: {  	p0 =	sgt.s32 s30, $0xF41FF;
	s25 =	sadd.s32 $0xFFF0BE00, s30;
	s24 =	sand.u32 $0x7F, s30  }
0x262: {  	s0 =	spop (v2sf);
	s24 =	smov.u32 @p0 s25;
	s25 =	simm.s32 $0x10000  }
0x263: {  	p1 =	sgt.s32 s0, $0xF41FF;
	s26 =	sand.u32 $0x7F, s0;
	v4 =	vmov s24;
	s24 =	sadd.s32 $0xFFF0BE00, s0  }
0x264: {  	s25 =	simm.s32 @!p0 $0x0;
	v5 =	vand.u32 $0xFFFFFF80, v4;
	s26 =	smov.u32 @p1 s24  }
0x265: {  	v4 =	vand.u32 $0x7F, v4;
	s24 =	simm.s32 $0x11000;
	v5 =	vadd.s32 s25, v5;
	v32 =	vmov s26  }
0x266: {  	s24 =	simm.s32 @!p1 $0x1000;
	v4 =	vor.u32 v4, v5;
	v5 =	vand.u32 $0xFFFFFF80, v32  }
0x267: {  	v6 =	vand.u32 $0x7F, v32;
	v33 =	vadd.s32 v0, v4;
	v5 =	vadd.s32 s24, v5  }
0x268: {  	v4 =	vadd.s32 v1, v4;
	v5 =	vor.u32 v6, v5  }
0x269: {  	v6 =	vadd.s32 v0, v5  }
0x26a: {  	v5 =	vadd.s32 v1, v5  }
0x26b: {  	s28 =	sadd.s32 $0x8, s22  }
0x26c: {  	v34 =	vmov s28;
	v7 =	vld.idx.msk [tilespmem:v33+s14+$0x0], $0xffff  }
0x26d: {  	v35 =	vshll.u32 v34, $0x3;
	v4 =	vld.idx.msk [tilespmem:v4+s14+$0x0], $0xffff  }
0x26e: {  	v8 =	vand.u32 $0x78, v34;
	v9 =	vand.u32 $0xC00, v35;
	v6 =	vld.idx.msk [tilespmem:v6+s14+$0x0], $0xffff  }
0x26f: {  	v8 =	vor.u32 v8, v9;
	v5 =	vld.idx.msk [tilespmem:v5+s14+$0x0], $0xffff  }
0x270: {  	v9 =	vor.u32 v2, v8  }
0x271: {  	v8 =	vor.u32 v3, v8;
	_ =	sdelay $0x1  }
0x272: {  	v6 =	vmul.f32 v6, v7  }
0x273: {  	v4 =	vmul.f32 v5, v4  }
0x274: {  	s29 =	smin.u32 s22, $0x1E0;
	[tilespmem:v9+s3+$0x0] =	vst.idx.msk $0xffff, v6  }
0x275: {  	p0 =	seq.s32 s22, $0x1F0;
	s24 =	sadd.s32 $0x10, s29;
	[tilespmem:v8+s3+$0x0] =	vst.idx.msk $0xffff, v4  }
0x276: {  	v4 =	vld @!p0 [tilespmem:s24+$0x200];
	_ =	sdelay $0x4  }
0x277: {  	(v2sf) =	vpush @!p0 v4, $0x0  }
0x278: {  	v4 =	vld @!p0 [tilespmem:s24+$0x400];
	_ =	sdelay $0x4  }
0x279: {  	(v2sf) =	vpush @!p0 v4, $0x0;
	_ =	sdelay $0x8  }
0x27a: {  	s25 =	spop @!p0 (v2sf)  }
0x27b: {  	s25 =	sshrl.u32 @!p0 s25, $0x7  }
0x27c: {  	s25 =	smin.u32 @!p0 s25, $0x1E83  }
0x27d: {  	s26 =	simm.s32 @!p0 $0x7A1400;
	s25 =	sshll.u32 @!p0 s25, $0x7  }
0x27e: {  	s29 =	simm.s32 @!p0 $0x600;
	s28 =	sadd.s32 @!p0 s1, s25;
	s25 =	simm.s32 @!p0 $0x400  }
0x27f: {  	[tilespmem:s29], [sflag:$0x1] =	stream.strided.gather @!p0 [hbm4b:s28+s25], $0x1000, s26, s25, $0x38;
	[tilespmem:$0x16600] =	vst v63  }
0x280: {  	s28 =	spop @!p0 (v2sf)  }
0x281: {  	s28 =	sshrl.u32 @!p0 s28, $0x7  }
0x282: {  	s28 =	smin.u32 @!p0 s28, $0x1E83  }
0x283: {  	s28 =	sshll.u32 @!p0 s28, $0x7  }
0x284: {  	s29 =	simm.s32 @!p0 $0x1600;
	s28 =	sadd.s32 @!p0 s2, s28  }
0x285: {  	[tilespmem:s29], [sflag:$0x2] =	stream.strided.gather @!p0 [hbm4b:s28+s25], $0x1000, s26, s25, $0x38;
	[tilespmem:$0x16600] =	vst v63  }
0x286: {  	_ =	swait.ge [sflag:s11], $0x1000  }
0x287: {  	[sflag:s11] =	ssyncset.done $0x0  }
0x288: {  	[sflag:s11] =	ssyncadd.s32 $0xFFFFF000  }
0x289: {  	_ =	swait.ge [sflag:s5], $0x1000  }
0x28a: {  	[sflag:s5] =	ssyncset.done $0x0  }
0x28b: {  	[sflag:s5] =	ssyncadd.s32 $0xFFFFF000  }
0x28c: {  	v4 =	vld [tilespmem:s23+$0x0];
	_ =	sdelay $0x1  }
0x28d: {  	v5 =	vld [tilespmem:s21+$0x0];
	_ =	sdelay $0x2  }
0x28e: {  	(v2sf) =	vpush v4, $0x9;
	_ =	sdelay $0x1  }
0x28f: {  	(v2sf) =	vpush v5, $0x9;
	_ =	sdelay $0xc  }
0x290: {  	s30 =	spop (v2sf)  }
0x291: {  	p1 =	sgt.s32 s30, $0xF41FF;
	s29 =	sadd.s32 $0xFFF0BE00, s30;
	s28 =	sand.u32 $0x7F, s30  }
0x292: {  	s30 =	spop (v2sf);
	s28 =	smov.u32 @p1 s29;
	s29 =	simm.s32 $0x10000  }
0x293: {  	p2 =	sgt.s32 s30, $0xF41FF;
	v4 =	vmov s28;
	s28 =	sadd.s32 $0xFFF0BE00, s30;
	s30 =	sand.u32 $0x7F, s30  }
0x294: {  	s29 =	simm.s32 @!p1 $0x2000;
	v5 =	vand.u32 $0xFFFFFF80, v4;
	s30 =	smov.u32 @p2 s28  }
0x295: {  	v4 =	vand.u32 $0x7F, v4;
	s28 =	simm.s32 $0x11000;
	v5 =	vadd.s32 s29, v5;
	v36 =	vmov s30  }
0x296: {  	s28 =	simm.s32 @!p2 $0x3000;
	v4 =	vor.u32 v4, v5;
	v5 =	vand.u32 $0xFFFFFF80, v36  }
0x297: {  	v6 =	vand.u32 $0x7F, v36;
	v37 =	vadd.s32 v0, v4;
	v5 =	vadd.s32 s28, v5  }
0x298: {  	v4 =	vadd.s32 v1, v4;
	v5 =	vor.u32 v6, v5  }
0x299: {  	v6 =	vadd.s32 v0, v5  }
0x29a: {  	v5 =	vadd.s32 v1, v5  }
0x29b: {  	s29 =	sadd.s32 $0x9, s22  }
0x29c: {  	v38 =	vmov s29;
	v7 =	vld.idx.msk [tilespmem:v37+s14+$0x0], $0xffff  }
0x29d: {  	v39 =	vshll.u32 v38, $0x3;
	v4 =	vld.idx.msk [tilespmem:v4+s14+$0x0], $0xffff  }
0x29e: {  	v8 =	vand.u32 $0x79, v38;
	v9 =	vand.u32 $0xC00, v39;
	v6 =	vld.idx.msk [tilespmem:v6+s14+$0x0], $0xffff  }
0x29f: {  	v8 =	vor.u32 v8, v9;
	v5 =	vld.idx.msk [tilespmem:v5+s14+$0x0], $0xffff  }
0x2a0: {  	v9 =	vor.u32 v2, v8  }
0x2a1: {  	v8 =	vor.u32 v3, v8;
	_ =	sdelay $0x1  }
0x2a2: {  	v6 =	vmul.f32 v6, v7  }
0x2a3: {  	v4 =	vmul.f32 v5, v4  }
0x2a4: {  	[tilespmem:v9+s3+$0x0] =	vst.idx.msk $0xffff, v6  }
0x2a5: {  	[tilespmem:v8+s3+$0x0] =	vst.idx.msk $0xffff, v4  }
0x2a6: {  	v4 =	vld @!p0 [tilespmem:s24+$0x200];
	_ =	sdelay $0x4  }
0x2a7: {  	(v2sf) =	vpush @!p0 v4, $0x1  }
0x2a8: {  	v4 =	vld @!p0 [tilespmem:s24+$0x400];
	_ =	sdelay $0x4  }
0x2a9: {  	(v2sf) =	vpush @!p0 v4, $0x1;
	_ =	sdelay $0x8  }
0x2aa: {  	s28 =	spop @!p0 (v2sf)  }
0x2ab: {  	s28 =	sshrl.u32 @!p0 s28, $0x7  }
0x2ac: {  	s28 =	smin.u32 @!p0 s28, $0x1E83  }
0x2ad: {  	s28 =	sshll.u32 @!p0 s28, $0x7  }
0x2ae: {  	s29 =	simm.s32 @!p0 $0x2600;
	s28 =	sadd.s32 @!p0 s1, s28  }
0x2af: {  	[tilespmem:s29], [sflag:$0x3] =	stream.strided.gather @!p0 [hbm4b:s28+s25], $0x1000, s26, s25, $0x38;
	[tilespmem:$0x16600] =	vst v63  }
0x2b0: {  	s28 =	spop @!p0 (v2sf)  }
0x2b1: {  	s28 =	sshrl.u32 @!p0 s28, $0x7  }
0x2b2: {  	s28 =	smin.u32 @!p0 s28, $0x1E83  }
0x2b3: {  	s28 =	sshll.u32 @!p0 s28, $0x7  }
0x2b4: {  	s29 =	simm.s32 @!p0 $0x3600;
	s28 =	sadd.s32 @!p0 s2, s28  }
0x2b5: {  	[tilespmem:s29], [sflag:$0x4] =	stream.strided.gather @!p0 [hbm4b:s28+s25], $0x1000, s26, s25, $0x38;
	[tilespmem:$0x16600] =	vst v63  }
0x2b6: {  	_ =	swait.ge [sflag:s6], $0x1000  }
0x2b7: {  	[sflag:s6] =	ssyncset.done $0x0  }
0x2b8: {  	[sflag:s6] =	ssyncadd.s32 $0xFFFFF000  }
0x2b9: {  	_ =	swait.ge [sflag:s7], $0x1000  }
0x2ba: {  	[sflag:s7] =	ssyncset.done $0x0  }
0x2bb: {  	[sflag:s7] =	ssyncadd.s32 $0xFFFFF000  }
0x2bc: {  	v4 =	vld [tilespmem:s23+$0x0];
	_ =	sdelay $0x1  }
0x2bd: {  	v5 =	vld [tilespmem:s21+$0x0];
	_ =	sdelay $0x2  }
0x2be: {  	(v2sf) =	vpush v4, $0xA;
	_ =	sdelay $0x1  }
0x2bf: {  	(v2sf) =	vpush v5, $0xA;
	_ =	sdelay $0xc  }
0x2c0: {  	s30 =	spop (v2sf)  }
0x2c1: {  	p1 =	sgt.s32 s30, $0xF41FF;
	s29 =	sadd.s32 $0xFFF0BE00, s30;
	s28 =	sand.u32 $0x7F, s30  }
0x2c2: {  	s30 =	spop (v2sf);
	s28 =	smov.u32 @p1 s29;
	s29 =	simm.s32 $0x10000  }
0x2c3: {  	p2 =	sgt.s32 s30, $0xF41FF;
	v4 =	vmov s28;
	s28 =	sadd.s32 $0xFFF0BE00, s30;
	s30 =	sand.u32 $0x7F, s30  }
0x2c4: {  	s29 =	simm.s32 @!p1 $0x4000;
	v5 =	vand.u32 $0xFFFFFF80, v4;
	s30 =	smov.u32 @p2 s28  }
0x2c5: {  	v4 =	vand.u32 $0x7F, v4;
	s28 =	simm.s32 $0x11000;
	v5 =	vadd.s32 s29, v5;
	v40 =	vmov s30  }
0x2c6: {  	s28 =	simm.s32 @!p2 $0x5000;
	v4 =	vor.u32 v4, v5;
	v5 =	vand.u32 $0xFFFFFF80, v40  }
0x2c7: {  	v6 =	vand.u32 $0x7F, v40;
	v41 =	vadd.s32 v0, v4;
	v5 =	vadd.s32 s28, v5  }
0x2c8: {  	v4 =	vadd.s32 v1, v4;
	v5 =	vor.u32 v6, v5  }
0x2c9: {  	v6 =	vadd.s32 v0, v5  }
0x2ca: {  	v5 =	vadd.s32 v1, v5  }
0x2cb: {  	s29 =	sadd.s32 $0xA, s22  }
0x2cc: {  	v42 =	vmov s29;
	v7 =	vld.idx.msk [tilespmem:v41+s14+$0x0], $0xffff  }
0x2cd: {  	v43 =	vshll.u32 v42, $0x3;
	v4 =	vld.idx.msk [tilespmem:v4+s14+$0x0], $0xffff  }
0x2ce: {  	v8 =	vand.u32 $0x7A, v42;
	v9 =	vand.u32 $0xC00, v43;
	v6 =	vld.idx.msk [tilespmem:v6+s14+$0x0], $0xffff  }
0x2cf: {  	v8 =	vor.u32 v8, v9;
	v5 =	vld.idx.msk [tilespmem:v5+s14+$0x0], $0xffff  }
0x2d0: {  	v9 =	vor.u32 v2, v8  }
0x2d1: {  	v8 =	vor.u32 v3, v8;
	_ =	sdelay $0x1  }
0x2d2: {  	v6 =	vmul.f32 v6, v7  }
0x2d3: {  	v4 =	vmul.f32 v5, v4  }
0x2d4: {  	[tilespmem:v9+s3+$0x0] =	vst.idx.msk $0xffff, v6  }
0x2d5: {  	[tilespmem:v8+s3+$0x0] =	vst.idx.msk $0xffff, v4  }
0x2d6: {  	v4 =	vld @!p0 [tilespmem:s24+$0x200];
	_ =	sdelay $0x4  }
0x2d7: {  	(v2sf) =	vpush @!p0 v4, $0x2  }
0x2d8: {  	v4 =	vld @!p0 [tilespmem:s24+$0x400];
	_ =	sdelay $0x4  }
0x2d9: {  	(v2sf) =	vpush @!p0 v4, $0x2;
	_ =	sdelay $0x8  }
0x2da: {  	s28 =	spop @!p0 (v2sf)  }
0x2db: {  	s28 =	sshrl.u32 @!p0 s28, $0x7  }
0x2dc: {  	s28 =	smin.u32 @!p0 s28, $0x1E83  }
0x2dd: {  	s28 =	sshll.u32 @!p0 s28, $0x7  }
0x2de: {  	s29 =	simm.s32 @!p0 $0x4600;
	s28 =	sadd.s32 @!p0 s1, s28  }
0x2df: {  	[tilespmem:s29], [sflag:$0x5] =	stream.strided.gather @!p0 [hbm4b:s28+s25], $0x1000, s26, s25, $0x38;
	[tilespmem:$0x16600] =	vst v63  }
0x2e0: {  	s28 =	spop @!p0 (v2sf)  }
0x2e1: {  	s28 =	sshrl.u32 @!p0 s28, $0x7  }
0x2e2: {  	s28 =	smin.u32 @!p0 s28, $0x1E83  }
0x2e3: {  	s28 =	sshll.u32 @!p0 s28, $0x7  }
0x2e4: {  	s29 =	simm.s32 @!p0 $0x5600;
	s28 =	sadd.s32 @!p0 s2, s28  }
0x2e5: {  	[tilespmem:s29], [sflag:$0x6] =	stream.strided.gather @!p0 [hbm4b:s28+s25], $0x1000, s26, s25, $0x38;
	[tilespmem:$0x16600] =	vst v63  }
0x2e6: {  	_ =	swait.ge [sflag:s8], $0x1000  }
0x2e7: {  	[sflag:s8] =	ssyncset.done $0x0  }
0x2e8: {  	[sflag:s8] =	ssyncadd.s32 $0xFFFFF000  }
0x2e9: {  	_ =	swait.ge [sflag:s12], $0x1000  }
0x2ea: {  	[sflag:s12] =	ssyncset.done $0x0  }
0x2eb: {  	[sflag:s12] =	ssyncadd.s32 $0xFFFFF000  }
0x2ec: {  	v4 =	vld [tilespmem:s23+$0x0];
	_ =	sdelay $0x1  }
0x2ed: {  	v5 =	vld [tilespmem:s21+$0x0];
	_ =	sdelay $0x2  }
0x2ee: {  	(v2sf) =	vpush v4, $0xB;
	_ =	sdelay $0x1  }
0x2ef: {  	(v2sf) =	vpush v5, $0xB;
	_ =	sdelay $0xc  }
0x2f0: {  	s30 =	spop (v2sf)  }
0x2f1: {  	p1 =	sgt.s32 s30, $0xF41FF;
	s29 =	sadd.s32 $0xFFF0BE00, s30;
	s28 =	sand.u32 $0x7F, s30  }
0x2f2: {  	s30 =	spop (v2sf);
	s28 =	smov.u32 @p1 s29;
	s29 =	simm.s32 $0x10000  }
0x2f3: {  	p2 =	sgt.s32 s30, $0xF41FF;
	v4 =	vmov s28;
	s28 =	sadd.s32 $0xFFF0BE00, s30;
	s30 =	sand.u32 $0x7F, s30  }
0x2f4: {  	s29 =	simm.s32 @!p1 $0x6000;
	v5 =	vand.u32 $0xFFFFFF80, v4;
	s30 =	smov.u32 @p2 s28  }
0x2f5: {  	v4 =	vand.u32 $0x7F, v4;
	s28 =	simm.s32 $0x11000;
	v5 =	vadd.s32 s29, v5;
	v44 =	vmov s30  }
0x2f6: {  	s28 =	simm.s32 @!p2 $0x7000;
	v4 =	vor.u32 v4, v5;
	v5 =	vand.u32 $0xFFFFFF80, v44  }
0x2f7: {  	v6 =	vand.u32 $0x7F, v44;
	v45 =	vadd.s32 v0, v4;
	v5 =	vadd.s32 s28, v5  }
0x2f8: {  	v4 =	vadd.s32 v1, v4;
	v5 =	vor.u32 v6, v5  }
0x2f9: {  	v6 =	vadd.s32 v0, v5  }
0x2fa: {  	v5 =	vadd.s32 v1, v5  }
0x2fb: {  	s29 =	sadd.s32 $0xB, s22  }
0x2fc: {  	v46 =	vmov s29;
	v7 =	vld.idx.msk [tilespmem:v45+s14+$0x0], $0xffff  }
0x2fd: {  	v47 =	vshll.u32 v46, $0x3;
	v4 =	vld.idx.msk [tilespmem:v4+s14+$0x0], $0xffff  }
0x2fe: {  	v8 =	vand.u32 $0x7B, v46;
	v9 =	vand.u32 $0xC00, v47;
	v6 =	vld.idx.msk [tilespmem:v6+s14+$0x0], $0xffff  }
0x2ff: {  	v8 =	vor.u32 v8, v9;
	v5 =	vld.idx.msk [tilespmem:v5+s14+$0x0], $0xffff  }
0x300: {  	v9 =	vor.u32 v2, v8  }
0x301: {  	v8 =	vor.u32 v3, v8;
	_ =	sdelay $0x1  }
0x302: {  	v6 =	vmul.f32 v6, v7  }
0x303: {  	v4 =	vmul.f32 v5, v4  }
0x304: {  	[tilespmem:v9+s3+$0x0] =	vst.idx.msk $0xffff, v6  }
0x305: {  	[tilespmem:v8+s3+$0x0] =	vst.idx.msk $0xffff, v4  }
0x306: {  	v4 =	vld @!p0 [tilespmem:s24+$0x200];
	_ =	sdelay $0x4  }
0x307: {  	(v2sf) =	vpush @!p0 v4, $0x3  }
0x308: {  	v4 =	vld @!p0 [tilespmem:s24+$0x400];
	_ =	sdelay $0x4  }
0x309: {  	(v2sf) =	vpush @!p0 v4, $0x3;
	_ =	sdelay $0x8  }
0x30a: {  	s28 =	spop @!p0 (v2sf)  }
0x30b: {  	s28 =	sshrl.u32 @!p0 s28, $0x7  }
0x30c: {  	s28 =	smin.u32 @!p0 s28, $0x1E83  }
0x30d: {  	s28 =	sshll.u32 @!p0 s28, $0x7  }
0x30e: {  	s29 =	simm.s32 @!p0 $0x6600;
	s28 =	sadd.s32 @!p0 s1, s28  }
0x30f: {  	[tilespmem:s29], [sflag:$0x7] =	stream.strided.gather @!p0 [hbm4b:s28+s25], $0x1000, s26, s25, $0x38;
	[tilespmem:$0x16600] =	vst v63  }
0x310: {  	s28 =	spop @!p0 (v2sf)  }
0x311: {  	s28 =	sshrl.u32 @!p0 s28, $0x7  }
0x312: {  	s28 =	smin.u32 @!p0 s28, $0x1E83  }
0x313: {  	s28 =	sshll.u32 @!p0 s28, $0x7  }
0x314: {  	s29 =	simm.s32 @!p0 $0x7600;
	s28 =	sadd.s32 @!p0 s2, s28  }
0x315: {  	[tilespmem:s29], [sflag:$0x8] =	stream.strided.gather @!p0 [hbm4b:s28+s25], $0x1000, s26, s25, $0x38;
	[tilespmem:$0x16600] =	vst v63  }
0x316: {  	_ =	swait.ge [sflag:s4], $0x1000  }
0x317: {  	[sflag:s4] =	ssyncset.done $0x0  }
0x318: {  	[sflag:s4] =	ssyncadd.s32 $0xFFFFF000  }
0x319: {  	_ =	swait.ge [sflag:s10], $0x1000  }
0x31a: {  	[sflag:s10] =	ssyncset.done $0x0  }
0x31b: {  	[sflag:s10] =	ssyncadd.s32 $0xFFFFF000  }
0x31c: {  	v4 =	vld [tilespmem:s23+$0x0];
	_ =	sdelay $0x1  }
0x31d: {  	v5 =	vld [tilespmem:s21+$0x0];
	_ =	sdelay $0x2  }
0x31e: {  	(v2sf) =	vpush v4, $0xC;
	_ =	sdelay $0x1  }
0x31f: {  	(v2sf) =	vpush v5, $0xC;
	_ =	sdelay $0xc  }
0x320: {  	s30 =	spop (v2sf)  }
0x321: {  	p1 =	sgt.s32 s30, $0xF41FF;
	s29 =	sadd.s32 $0xFFF0BE00, s30;
	s28 =	sand.u32 $0x7F, s30  }
0x322: {  	s30 =	spop (v2sf);
	s28 =	smov.u32 @p1 s29;
	s29 =	simm.s32 $0x10000  }
0x323: {  	p2 =	sgt.s32 s30, $0xF41FF;
	v4 =	vmov s28;
	s28 =	sadd.s32 $0xFFF0BE00, s30;
	s30 =	sand.u32 $0x7F, s30  }
0x324: {  	s29 =	simm.s32 @!p1 $0x8000;
	v5 =	vand.u32 $0xFFFFFF80, v4;
	s30 =	smov.u32 @p2 s28  }
0x325: {  	v4 =	vand.u32 $0x7F, v4;
	s28 =	simm.s32 $0x11000;
	v5 =	vadd.s32 s29, v5;
	v48 =	vmov s30  }
0x326: {  	s28 =	simm.s32 @!p2 $0x9000;
	v4 =	vor.u32 v4, v5;
	v5 =	vand.u32 $0xFFFFFF80, v48  }
0x327: {  	v6 =	vand.u32 $0x7F, v48;
	v49 =	vadd.s32 v0, v4;
	v5 =	vadd.s32 s28, v5  }
0x328: {  	v4 =	vadd.s32 v1, v4;
	v5 =	vor.u32 v6, v5  }
0x329: {  	v6 =	vadd.s32 v0, v5  }
0x32a: {  	v5 =	vadd.s32 v1, v5  }
0x32b: {  	s29 =	sadd.s32 $0xC, s22  }
0x32c: {  	v50 =	vmov s29;
	v7 =	vld.idx.msk [tilespmem:v49+s14+$0x0], $0xffff  }
0x32d: {  	v51 =	vshll.u32 v50, $0x3;
	v4 =	vld.idx.msk [tilespmem:v4+s14+$0x0], $0xffff  }
0x32e: {  	v8 =	vand.u32 $0x7C, v50;
	v9 =	vand.u32 $0xC00, v51;
	v6 =	vld.idx.msk [tilespmem:v6+s14+$0x0], $0xffff  }
0x32f: {  	v8 =	vor.u32 v8, v9;
	v5 =	vld.idx.msk [tilespmem:v5+s14+$0x0], $0xffff  }
0x330: {  	v9 =	vor.u32 v2, v8  }
0x331: {  	v8 =	vor.u32 v3, v8;
	_ =	sdelay $0x1  }
0x332: {  	v6 =	vmul.f32 v6, v7  }
0x333: {  	v4 =	vmul.f32 v5, v4  }
0x334: {  	[tilespmem:v9+s3+$0x0] =	vst.idx.msk $0xffff, v6  }
0x335: {  	[tilespmem:v8+s3+$0x0] =	vst.idx.msk $0xffff, v4  }
0x336: {  	v4 =	vld @!p0 [tilespmem:s24+$0x200];
	_ =	sdelay $0x4  }
0x337: {  	(v2sf) =	vpush @!p0 v4, $0x4  }
0x338: {  	v4 =	vld @!p0 [tilespmem:s24+$0x400];
	_ =	sdelay $0x4  }
0x339: {  	(v2sf) =	vpush @!p0 v4, $0x4;
	_ =	sdelay $0x8  }
0x33a: {  	s28 =	spop @!p0 (v2sf)  }
0x33b: {  	s28 =	sshrl.u32 @!p0 s28, $0x7  }
0x33c: {  	s28 =	smin.u32 @!p0 s28, $0x1E83  }
0x33d: {  	s28 =	sshll.u32 @!p0 s28, $0x7  }
0x33e: {  	s29 =	simm.s32 @!p0 $0x8600;
	s28 =	sadd.s32 @!p0 s1, s28  }
0x33f: {  	[tilespmem:s29], [sflag:$0x9] =	stream.strided.gather @!p0 [hbm4b:s28+s25], $0x1000, s26, s25, $0x38;
	[tilespmem:$0x16600] =	vst v63  }
0x340: {  	s28 =	spop @!p0 (v2sf)  }
0x341: {  	s28 =	sshrl.u32 @!p0 s28, $0x7  }
0x342: {  	s28 =	smin.u32 @!p0 s28, $0x1E83  }
0x343: {  	s28 =	sshll.u32 @!p0 s28, $0x7  }
0x344: {  	s29 =	simm.s32 @!p0 $0x9600;
	s28 =	sadd.s32 @!p0 s2, s28  }
0x345: {  	[tilespmem:s29], [sflag:$0xA] =	stream.strided.gather @!p0 [hbm4b:s28+s25], $0x1000, s26, s25, $0x38;
	[tilespmem:$0x16600] =	vst v63  }
0x346: {  	_ =	swait.ge [sflag:s15], $0x1000  }
0x347: {  	[sflag:s15] =	ssyncset.done $0x0  }
0x348: {  	[sflag:s15] =	ssyncadd.s32 $0xFFFFF000  }
0x349: {  	_ =	swait.ge [sflag:s16], $0x1000  }
0x34a: {  	[sflag:s16] =	ssyncset.done $0x0  }
0x34b: {  	[sflag:s16] =	ssyncadd.s32 $0xFFFFF000  }
0x34c: {  	v4 =	vld [tilespmem:s23+$0x0];
	_ =	sdelay $0x1  }
0x34d: {  	v5 =	vld [tilespmem:s21+$0x0];
	_ =	sdelay $0x2  }
0x34e: {  	(v2sf) =	vpush v4, $0xD;
	_ =	sdelay $0x1  }
0x34f: {  	(v2sf) =	vpush v5, $0xD;
	_ =	sdelay $0xc  }
0x350: {  	s30 =	spop (v2sf)  }
0x351: {  	p1 =	sgt.s32 s30, $0xF41FF;
	s29 =	sadd.s32 $0xFFF0BE00, s30;
	s28 =	sand.u32 $0x7F, s30  }
0x352: {  	s30 =	spop (v2sf);
	s28 =	smov.u32 @p1 s29;
	s29 =	simm.s32 $0x10000  }
0x353: {  	p2 =	sgt.s32 s30, $0xF41FF;
	v4 =	vmov s28;
	s28 =	sadd.s32 $0xFFF0BE00, s30;
	s30 =	sand.u32 $0x7F, s30  }
0x354: {  	s29 =	simm.s32 @!p1 $0xA000;
	v5 =	vand.u32 $0xFFFFFF80, v4;
	s30 =	smov.u32 @p2 s28  }
0x355: {  	v4 =	vand.u32 $0x7F, v4;
	s28 =	simm.s32 $0x11000;
	v5 =	vadd.s32 s29, v5;
	v52 =	vmov s30  }
0x356: {  	s28 =	simm.s32 @!p2 $0xB000;
	v4 =	vor.u32 v4, v5;
	v5 =	vand.u32 $0xFFFFFF80, v52  }
0x357: {  	v6 =	vand.u32 $0x7F, v52;
	v53 =	vadd.s32 v0, v4;
	v5 =	vadd.s32 s28, v5  }
0x358: {  	v4 =	vadd.s32 v1, v4;
	v5 =	vor.u32 v6, v5  }
0x359: {  	v6 =	vadd.s32 v0, v5  }
0x35a: {  	v5 =	vadd.s32 v1, v5  }
0x35b: {  	s29 =	sadd.s32 $0xD, s22  }
0x35c: {  	v54 =	vmov s29;
	v7 =	vld.idx.msk [tilespmem:v53+s14+$0x0], $0xffff  }
0x35d: {  	v55 =	vshll.u32 v54, $0x3;
	v4 =	vld.idx.msk [tilespmem:v4+s14+$0x0], $0xffff  }
0x35e: {  	v8 =	vand.u32 $0x7D, v54;
	v9 =	vand.u32 $0xC00, v55;
	v6 =	vld.idx.msk [tilespmem:v6+s14+$0x0], $0xffff  }
0x35f: {  	v8 =	vor.u32 v8, v9;
	v5 =	vld.idx.msk [tilespmem:v5+s14+$0x0], $0xffff  }
0x360: {  	v9 =	vor.u32 v2, v8  }
0x361: {  	v8 =	vor.u32 v3, v8;
	_ =	sdelay $0x1  }
0x362: {  	v6 =	vmul.f32 v6, v7  }
0x363: {  	v4 =	vmul.f32 v5, v4  }
0x364: {  	[tilespmem:v9+s3+$0x0] =	vst.idx.msk $0xffff, v6  }
0x365: {  	[tilespmem:v8+s3+$0x0] =	vst.idx.msk $0xffff, v4  }
0x366: {  	v4 =	vld @!p0 [tilespmem:s24+$0x200];
	_ =	sdelay $0x4  }
0x367: {  	(v2sf) =	vpush @!p0 v4, $0x5  }
0x368: {  	v4 =	vld @!p0 [tilespmem:s24+$0x400];
	_ =	sdelay $0x4  }
0x369: {  	(v2sf) =	vpush @!p0 v4, $0x5;
	_ =	sdelay $0x8  }
0x36a: {  	s28 =	spop @!p0 (v2sf)  }
0x36b: {  	s28 =	sshrl.u32 @!p0 s28, $0x7  }
0x36c: {  	s28 =	smin.u32 @!p0 s28, $0x1E83  }
0x36d: {  	s28 =	sshll.u32 @!p0 s28, $0x7  }
0x36e: {  	s29 =	simm.s32 @!p0 $0xA600;
	s28 =	sadd.s32 @!p0 s1, s28  }
0x36f: {  	[tilespmem:s29], [sflag:$0xB] =	stream.strided.gather @!p0 [hbm4b:s28+s25], $0x1000, s26, s25, $0x38;
	[tilespmem:$0x16600] =	vst v63  }
0x370: {  	s28 =	spop @!p0 (v2sf)  }
0x371: {  	s28 =	sshrl.u32 @!p0 s28, $0x7  }
0x372: {  	s28 =	smin.u32 @!p0 s28, $0x1E83  }
0x373: {  	s28 =	sshll.u32 @!p0 s28, $0x7  }
0x374: {  	s29 =	simm.s32 @!p0 $0xB600;
	s28 =	sadd.s32 @!p0 s2, s28  }
0x375: {  	[tilespmem:s29], [sflag:$0xC] =	stream.strided.gather @!p0 [hbm4b:s28+s25], $0x1000, s26, s25, $0x38;
	[tilespmem:$0x16600] =	vst v63  }
0x376: {  	_ =	swait.ge [sflag:s17], $0x1000  }
0x377: {  	[sflag:s17] =	ssyncset.done $0x0  }
0x378: {  	[sflag:s17] =	ssyncadd.s32 $0xFFFFF000  }
0x379: {  	_ =	swait.ge [sflag:s18], $0x1000  }
0x37a: {  	[sflag:s18] =	ssyncset.done $0x0  }
0x37b: {  	[sflag:s18] =	ssyncadd.s32 $0xFFFFF000  }
0x37c: {  	v4 =	vld [tilespmem:s23+$0x0];
	_ =	sdelay $0x1  }
0x37d: {  	v5 =	vld [tilespmem:s21+$0x0];
	_ =	sdelay $0x2  }
0x37e: {  	(v2sf) =	vpush v4, $0xE;
	_ =	sdelay $0x1  }
0x37f: {  	(v2sf) =	vpush v5, $0xE;
	_ =	sdelay $0xc  }
0x380: {  	s30 =	spop (v2sf)  }
0x381: {  	p1 =	sgt.s32 s30, $0xF41FF;
	s29 =	sadd.s32 $0xFFF0BE00, s30;
	s28 =	sand.u32 $0x7F, s30  }
0x382: {  	s30 =	spop (v2sf);
	s28 =	smov.u32 @p1 s29;
	s29 =	simm.s32 $0x10000  }
0x383: {  	p2 =	sgt.s32 s30, $0xF41FF;
	v4 =	vmov s28;
	s28 =	sadd.s32 $0xFFF0BE00, s30;
	s30 =	sand.u32 $0x7F, s30  }
0x384: {  	s29 =	simm.s32 @!p1 $0xC000;
	s30 =	smov.u32 @p2 s28;
	v5 =	vand.u32 $0xFFFFFF80, v4  }
0x385: {  	v4 =	vand.u32 $0x7F, v4;
	s28 =	simm.s32 $0x11000;
	v5 =	vadd.s32 s29, v5;
	v56 =	vmov s30  }
0x386: {  	s28 =	simm.s32 @!p2 $0xD000;
	v4 =	vor.u32 v4, v5;
	v5 =	vand.u32 $0xFFFFFF80, v56  }
0x387: {  	v6 =	vand.u32 $0x7F, v56;
	v57 =	vadd.s32 v0, v4;
	v5 =	vadd.s32 s28, v5  }
0x388: {  	v4 =	vadd.s32 v1, v4;
	v5 =	vor.u32 v6, v5  }
0x389: {  	v6 =	vadd.s32 v0, v5  }
0x38a: {  	v5 =	vadd.s32 v1, v5  }
0x38b: {  	s30 =	sadd.s32 $0xE, s22  }
0x38c: {  	v58 =	vmov s30;
	v7 =	vld.idx.msk [tilespmem:v57+s14+$0x0], $0xffff  }
0x38d: {  	v59 =	vshll.u32 v58, $0x3;
	v4 =	vld.idx.msk [tilespmem:v4+s14+$0x0], $0xffff  }
0x38e: {  	v8 =	vand.u32 $0x7E, v58;
	v9 =	vand.u32 $0xC00, v59;
	v6 =	vld.idx.msk [tilespmem:v6+s14+$0x0], $0xffff  }
0x38f: {  	v8 =	vor.u32 v8, v9;
	v5 =	vld.idx.msk [tilespmem:v5+s14+$0x0], $0xffff  }
0x390: {  	v9 =	vor.u32 v2, v8  }
0x391: {  	v8 =	vor.u32 v3, v8;
	_ =	sdelay $0x1  }
0x392: {  	v6 =	vmul.f32 v6, v7  }
0x393: {  	v4 =	vmul.f32 v5, v4  }
0x394: {  	[tilespmem:v9+s3+$0x0] =	vst.idx.msk $0xffff, v6  }
0x395: {  	[tilespmem:v8+s3+$0x0] =	vst.idx.msk $0xffff, v4  }
0x396: {  	v4 =	vld @!p0 [tilespmem:s24+$0x200];
	_ =	sdelay $0x4  }
0x397: {  	(v2sf) =	vpush @!p0 v4, $0x6  }
0x398: {  	v4 =	vld @!p0 [tilespmem:s24+$0x400];
	_ =	sdelay $0x4  }
0x399: {  	(v2sf) =	vpush @!p0 v4, $0x6;
	_ =	sdelay $0x8  }
0x39a: {  	s28 =	spop @!p0 (v2sf)  }
0x39b: {  	s28 =	sshrl.u32 @!p0 s28, $0x7  }
0x39c: {  	s28 =	smin.u32 @!p0 s28, $0x1E83  }
0x39d: {  	s28 =	sshll.u32 @!p0 s28, $0x7  }
0x39e: {  	s29 =	simm.s32 @!p0 $0xC600;
	s28 =	sadd.s32 @!p0 s1, s28  }
0x39f: {  	[tilespmem:s29], [sflag:$0xD] =	stream.strided.gather @!p0 [hbm4b:s28+s25], $0x1000, s26, s25, $0x38;
	[tilespmem:$0x16600] =	vst v63  }
0x3a0: {  	s28 =	spop @!p0 (v2sf)  }
0x3a1: {  	s28 =	sshrl.u32 @!p0 s28, $0x7  }
0x3a2: {  	s28 =	smin.u32 @!p0 s28, $0x1E83  }
0x3a3: {  	s28 =	sshll.u32 @!p0 s28, $0x7  }
0x3a4: {  	s29 =	simm.s32 @!p0 $0xD600;
	s28 =	sadd.s32 @!p0 s2, s28  }
0x3a5: {  	[tilespmem:s29], [sflag:$0xE] =	stream.strided.gather @!p0 [hbm4b:s28+s25], $0x1000, s26, s25, $0x38;
	[tilespmem:$0x16600] =	vst v63  }
0x3a6: {  	_ =	swait.ge [sflag:s19], $0x1000  }
0x3a7: {  	[sflag:s19] =	ssyncset.done $0x0  }
0x3a8: {  	[sflag:s19] =	ssyncadd.s32 $0xFFFFF000  }
0x3a9: {  	_ =	swait.ge [sflag:s20], $0x1000  }
0x3aa: {  	[sflag:s20] =	ssyncset.done $0x0  }
0x3ab: {  	[sflag:s20] =	ssyncadd.s32 $0xFFFFF000  }
0x3ac: {  	v4 =	vld [tilespmem:s23+$0x0];
	_ =	sdelay $0x1  }
0x3ad: {  	v5 =	vld [tilespmem:s21+$0x0];
	_ =	sdelay $0x2  }
0x3ae: {  	(v2sf) =	vpush v4, $0xF;
	_ =	sdelay $0x1  }
0x3af: {  	(v2sf) =	vpush v5, $0xF;
	_ =	sdelay $0xc  }
0x3b0: {  	s28 =	spop (v2sf)  }
0x3b1: {  	p1 =	sgt.s32 s28, $0xF41FF;
	s26 =	sadd.s32 $0xFFF0BE00, s28;
	s25 =	sand.u32 $0x7F, s28  }
0x3b2: {  	s29 =	spop (v2sf);
	s25 =	smov.u32 @p1 s26;
	s26 =	simm.s32 $0x10000  }
0x3b3: {  	p2 =	sgt.s32 s29, $0xF41FF;
	s28 =	sand.u32 $0x7F, s29;
	v4 =	vmov s25;
	s25 =	sadd.s32 $0xFFF0BE00, s29  }
0x3b4: {  	s26 =	simm.s32 @!p1 $0xE000;
	s28 =	smov.u32 @p2 s25;
	v5 =	vand.u32 $0xFFFFFF80, v4  }
0x3b5: {  	v4 =	vand.u32 $0x7F, v4;
	s25 =	simm.s32 $0x11000;
	v5 =	vadd.s32 s26, v5;
	v60 =	vmov s28  }
0x3b6: {  	s25 =	simm.s32 @!p2 $0xF000;
	v4 =	vor.u32 v4, v5;
	v5 =	vand.u32 $0xFFFFFF80, v60  }
0x3b7: {  	v6 =	vand.u32 $0x7F, v60;
	v61 =	vadd.s32 v0, v4;
	v5 =	vadd.s32 s25, v5  }
0x3b8: {  	v4 =	vadd.s32 v1, v4;
	v5 =	vor.u32 v6, v5  }
0x3b9: {  	v6 =	vadd.s32 v0, v5  }
0x3ba: {  	v5 =	vadd.s32 v1, v5  }
0x3bb: {  	s30 =	sadd.s32 $0xF, s22  }
0x3bc: {  	v62 =	vmov s30;
	v7 =	vld.idx.msk [tilespmem:v61+s14+$0x0], $0xffff  }
0x3bd: {  	v63 =	vshll.u32 v62, $0x3;
	v4 =	vld.idx.msk [tilespmem:v4+s14+$0x0], $0xffff  }
0x3be: {  	v9 =	vand.u32 $0xC00, v63;
	v8 =	vand.u32 $0x7F, v62;
	v6 =	vld.idx.msk [tilespmem:v6+s14+$0x0], $0xffff  }
0x3bf: {  	v8 =	vor.u32 v8, v9;
	v5 =	vld.idx.msk [tilespmem:v5+s14+$0x0], $0xffff  }
0x3c0: {  	v9 =	vor.u32 v2, v8  }
0x3c1: {  	v8 =	vor.u32 v3, v8  }
.Ltmp3:
0x3c2: {  	_ = 	snop;
	(pc) =	sbr.rel @p0 .LBB2_6-.Ltmp3, $4  }
0x3c3: {  	v6 =	vmul.f32 v6, v7  }
0x3c4: {  	v4 =	vmul.f32 v5, v4  }
0x3c5: {  	[tilespmem:v9+s3+$0x0] =	vst.idx.msk $0xffff, v6  }
0x3c6: {  	s0 =	simm.s32 $0xF600;
	[tilespmem:v8+s3+$0x0] =	vst.idx.msk $0xffff, v4  }
0x3c7: {  	v4 =	vld [tilespmem:s24+$0x200];
	_ =	sdelay $0x4  }
0x3c8: {  	(v2sf) =	vpush v4, $0x7  }
0x3c9: {  	v4 =	vld [tilespmem:s24+$0x400];
	_ =	sdelay $0x4  }
0x3ca: {  	(v2sf) =	vpush v4, $0x7;
	_ =	sdelay $0x8  }
0x3cb: {  	s26 =	spop (v2sf)  }
0x3cc: {  	s24 =	sshrl.u32 s26, $0x7  }
0x3cd: {  	s24 =	smin.u32 s24, $0x1E83  }
0x3ce: {  	s24 =	sshll.u32 s24, $0x7  }
0x3cf: {  	s24 =	sadd.s32 s1, s24  }
0x3d0: {  	[tilespmem:s31], [sflag:$0xF] =	stream.strided.gather [hbm4b:s24+s9], $0x1000, s13, s9, $0x38;
	[tilespmem:$0x16600] =	vst v63  }
0x3d1: {  	s30 =	spop (v2sf)  }
.Ltmp4:
0x3d2: {  	s24 =	sshrl.u32 s30, $0x7;
	(pc) =	sbr.rel .LBB2_4-.Ltmp4, $4  }
0x3d3: {  	s22 =	sadd.s32 $0x10, s22;
	s24 =	smin.u32 s24, $0x1E83  }
0x3d4: {  	s23 =	sadd.s32 $0x10, s23;
	s21 =	sadd.s32 $0x10, s21;
	s24 =	sshll.u32 s24, $0x7  }
0x3d5: {  	s28 =	simm.s32 $0xE600;
	s29 =	simm.s32 $0xF600;
	s24 =	sadd.s32 s2, s24  }
0x3d6: {  	[tilespmem:s0], [sflag:$0x10] =	stream.strided.gather [hbm4b:s24+s9], $0x1000, s13, s9, $0x38;
	[tilespmem:$0x16600] =	vst v63  }
.LBB2_7:
0x3d7: {  	_ =	sfence.sel $0x180000  }
0x3d8: {  	[bflag:$0x0] =	sbarrier.arrive $0xFFFF  }
0x3d9: {  	_ =	strace $0x90000047  }
0x3da: {  	s0 =	stileid.u32;
	[bflag:$0x2] =	sbarrier.arrive $0xFFFF  }
0x3db: {  	p0 =	sne.s32 s0, $0x0;
	s0 =	rddreg [dreg:$0x5]  }
0x3dc: {  	s0 =	sadd.s32 @!p0 $0x100000, s0  }
0x3dd: {  	[sflag:s0] =	ssyncadd.tile.s32 @!p0 $0x1;
	_ =	shalt  }
.Lfunc_end2:
_tile_overlayer_lowered:
.L_overlay_start_2:
0x3de: {  	(tag) =	ssettag $0x2  }
0x3df: {  	s0 =	rddreg [dreg:$0x0];
	s2 =	stileid.u32  }
0x3e0: {  	s1 =	rddreg [dreg:$0x1];
	p0 =	sne.s32 s2, $0x0  }
0x3e1: {  	s3 =	rddreg [dreg:$0x2];
	[bflag:$0x3] =	sbarrier.arrive $0xFFFF;
	s2 =	simm.s32 @!p0 $0x1C11  }
0x3e2: {  	[timem:s3], [sflag:s2] =	dma.local @!p0 [hbm:s0], s1  }
0x3e3: {  	s0 =	simm.s32 @!p0 $0x11  }
0x3e4: {  	_ =	swait.ge @!p0 [sflag:s0], s1  }
0x3e5: {  	s1 =	ssub.s32 @!p0 $0x0, s1;
	[sflag:s0] =	ssyncset.done @!p0 $0x0  }
0x3e6: {  	[sflag:s0] =	ssyncadd.s32 @!p0 s1  }
0x3e7: {  	[bflag:$0x3] =	sbarrier.arrive $0xFFFF  }
0x3e8: {  	_ =	shalt  }

</sc_bundles>
